<compile_context>
chip_gen: v7x
topology: tpu7x:2x2x1
jax: 0.10.2.dev20260603
libtpu: 0.0.44.dev20260713+nightly
codegen_flags: <defaults>
</compile_context>

<pallas_src>
import jax
import jax.numpy as jnp
from jax import lax
from jax.experimental import pallas as pl
from jax.experimental.pallas import tpu as pltpu
from jax.experimental.pallas import tpu_sc as plsc

VEC = 64
NWORDS = 1000000
NMAIN = 999936
NTAIL = NWORDS - NMAIN
B = 4096
K = 21
NP = B * K

NC, NS = 2, 16
DPC = VEC // NC
NBAND = DPC // 8
PPT = NP // NS
BPT = B // NS
CP = 128
NCH = PPT // CP

_TS = [(i * (NMAIN // 128)) // NS * 128 for i in range(NS)] + [NMAIN]
_SEGS = [(_TS[i], _TS[i + 1] - _TS[i]) for i in range(NS)]


def _body(doc_hbm, tn_hbm, dt_hbm, o_hbm, dtail_hbm, otail_hbm,
          p0_hbm, p1_hbm,
          doc_v, tn_v, bmap_v, dt_all, g_v, acc_v, tails_v, blk_v,
          row_s,
          sem_st, sem_g, sem_d):
    cid = lax.axis_index("c")
    sid = lax.axis_index("s")
    dbase = cid * DPC

    pltpu.sync_copy(doc_hbm.at[pl.ds(sid * BPT, BPT)], doc_v.at[pl.ds(0, BPT)])
    pltpu.sync_copy(tn_hbm.at[pl.ds(sid * PPT, PPT)], tn_v)

    pltpu.sync_copy(dtail_hbm.at[pl.ds(dbase * NTAIL, DPC * NTAIL)],
                    tails_v.at[0])
    pltpu.sync_copy(otail_hbm.at[pl.ds(dbase * NTAIL, DPC * NTAIL)],
                    tails_v.at[1])

    iota = jnp.arange(16, dtype=jnp.int32)

    @pl.loop(0, PPT // 16)
    def init_maps(g):
        p = sid * PPT + g * 16 + iota
        bmap_v[pl.ds(g * 16, 16)] = p // K - sid * BPT
        acc_v[pl.ds(g * 16, 16)] = jnp.zeros((16,), jnp.float32)

    def fire_stage(tab_hbm, tail_idx, d):
        for i, (st, ln) in enumerate(_SEGS):
            @pl.when(sid == i)
            def _():
                pltpu.async_copy(tab_hbm.at[d, pl.ds(st, ln)],
                                 row_s.at[pl.ds(st, ln)], sem_st)

        @pl.when(sid == 0)
        def _():
            pltpu.async_copy(
                tails_v.at[tail_idx, pl.ds((d - dbase) * NTAIL, NTAIL)],
                row_s.at[pl.ds(NMAIN, NTAIL)], sem_st)

    def wait_stage():
        for i, (st, ln) in enumerate(_SEGS):
            @pl.when(sid == i)
            def _():
                pltpu.make_async_copy(o_hbm.at[0, pl.ds(st, ln)],
                                      row_s.at[pl.ds(st, ln)],
                                      sem_st).wait()

        @pl.when(sid == 0)
        def _():
            pltpu.make_async_copy(tails_v.at[0, pl.ds(0, NTAIL)],
                                  row_s.at[pl.ds(NMAIN, NTAIL)],
                                  sem_st).wait()

    fire_stage(o_hbm, 1, dbase)

    s16 = lax.rem(iota, 8)
    half = iota // 8

    def doc_step(band, gi):
        dvec = doc_v[pl.ds(gi * 8, 16)]
        rt8 = pl.multiple_of((cid * NBAND + band) * 8, 8)
        for j in range(8):
            w = dvec[j]
            w0 = pl.multiple_of(
                jnp.minimum(w // 128 * 128, NMAIN - 128), 128)
            pltpu.async_copy(dt_hbm.at[pl.ds(rt8, 8), pl.ds(w0, 128)],
                             blk_v.at[j], sem_d)
        for j2 in range(4):
            for j in (2 * j2, 2 * j2 + 1):
                pltpu.make_async_copy(
                    dt_hbm.at[pl.ds(0, 8), pl.ds(0, 128)],
                    blk_v.at[j], sem_d).wait()
            wa, wb = dvec[2 * j2], dvec[2 * j2 + 1]
            wvec = jnp.where(iota < 8, jnp.full((16,), 0, jnp.int32) + wa,
                             jnp.full((16,), 0, jnp.int32) + wb)
            lane_m = wvec - jnp.minimum(wvec // 128 * 128, NMAIN - 128)
            jt = jnp.maximum(wvec - NMAIN, 0)
            jvec = 2 * j2 + half
            vals_m = plsc.load_gather(blk_v, [jvec, s16, lane_m])
            tloc = band * 8 + s16
            vals_t = plsc.load_gather(
                tails_v, [jnp.zeros((16,), jnp.int32), tloc * NTAIL + jt])
            vals = jnp.where(wvec >= NMAIN, vals_t, vals_m)
            plsc.store_scatter(dt_all, [tloc, gi * 8 + jvec], vals)

    @pl.loop(0, BPT // 8)
    def doc_band0(gi):
        doc_step(0, gi)

    @pl.loop(0, DPC)
    def pass2(t):
        d = dbase + t
        band = t // 8 + 1

        @pl.when(band < NBAND)
        def _():
            @pl.loop(0, 4)
            def steps(q):
                doc_step(band, lax.rem(t, 8) * 4 + q)

        wait_stage()
        plsc.subcore_barrier()

        @pl.loop(0, NCH)
        def fire_g(c):
            pltpu.async_copy(row_s.at[tn_v.at[pl.ds(c * CP, CP)]],
                             g_v.at[pl.ds(c * CP, CP)], sem_g)

        pltpu.make_async_copy(o_hbm.at[0, pl.ds(0, PPT)], g_v, sem_g).wait()
        plsc.subcore_barrier()

        @pl.when(t + 1 < DPC)
        def _():
            fire_stage(o_hbm, 1, d + 1)

        tsplat = jnp.full((16,), 0, jnp.int32) + t

        @pl.loop(0, PPT // 16)
        def accum(g):
            bv = bmap_v[pl.ds(g * 16, 16)]
            dv = plsc.load_gather(dt_all, [tsplat, bv])
            plsc.addupdate(acc_v.at[pl.ds(g * 16, 16)],
                           dv * g_v[pl.ds(g * 16, 16)])

    @pl.when(cid == 0)
    def _():
        pltpu.sync_copy(acc_v, p0_hbm.at[pl.ds(sid * PPT, PPT)])

    @pl.when(cid == 1)
    def _():
        pltpu.sync_copy(acc_v, p1_hbm.at[pl.ds(sid * PPT, PPT)])


def _combine_body(p0_hbm, p1_hbm, out_hbm, v0, v1, vo):
    wid = lax.axis_index("s") * NC + lax.axis_index("c")
    n = NP // (NC * NS)
    pltpu.sync_copy(p0_hbm.at[pl.ds(wid * n, n)], v0)
    pltpu.sync_copy(p1_hbm.at[pl.ds(wid * n, n)], v1)

    @pl.loop(0, n // 16)
    def add(g):
        s = pl.ds(g * 16, 16)
        vo[s] = v0[s] + v1[s]

    pltpu.sync_copy(vo, out_hbm.at[pl.ds(wid * n, n)])


@jax.jit
def _run(doc_ids, tn_flat, dt_tab, o_tab, dtail, otail):
    mesh = plsc.VectorSubcoreMesh(core_axis_name="c", subcore_axis_name="s")
    params = pltpu.CompilerParams(use_tc_tiling_on_sc=True,
                                  needs_layout_passes=False)
    f = pl.kernel(
        _body,
        out_type=(jax.ShapeDtypeStruct((NP,), jnp.float32),
                  jax.ShapeDtypeStruct((NP,), jnp.float32)),
        mesh=mesh,
        scratch_types=[
            pltpu.VMEM((BPT + 16,), jnp.int32),
            pltpu.VMEM((PPT,), jnp.int32),
            pltpu.VMEM((PPT,), jnp.int32),
            pltpu.VMEM((DPC, BPT), jnp.float32),
            pltpu.VMEM((PPT,), jnp.float32),
            pltpu.VMEM((PPT,), jnp.float32),
            pltpu.VMEM((2, DPC * NTAIL), jnp.float32),
            pltpu.VMEM((8, 8, 128), jnp.float32),
            pltpu.VMEM_SHARED((NWORDS,), jnp.float32),
            pltpu.SemaphoreType.DMA,
            pltpu.SemaphoreType.DMA,
            pltpu.SemaphoreType.DMA,
        ],
        compiler_params=params,
    )
    p0, p1 = f(doc_ids, tn_flat, dt_tab, o_tab, dtail, otail)
    comb = pl.kernel(
        _combine_body,
        out_type=jax.ShapeDtypeStruct((NP,), jnp.float32),
        mesh=mesh,
        scratch_types=[
            pltpu.VMEM((NP // (NC * NS),), jnp.float32),
            pltpu.VMEM((NP // (NC * NS),), jnp.float32),
            pltpu.VMEM((NP // (NC * NS),), jnp.float32),
        ],
        compiler_params=params,
    )
    return comb(p0, p1)


def kernel(doc_ids, target_noise_ids, D, O):
    dt = D.T
    dtail = dt[:, NMAIN:].reshape(-1)
    otail = O[:, NMAIN:].reshape(-1)
    out_flat = _run(doc_ids.astype(jnp.int32),
                    target_noise_ids.astype(jnp.int32).reshape(-1),
                    dt, O, dtail, otail)
    return out_flat.reshape(B, K)

# --- scband reference (transcript-rebuilt; emitter-appended) ---
"""Pipeline reference for scband-dbow-28166395527921 (READ-ONLY COPY).

The authoritative reference and input builder live on the scoring server;
editing this copy changes nothing except your own understanding.
"""

import jax, jax.numpy as jnp
import numpy as np

VEC_DIM = 64
NUM_DOCS = 1000000
NUM_WORDS = 1000000
BATCH = 4096
K = 21


def setup_inputs(seed: int = 0) -> dict:
    key = jax.random.key(seed)
    k1, k2, k3 = jax.random.split(key, 3)
    doc_ids = jax.random.randint(k1, (BATCH,), 0, NUM_DOCS, dtype=jnp.int64 if jax.config.read('jax_enable_x64') else jnp.int32)
    target_noise_ids = jax.random.randint(k2, (BATCH, K), 0, NUM_WORDS, dtype=jnp.int64 if jax.config.read('jax_enable_x64') else jnp.int32)
    D = jax.random.normal(k3, (NUM_DOCS, VEC_DIM), dtype=jnp.float32)
    O = jnp.zeros((VEC_DIM, NUM_WORDS), dtype=jnp.float32)
    return {"doc_ids": doc_ids, "target_noise_ids": target_noise_ids, "D": D, "O": O}


def reference(doc_ids, target_noise_ids, D, O):
    # D[doc_ids, :] -> [B, vec_dim]
    d_vecs = jnp.take(D, doc_ids, axis=0)
    # O[:, target_noise_ids] -> [vec_dim, B, K]; permute(1,0,2) -> [B, vec_dim, K]
    o_vecs = jnp.take(O, target_noise_ids, axis=1)  # [vec_dim, B, K]
    o_vecs = jnp.transpose(o_vecs, (1, 0, 2))       # [B, vec_dim, K]
    # bmm([B,1,vec_dim], [B,vec_dim,K]) -> [B,1,K] -> squeeze -> [B,K]
    out = jnp.matmul(d_vecs[:, None, :], o_vecs)
    return jnp.squeeze(out, axis=1)

if __name__ == "__main__":
    import jax
    _d = setup_inputs()
    print(jax.jit(kernel)(*tuple(_d.values())))

</pallas_src>

<mosaic_0001>
#map = affine_map<(d0, d1) -> (0)>
#map1 = affine_map<(d0, d1) -> (0, 0)>
module attributes {stable_mosaic.version = 14 : i64} {
  func.func @_body(%arg0: i32, %arg1: i32, %arg2: memref<4096xi32, #tpu.memory_space<hbm>>, %arg3: memref<86016xi32, #tpu.memory_space<hbm>>, %arg4: memref<64x1000000xf32, #tpu.memory_space<hbm>>, %arg5: memref<64x1000000xf32, #tpu.memory_space<hbm>>, %arg6: memref<4096xf32, #tpu.memory_space<hbm>>, %arg7: memref<4096xf32, #tpu.memory_space<hbm>>, %arg8: memref<86016xf32, #tpu.memory_space<hbm>>, %arg9: memref<86016xf32, #tpu.memory_space<hbm>>, %arg10: memref<272xi32, #tpu.memory_space<vmem>>, %arg11: memref<5376xi32, #tpu.memory_space<vmem>>, %arg12: memref<5376xi32, #tpu.memory_space<vmem>>, %arg13: memref<32x256xf32, #tpu.memory_space<vmem>>, %arg14: memref<5376xf32, #tpu.memory_space<vmem>>, %arg15: memref<5376xf32, #tpu.memory_space<vmem>>, %arg16: memref<2x2048xf32, #tpu.memory_space<vmem>>, %arg17: memref<8x8x128xf32, #tpu.memory_space<vmem>>, %arg18: memref<1000000xf32, #tpu.memory_space<vmem_shared>>, %arg19: memref<!tpu.dma_semaphore, #tpu.memory_space<semaphore_mem>>, %arg20: memref<!tpu.dma_semaphore, #tpu.memory_space<semaphore_mem>>, %arg21: memref<!tpu.dma_semaphore, #tpu.memory_space<semaphore_mem>>) attributes {dimension_semantics = [#tpu.dimension_semantics<core_parallel>, #tpu.dimension_semantics<subcore_parallel>], iteration_bounds = array<i64: 2, 16>, scalar_prefetch = 0 : i64, scratch_operands = 12 : i64, tpu.core_type = #tpu.core_type<sc_vector_subcore>, window_params = [{transform_indices = #map}, {transform_indices = #map}, {transform_indices = #map1}, {transform_indices = #map1}, {transform_indices = #map}, {transform_indices = #map}, {transform_indices = #map}, {transform_indices = #map}]} {
    %mul3A = arith.constant 32 : i32
    %mul3A_0 = arith.muli %arg0, %mul3A : i32
    %mul3A_1 = arith.constant 256 : i32
    %mul3A_2 = arith.muli %arg1, %mul3A_1 : i32
    "tpu.region"() ({
      %run_scoped3A_142 = tpu.sem_alloc : memref<!tpu.dma_semaphore, #tpu.memory_space<semaphore_mem>>
      %dma_start3A = arith.constant 0 : i32
      %dma_start3A_143 = tpu.memref_slice %arg10[%dma_start3A] : memref<272xi32, #tpu.memory_space<vmem>> -> memref<256xi32, #tpu.memory_space<vmem>>
      %dma_start3A_144 = tpu.memref_slice %arg2[%mul3A_2] : memref<4096xi32, #tpu.memory_space<hbm>> -> memref<256xi32, #tpu.memory_space<hbm>>
      %dma_start3A_145 = arith.constant 0 : i32
      %dma_start3A_146 = tpu.memref_slice %arg10[%dma_start3A_145] : memref<272xi32, #tpu.memory_space<vmem>> -> memref<256xi32, #tpu.memory_space<vmem>>
      %dma_start3A_147 = tpu.memref_slice %arg2[%mul3A_2] : memref<4096xi32, #tpu.memory_space<hbm>> -> memref<256xi32, #tpu.memory_space<hbm>>
      tpu.enqueue_dma source(%dma_start3A_147 : memref<256xi32, #tpu.memory_space<hbm>>) target(%dma_start3A_146 : memref<256xi32, #tpu.memory_space<vmem>>) target_semaphore(%run_scoped3A_142 : memref<!tpu.dma_semaphore, #tpu.memory_space<semaphore_mem>>)
      %dma_wait3A = arith.constant 0 : i32
      %dma_wait3A_148 = tpu.memref_slice %arg10[%dma_wait3A] : memref<272xi32, #tpu.memory_space<vmem>> -> memref<256xi32, #tpu.memory_space<vmem>>
      %dma_wait3A_149 = tpu.memref_slice %arg2[%mul3A_2] : memref<4096xi32, #tpu.memory_space<hbm>> -> memref<256xi32, #tpu.memory_space<hbm>>
      %dma_wait3A_150 = arith.constant 0 : i32
      %dma_wait3A_151 = tpu.memref_slice %arg10[%dma_wait3A_150] : memref<272xi32, #tpu.memory_space<vmem>> -> memref<256xi32, #tpu.memory_space<vmem>>
      %dma_wait3A_152 = tpu.memref_slice %arg2[%mul3A_2] : memref<4096xi32, #tpu.memory_space<hbm>> -> memref<256xi32, #tpu.memory_space<hbm>>
      tpu.wait_dma2 semaphore(%run_scoped3A_142 : memref<!tpu.dma_semaphore, #tpu.memory_space<semaphore_mem>>) src(%dma_wait3A_152 : memref<256xi32, #tpu.memory_space<hbm>>) dst(%dma_wait3A_151 : memref<256xi32, #tpu.memory_space<vmem>>)
      tpu.yield
    }) : () -> ()
    %mul3A_3 = arith.constant 5376 : i32
    %mul3A_4 = arith.muli %arg1, %mul3A_3 : i32
    "tpu.region"() ({
      %run_scoped3A_142 = tpu.sem_alloc : memref<!tpu.dma_semaphore, #tpu.memory_space<semaphore_mem>>
      %dma_start3A = tpu.memref_slice %arg3[%mul3A_4] : memref<86016xi32, #tpu.memory_space<hbm>> -> memref<5376xi32, #tpu.memory_space<hbm>>
      %dma_start3A_143 = tpu.memref_slice %arg3[%mul3A_4] : memref<86016xi32, #tpu.memory_space<hbm>> -> memref<5376xi32, #tpu.memory_space<hbm>>
      tpu.enqueue_dma source(%dma_start3A_143 : memref<5376xi32, #tpu.memory_space<hbm>>) target(%arg11 : memref<5376xi32, #tpu.memory_space<vmem>>) target_semaphore(%run_scoped3A_142 : memref<!tpu.dma_semaphore, #tpu.memory_space<semaphore_mem>>)
      %dma_wait3A = tpu.memref_slice %arg3[%mul3A_4] : memref<86016xi32, #tpu.memory_space<hbm>> -> memref<5376xi32, #tpu.memory_space<hbm>>
      %dma_wait3A_144 = tpu.memref_slice %arg3[%mul3A_4] : memref<86016xi32, #tpu.memory_space<hbm>> -> memref<5376xi32, #tpu.memory_space<hbm>>
      tpu.wait_dma2 semaphore(%run_scoped3A_142 : memref<!tpu.dma_semaphore, #tpu.memory_space<semaphore_mem>>) src(%dma_wait3A_144 : memref<5376xi32, #tpu.memory_space<hbm>>) dst(%arg11 : memref<5376xi32, #tpu.memory_space<vmem>>)
      tpu.yield
    }) : () -> ()
    %mul3A_5 = arith.constant 64 : i32
    %mul3A_6 = arith.muli %mul3A_0, %mul3A_5 : i32
    %run_scoped3A = arith.constant 0 : i32
    "tpu.region"() ({
      %run_scoped3A_142 = tpu.sem_alloc : memref<!tpu.dma_semaphore, #tpu.memory_space<semaphore_mem>>
      %dma_start3A = arith.constant 0 : i32
      %dma_start3A_143 = tpu.memref_slice %arg16[%run_scoped3A, %dma_start3A] : memref<2x2048xf32, #tpu.memory_space<vmem>> -> memref<1x2048xf32, #tpu.memory_space<vmem>>
      %dma_start3A_144 = tpu.memref_squeeze %dma_start3A_143 : memref<1x2048xf32, #tpu.memory_space<vmem>> -> memref<2048xf32, #tpu.memory_space<vmem>>
      %dma_start3A_145 = tpu.memref_slice %arg6[%mul3A_6] : memref<4096xf32, #tpu.memory_space<hbm>> -> memref<2048xf32, #tpu.memory_space<hbm>>
      %dma_start3A_146 = arith.constant 0 : i32
      %dma_start3A_147 = tpu.memref_slice %arg16[%run_scoped3A, %dma_start3A_146] : memref<2x2048xf32, #tpu.memory_space<vmem>> -> memref<1x2048xf32, #tpu.memory_space<vmem>>
      %dma_start3A_148 = tpu.memref_squeeze %dma_start3A_147 : memref<1x2048xf32, #tpu.memory_space<vmem>> -> memref<2048xf32, #tpu.memory_space<vmem>>
      %dma_start3A_149 = tpu.memref_slice %arg6[%mul3A_6] : memref<4096xf32, #tpu.memory_space<hbm>> -> memref<2048xf32, #tpu.memory_space<hbm>>
      tpu.enqueue_dma source(%dma_start3A_149 : memref<2048xf32, #tpu.memory_space<hbm>>) target(%dma_start3A_148 : memref<2048xf32, #tpu.memory_space<vmem>>) target_semaphore(%run_scoped3A_142 : memref<!tpu.dma_semaphore, #tpu.memory_space<semaphore_mem>>)
      %dma_wait3A = arith.constant 0 : i32
      %dma_wait3A_150 = tpu.memref_slice %arg16[%run_scoped3A, %dma_wait3A] : memref<2x2048xf32, #tpu.memory_space<vmem>> -> memref<1x2048xf32, #tpu.memory_space<vmem>>
      %dma_wait3A_151 = tpu.memref_squeeze %dma_wait3A_150 : memref<1x2048xf32, #tpu.memory_space<vmem>> -> memref<2048xf32, #tpu.memory_space<vmem>>
      %dma_wait3A_152 = tpu.memref_slice %arg6[%mul3A_6] : memref<4096xf32, #tpu.memory_space<hbm>> -> memref<2048xf32, #tpu.memory_space<hbm>>
      %dma_wait3A_153 = arith.constant 0 : i32
      %dma_wait3A_154 = tpu.memref_slice %arg16[%run_scoped3A, %dma_wait3A_153] : memref<2x2048xf32, #tpu.memory_space<vmem>> -> memref<1x2048xf32, #tpu.memory_space<vmem>>
      %dma_wait3A_155 = tpu.memref_squeeze %dma_wait3A_154 : memref<1x2048xf32, #tpu.memory_space<vmem>> -> memref<2048xf32, #tpu.memory_space<vmem>>
      %dma_wait3A_156 = tpu.memref_slice %arg6[%mul3A_6] : memref<4096xf32, #tpu.memory_space<hbm>> -> memref<2048xf32, #tpu.memory_space<hbm>>
      tpu.wait_dma2 semaphore(%run_scoped3A_142 : memref<!tpu.dma_semaphore, #tpu.memory_space<semaphore_mem>>) src(%dma_wait3A_156 : memref<2048xf32, #tpu.memory_space<hbm>>) dst(%dma_wait3A_155 : memref<2048xf32, #tpu.memory_space<vmem>>)
      tpu.yield
    }) : () -> ()
    %mul3A_7 = arith.constant 64 : i32
    %mul3A_8 = arith.muli %mul3A_0, %mul3A_7 : i32
    %run_scoped3A_9 = arith.constant 1 : i32
    "tpu.region"() ({
      %run_scoped3A_142 = tpu.sem_alloc : memref<!tpu.dma_semaphore, #tpu.memory_space<semaphore_mem>>
      %dma_start3A = arith.constant 0 : i32
      %dma_start3A_143 = tpu.memref_slice %arg16[%run_scoped3A_9, %dma_start3A] : memref<2x2048xf32, #tpu.memory_space<vmem>> -> memref<1x2048xf32, #tpu.memory_space<vmem>>
      %dma_start3A_144 = tpu.memref_squeeze %dma_start3A_143 : memref<1x2048xf32, #tpu.memory_space<vmem>> -> memref<2048xf32, #tpu.memory_space<vmem>>
      %dma_start3A_145 = tpu.memref_slice %arg7[%mul3A_8] : memref<4096xf32, #tpu.memory_space<hbm>> -> memref<2048xf32, #tpu.memory_space<hbm>>
      %dma_start3A_146 = arith.constant 0 : i32
      %dma_start3A_147 = tpu.memref_slice %arg16[%run_scoped3A_9, %dma_start3A_146] : memref<2x2048xf32, #tpu.memory_space<vmem>> -> memref<1x2048xf32, #tpu.memory_space<vmem>>
      %dma_start3A_148 = tpu.memref_squeeze %dma_start3A_147 : memref<1x2048xf32, #tpu.memory_space<vmem>> -> memref<2048xf32, #tpu.memory_space<vmem>>
      %dma_start3A_149 = tpu.memref_slice %arg7[%mul3A_8] : memref<4096xf32, #tpu.memory_space<hbm>> -> memref<2048xf32, #tpu.memory_space<hbm>>
      tpu.enqueue_dma source(%dma_start3A_149 : memref<2048xf32, #tpu.memory_space<hbm>>) target(%dma_start3A_148 : memref<2048xf32, #tpu.memory_space<vmem>>) target_semaphore(%run_scoped3A_142 : memref<!tpu.dma_semaphore, #tpu.memory_space<semaphore_mem>>)
      %dma_wait3A = arith.constant 0 : i32
      %dma_wait3A_150 = tpu.memref_slice %arg16[%run_scoped3A_9, %dma_wait3A] : memref<2x2048xf32, #tpu.memory_space<vmem>> -> memref<1x2048xf32, #tpu.memory_space<vmem>>
      %dma_wait3A_151 = tpu.memref_squeeze %dma_wait3A_150 : memref<1x2048xf32, #tpu.memory_space<vmem>> -> memref<2048xf32, #tpu.memory_space<vmem>>
      %dma_wait3A_152 = tpu.memref_slice %arg7[%mul3A_8] : memref<4096xf32, #tpu.memory_space<hbm>> -> memref<2048xf32, #tpu.memory_space<hbm>>
      %dma_wait3A_153 = arith.constant 0 : i32
      %dma_wait3A_154 = tpu.memref_slice %arg16[%run_scoped3A_9, %dma_wait3A_153] : memref<2x2048xf32, #tpu.memory_space<vmem>> -> memref<1x2048xf32, #tpu.memory_space<vmem>>
      %dma_wait3A_155 = tpu.memref_squeeze %dma_wait3A_154 : memref<1x2048xf32, #tpu.memory_space<vmem>> -> memref<2048xf32, #tpu.memory_space<vmem>>
      %dma_wait3A_156 = tpu.memref_slice %arg7[%mul3A_8] : memref<4096xf32, #tpu.memory_space<hbm>> -> memref<2048xf32, #tpu.memory_space<hbm>>
      tpu.wait_dma2 semaphore(%run_scoped3A_142 : memref<!tpu.dma_semaphore, #tpu.memory_space<semaphore_mem>>) src(%dma_wait3A_156 : memref<2048xf32, #tpu.memory_space<hbm>>) dst(%dma_wait3A_155 : memref<2048xf32, #tpu.memory_space<vmem>>)
      tpu.yield
    }) : () -> ()
    %iota3A = tpu.iota {dimensions = array<i32: 0>} : vector<16xi32>
    %scan3A = arith.constant 0 : i32
    %scan3A_10 = arith.constant 336 : i32
    %scan3A_11 = arith.addi %scan3A, %scan3A_10 : i32
    %scan3A_12 = arith.constant 1 : i32
    scf.for %scan3A_142 = %scan3A to %scan3A_11 step %scan3A_12  : i32 {
      %mul3A_143 = arith.constant 1 : i32
      %mul3A_144 = arith.muli %scan3A_142, %mul3A_143 : i32
      %add3A = arith.constant 0 : i32
      %add3A_145 = arith.addi %add3A, %mul3A_144 : i32
      %mul3A_146 = arith.constant 5376 : i32
      %mul3A_147 = arith.muli %arg1, %mul3A_146 : i32
      %mul3A_148 = arith.constant 16 : i32
      %mul3A_149 = arith.muli %add3A_145, %mul3A_148 : i32
      %add3A_150 = arith.addi %mul3A_147, %mul3A_149 : i32
      %add3A_151 = vector.broadcast %add3A_150 : i32 to vector<16xi32>
      %add3A_152 = arith.addi %add3A_151, %iota3A : vector<16xi32>
      %jit3A_153 = arith.constant 21 : i32
      %div3A_154 = vector.broadcast %jit3A_153 : i32 to vector<16xi32>
      %div3A_155 = arith.divsi %add3A_152, %div3A_154 : vector<16xi32>
      %sign3A_156 = arith.constant 0 : i32
      %sign3A_157 = vector.broadcast %sign3A_156 : i32 to vector<16xi32>
      %sign3A_158 = arith.cmpi sgt, %add3A_152, %sign3A_157 : vector<16xi32>
      %sign3A_159 = arith.extui %sign3A_158 : vector<16xi1> to vector<16xi32>
      %sign3A_160 = arith.constant 0 : i32
      %sign3A_161 = vector.broadcast %sign3A_160 : i32 to vector<16xi32>
      %sign3A_162 = arith.cmpi slt, %add3A_152, %sign3A_161 : vector<16xi32>
      %sign3A_163 = arith.extui %sign3A_162 : vector<16xi1> to vector<16xi32>
      %sign3A_164 = arith.subi %sign3A_159, %sign3A_163 : vector<16xi32>
      %sign3A_165 = arith.constant 0 : i32
      %sign3A_166 = arith.cmpi sgt, %jit3A_153, %sign3A_165 : i32
      %sign3A_167 = arith.extui %sign3A_166 : i1 to i32
      %sign3A_168 = arith.constant 0 : i32
      %sign3A_169 = arith.cmpi slt, %jit3A_153, %sign3A_168 : i32
      %sign3A_170 = arith.extui %sign3A_169 : i1 to i32
      %sign3A_171 = arith.subi %sign3A_167, %sign3A_170 : i32
      %ne3A_172 = vector.broadcast %sign3A_171 : i32 to vector<16xi32>
      %ne3A_173 = arith.cmpi ne, %sign3A_164, %ne3A_172 : vector<16xi32>
      %rem3A_174 = vector.broadcast %jit3A_153 : i32 to vector<16xi32>
      %rem3A_175 = arith.remsi %add3A_152, %rem3A_174 : vector<16xi32>
      %ne3A_176 = arith.constant 0 : i32
      %ne3A_177 = vector.broadcast %ne3A_176 : i32 to vector<16xi32>
      %ne3A_178 = arith.cmpi ne, %rem3A_175, %ne3A_177 : vector<16xi32>
      %and3A_179 = arith.andi %ne3A_173, %ne3A_178 : vector<16xi1>
      %sub3A_180 = arith.constant 1 : i32
      %sub3A_181 = vector.broadcast %sub3A_180 : i32 to vector<16xi32>
      %sub3A_182 = arith.subi %div3A_155, %sub3A_181 : vector<16xi32>
      %select_n3A_183 = arith.select %and3A_179, %sub3A_182, %div3A_155 : vector<16xi1>, vector<16xi32>
      %mul3A_184 = arith.constant 256 : i32
      %mul3A_185 = arith.muli %arg1, %mul3A_184 : i32
      %sub3A_186 = vector.broadcast %mul3A_185 : i32 to vector<16xi32>
      %sub3A_187 = arith.subi %select_n3A_183, %sub3A_186 : vector<16xi32>
      %mul3A_188 = arith.constant 16 : i32
      %mul3A_189 = arith.muli %add3A_145, %mul3A_188 : i32
      %swap3A = arith.index_cast %mul3A_189 : i32 to index
      %swap3A_190 = tpu.vector_load %arg12[%swap3A] {strides = array<i32>} : memref<5376xi32, #tpu.memory_space<vmem>>, vector<16xi32>,
      tpu.vector_store %arg12[%swap3A], %sub3A_187 {strides = array<i32>} : memref<5376xi32, #tpu.memory_space<vmem>>, vector<16xi32>,
      %broadcast_in_dim3A = arith.constant 0.000000e+00 : f32
      %broadcast_in_dim3A_191 = vector.broadcast %broadcast_in_dim3A : f32 to vector<16xf32>
      %mul3A_192 = arith.constant 16 : i32
      %mul3A_193 = arith.muli %add3A_145, %mul3A_192 : i32
      %swap3A_194 = arith.index_cast %mul3A_193 : i32 to index
      %swap3A_195 = tpu.vector_load %arg15[%swap3A_194] {strides = array<i32>} : memref<5376xf32, #tpu.memory_space<vmem>>, vector<16xf32>,
      tpu.vector_store %arg15[%swap3A_194], %broadcast_in_dim3A_191 {strides = array<i32>} : memref<5376xf32, #tpu.memory_space<vmem>>, vector<16xf32>,
    }
    %scan3A_13 = arith.constant 336 : i32
    %eq3A = arith.constant 0 : i32
    %eq3A_14 = arith.cmpi eq, %arg1, %eq3A : i32
    %convert_element_type3A = arith.extui %eq3A_14 : i1 to i32
    %cond3A = arith.constant 0 : i32
    %cond3A_15 = arith.cmpi ne, %convert_element_type3A, %cond3A : i32
    scf.if %cond3A_15 {
      %dma_start3A = arith.constant 0 : i32
      %dma_start3A_142 = tpu.memref_slice %arg18[%dma_start3A] : memref<1000000xf32, #tpu.memory_space<vmem_shared>> -> memref<62464xf32, #tpu.memory_space<vmem_shared>>
      %dma_start3A_143 = arith.constant 0 : i32
      %dma_start3A_144 = tpu.memref_slice %arg5[%mul3A_0, %dma_start3A_143] : memref<64x1000000xf32, #tpu.memory_space<hbm>> -> memref<1x62464xf32, #tpu.memory_space<hbm>>
      %dma_start3A_145 = tpu.memref_squeeze %dma_start3A_144 : memref<1x62464xf32, #tpu.memory_space<hbm>> -> memref<62464xf32, #tpu.memory_space<hbm>>
      tpu.enqueue_dma source(%dma_start3A_145 : memref<62464xf32, #tpu.memory_space<hbm>>) target(%dma_start3A_142 : memref<62464xf32, #tpu.memory_space<vmem_shared>>) target_semaphore(%arg19 : memref<!tpu.dma_semaphore, #tpu.memory_space<semaphore_mem>>)
    } else {
    }
    %eq3A_16 = arith.constant 1 : i32
    %eq3A_17 = arith.cmpi eq, %arg1, %eq3A_16 : i32
    %convert_element_type3A_18 = arith.extui %eq3A_17 : i1 to i32
    %cond3A_19 = arith.constant 0 : i32
    %cond3A_20 = arith.cmpi ne, %convert_element_type3A_18, %cond3A_19 : i32
    scf.if %cond3A_20 {
      %dma_start3A = arith.constant 62464 : i32
      %dma_start3A_142 = tpu.memref_slice %arg18[%dma_start3A] : memref<1000000xf32, #tpu.memory_space<vmem_shared>> -> memref<62464xf32, #tpu.memory_space<vmem_shared>>
      %dma_start3A_143 = arith.constant 62464 : i32
      %dma_start3A_144 = tpu.memref_slice %arg5[%mul3A_0, %dma_start3A_143] : memref<64x1000000xf32, #tpu.memory_space<hbm>> -> memref<1x62464xf32, #tpu.memory_space<hbm>>
      %dma_start3A_145 = tpu.memref_squeeze %dma_start3A_144 : memref<1x62464xf32, #tpu.memory_space<hbm>> -> memref<62464xf32, #tpu.memory_space<hbm>>
      tpu.enqueue_dma source(%dma_start3A_145 : memref<62464xf32, #tpu.memory_space<hbm>>) target(%dma_start3A_142 : memref<62464xf32, #tpu.memory_space<vmem_shared>>) target_semaphore(%arg19 : memref<!tpu.dma_semaphore, #tpu.memory_space<semaphore_mem>>)
    } else {
    }
    %eq3A_21 = arith.constant 2 : i32
    %eq3A_22 = arith.cmpi eq, %arg1, %eq3A_21 : i32
    %convert_element_type3A_23 = arith.extui %eq3A_22 : i1 to i32
    %cond3A_24 = arith.constant 0 : i32
    %cond3A_25 = arith.cmpi ne, %convert_element_type3A_23, %cond3A_24 : i32
    scf.if %cond3A_25 {
      %dma_start3A = arith.constant 124928 : i32
      %dma_start3A_142 = tpu.memref_slice %arg18[%dma_start3A] : memref<1000000xf32, #tpu.memory_space<vmem_shared>> -> memref<62464xf32, #tpu.memory_space<vmem_shared>>
      %dma_start3A_143 = arith.constant 124928 : i32
      %dma_start3A_144 = tpu.memref_slice %arg5[%mul3A_0, %dma_start3A_143] : memref<64x1000000xf32, #tpu.memory_space<hbm>> -> memref<1x62464xf32, #tpu.memory_space<hbm>>
      %dma_start3A_145 = tpu.memref_squeeze %dma_start3A_144 : memref<1x62464xf32, #tpu.memory_space<hbm>> -> memref<62464xf32, #tpu.memory_space<hbm>>
      tpu.enqueue_dma source(%dma_start3A_145 : memref<62464xf32, #tpu.memory_space<hbm>>) target(%dma_start3A_142 : memref<62464xf32, #tpu.memory_space<vmem_shared>>) target_semaphore(%arg19 : memref<!tpu.dma_semaphore, #tpu.memory_space<semaphore_mem>>)
    } else {
    }
    %eq3A_26 = arith.constant 3 : i32
    %eq3A_27 = arith.cmpi eq, %arg1, %eq3A_26 : i32
    %convert_element_type3A_28 = arith.extui %eq3A_27 : i1 to i32
    %cond3A_29 = arith.constant 0 : i32
    %cond3A_30 = arith.cmpi ne, %convert_element_type3A_28, %cond3A_29 : i32
    scf.if %cond3A_30 {
      %dma_start3A = arith.constant 187392 : i32
      %dma_start3A_142 = tpu.memref_slice %arg18[%dma_start3A] : memref<1000000xf32, #tpu.memory_space<vmem_shared>> -> memref<62592xf32, #tpu.memory_space<vmem_shared>>
      %dma_start3A_143 = arith.constant 187392 : i32
      %dma_start3A_144 = tpu.memref_slice %arg5[%mul3A_0, %dma_start3A_143] : memref<64x1000000xf32, #tpu.memory_space<hbm>> -> memref<1x62592xf32, #tpu.memory_space<hbm>>
      %dma_start3A_145 = tpu.memref_squeeze %dma_start3A_144 : memref<1x62592xf32, #tpu.memory_space<hbm>> -> memref<62592xf32, #tpu.memory_space<hbm>>
      tpu.enqueue_dma source(%dma_start3A_145 : memref<62592xf32, #tpu.memory_space<hbm>>) target(%dma_start3A_142 : memref<62592xf32, #tpu.memory_space<vmem_shared>>) target_semaphore(%arg19 : memref<!tpu.dma_semaphore, #tpu.memory_space<semaphore_mem>>)
    } else {
    }
    %eq3A_31 = arith.constant 4 : i32
    %eq3A_32 = arith.cmpi eq, %arg1, %eq3A_31 : i32
    %convert_element_type3A_33 = arith.extui %eq3A_32 : i1 to i32
    %cond3A_34 = arith.constant 0 : i32
    %cond3A_35 = arith.cmpi ne, %convert_element_type3A_33, %cond3A_34 : i32
    scf.if %cond3A_35 {
      %dma_start3A = arith.constant 249984 : i32
      %dma_start3A_142 = tpu.memref_slice %arg18[%dma_start3A] : memref<1000000xf32, #tpu.memory_space<vmem_shared>> -> memref<62464xf32, #tpu.memory_space<vmem_shared>>
      %dma_start3A_143 = arith.constant 249984 : i32
      %dma_start3A_144 = tpu.memref_slice %arg5[%mul3A_0, %dma_start3A_143] : memref<64x1000000xf32, #tpu.memory_space<hbm>> -> memref<1x62464xf32, #tpu.memory_space<hbm>>
      %dma_start3A_145 = tpu.memref_squeeze %dma_start3A_144 : memref<1x62464xf32, #tpu.memory_space<hbm>> -> memref<62464xf32, #tpu.memory_space<hbm>>
      tpu.enqueue_dma source(%dma_start3A_145 : memref<62464xf32, #tpu.memory_space<hbm>>) target(%dma_start3A_142 : memref<62464xf32, #tpu.memory_space<vmem_shared>>) target_semaphore(%arg19 : memref<!tpu.dma_semaphore, #tpu.memory_space<semaphore_mem>>)
    } else {
    }
    %eq3A_36 = arith.constant 5 : i32
    %eq3A_37 = arith.cmpi eq, %arg1, %eq3A_36 : i32
    %convert_element_type3A_38 = arith.extui %eq3A_37 : i1 to i32
    %cond3A_39 = arith.constant 0 : i32
    %cond3A_40 = arith.cmpi ne, %convert_element_type3A_38, %cond3A_39 : i32
    scf.if %cond3A_40 {
      %dma_start3A = arith.constant 312448 : i32
      %dma_start3A_142 = tpu.memref_slice %arg18[%dma_start3A] : memref<1000000xf32, #tpu.memory_space<vmem_shared>> -> memref<62464xf32, #tpu.memory_space<vmem_shared>>
      %dma_start3A_143 = arith.constant 312448 : i32
      %dma_start3A_144 = tpu.memref_slice %arg5[%mul3A_0, %dma_start3A_143] : memref<64x1000000xf32, #tpu.memory_space<hbm>> -> memref<1x62464xf32, #tpu.memory_space<hbm>>
      %dma_start3A_145 = tpu.memref_squeeze %dma_start3A_144 : memref<1x62464xf32, #tpu.memory_space<hbm>> -> memref<62464xf32, #tpu.memory_space<hbm>>
      tpu.enqueue_dma source(%dma_start3A_145 : memref<62464xf32, #tpu.memory_space<hbm>>) target(%dma_start3A_142 : memref<62464xf32, #tpu.memory_space<vmem_shared>>) target_semaphore(%arg19 : memref<!tpu.dma_semaphore, #tpu.memory_space<semaphore_mem>>)
    } else {
    }
    %eq3A_41 = arith.constant 6 : i32
    %eq3A_42 = arith.cmpi eq, %arg1, %eq3A_41 : i32
    %convert_element_type3A_43 = arith.extui %eq3A_42 : i1 to i32
    %cond3A_44 = arith.constant 0 : i32
    %cond3A_45 = arith.cmpi ne, %convert_element_type3A_43, %cond3A_44 : i32
    scf.if %cond3A_45 {
      %dma_start3A = arith.constant 374912 : i32
      %dma_start3A_142 = tpu.memref_slice %arg18[%dma_start3A] : memref<1000000xf32, #tpu.memory_space<vmem_shared>> -> memref<62464xf32, #tpu.memory_space<vmem_shared>>
      %dma_start3A_143 = arith.constant 374912 : i32
      %dma_start3A_144 = tpu.memref_slice %arg5[%mul3A_0, %dma_start3A_143] : memref<64x1000000xf32, #tpu.memory_space<hbm>> -> memref<1x62464xf32, #tpu.memory_space<hbm>>
      %dma_start3A_145 = tpu.memref_squeeze %dma_start3A_144 : memref<1x62464xf32, #tpu.memory_space<hbm>> -> memref<62464xf32, #tpu.memory_space<hbm>>
      tpu.enqueue_dma source(%dma_start3A_145 : memref<62464xf32, #tpu.memory_space<hbm>>) target(%dma_start3A_142 : memref<62464xf32, #tpu.memory_space<vmem_shared>>) target_semaphore(%arg19 : memref<!tpu.dma_semaphore, #tpu.memory_space<semaphore_mem>>)
    } else {
    }
    %eq3A_46 = arith.constant 7 : i32
    %eq3A_47 = arith.cmpi eq, %arg1, %eq3A_46 : i32
    %convert_element_type3A_48 = arith.extui %eq3A_47 : i1 to i32
    %cond3A_49 = arith.constant 0 : i32
    %cond3A_50 = arith.cmpi ne, %convert_element_type3A_48, %cond3A_49 : i32
    scf.if %cond3A_50 {
      %dma_start3A = arith.constant 437376 : i32
      %dma_start3A_142 = tpu.memref_slice %arg18[%dma_start3A] : memref<1000000xf32, #tpu.memory_space<vmem_shared>> -> memref<62592xf32, #tpu.memory_space<vmem_shared>>
      %dma_start3A_143 = arith.constant 437376 : i32
      %dma_start3A_144 = tpu.memref_slice %arg5[%mul3A_0, %dma_start3A_143] : memref<64x1000000xf32, #tpu.memory_space<hbm>> -> memref<1x62592xf32, #tpu.memory_space<hbm>>
      %dma_start3A_145 = tpu.memref_squeeze %dma_start3A_144 : memref<1x62592xf32, #tpu.memory_space<hbm>> -> memref<62592xf32, #tpu.memory_space<hbm>>
      tpu.enqueue_dma source(%dma_start3A_145 : memref<62592xf32, #tpu.memory_space<hbm>>) target(%dma_start3A_142 : memref<62592xf32, #tpu.memory_space<vmem_shared>>) target_semaphore(%arg19 : memref<!tpu.dma_semaphore, #tpu.memory_space<semaphore_mem>>)
    } else {
    }
    %eq3A_51 = arith.constant 8 : i32
    %eq3A_52 = arith.cmpi eq, %arg1, %eq3A_51 : i32
    %convert_element_type3A_53 = arith.extui %eq3A_52 : i1 to i32
    %cond3A_54 = arith.constant 0 : i32
    %cond3A_55 = arith.cmpi ne, %convert_element_type3A_53, %cond3A_54 : i32
    scf.if %cond3A_55 {
      %dma_start3A = arith.constant 499968 : i32
      %dma_start3A_142 = tpu.memref_slice %arg18[%dma_start3A] : memref<1000000xf32, #tpu.memory_space<vmem_shared>> -> memref<62464xf32, #tpu.memory_space<vmem_shared>>
      %dma_start3A_143 = arith.constant 499968 : i32
      %dma_start3A_144 = tpu.memref_slice %arg5[%mul3A_0, %dma_start3A_143] : memref<64x1000000xf32, #tpu.memory_space<hbm>> -> memref<1x62464xf32, #tpu.memory_space<hbm>>
      %dma_start3A_145 = tpu.memref_squeeze %dma_start3A_144 : memref<1x62464xf32, #tpu.memory_space<hbm>> -> memref<62464xf32, #tpu.memory_space<hbm>>
      tpu.enqueue_dma source(%dma_start3A_145 : memref<62464xf32, #tpu.memory_space<hbm>>) target(%dma_start3A_142 : memref<62464xf32, #tpu.memory_space<vmem_shared>>) target_semaphore(%arg19 : memref<!tpu.dma_semaphore, #tpu.memory_space<semaphore_mem>>)
    } else {
    }
    %eq3A_56 = arith.constant 9 : i32
    %eq3A_57 = arith.cmpi eq, %arg1, %eq3A_56 : i32
    %convert_element_type3A_58 = arith.extui %eq3A_57 : i1 to i32
    %cond3A_59 = arith.constant 0 : i32
    %cond3A_60 = arith.cmpi ne, %convert_element_type3A_58, %cond3A_59 : i32
    scf.if %cond3A_60 {
      %dma_start3A = arith.constant 562432 : i32
      %dma_start3A_142 = tpu.memref_slice %arg18[%dma_start3A] : memref<1000000xf32, #tpu.memory_space<vmem_shared>> -> memref<62464xf32, #tpu.memory_space<vmem_shared>>
      %dma_start3A_143 = arith.constant 562432 : i32
      %dma_start3A_144 = tpu.memref_slice %arg5[%mul3A_0, %dma_start3A_143] : memref<64x1000000xf32, #tpu.memory_space<hbm>> -> memref<1x62464xf32, #tpu.memory_space<hbm>>
      %dma_start3A_145 = tpu.memref_squeeze %dma_start3A_144 : memref<1x62464xf32, #tpu.memory_space<hbm>> -> memref<62464xf32, #tpu.memory_space<hbm>>
      tpu.enqueue_dma source(%dma_start3A_145 : memref<62464xf32, #tpu.memory_space<hbm>>) target(%dma_start3A_142 : memref<62464xf32, #tpu.memory_space<vmem_shared>>) target_semaphore(%arg19 : memref<!tpu.dma_semaphore, #tpu.memory_space<semaphore_mem>>)
    } else {
    }
    %eq3A_61 = arith.constant 10 : i32
    %eq3A_62 = arith.cmpi eq, %arg1, %eq3A_61 : i32
    %convert_element_type3A_63 = arith.extui %eq3A_62 : i1 to i32
    %cond3A_64 = arith.constant 0 : i32
    %cond3A_65 = arith.cmpi ne, %convert_element_type3A_63, %cond3A_64 : i32
    scf.if %cond3A_65 {
      %dma_start3A = arith.constant 624896 : i32
      %dma_start3A_142 = tpu.memref_slice %arg18[%dma_start3A] : memref<1000000xf32, #tpu.memory_space<vmem_shared>> -> memref<62464xf32, #tpu.memory_space<vmem_shared>>
      %dma_start3A_143 = arith.constant 624896 : i32
      %dma_start3A_144 = tpu.memref_slice %arg5[%mul3A_0, %dma_start3A_143] : memref<64x1000000xf32, #tpu.memory_space<hbm>> -> memref<1x62464xf32, #tpu.memory_space<hbm>>
      %dma_start3A_145 = tpu.memref_squeeze %dma_start3A_144 : memref<1x62464xf32, #tpu.memory_space<hbm>> -> memref<62464xf32, #tpu.memory_space<hbm>>
      tpu.enqueue_dma source(%dma_start3A_145 : memref<62464xf32, #tpu.memory_space<hbm>>) target(%dma_start3A_142 : memref<62464xf32, #tpu.memory_space<vmem_shared>>) target_semaphore(%arg19 : memref<!tpu.dma_semaphore, #tpu.memory_space<semaphore_mem>>)
    } else {
    }
    %eq3A_66 = arith.constant 11 : i32
    %eq3A_67 = arith.cmpi eq, %arg1, %eq3A_66 : i32
    %convert_element_type3A_68 = arith.extui %eq3A_67 : i1 to i32
    %cond3A_69 = arith.constant 0 : i32
    %cond3A_70 = arith.cmpi ne, %convert_element_type3A_68, %cond3A_69 : i32
    scf.if %cond3A_70 {
      %dma_start3A = arith.constant 687360 : i32
      %dma_start3A_142 = tpu.memref_slice %arg18[%dma_start3A] : memref<1000000xf32, #tpu.memory_space<vmem_shared>> -> memref<62592xf32, #tpu.memory_space<vmem_shared>>
      %dma_start3A_143 = arith.constant 687360 : i32
      %dma_start3A_144 = tpu.memref_slice %arg5[%mul3A_0, %dma_start3A_143] : memref<64x1000000xf32, #tpu.memory_space<hbm>> -> memref<1x62592xf32, #tpu.memory_space<hbm>>
      %dma_start3A_145 = tpu.memref_squeeze %dma_start3A_144 : memref<1x62592xf32, #tpu.memory_space<hbm>> -> memref<62592xf32, #tpu.memory_space<hbm>>
      tpu.enqueue_dma source(%dma_start3A_145 : memref<62592xf32, #tpu.memory_space<hbm>>) target(%dma_start3A_142 : memref<62592xf32, #tpu.memory_space<vmem_shared>>) target_semaphore(%arg19 : memref<!tpu.dma_semaphore, #tpu.memory_space<semaphore_mem>>)
    } else {
    }
    %eq3A_71 = arith.constant 12 : i32
    %eq3A_72 = arith.cmpi eq, %arg1, %eq3A_71 : i32
    %convert_element_type3A_73 = arith.extui %eq3A_72 : i1 to i32
    %cond3A_74 = arith.constant 0 : i32
    %cond3A_75 = arith.cmpi ne, %convert_element_type3A_73, %cond3A_74 : i32
    scf.if %cond3A_75 {
      %dma_start3A = arith.constant 749952 : i32
      %dma_start3A_142 = tpu.memref_slice %arg18[%dma_start3A] : memref<1000000xf32, #tpu.memory_space<vmem_shared>> -> memref<62464xf32, #tpu.memory_space<vmem_shared>>
      %dma_start3A_143 = arith.constant 749952 : i32
      %dma_start3A_144 = tpu.memref_slice %arg5[%mul3A_0, %dma_start3A_143] : memref<64x1000000xf32, #tpu.memory_space<hbm>> -> memref<1x62464xf32, #tpu.memory_space<hbm>>
      %dma_start3A_145 = tpu.memref_squeeze %dma_start3A_144 : memref<1x62464xf32, #tpu.memory_space<hbm>> -> memref<62464xf32, #tpu.memory_space<hbm>>
      tpu.enqueue_dma source(%dma_start3A_145 : memref<62464xf32, #tpu.memory_space<hbm>>) target(%dma_start3A_142 : memref<62464xf32, #tpu.memory_space<vmem_shared>>) target_semaphore(%arg19 : memref<!tpu.dma_semaphore, #tpu.memory_space<semaphore_mem>>)
    } else {
    }
    %eq3A_76 = arith.constant 13 : i32
    %eq3A_77 = arith.cmpi eq, %arg1, %eq3A_76 : i32
    %convert_element_type3A_78 = arith.extui %eq3A_77 : i1 to i32
    %cond3A_79 = arith.constant 0 : i32
    %cond3A_80 = arith.cmpi ne, %convert_element_type3A_78, %cond3A_79 : i32
    scf.if %cond3A_80 {
      %dma_start3A = arith.constant 812416 : i32
      %dma_start3A_142 = tpu.memref_slice %arg18[%dma_start3A] : memref<1000000xf32, #tpu.memory_space<vmem_shared>> -> memref<62464xf32, #tpu.memory_space<vmem_shared>>
      %dma_start3A_143 = arith.constant 812416 : i32
      %dma_start3A_144 = tpu.memref_slice %arg5[%mul3A_0, %dma_start3A_143] : memref<64x1000000xf32, #tpu.memory_space<hbm>> -> memref<1x62464xf32, #tpu.memory_space<hbm>>
      %dma_start3A_145 = tpu.memref_squeeze %dma_start3A_144 : memref<1x62464xf32, #tpu.memory_space<hbm>> -> memref<62464xf32, #tpu.memory_space<hbm>>
      tpu.enqueue_dma source(%dma_start3A_145 : memref<62464xf32, #tpu.memory_space<hbm>>) target(%dma_start3A_142 : memref<62464xf32, #tpu.memory_space<vmem_shared>>) target_semaphore(%arg19 : memref<!tpu.dma_semaphore, #tpu.memory_space<semaphore_mem>>)
    } else {
    }
    %eq3A_81 = arith.constant 14 : i32
    %eq3A_82 = arith.cmpi eq, %arg1, %eq3A_81 : i32
    %convert_element_type3A_83 = arith.extui %eq3A_82 : i1 to i32
    %cond3A_84 = arith.constant 0 : i32
    %cond3A_85 = arith.cmpi ne, %convert_element_type3A_83, %cond3A_84 : i32
    scf.if %cond3A_85 {
      %dma_start3A = arith.constant 874880 : i32
      %dma_start3A_142 = tpu.memref_slice %arg18[%dma_start3A] : memref<1000000xf32, #tpu.memory_space<vmem_shared>> -> memref<62464xf32, #tpu.memory_space<vmem_shared>>
      %dma_start3A_143 = arith.constant 874880 : i32
      %dma_start3A_144 = tpu.memref_slice %arg5[%mul3A_0, %dma_start3A_143] : memref<64x1000000xf32, #tpu.memory_space<hbm>> -> memref<1x62464xf32, #tpu.memory_space<hbm>>
      %dma_start3A_145 = tpu.memref_squeeze %dma_start3A_144 : memref<1x62464xf32, #tpu.memory_space<hbm>> -> memref<62464xf32, #tpu.memory_space<hbm>>
      tpu.enqueue_dma source(%dma_start3A_145 : memref<62464xf32, #tpu.memory_space<hbm>>) target(%dma_start3A_142 : memref<62464xf32, #tpu.memory_space<vmem_shared>>) target_semaphore(%arg19 : memref<!tpu.dma_semaphore, #tpu.memory_space<semaphore_mem>>)
    } else {
    }
    %eq3A_86 = arith.constant 15 : i32
    %eq3A_87 = arith.cmpi eq, %arg1, %eq3A_86 : i32
    %convert_element_type3A_88 = arith.extui %eq3A_87 : i1 to i32
    %cond3A_89 = arith.constant 0 : i32
    %cond3A_90 = arith.cmpi ne, %convert_element_type3A_88, %cond3A_89 : i32
    scf.if %cond3A_90 {
      %dma_start3A = arith.constant 937344 : i32
      %dma_start3A_142 = tpu.memref_slice %arg18[%dma_start3A] : memref<1000000xf32, #tpu.memory_space<vmem_shared>> -> memref<62592xf32, #tpu.memory_space<vmem_shared>>
      %dma_start3A_143 = arith.constant 937344 : i32
      %dma_start3A_144 = tpu.memref_slice %arg5[%mul3A_0, %dma_start3A_143] : memref<64x1000000xf32, #tpu.memory_space<hbm>> -> memref<1x62592xf32, #tpu.memory_space<hbm>>
      %dma_start3A_145 = tpu.memref_squeeze %dma_start3A_144 : memref<1x62592xf32, #tpu.memory_space<hbm>> -> memref<62592xf32, #tpu.memory_space<hbm>>
      tpu.enqueue_dma source(%dma_start3A_145 : memref<62592xf32, #tpu.memory_space<hbm>>) target(%dma_start3A_142 : memref<62592xf32, #tpu.memory_space<vmem_shared>>) target_semaphore(%arg19 : memref<!tpu.dma_semaphore, #tpu.memory_space<semaphore_mem>>)
    } else {
    }
    %eq3A_91 = arith.constant 0 : i32
    %eq3A_92 = arith.cmpi eq, %arg1, %eq3A_91 : i32
    %convert_element_type3A_93 = arith.extui %eq3A_92 : i1 to i32
    %cond3A_94 = arith.constant 0 : i32
    %cond3A_95 = arith.cmpi ne, %convert_element_type3A_93, %cond3A_94 : i32
    scf.if %cond3A_95 {
      %sub3A_142 = arith.subi %mul3A_0, %mul3A_0 : i32
      %mul3A_143 = arith.constant 64 : i32
      %mul3A_144 = arith.muli %sub3A_142, %mul3A_143 : i32
      %dma_start3A = arith.constant 1 : i32
      %dma_start3A_145 = tpu.memref_slice %arg16[%dma_start3A, %mul3A_144] : memref<2x2048xf32, #tpu.memory_space<vmem>> -> memref<1x64xf32, #tpu.memory_space<vmem>>
      %dma_start3A_146 = tpu.memref_squeeze %dma_start3A_145 : memref<1x64xf32, #tpu.memory_space<vmem>> -> memref<64xf32, #tpu.memory_space<vmem>>
      %dma_start3A_147 = arith.constant 999936 : i32
      %dma_start3A_148 = tpu.memref_slice %arg18[%dma_start3A_147] : memref<1000000xf32, #tpu.memory_space<vmem_shared>> -> memref<64xf32, #tpu.memory_space<vmem_shared>>
      %dma_start3A_149 = arith.constant 999936 : i32
      %dma_start3A_150 = tpu.memref_slice %arg18[%dma_start3A_149] : memref<1000000xf32, #tpu.memory_space<vmem_shared>> -> memref<64xf32, #tpu.memory_space<vmem_shared>>
      %dma_start3A_151 = tpu.memref_slice %arg16[%dma_start3A, %mul3A_144] : memref<2x2048xf32, #tpu.memory_space<vmem>> -> memref<1x64xf32, #tpu.memory_space<vmem>>
      %dma_start3A_152 = tpu.memref_squeeze %dma_start3A_151 : memref<1x64xf32, #tpu.memory_space<vmem>> -> memref<64xf32, #tpu.memory_space<vmem>>
      tpu.enqueue_dma source(%dma_start3A_152 : memref<64xf32, #tpu.memory_space<vmem>>) target(%dma_start3A_150 : memref<64xf32, #tpu.memory_space<vmem_shared>>) target_semaphore(%arg19 : memref<!tpu.dma_semaphore, #tpu.memory_space<semaphore_mem>>)
    } else {
    }
    %rem3A = arith.constant 8 : i32
    %rem3A_96 = vector.broadcast %rem3A : i32 to vector<16xi32>
    %rem3A_97 = arith.remsi %iota3A, %rem3A_96 : vector<16xi32>
    %jit3A = arith.constant 8 : i32
    %div3A = vector.broadcast %jit3A : i32 to vector<16xi32>
    %div3A_98 = arith.divsi %iota3A, %div3A : vector<16xi32>
    %sign3A = arith.constant 0 : i32
    %sign3A_99 = vector.broadcast %sign3A : i32 to vector<16xi32>
    %sign3A_100 = arith.cmpi sgt, %iota3A, %sign3A_99 : vector<16xi32>
    %sign3A_101 = arith.extui %sign3A_100 : vector<16xi1> to vector<16xi32>
    %sign3A_102 = arith.constant 0 : i32
    %sign3A_103 = vector.broadcast %sign3A_102 : i32 to vector<16xi32>
    %sign3A_104 = arith.cmpi slt, %iota3A, %sign3A_103 : vector<16xi32>
    %sign3A_105 = arith.extui %sign3A_104 : vector<16xi1> to vector<16xi32>
    %sign3A_106 = arith.subi %sign3A_101, %sign3A_105 : vector<16xi32>
    %sign3A_107 = arith.constant 0 : i32
    %sign3A_108 = arith.cmpi sgt, %jit3A, %sign3A_107 : i32
    %sign3A_109 = arith.extui %sign3A_108 : i1 to i32
    %sign3A_110 = arith.constant 0 : i32
    %sign3A_111 = arith.cmpi slt, %jit3A, %sign3A_110 : i32
    %sign3A_112 = arith.extui %sign3A_111 : i1 to i32
    %sign3A_113 = arith.subi %sign3A_109, %sign3A_112 : i32
    %ne3A = vector.broadcast %sign3A_113 : i32 to vector<16xi32>
    %ne3A_114 = arith.cmpi ne, %sign3A_106, %ne3A : vector<16xi32>
    %rem3A_115 = vector.broadcast %jit3A : i32 to vector<16xi32>
    %rem3A_116 = arith.remsi %iota3A, %rem3A_115 : vector<16xi32>
    %ne3A_117 = arith.constant 0 : i32
    %ne3A_118 = vector.broadcast %ne3A_117 : i32 to vector<16xi32>
    %ne3A_119 = arith.cmpi ne, %rem3A_116, %ne3A_118 : vector<16xi32>
    %and3A = arith.andi %ne3A_114, %ne3A_119 : vector<16xi1>
    %sub3A = arith.constant 1 : i32
    %sub3A_120 = vector.broadcast %sub3A : i32 to vector<16xi32>
    %sub3A_121 = arith.subi %div3A_98, %sub3A_120 : vector<16xi32>
    %select_n3A = arith.select %and3A, %sub3A_121, %div3A_98 : vector<16xi1>, vector<16xi32>
    %scan3A_122 = arith.constant 0 : i32
    %scan3A_123 = arith.constant 32 : i32
    %scan3A_124 = arith.addi %scan3A_122, %scan3A_123 : i32
    %scan3A_125 = arith.constant 1 : i32
    scf.for %scan3A_142 = %scan3A_122 to %scan3A_124 step %scan3A_125  : i32 {
      %mul3A_143 = arith.constant 1 : i32
      %mul3A_144 = arith.muli %scan3A_142, %mul3A_143 : i32
      %add3A = arith.constant 0 : i32
      %add3A_145 = arith.addi %add3A, %mul3A_144 : i32
      %mul3A_146 = arith.constant 8 : i32
      %mul3A_147 = arith.muli %add3A_145, %mul3A_146 : i32
      %get3A = arith.index_cast %mul3A_147 : i32 to index
      %get3A_148 = tpu.vector_load %arg10[%get3A] {strides = array<i32>} : memref<272xi32, #tpu.memory_space<vmem>>, vector<16xi32>,
      %mul3A_149 = arith.constant 4 : i32
      %mul3A_150 = arith.muli %arg0, %mul3A_149 : i32
      %add3A_151 = arith.constant 0 : i32
      %add3A_152 = arith.addi %mul3A_150, %add3A_151 : i32
      %mul3A_153 = arith.constant 8 : i32
      %mul3A_154 = arith.muli %add3A_152, %mul3A_153 : i32
      %multiple_of3A = tpu.assume_multiple %mul3A_154, 8 : i32
      %slice3A = vector.extract_strided_slice %get3A_148 {offsets = [0], sizes = [1], strides = [1]} : vector<16xi32> to vector<1xi32>
      %squeeze3A = vector.extract %slice3A[0] : i32 from vector<1xi32>
      %jit3A_155 = arith.constant 128 : i32
      %div3A_156 = arith.divsi %squeeze3A, %jit3A_155 : i32
      %sign3A_157 = arith.constant 0 : i32
      %sign3A_158 = arith.cmpi sgt, %squeeze3A, %sign3A_157 : i32
      %sign3A_159 = arith.extui %sign3A_158 : i1 to i32
      %sign3A_160 = arith.constant 0 : i32
      %sign3A_161 = arith.cmpi slt, %squeeze3A, %sign3A_160 : i32
      %sign3A_162 = arith.extui %sign3A_161 : i1 to i32
      %sign3A_163 = arith.subi %sign3A_159, %sign3A_162 : i32
      %sign3A_164 = arith.constant 0 : i32
      %sign3A_165 = arith.cmpi sgt, %jit3A_155, %sign3A_164 : i32
      %sign3A_166 = arith.extui %sign3A_165 : i1 to i32
      %sign3A_167 = arith.constant 0 : i32
      %sign3A_168 = arith.cmpi slt, %jit3A_155, %sign3A_167 : i32
      %sign3A_169 = arith.extui %sign3A_168 : i1 to i32
      %sign3A_170 = arith.subi %sign3A_166, %sign3A_169 : i32
      %ne3A_171 = arith.cmpi ne, %sign3A_163, %sign3A_170 : i32
      %rem3A_172 = arith.remsi %squeeze3A, %jit3A_155 : i32
      %ne3A_173 = arith.constant 0 : i32
      %ne3A_174 = arith.cmpi ne, %rem3A_172, %ne3A_173 : i32
      %and3A_175 = arith.andi %ne3A_171, %ne3A_174 : i1
      %sub3A_176 = arith.constant 1 : i32
      %sub3A_177 = arith.subi %div3A_156, %sub3A_176 : i32
      %select_n3A_178 = arith.select %and3A_175, %sub3A_177, %div3A_156 : i32
      %mul3A_179 = arith.constant 128 : i32
      %mul3A_180 = arith.muli %select_n3A_178, %mul3A_179 : i32
      %min3A = arith.constant 999808 : i32
      %min3A_181 = arith.minsi %mul3A_180, %min3A : i32
      %multiple_of3A_182 = tpu.assume_multiple %min3A_181, 128 : i32
      %dma_start3A = arith.constant 0 : i32
      %dma_start3A_183 = arith.constant 0 : i32
      %dma_start3A_184 = arith.constant 0 : i32
      %dma_start3A_185 = tpu.memref_slice %arg17[%dma_start3A, %dma_start3A_183, %dma_start3A_184] : memref<8x8x128xf32, #tpu.memory_space<vmem>> -> memref<1x8x128xf32, #tpu.memory_space<vmem>>
      %dma_start3A_186 = tpu.memref_squeeze %dma_start3A_185 : memref<1x8x128xf32, #tpu.memory_space<vmem>> -> memref<8x128xf32, #tpu.memory_space<vmem>>
      %dma_start3A_187 = tpu.memref_slice %arg4[%multiple_of3A, %multiple_of3A_182] : memref<64x1000000xf32, #tpu.memory_space<hbm>> -> memref<8x128xf32, #tpu.memory_space<hbm>>
      %dma_start3A_188 = arith.constant 0 : i32
      %dma_start3A_189 = arith.constant 0 : i32
      %dma_start3A_190 = tpu.memref_slice %arg17[%dma_start3A, %dma_start3A_188, %dma_start3A_189] : memref<8x8x128xf32, #tpu.memory_space<vmem>> -> memref<1x8x128xf32, #tpu.memory_space<vmem>>
      %dma_start3A_191 = tpu.memref_squeeze %dma_start3A_190 : memref<1x8x128xf32, #tpu.memory_space<vmem>> -> memref<8x128xf32, #tpu.memory_space<vmem>>
      %dma_start3A_192 = tpu.memref_slice %arg4[%multiple_of3A, %multiple_of3A_182] : memref<64x1000000xf32, #tpu.memory_space<hbm>> -> memref<8x128xf32, #tpu.memory_space<hbm>>
      tpu.enqueue_dma source(%dma_start3A_192 : memref<8x128xf32, #tpu.memory_space<hbm>>) target(%dma_start3A_191 : memref<8x128xf32, #tpu.memory_space<vmem>>) target_semaphore(%arg21 : memref<!tpu.dma_semaphore, #tpu.memory_space<semaphore_mem>>)
      %slice3A_193 = vector.extract_strided_slice %get3A_148 {offsets = [1], sizes = [1], strides = [1]} : vector<16xi32> to vector<1xi32>
      %squeeze3A_194 = vector.extract %slice3A_193[0] : i32 from vector<1xi32>
      %jit3A_195 = arith.constant 128 : i32
      %div3A_196 = arith.divsi %squeeze3A_194, %jit3A_195 : i32
      %sign3A_197 = arith.constant 0 : i32
      %sign3A_198 = arith.cmpi sgt, %squeeze3A_194, %sign3A_197 : i32
      %sign3A_199 = arith.extui %sign3A_198 : i1 to i32
      %sign3A_200 = arith.constant 0 : i32
      %sign3A_201 = arith.cmpi slt, %squeeze3A_194, %sign3A_200 : i32
      %sign3A_202 = arith.extui %sign3A_201 : i1 to i32
      %sign3A_203 = arith.subi %sign3A_199, %sign3A_202 : i32
      %sign3A_204 = arith.constant 0 : i32
      %sign3A_205 = arith.cmpi sgt, %jit3A_195, %sign3A_204 : i32
      %sign3A_206 = arith.extui %sign3A_205 : i1 to i32
      %sign3A_207 = arith.constant 0 : i32
      %sign3A_208 = arith.cmpi slt, %jit3A_195, %sign3A_207 : i32
      %sign3A_209 = arith.extui %sign3A_208 : i1 to i32
      %sign3A_210 = arith.subi %sign3A_206, %sign3A_209 : i32
      %ne3A_211 = arith.cmpi ne, %sign3A_203, %sign3A_210 : i32
      %rem3A_212 = arith.remsi %squeeze3A_194, %jit3A_195 : i32
      %ne3A_213 = arith.constant 0 : i32
      %ne3A_214 = arith.cmpi ne, %rem3A_212, %ne3A_213 : i32
      %and3A_215 = arith.andi %ne3A_211, %ne3A_214 : i1
      %sub3A_216 = arith.constant 1 : i32
      %sub3A_217 = arith.subi %div3A_196, %sub3A_216 : i32
      %select_n3A_218 = arith.select %and3A_215, %sub3A_217, %div3A_196 : i32
      %mul3A_219 = arith.constant 128 : i32
      %mul3A_220 = arith.muli %select_n3A_218, %mul3A_219 : i32
      %min3A_221 = arith.constant 999808 : i32
      %min3A_222 = arith.minsi %mul3A_220, %min3A_221 : i32
      %multiple_of3A_223 = tpu.assume_multiple %min3A_222, 128 : i32
      %dma_start3A_224 = arith.constant 1 : i32
      %dma_start3A_225 = arith.constant 0 : i32
      %dma_start3A_226 = arith.constant 0 : i32
      %dma_start3A_227 = tpu.memref_slice %arg17[%dma_start3A_224, %dma_start3A_225, %dma_start3A_226] : memref<8x8x128xf32, #tpu.memory_space<vmem>> -> memref<1x8x128xf32, #tpu.memory_space<vmem>>
      %dma_start3A_228 = tpu.memref_squeeze %dma_start3A_227 : memref<1x8x128xf32, #tpu.memory_space<vmem>> -> memref<8x128xf32, #tpu.memory_space<vmem>>
      %dma_start3A_229 = tpu.memref_slice %arg4[%multiple_of3A, %multiple_of3A_223] : memref<64x1000000xf32, #tpu.memory_space<hbm>> -> memref<8x128xf32, #tpu.memory_space<hbm>>
      %dma_start3A_230 = arith.constant 0 : i32
      %dma_start3A_231 = arith.constant 0 : i32
      %dma_start3A_232 = tpu.memref_slice %arg17[%dma_start3A_224, %dma_start3A_230, %dma_start3A_231] : memref<8x8x128xf32, #tpu.memory_space<vmem>> -> memref<1x8x128xf32, #tpu.memory_space<vmem>>
      %dma_start3A_233 = tpu.memref_squeeze %dma_start3A_232 : memref<1x8x128xf32, #tpu.memory_space<vmem>> -> memref<8x128xf32, #tpu.memory_space<vmem>>
      %dma_start3A_234 = tpu.memref_slice %arg4[%multiple_of3A, %multiple_of3A_223] : memref<64x1000000xf32, #tpu.memory_space<hbm>> -> memref<8x128xf32, #tpu.memory_space<hbm>>
      tpu.enqueue_dma source(%dma_start3A_234 : memref<8x128xf32, #tpu.memory_space<hbm>>) target(%dma_start3A_233 : memref<8x128xf32, #tpu.memory_space<vmem>>) target_semaphore(%arg21 : memref<!tpu.dma_semaphore, #tpu.memory_space<semaphore_mem>>)
      %slice3A_235 = vector.extract_strided_slice %get3A_148 {offsets = [2], sizes = [1], strides = [1]} : vector<16xi32> to vector<1xi32>
      %squeeze3A_236 = vector.extract %slice3A_235[0] : i32 from vector<1xi32>
      %jit3A_237 = arith.constant 128 : i32
      %div3A_238 = arith.divsi %squeeze3A_236, %jit3A_237 : i32
      %sign3A_239 = arith.constant 0 : i32
      %sign3A_240 = arith.cmpi sgt, %squeeze3A_236, %sign3A_239 : i32
      %sign3A_241 = arith.extui %sign3A_240 : i1 to i32
      %sign3A_242 = arith.constant 0 : i32
      %sign3A_243 = arith.cmpi slt, %squeeze3A_236, %sign3A_242 : i32
      %sign3A_244 = arith.extui %sign3A_243 : i1 to i32
      %sign3A_245 = arith.subi %sign3A_241, %sign3A_244 : i32
      %sign3A_246 = arith.constant 0 : i32
      %sign3A_247 = arith.cmpi sgt, %jit3A_237, %sign3A_246 : i32
      %sign3A_248 = arith.extui %sign3A_247 : i1 to i32
      %sign3A_249 = arith.constant 0 : i32
      %sign3A_250 = arith.cmpi slt, %jit3A_237, %sign3A_249 : i32
      %sign3A_251 = arith.extui %sign3A_250 : i1 to i32
      %sign3A_252 = arith.subi %sign3A_248, %sign3A_251 : i32
      %ne3A_253 = arith.cmpi ne, %sign3A_245, %sign3A_252 : i32
      %rem3A_254 = arith.remsi %squeeze3A_236, %jit3A_237 : i32
      %ne3A_255 = arith.constant 0 : i32
      %ne3A_256 = arith.cmpi ne, %rem3A_254, %ne3A_255 : i32
      %and3A_257 = arith.andi %ne3A_253, %ne3A_256 : i1
      %sub3A_258 = arith.constant 1 : i32
      %sub3A_259 = arith.subi %div3A_238, %sub3A_258 : i32
      %select_n3A_260 = arith.select %and3A_257, %sub3A_259, %div3A_238 : i32
      %mul3A_261 = arith.constant 128 : i32
      %mul3A_262 = arith.muli %select_n3A_260, %mul3A_261 : i32
      %min3A_263 = arith.constant 999808 : i32
      %min3A_264 = arith.minsi %mul3A_262, %min3A_263 : i32
      %multiple_of3A_265 = tpu.assume_multiple %min3A_264, 128 : i32
      %dma_start3A_266 = arith.constant 2 : i32
      %dma_start3A_267 = arith.constant 0 : i32
      %dma_start3A_268 = arith.constant 0 : i32
      %dma_start3A_269 = tpu.memref_slice %arg17[%dma_start3A_266, %dma_start3A_267, %dma_start3A_268] : memref<8x8x128xf32, #tpu.memory_space<vmem>> -> memref<1x8x128xf32, #tpu.memory_space<vmem>>
      %dma_start3A_270 = tpu.memref_squeeze %dma_start3A_269 : memref<1x8x128xf32, #tpu.memory_space<vmem>> -> memref<8x128xf32, #tpu.memory_space<vmem>>
      %dma_start3A_271 = tpu.memref_slice %arg4[%multiple_of3A, %multiple_of3A_265] : memref<64x1000000xf32, #tpu.memory_space<hbm>> -> memref<8x128xf32, #tpu.memory_space<hbm>>
      %dma_start3A_272 = arith.constant 0 : i32
      %dma_start3A_273 = arith.constant 0 : i32
      %dma_start3A_274 = tpu.memref_slice %arg17[%dma_start3A_266, %dma_start3A_272, %dma_start3A_273] : memref<8x8x128xf32, #tpu.memory_space<vmem>> -> memref<1x8x128xf32, #tpu.memory_space<vmem>>
      %dma_start3A_275 = tpu.memref_squeeze %dma_start3A_274 : memref<1x8x128xf32, #tpu.memory_space<vmem>> -> memref<8x128xf32, #tpu.memory_space<vmem>>
      %dma_start3A_276 = tpu.memref_slice %arg4[%multiple_of3A, %multiple_of3A_265] : memref<64x1000000xf32, #tpu.memory_space<hbm>> -> memref<8x128xf32, #tpu.memory_space<hbm>>
      tpu.enqueue_dma source(%dma_start3A_276 : memref<8x128xf32, #tpu.memory_space<hbm>>) target(%dma_start3A_275 : memref<8x128xf32, #tpu.memory_space<vmem>>) target_semaphore(%arg21 : memref<!tpu.dma_semaphore, #tpu.memory_space<semaphore_mem>>)
      %slice3A_277 = vector.extract_strided_slice %get3A_148 {offsets = [3], sizes = [1], strides = [1]} : vector<16xi32> to vector<1xi32>
      %squeeze3A_278 = vector.extract %slice3A_277[0] : i32 from vector<1xi32>
      %jit3A_279 = arith.constant 128 : i32
      %div3A_280 = arith.divsi %squeeze3A_278, %jit3A_279 : i32
      %sign3A_281 = arith.constant 0 : i32
      %sign3A_282 = arith.cmpi sgt, %squeeze3A_278, %sign3A_281 : i32
      %sign3A_283 = arith.extui %sign3A_282 : i1 to i32
      %sign3A_284 = arith.constant 0 : i32
      %sign3A_285 = arith.cmpi slt, %squeeze3A_278, %sign3A_284 : i32
      %sign3A_286 = arith.extui %sign3A_285 : i1 to i32
      %sign3A_287 = arith.subi %sign3A_283, %sign3A_286 : i32
      %sign3A_288 = arith.constant 0 : i32
      %sign3A_289 = arith.cmpi sgt, %jit3A_279, %sign3A_288 : i32
      %sign3A_290 = arith.extui %sign3A_289 : i1 to i32
      %sign3A_291 = arith.constant 0 : i32
      %sign3A_292 = arith.cmpi slt, %jit3A_279, %sign3A_291 : i32
      %sign3A_293 = arith.extui %sign3A_292 : i1 to i32
      %sign3A_294 = arith.subi %sign3A_290, %sign3A_293 : i32
      %ne3A_295 = arith.cmpi ne, %sign3A_287, %sign3A_294 : i32
      %rem3A_296 = arith.remsi %squeeze3A_278, %jit3A_279 : i32
      %ne3A_297 = arith.constant 0 : i32
      %ne3A_298 = arith.cmpi ne, %rem3A_296, %ne3A_297 : i32
      %and3A_299 = arith.andi %ne3A_295, %ne3A_298 : i1
      %sub3A_300 = arith.constant 1 : i32
      %sub3A_301 = arith.subi %div3A_280, %sub3A_300 : i32
      %select_n3A_302 = arith.select %and3A_299, %sub3A_301, %div3A_280 : i32
      %mul3A_303 = arith.constant 128 : i32
      %mul3A_304 = arith.muli %select_n3A_302, %mul3A_303 : i32
      %min3A_305 = arith.constant 999808 : i32
      %min3A_306 = arith.minsi %mul3A_304, %min3A_305 : i32
      %multiple_of3A_307 = tpu.assume_multiple %min3A_306, 128 : i32
      %dma_start3A_308 = arith.constant 3 : i32
      %dma_start3A_309 = arith.constant 0 : i32
      %dma_start3A_310 = arith.constant 0 : i32
      %dma_start3A_311 = tpu.memref_slice %arg17[%dma_start3A_308, %dma_start3A_309, %dma_start3A_310] : memref<8x8x128xf32, #tpu.memory_space<vmem>> -> memref<1x8x128xf32, #tpu.memory_space<vmem>>
      %dma_start3A_312 = tpu.memref_squeeze %dma_start3A_311 : memref<1x8x128xf32, #tpu.memory_space<vmem>> -> memref<8x128xf32, #tpu.memory_space<vmem>>
      %dma_start3A_313 = tpu.memref_slice %arg4[%multiple_of3A, %multiple_of3A_307] : memref<64x1000000xf32, #tpu.memory_space<hbm>> -> memref<8x128xf32, #tpu.memory_space<hbm>>
      %dma_start3A_314 = arith.constant 0 : i32
      %dma_start3A_315 = arith.constant 0 : i32
      %dma_start3A_316 = tpu.memref_slice %arg17[%dma_start3A_308, %dma_start3A_314, %dma_start3A_315] : memref<8x8x128xf32, #tpu.memory_space<vmem>> -> memref<1x8x128xf32, #tpu.memory_space<vmem>>
      %dma_start3A_317 = tpu.memref_squeeze %dma_start3A_316 : memref<1x8x128xf32, #tpu.memory_space<vmem>> -> memref<8x128xf32, #tpu.memory_space<vmem>>
      %dma_start3A_318 = tpu.memref_slice %arg4[%multiple_of3A, %multiple_of3A_307] : memref<64x1000000xf32, #tpu.memory_space<hbm>> -> memref<8x128xf32, #tpu.memory_space<hbm>>
      tpu.enqueue_dma source(%dma_start3A_318 : memref<8x128xf32, #tpu.memory_space<hbm>>) target(%dma_start3A_317 : memref<8x128xf32, #tpu.memory_space<vmem>>) target_semaphore(%arg21 : memref<!tpu.dma_semaphore, #tpu.memory_space<semaphore_mem>>)
      %slice3A_319 = vector.extract_strided_slice %get3A_148 {offsets = [4], sizes = [1], strides = [1]} : vector<16xi32> to vector<1xi32>
      %squeeze3A_320 = vector.extract %slice3A_319[0] : i32 from vector<1xi32>
      %jit3A_321 = arith.constant 128 : i32
      %div3A_322 = arith.divsi %squeeze3A_320, %jit3A_321 : i32
      %sign3A_323 = arith.constant 0 : i32
      %sign3A_324 = arith.cmpi sgt, %squeeze3A_320, %sign3A_323 : i32
      %sign3A_325 = arith.extui %sign3A_324 : i1 to i32
      %sign3A_326 = arith.constant 0 : i32
      %sign3A_327 = arith.cmpi slt, %squeeze3A_320, %sign3A_326 : i32
      %sign3A_328 = arith.extui %sign3A_327 : i1 to i32
      %sign3A_329 = arith.subi %sign3A_325, %sign3A_328 : i32
      %sign3A_330 = arith.constant 0 : i32
      %sign3A_331 = arith.cmpi sgt, %jit3A_321, %sign3A_330 : i32
      %sign3A_332 = arith.extui %sign3A_331 : i1 to i32
      %sign3A_333 = arith.constant 0 : i32
      %sign3A_334 = arith.cmpi slt, %jit3A_321, %sign3A_333 : i32
      %sign3A_335 = arith.extui %sign3A_334 : i1 to i32
      %sign3A_336 = arith.subi %sign3A_332, %sign3A_335 : i32
      %ne3A_337 = arith.cmpi ne, %sign3A_329, %sign3A_336 : i32
      %rem3A_338 = arith.remsi %squeeze3A_320, %jit3A_321 : i32
      %ne3A_339 = arith.constant 0 : i32
      %ne3A_340 = arith.cmpi ne, %rem3A_338, %ne3A_339 : i32
      %and3A_341 = arith.andi %ne3A_337, %ne3A_340 : i1
      %sub3A_342 = arith.constant 1 : i32
      %sub3A_343 = arith.subi %div3A_322, %sub3A_342 : i32
      %select_n3A_344 = arith.select %and3A_341, %sub3A_343, %div3A_322 : i32
      %mul3A_345 = arith.constant 128 : i32
      %mul3A_346 = arith.muli %select_n3A_344, %mul3A_345 : i32
      %min3A_347 = arith.constant 999808 : i32
      %min3A_348 = arith.minsi %mul3A_346, %min3A_347 : i32
      %multiple_of3A_349 = tpu.assume_multiple %min3A_348, 128 : i32
      %dma_start3A_350 = arith.constant 4 : i32
      %dma_start3A_351 = arith.constant 0 : i32
      %dma_start3A_352 = arith.constant 0 : i32
      %dma_start3A_353 = tpu.memref_slice %arg17[%dma_start3A_350, %dma_start3A_351, %dma_start3A_352] : memref<8x8x128xf32, #tpu.memory_space<vmem>> -> memref<1x8x128xf32, #tpu.memory_space<vmem>>
      %dma_start3A_354 = tpu.memref_squeeze %dma_start3A_353 : memref<1x8x128xf32, #tpu.memory_space<vmem>> -> memref<8x128xf32, #tpu.memory_space<vmem>>
      %dma_start3A_355 = tpu.memref_slice %arg4[%multiple_of3A, %multiple_of3A_349] : memref<64x1000000xf32, #tpu.memory_space<hbm>> -> memref<8x128xf32, #tpu.memory_space<hbm>>
      %dma_start3A_356 = arith.constant 0 : i32
      %dma_start3A_357 = arith.constant 0 : i32
      %dma_start3A_358 = tpu.memref_slice %arg17[%dma_start3A_350, %dma_start3A_356, %dma_start3A_357] : memref<8x8x128xf32, #tpu.memory_space<vmem>> -> memref<1x8x128xf32, #tpu.memory_space<vmem>>
      %dma_start3A_359 = tpu.memref_squeeze %dma_start3A_358 : memref<1x8x128xf32, #tpu.memory_space<vmem>> -> memref<8x128xf32, #tpu.memory_space<vmem>>
      %dma_start3A_360 = tpu.memref_slice %arg4[%multiple_of3A, %multiple_of3A_349] : memref<64x1000000xf32, #tpu.memory_space<hbm>> -> memref<8x128xf32, #tpu.memory_space<hbm>>
      tpu.enqueue_dma source(%dma_start3A_360 : memref<8x128xf32, #tpu.memory_space<hbm>>) target(%dma_start3A_359 : memref<8x128xf32, #tpu.memory_space<vmem>>) target_semaphore(%arg21 : memref<!tpu.dma_semaphore, #tpu.memory_space<semaphore_mem>>)
      %slice3A_361 = vector.extract_strided_slice %get3A_148 {offsets = [5], sizes = [1], strides = [1]} : vector<16xi32> to vector<1xi32>
      %squeeze3A_362 = vector.extract %slice3A_361[0] : i32 from vector<1xi32>
      %jit3A_363 = arith.constant 128 : i32
      %div3A_364 = arith.divsi %squeeze3A_362, %jit3A_363 : i32
      %sign3A_365 = arith.constant 0 : i32
      %sign3A_366 = arith.cmpi sgt, %squeeze3A_362, %sign3A_365 : i32
      %sign3A_367 = arith.extui %sign3A_366 : i1 to i32
      %sign3A_368 = arith.constant 0 : i32
      %sign3A_369 = arith.cmpi slt, %squeeze3A_362, %sign3A_368 : i32
      %sign3A_370 = arith.extui %sign3A_369 : i1 to i32
      %sign3A_371 = arith.subi %sign3A_367, %sign3A_370 : i32
      %sign3A_372 = arith.constant 0 : i32
      %sign3A_373 = arith.cmpi sgt, %jit3A_363, %sign3A_372 : i32
      %sign3A_374 = arith.extui %sign3A_373 : i1 to i32
      %sign3A_375 = arith.constant 0 : i32
      %sign3A_376 = arith.cmpi slt, %jit3A_363, %sign3A_375 : i32
      %sign3A_377 = arith.extui %sign3A_376 : i1 to i32
      %sign3A_378 = arith.subi %sign3A_374, %sign3A_377 : i32
      %ne3A_379 = arith.cmpi ne, %sign3A_371, %sign3A_378 : i32
      %rem3A_380 = arith.remsi %squeeze3A_362, %jit3A_363 : i32
      %ne3A_381 = arith.constant 0 : i32
      %ne3A_382 = arith.cmpi ne, %rem3A_380, %ne3A_381 : i32
      %and3A_383 = arith.andi %ne3A_379, %ne3A_382 : i1
      %sub3A_384 = arith.constant 1 : i32
      %sub3A_385 = arith.subi %div3A_364, %sub3A_384 : i32
      %select_n3A_386 = arith.select %and3A_383, %sub3A_385, %div3A_364 : i32
      %mul3A_387 = arith.constant 128 : i32
      %mul3A_388 = arith.muli %select_n3A_386, %mul3A_387 : i32
      %min3A_389 = arith.constant 999808 : i32
      %min3A_390 = arith.minsi %mul3A_388, %min3A_389 : i32
      %multiple_of3A_391 = tpu.assume_multiple %min3A_390, 128 : i32
      %dma_start3A_392 = arith.constant 5 : i32
      %dma_start3A_393 = arith.constant 0 : i32
      %dma_start3A_394 = arith.constant 0 : i32
      %dma_start3A_395 = tpu.memref_slice %arg17[%dma_start3A_392, %dma_start3A_393, %dma_start3A_394] : memref<8x8x128xf32, #tpu.memory_space<vmem>> -> memref<1x8x128xf32, #tpu.memory_space<vmem>>
      %dma_start3A_396 = tpu.memref_squeeze %dma_start3A_395 : memref<1x8x128xf32, #tpu.memory_space<vmem>> -> memref<8x128xf32, #tpu.memory_space<vmem>>
      %dma_start3A_397 = tpu.memref_slice %arg4[%multiple_of3A, %multiple_of3A_391] : memref<64x1000000xf32, #tpu.memory_space<hbm>> -> memref<8x128xf32, #tpu.memory_space<hbm>>
      %dma_start3A_398 = arith.constant 0 : i32
      %dma_start3A_399 = arith.constant 0 : i32
      %dma_start3A_400 = tpu.memref_slice %arg17[%dma_start3A_392, %dma_start3A_398, %dma_start3A_399] : memref<8x8x128xf32, #tpu.memory_space<vmem>> -> memref<1x8x128xf32, #tpu.memory_space<vmem>>
      %dma_start3A_401 = tpu.memref_squeeze %dma_start3A_400 : memref<1x8x128xf32, #tpu.memory_space<vmem>> -> memref<8x128xf32, #tpu.memory_space<vmem>>
      %dma_start3A_402 = tpu.memref_slice %arg4[%multiple_of3A, %multiple_of3A_391] : memref<64x1000000xf32, #tpu.memory_space<hbm>> -> memref<8x128xf32, #tpu.memory_space<hbm>>
      tpu.enqueue_dma source(%dma_start3A_402 : memref<8x128xf32, #tpu.memory_space<hbm>>) target(%dma_start3A_401 : memref<8x128xf32, #tpu.memory_space<vmem>>) target_semaphore(%arg21 : memref<!tpu.dma_semaphore, #tpu.memory_space<semaphore_mem>>)
      %slice3A_403 = vector.extract_strided_slice %get3A_148 {offsets = [6], sizes = [1], strides = [1]} : vector<16xi32> to vector<1xi32>
      %squeeze3A_404 = vector.extract %slice3A_403[0] : i32 from vector<1xi32>
      %jit3A_405 = arith.constant 128 : i32
      %div3A_406 = arith.divsi %squeeze3A_404, %jit3A_405 : i32
      %sign3A_407 = arith.constant 0 : i32
      %sign3A_408 = arith.cmpi sgt, %squeeze3A_404, %sign3A_407 : i32
      %sign3A_409 = arith.extui %sign3A_408 : i1 to i32
      %sign3A_410 = arith.constant 0 : i32
      %sign3A_411 = arith.cmpi slt, %squeeze3A_404, %sign3A_410 : i32
      %sign3A_412 = arith.extui %sign3A_411 : i1 to i32
      %sign3A_413 = arith.subi %sign3A_409, %sign3A_412 : i32
      %sign3A_414 = arith.constant 0 : i32
      %sign3A_415 = arith.cmpi sgt, %jit3A_405, %sign3A_414 : i32
      %sign3A_416 = arith.extui %sign3A_415 : i1 to i32
      %sign3A_417 = arith.constant 0 : i32
      %sign3A_418 = arith.cmpi slt, %jit3A_405, %sign3A_417 : i32
      %sign3A_419 = arith.extui %sign3A_418 : i1 to i32
      %sign3A_420 = arith.subi %sign3A_416, %sign3A_419 : i32
      %ne3A_421 = arith.cmpi ne, %sign3A_413, %sign3A_420 : i32
      %rem3A_422 = arith.remsi %squeeze3A_404, %jit3A_405 : i32
      %ne3A_423 = arith.constant 0 : i32
      %ne3A_424 = arith.cmpi ne, %rem3A_422, %ne3A_423 : i32
      %and3A_425 = arith.andi %ne3A_421, %ne3A_424 : i1
      %sub3A_426 = arith.constant 1 : i32
      %sub3A_427 = arith.subi %div3A_406, %sub3A_426 : i32
      %select_n3A_428 = arith.select %and3A_425, %sub3A_427, %div3A_406 : i32
      %mul3A_429 = arith.constant 128 : i32
      %mul3A_430 = arith.muli %select_n3A_428, %mul3A_429 : i32
      %min3A_431 = arith.constant 999808 : i32
      %min3A_432 = arith.minsi %mul3A_430, %min3A_431 : i32
      %multiple_of3A_433 = tpu.assume_multiple %min3A_432, 128 : i32
      %dma_start3A_434 = arith.constant 6 : i32
      %dma_start3A_435 = arith.constant 0 : i32
      %dma_start3A_436 = arith.constant 0 : i32
      %dma_start3A_437 = tpu.memref_slice %arg17[%dma_start3A_434, %dma_start3A_435, %dma_start3A_436] : memref<8x8x128xf32, #tpu.memory_space<vmem>> -> memref<1x8x128xf32, #tpu.memory_space<vmem>>
      %dma_start3A_438 = tpu.memref_squeeze %dma_start3A_437 : memref<1x8x128xf32, #tpu.memory_space<vmem>> -> memref<8x128xf32, #tpu.memory_space<vmem>>
      %dma_start3A_439 = tpu.memref_slice %arg4[%multiple_of3A, %multiple_of3A_433] : memref<64x1000000xf32, #tpu.memory_space<hbm>> -> memref<8x128xf32, #tpu.memory_space<hbm>>
      %dma_start3A_440 = arith.constant 0 : i32
      %dma_start3A_441 = arith.constant 0 : i32
      %dma_start3A_442 = tpu.memref_slice %arg17[%dma_start3A_434, %dma_start3A_440, %dma_start3A_441] : memref<8x8x128xf32, #tpu.memory_space<vmem>> -> memref<1x8x128xf32, #tpu.memory_space<vmem>>
      %dma_start3A_443 = tpu.memref_squeeze %dma_start3A_442 : memref<1x8x128xf32, #tpu.memory_space<vmem>> -> memref<8x128xf32, #tpu.memory_space<vmem>>
      %dma_start3A_444 = tpu.memref_slice %arg4[%multiple_of3A, %multiple_of3A_433] : memref<64x1000000xf32, #tpu.memory_space<hbm>> -> memref<8x128xf32, #tpu.memory_space<hbm>>
      tpu.enqueue_dma source(%dma_start3A_444 : memref<8x128xf32, #tpu.memory_space<hbm>>) target(%dma_start3A_443 : memref<8x128xf32, #tpu.memory_space<vmem>>) target_semaphore(%arg21 : memref<!tpu.dma_semaphore, #tpu.memory_space<semaphore_mem>>)
      %slice3A_445 = vector.extract_strided_slice %get3A_148 {offsets = [7], sizes = [1], strides = [1]} : vector<16xi32> to vector<1xi32>
      %squeeze3A_446 = vector.extract %slice3A_445[0] : i32 from vector<1xi32>
      %jit3A_447 = arith.constant 128 : i32
      %div3A_448 = arith.divsi %squeeze3A_446, %jit3A_447 : i32
      %sign3A_449 = arith.constant 0 : i32
      %sign3A_450 = arith.cmpi sgt, %squeeze3A_446, %sign3A_449 : i32
      %sign3A_451 = arith.extui %sign3A_450 : i1 to i32
      %sign3A_452 = arith.constant 0 : i32
      %sign3A_453 = arith.cmpi slt, %squeeze3A_446, %sign3A_452 : i32
      %sign3A_454 = arith.extui %sign3A_453 : i1 to i32
      %sign3A_455 = arith.subi %sign3A_451, %sign3A_454 : i32
      %sign3A_456 = arith.constant 0 : i32
      %sign3A_457 = arith.cmpi sgt, %jit3A_447, %sign3A_456 : i32
      %sign3A_458 = arith.extui %sign3A_457 : i1 to i32
      %sign3A_459 = arith.constant 0 : i32
      %sign3A_460 = arith.cmpi slt, %jit3A_447, %sign3A_459 : i32
      %sign3A_461 = arith.extui %sign3A_460 : i1 to i32
      %sign3A_462 = arith.subi %sign3A_458, %sign3A_461 : i32
      %ne3A_463 = arith.cmpi ne, %sign3A_455, %sign3A_462 : i32
      %rem3A_464 = arith.remsi %squeeze3A_446, %jit3A_447 : i32
      %ne3A_465 = arith.constant 0 : i32
      %ne3A_466 = arith.cmpi ne, %rem3A_464, %ne3A_465 : i32
      %and3A_467 = arith.andi %ne3A_463, %ne3A_466 : i1
      %sub3A_468 = arith.constant 1 : i32
      %sub3A_469 = arith.subi %div3A_448, %sub3A_468 : i32
      %select_n3A_470 = arith.select %and3A_467, %sub3A_469, %div3A_448 : i32
      %mul3A_471 = arith.constant 128 : i32
      %mul3A_472 = arith.muli %select_n3A_470, %mul3A_471 : i32
      %min3A_473 = arith.constant 999808 : i32
      %min3A_474 = arith.minsi %mul3A_472, %min3A_473 : i32
      %multiple_of3A_475 = tpu.assume_multiple %min3A_474, 128 : i32
      %dma_start3A_476 = arith.constant 7 : i32
      %dma_start3A_477 = arith.constant 0 : i32
      %dma_start3A_478 = arith.constant 0 : i32
      %dma_start3A_479 = tpu.memref_slice %arg17[%dma_start3A_476, %dma_start3A_477, %dma_start3A_478] : memref<8x8x128xf32, #tpu.memory_space<vmem>> -> memref<1x8x128xf32, #tpu.memory_space<vmem>>
      %dma_start3A_480 = tpu.memref_squeeze %dma_start3A_479 : memref<1x8x128xf32, #tpu.memory_space<vmem>> -> memref<8x128xf32, #tpu.memory_space<vmem>>
      %dma_start3A_481 = tpu.memref_slice %arg4[%multiple_of3A, %multiple_of3A_475] : memref<64x1000000xf32, #tpu.memory_space<hbm>> -> memref<8x128xf32, #tpu.memory_space<hbm>>
      %dma_start3A_482 = arith.constant 0 : i32
      %dma_start3A_483 = arith.constant 0 : i32
      %dma_start3A_484 = tpu.memref_slice %arg17[%dma_start3A_476, %dma_start3A_482, %dma_start3A_483] : memref<8x8x128xf32, #tpu.memory_space<vmem>> -> memref<1x8x128xf32, #tpu.memory_space<vmem>>
      %dma_start3A_485 = tpu.memref_squeeze %dma_start3A_484 : memref<1x8x128xf32, #tpu.memory_space<vmem>> -> memref<8x128xf32, #tpu.memory_space<vmem>>
      %dma_start3A_486 = tpu.memref_slice %arg4[%multiple_of3A, %multiple_of3A_475] : memref<64x1000000xf32, #tpu.memory_space<hbm>> -> memref<8x128xf32, #tpu.memory_space<hbm>>
      tpu.enqueue_dma source(%dma_start3A_486 : memref<8x128xf32, #tpu.memory_space<hbm>>) target(%dma_start3A_485 : memref<8x128xf32, #tpu.memory_space<vmem>>) target_semaphore(%arg21 : memref<!tpu.dma_semaphore, #tpu.memory_space<semaphore_mem>>)
      %dma_wait3A = arith.constant 0 : i32
      %dma_wait3A_487 = arith.constant 0 : i32
      %dma_wait3A_488 = arith.constant 0 : i32
      %dma_wait3A_489 = tpu.memref_slice %arg17[%dma_wait3A, %dma_wait3A_487, %dma_wait3A_488] : memref<8x8x128xf32, #tpu.memory_space<vmem>> -> memref<1x8x128xf32, #tpu.memory_space<vmem>>
      %dma_wait3A_490 = tpu.memref_squeeze %dma_wait3A_489 : memref<1x8x128xf32, #tpu.memory_space<vmem>> -> memref<8x128xf32, #tpu.memory_space<vmem>>
      %dma_wait3A_491 = arith.constant 0 : i32
      %dma_wait3A_492 = arith.constant 0 : i32
      %dma_wait3A_493 = tpu.memref_slice %arg4[%dma_wait3A_491, %dma_wait3A_492] : memref<64x1000000xf32, #tpu.memory_space<hbm>> -> memref<8x128xf32, #tpu.memory_space<hbm>>
      %dma_wait3A_494 = arith.constant 0 : i32
      %dma_wait3A_495 = arith.constant 0 : i32
      %dma_wait3A_496 = tpu.memref_slice %arg17[%dma_wait3A, %dma_wait3A_494, %dma_wait3A_495] : memref<8x8x128xf32, #tpu.memory_space<vmem>> -> memref<1x8x128xf32, #tpu.memory_space<vmem>>
      %dma_wait3A_497 = tpu.memref_squeeze %dma_wait3A_496 : memref<1x8x128xf32, #tpu.memory_space<vmem>> -> memref<8x128xf32, #tpu.memory_space<vmem>>
      %dma_wait3A_498 = arith.constant 0 : i32
      %dma_wait3A_499 = arith.constant 0 : i32
      %dma_wait3A_500 = tpu.memref_slice %arg4[%dma_wait3A_498, %dma_wait3A_499] : memref<64x1000000xf32, #tpu.memory_space<hbm>> -> memref<8x128xf32, #tpu.memory_space<hbm>>
      tpu.wait_dma2 semaphore(%arg21 : memref<!tpu.dma_semaphore, #tpu.memory_space<semaphore_mem>>) src(%dma_wait3A_500 : memref<8x128xf32, #tpu.memory_space<hbm>>) dst(%dma_wait3A_497 : memref<8x128xf32, #tpu.memory_space<vmem>>)
      %dma_wait3A_501 = arith.constant 1 : i32
      %dma_wait3A_502 = arith.constant 0 : i32
      %dma_wait3A_503 = arith.constant 0 : i32
      %dma_wait3A_504 = tpu.memref_slice %arg17[%dma_wait3A_501, %dma_wait3A_502, %dma_wait3A_503] : memref<8x8x128xf32, #tpu.memory_space<vmem>> -> memref<1x8x128xf32, #tpu.memory_space<vmem>>
      %dma_wait3A_505 = tpu.memref_squeeze %dma_wait3A_504 : memref<1x8x128xf32, #tpu.memory_space<vmem>> -> memref<8x128xf32, #tpu.memory_space<vmem>>
      %dma_wait3A_506 = arith.constant 0 : i32
      %dma_wait3A_507 = arith.constant 0 : i32
      %dma_wait3A_508 = tpu.memref_slice %arg4[%dma_wait3A_506, %dma_wait3A_507] : memref<64x1000000xf32, #tpu.memory_space<hbm>> -> memref<8x128xf32, #tpu.memory_space<hbm>>
      %dma_wait3A_509 = arith.constant 0 : i32
      %dma_wait3A_510 = arith.constant 0 : i32
      %dma_wait3A_511 = tpu.memref_slice %arg17[%dma_wait3A_501, %dma_wait3A_509, %dma_wait3A_510] : memref<8x8x128xf32, #tpu.memory_space<vmem>> -> memref<1x8x128xf32, #tpu.memory_space<vmem>>
      %dma_wait3A_512 = tpu.memref_squeeze %dma_wait3A_511 : memref<1x8x128xf32, #tpu.memory_space<vmem>> -> memref<8x128xf32, #tpu.memory_space<vmem>>
      %dma_wait3A_513 = arith.constant 0 : i32
      %dma_wait3A_514 = arith.constant 0 : i32
      %dma_wait3A_515 = tpu.memref_slice %arg4[%dma_wait3A_513, %dma_wait3A_514] : memref<64x1000000xf32, #tpu.memory_space<hbm>> -> memref<8x128xf32, #tpu.memory_space<hbm>>
      tpu.wait_dma2 semaphore(%arg21 : memref<!tpu.dma_semaphore, #tpu.memory_space<semaphore_mem>>) src(%dma_wait3A_515 : memref<8x128xf32, #tpu.memory_space<hbm>>) dst(%dma_wait3A_512 : memref<8x128xf32, #tpu.memory_space<vmem>>)
      %slice3A_516 = vector.extract_strided_slice %get3A_148 {offsets = [0], sizes = [1], strides = [1]} : vector<16xi32> to vector<1xi32>
      %squeeze3A_517 = vector.extract %slice3A_516[0] : i32 from vector<1xi32>
      %slice3A_518 = vector.extract_strided_slice %get3A_148 {offsets = [1], sizes = [1], strides = [1]} : vector<16xi32> to vector<1xi32>
      %squeeze3A_519 = vector.extract %slice3A_518[0] : i32 from vector<1xi32>
      %lt3A = arith.constant 8 : i32
      %lt3A_520 = vector.broadcast %lt3A : i32 to vector<16xi32>
      %lt3A_521 = arith.cmpi slt, %iota3A, %lt3A_520 : vector<16xi32>
      %broadcast_in_dim3A = arith.constant 0 : i32
      %broadcast_in_dim3A_522 = vector.broadcast %broadcast_in_dim3A : i32 to vector<16xi32>
      %add3A_523 = vector.broadcast %squeeze3A_517 : i32 to vector<16xi32>
      %add3A_524 = arith.addi %broadcast_in_dim3A_522, %add3A_523 : vector<16xi32>
      %broadcast_in_dim3A_525 = arith.constant 0 : i32
      %broadcast_in_dim3A_526 = vector.broadcast %broadcast_in_dim3A_525 : i32 to vector<16xi32>
      %add3A_527 = vector.broadcast %squeeze3A_519 : i32 to vector<16xi32>
      %add3A_528 = arith.addi %broadcast_in_dim3A_526, %add3A_527 : vector<16xi32>
      %select_n3A_529 = arith.select %lt3A_521, %add3A_524, %add3A_528 : vector<16xi1>, vector<16xi32>
      %jit3A_530 = arith.constant 128 : i32
      %div3A_531 = vector.broadcast %jit3A_530 : i32 to vector<16xi32>
      %div3A_532 = arith.divsi %select_n3A_529, %div3A_531 : vector<16xi32>
      %sign3A_533 = arith.constant 0 : i32
      %sign3A_534 = vector.broadcast %sign3A_533 : i32 to vector<16xi32>
      %sign3A_535 = arith.cmpi sgt, %select_n3A_529, %sign3A_534 : vector<16xi32>
      %sign3A_536 = arith.extui %sign3A_535 : vector<16xi1> to vector<16xi32>
      %sign3A_537 = arith.constant 0 : i32
      %sign3A_538 = vector.broadcast %sign3A_537 : i32 to vector<16xi32>
      %sign3A_539 = arith.cmpi slt, %select_n3A_529, %sign3A_538 : vector<16xi32>
      %sign3A_540 = arith.extui %sign3A_539 : vector<16xi1> to vector<16xi32>
      %sign3A_541 = arith.subi %sign3A_536, %sign3A_540 : vector<16xi32>
      %sign3A_542 = arith.constant 0 : i32
      %sign3A_543 = arith.cmpi sgt, %jit3A_530, %sign3A_542 : i32
      %sign3A_544 = arith.extui %sign3A_543 : i1 to i32
      %sign3A_545 = arith.constant 0 : i32
      %sign3A_546 = arith.cmpi slt, %jit3A_530, %sign3A_545 : i32
      %sign3A_547 = arith.extui %sign3A_546 : i1 to i32
      %sign3A_548 = arith.subi %sign3A_544, %sign3A_547 : i32
      %ne3A_549 = vector.broadcast %sign3A_548 : i32 to vector<16xi32>
      %ne3A_550 = arith.cmpi ne, %sign3A_541, %ne3A_549 : vector<16xi32>
      %rem3A_551 = vector.broadcast %jit3A_530 : i32 to vector<16xi32>
      %rem3A_552 = arith.remsi %select_n3A_529, %rem3A_551 : vector<16xi32>
      %ne3A_553 = arith.constant 0 : i32
      %ne3A_554 = vector.broadcast %ne3A_553 : i32 to vector<16xi32>
      %ne3A_555 = arith.cmpi ne, %rem3A_552, %ne3A_554 : vector<16xi32>
      %and3A_556 = arith.andi %ne3A_550, %ne3A_555 : vector<16xi1>
      %sub3A_557 = arith.constant 1 : i32
      %sub3A_558 = vector.broadcast %sub3A_557 : i32 to vector<16xi32>
      %sub3A_559 = arith.subi %div3A_532, %sub3A_558 : vector<16xi32>
      %select_n3A_560 = arith.select %and3A_556, %sub3A_559, %div3A_532 : vector<16xi1>, vector<16xi32>
      %mul3A_561 = arith.constant 128 : i32
      %mul3A_562 = vector.broadcast %mul3A_561 : i32 to vector<16xi32>
      %mul3A_563 = arith.muli %select_n3A_560, %mul3A_562 : vector<16xi32>
      %min3A_564 = arith.constant 999808 : i32
      %min3A_565 = vector.broadcast %min3A_564 : i32 to vector<16xi32>
      %min3A_566 = arith.minsi %mul3A_563, %min3A_565 : vector<16xi32>
      %sub3A_567 = arith.subi %select_n3A_529, %min3A_566 : vector<16xi32>
      %sub3A_568 = arith.constant 999936 : i32
      %sub3A_569 = vector.broadcast %sub3A_568 : i32 to vector<16xi32>
      %sub3A_570 = arith.subi %select_n3A_529, %sub3A_569 : vector<16xi32>
      %max3A = arith.constant 0 : i32
      %max3A_571 = vector.broadcast %max3A : i32 to vector<16xi32>
      %max3A_572 = arith.maxsi %sub3A_570, %max3A_571 : vector<16xi32>
      %add3A_573 = arith.constant 0 : i32
      %add3A_574 = vector.broadcast %add3A_573 : i32 to vector<16xi32>
      %add3A_575 = arith.addi %add3A_574, %select_n3A : vector<16xi32>
      %gather3A = tpu.vector_load_idx %arg17[%add3A_575, %rem3A_97, %sub3A_567] : memref<8x8x128xf32, #tpu.memory_space<vmem>>[vector<16xi32>, vector<16xi32>, vector<16xi32>], vector<16xf32>,
      %add3A_576 = arith.constant 0 : i32
      %add3A_577 = vector.broadcast %add3A_576 : i32 to vector<16xi32>
      %add3A_578 = arith.addi %add3A_577, %rem3A_97 : vector<16xi32>
      %broadcast_in_dim3A_579 = arith.constant 0 : i32
      %broadcast_in_dim3A_580 = vector.broadcast %broadcast_in_dim3A_579 : i32 to vector<16xi32>
      %mul3A_581 = arith.constant 64 : i32
      %mul3A_582 = vector.broadcast %mul3A_581 : i32 to vector<16xi32>
      %mul3A_583 = arith.muli %add3A_578, %mul3A_582 : vector<16xi32>
      %add3A_584 = arith.addi %mul3A_583, %max3A_572 : vector<16xi32>
      %gather3A_585 = tpu.vector_load_idx %arg16[%broadcast_in_dim3A_580, %add3A_584] : memref<2x2048xf32, #tpu.memory_space<vmem>>[vector<16xi32>, vector<16xi32>], vector<16xf32>,
      %ge3A = arith.constant 999936 : i32
      %ge3A_586 = vector.broadcast %ge3A : i32 to vector<16xi32>
      %ge3A_587 = arith.cmpi sge, %select_n3A_529, %ge3A_586 : vector<16xi32>
      %select_n3A_588 = arith.select %ge3A_587, %gather3A_585, %gather3A : vector<16xi1>, vector<16xf32>
      %mul3A_589 = arith.constant 8 : i32
      %mul3A_590 = arith.muli %add3A_145, %mul3A_589 : i32
      %add3A_591 = vector.broadcast %mul3A_590 : i32 to vector<16xi32>
      %add3A_592 = arith.addi %add3A_591, %add3A_575 : vector<16xi32>
      tpu.vector_store_idx %arg13[%add3A_578, %add3A_592], %select_n3A_588 : memref<32x256xf32, #tpu.memory_space<vmem>>[vector<16xi32>, vector<16xi32>], vector<16xf32>,
      %dma_wait3A_593 = arith.constant 2 : i32
      %dma_wait3A_594 = arith.constant 0 : i32
      %dma_wait3A_595 = arith.constant 0 : i32
      %dma_wait3A_596 = tpu.memref_slice %arg17[%dma_wait3A_593, %dma_wait3A_594, %dma_wait3A_595] : memref<8x8x128xf32, #tpu.memory_space<vmem>> -> memref<1x8x128xf32, #tpu.memory_space<vmem>>
      %dma_wait3A_597 = tpu.memref_squeeze %dma_wait3A_596 : memref<1x8x128xf32, #tpu.memory_space<vmem>> -> memref<8x128xf32, #tpu.memory_space<vmem>>
      %dma_wait3A_598 = arith.constant 0 : i32
      %dma_wait3A_599 = arith.constant 0 : i32
      %dma_wait3A_600 = tpu.memref_slice %arg4[%dma_wait3A_598, %dma_wait3A_599] : memref<64x1000000xf32, #tpu.memory_space<hbm>> -> memref<8x128xf32, #tpu.memory_space<hbm>>
      %dma_wait3A_601 = arith.constant 0 : i32
      %dma_wait3A_602 = arith.constant 0 : i32
      %dma_wait3A_603 = tpu.memref_slice %arg17[%dma_wait3A_593, %dma_wait3A_601, %dma_wait3A_602] : memref<8x8x128xf32, #tpu.memory_space<vmem>> -> memref<1x8x128xf32, #tpu.memory_space<vmem>>
      %dma_wait3A_604 = tpu.memref_squeeze %dma_wait3A_603 : memref<1x8x128xf32, #tpu.memory_space<vmem>> -> memref<8x128xf32, #tpu.memory_space<vmem>>
      %dma_wait3A_605 = arith.constant 0 : i32
      %dma_wait3A_606 = arith.constant 0 : i32
      %dma_wait3A_607 = tpu.memref_slice %arg4[%dma_wait3A_605, %dma_wait3A_606] : memref<64x1000000xf32, #tpu.memory_space<hbm>> -> memref<8x128xf32, #tpu.memory_space<hbm>>
      tpu.wait_dma2 semaphore(%arg21 : memref<!tpu.dma_semaphore, #tpu.memory_space<semaphore_mem>>) src(%dma_wait3A_607 : memref<8x128xf32, #tpu.memory_space<hbm>>) dst(%dma_wait3A_604 : memref<8x128xf32, #tpu.memory_space<vmem>>)
      %dma_wait3A_608 = arith.constant 3 : i32
      %dma_wait3A_609 = arith.constant 0 : i32
      %dma_wait3A_610 = arith.constant 0 : i32
      %dma_wait3A_611 = tpu.memref_slice %arg17[%dma_wait3A_608, %dma_wait3A_609, %dma_wait3A_610] : memref<8x8x128xf32, #tpu.memory_space<vmem>> -> memref<1x8x128xf32, #tpu.memory_space<vmem>>
      %dma_wait3A_612 = tpu.memref_squeeze %dma_wait3A_611 : memref<1x8x128xf32, #tpu.memory_space<vmem>> -> memref<8x128xf32, #tpu.memory_space<vmem>>
      %dma_wait3A_613 = arith.constant 0 : i32
      %dma_wait3A_614 = arith.constant 0 : i32
      %dma_wait3A_615 = tpu.memref_slice %arg4[%dma_wait3A_613, %dma_wait3A_614] : memref<64x1000000xf32, #tpu.memory_space<hbm>> -> memref<8x128xf32, #tpu.memory_space<hbm>>
      %dma_wait3A_616 = arith.constant 0 : i32
      %dma_wait3A_617 = arith.constant 0 : i32
      %dma_wait3A_618 = tpu.memref_slice %arg17[%dma_wait3A_608, %dma_wait3A_616, %dma_wait3A_617] : memref<8x8x128xf32, #tpu.memory_space<vmem>> -> memref<1x8x128xf32, #tpu.memory_space<vmem>>
      %dma_wait3A_619 = tpu.memref_squeeze %dma_wait3A_618 : memref<1x8x128xf32, #tpu.memory_space<vmem>> -> memref<8x128xf32, #tpu.memory_space<vmem>>
      %dma_wait3A_620 = arith.constant 0 : i32
      %dma_wait3A_621 = arith.constant 0 : i32
      %dma_wait3A_622 = tpu.memref_slice %arg4[%dma_wait3A_620, %dma_wait3A_621] : memref<64x1000000xf32, #tpu.memory_space<hbm>> -> memref<8x128xf32, #tpu.memory_space<hbm>>
      tpu.wait_dma2 semaphore(%arg21 : memref<!tpu.dma_semaphore, #tpu.memory_space<semaphore_mem>>) src(%dma_wait3A_622 : memref<8x128xf32, #tpu.memory_space<hbm>>) dst(%dma_wait3A_619 : memref<8x128xf32, #tpu.memory_space<vmem>>)
      %slice3A_623 = vector.extract_strided_slice %get3A_148 {offsets = [2], sizes = [1], strides = [1]} : vector<16xi32> to vector<1xi32>
      %squeeze3A_624 = vector.extract %slice3A_623[0] : i32 from vector<1xi32>
      %slice3A_625 = vector.extract_strided_slice %get3A_148 {offsets = [3], sizes = [1], strides = [1]} : vector<16xi32> to vector<1xi32>
      %squeeze3A_626 = vector.extract %slice3A_625[0] : i32 from vector<1xi32>
      %lt3A_627 = arith.constant 8 : i32
      %lt3A_628 = vector.broadcast %lt3A_627 : i32 to vector<16xi32>
      %lt3A_629 = arith.cmpi slt, %iota3A, %lt3A_628 : vector<16xi32>
      %broadcast_in_dim3A_630 = arith.constant 0 : i32
      %broadcast_in_dim3A_631 = vector.broadcast %broadcast_in_dim3A_630 : i32 to vector<16xi32>
      %add3A_632 = vector.broadcast %squeeze3A_624 : i32 to vector<16xi32>
      %add3A_633 = arith.addi %broadcast_in_dim3A_631, %add3A_632 : vector<16xi32>
      %broadcast_in_dim3A_634 = arith.constant 0 : i32
      %broadcast_in_dim3A_635 = vector.broadcast %broadcast_in_dim3A_634 : i32 to vector<16xi32>
      %add3A_636 = vector.broadcast %squeeze3A_626 : i32 to vector<16xi32>
      %add3A_637 = arith.addi %broadcast_in_dim3A_635, %add3A_636 : vector<16xi32>
      %select_n3A_638 = arith.select %lt3A_629, %add3A_633, %add3A_637 : vector<16xi1>, vector<16xi32>
      %jit3A_639 = arith.constant 128 : i32
      %div3A_640 = vector.broadcast %jit3A_639 : i32 to vector<16xi32>
      %div3A_641 = arith.divsi %select_n3A_638, %div3A_640 : vector<16xi32>
      %sign3A_642 = arith.constant 0 : i32
      %sign3A_643 = vector.broadcast %sign3A_642 : i32 to vector<16xi32>
      %sign3A_644 = arith.cmpi sgt, %select_n3A_638, %sign3A_643 : vector<16xi32>
      %sign3A_645 = arith.extui %sign3A_644 : vector<16xi1> to vector<16xi32>
      %sign3A_646 = arith.constant 0 : i32
      %sign3A_647 = vector.broadcast %sign3A_646 : i32 to vector<16xi32>
      %sign3A_648 = arith.cmpi slt, %select_n3A_638, %sign3A_647 : vector<16xi32>
      %sign3A_649 = arith.extui %sign3A_648 : vector<16xi1> to vector<16xi32>
      %sign3A_650 = arith.subi %sign3A_645, %sign3A_649 : vector<16xi32>
      %sign3A_651 = arith.constant 0 : i32
      %sign3A_652 = arith.cmpi sgt, %jit3A_639, %sign3A_651 : i32
      %sign3A_653 = arith.extui %sign3A_652 : i1 to i32
      %sign3A_654 = arith.constant 0 : i32
      %sign3A_655 = arith.cmpi slt, %jit3A_639, %sign3A_654 : i32
      %sign3A_656 = arith.extui %sign3A_655 : i1 to i32
      %sign3A_657 = arith.subi %sign3A_653, %sign3A_656 : i32
      %ne3A_658 = vector.broadcast %sign3A_657 : i32 to vector<16xi32>
      %ne3A_659 = arith.cmpi ne, %sign3A_650, %ne3A_658 : vector<16xi32>
      %rem3A_660 = vector.broadcast %jit3A_639 : i32 to vector<16xi32>
      %rem3A_661 = arith.remsi %select_n3A_638, %rem3A_660 : vector<16xi32>
      %ne3A_662 = arith.constant 0 : i32
      %ne3A_663 = vector.broadcast %ne3A_662 : i32 to vector<16xi32>
      %ne3A_664 = arith.cmpi ne, %rem3A_661, %ne3A_663 : vector<16xi32>
      %and3A_665 = arith.andi %ne3A_659, %ne3A_664 : vector<16xi1>
      %sub3A_666 = arith.constant 1 : i32
      %sub3A_667 = vector.broadcast %sub3A_666 : i32 to vector<16xi32>
      %sub3A_668 = arith.subi %div3A_641, %sub3A_667 : vector<16xi32>
      %select_n3A_669 = arith.select %and3A_665, %sub3A_668, %div3A_641 : vector<16xi1>, vector<16xi32>
      %mul3A_670 = arith.constant 128 : i32
      %mul3A_671 = vector.broadcast %mul3A_670 : i32 to vector<16xi32>
      %mul3A_672 = arith.muli %select_n3A_669, %mul3A_671 : vector<16xi32>
      %min3A_673 = arith.constant 999808 : i32
      %min3A_674 = vector.broadcast %min3A_673 : i32 to vector<16xi32>
      %min3A_675 = arith.minsi %mul3A_672, %min3A_674 : vector<16xi32>
      %sub3A_676 = arith.subi %select_n3A_638, %min3A_675 : vector<16xi32>
      %sub3A_677 = arith.constant 999936 : i32
      %sub3A_678 = vector.broadcast %sub3A_677 : i32 to vector<16xi32>
      %sub3A_679 = arith.subi %select_n3A_638, %sub3A_678 : vector<16xi32>
      %max3A_680 = arith.constant 0 : i32
      %max3A_681 = vector.broadcast %max3A_680 : i32 to vector<16xi32>
      %max3A_682 = arith.maxsi %sub3A_679, %max3A_681 : vector<16xi32>
      %add3A_683 = arith.constant 2 : i32
      %add3A_684 = vector.broadcast %add3A_683 : i32 to vector<16xi32>
      %add3A_685 = arith.addi %add3A_684, %select_n3A : vector<16xi32>
      %gather3A_686 = tpu.vector_load_idx %arg17[%add3A_685, %rem3A_97, %sub3A_676] : memref<8x8x128xf32, #tpu.memory_space<vmem>>[vector<16xi32>, vector<16xi32>, vector<16xi32>], vector<16xf32>,
      %add3A_687 = arith.constant 0 : i32
      %add3A_688 = vector.broadcast %add3A_687 : i32 to vector<16xi32>
      %add3A_689 = arith.addi %add3A_688, %rem3A_97 : vector<16xi32>
      %broadcast_in_dim3A_690 = arith.constant 0 : i32
      %broadcast_in_dim3A_691 = vector.broadcast %broadcast_in_dim3A_690 : i32 to vector<16xi32>
      %mul3A_692 = arith.constant 64 : i32
      %mul3A_693 = vector.broadcast %mul3A_692 : i32 to vector<16xi32>
      %mul3A_694 = arith.muli %add3A_689, %mul3A_693 : vector<16xi32>
      %add3A_695 = arith.addi %mul3A_694, %max3A_682 : vector<16xi32>
      %gather3A_696 = tpu.vector_load_idx %arg16[%broadcast_in_dim3A_691, %add3A_695] : memref<2x2048xf32, #tpu.memory_space<vmem>>[vector<16xi32>, vector<16xi32>], vector<16xf32>,
      %ge3A_697 = arith.constant 999936 : i32
      %ge3A_698 = vector.broadcast %ge3A_697 : i32 to vector<16xi32>
      %ge3A_699 = arith.cmpi sge, %select_n3A_638, %ge3A_698 : vector<16xi32>
      %select_n3A_700 = arith.select %ge3A_699, %gather3A_696, %gather3A_686 : vector<16xi1>, vector<16xf32>
      %mul3A_701 = arith.constant 8 : i32
      %mul3A_702 = arith.muli %add3A_145, %mul3A_701 : i32
      %add3A_703 = vector.broadcast %mul3A_702 : i32 to vector<16xi32>
      %add3A_704 = arith.addi %add3A_703, %add3A_685 : vector<16xi32>
      tpu.vector_store_idx %arg13[%add3A_689, %add3A_704], %select_n3A_700 : memref<32x256xf32, #tpu.memory_space<vmem>>[vector<16xi32>, vector<16xi32>], vector<16xf32>,
      %dma_wait3A_705 = arith.constant 4 : i32
      %dma_wait3A_706 = arith.constant 0 : i32
      %dma_wait3A_707 = arith.constant 0 : i32
      %dma_wait3A_708 = tpu.memref_slice %arg17[%dma_wait3A_705, %dma_wait3A_706, %dma_wait3A_707] : memref<8x8x128xf32, #tpu.memory_space<vmem>> -> memref<1x8x128xf32, #tpu.memory_space<vmem>>
      %dma_wait3A_709 = tpu.memref_squeeze %dma_wait3A_708 : memref<1x8x128xf32, #tpu.memory_space<vmem>> -> memref<8x128xf32, #tpu.memory_space<vmem>>
      %dma_wait3A_710 = arith.constant 0 : i32
      %dma_wait3A_711 = arith.constant 0 : i32
      %dma_wait3A_712 = tpu.memref_slice %arg4[%dma_wait3A_710, %dma_wait3A_711] : memref<64x1000000xf32, #tpu.memory_space<hbm>> -> memref<8x128xf32, #tpu.memory_space<hbm>>
      %dma_wait3A_713 = arith.constant 0 : i32
      %dma_wait3A_714 = arith.constant 0 : i32
      %dma_wait3A_715 = tpu.memref_slice %arg17[%dma_wait3A_705, %dma_wait3A_713, %dma_wait3A_714] : memref<8x8x128xf32, #tpu.memory_space<vmem>> -> memref<1x8x128xf32, #tpu.memory_space<vmem>>
      %dma_wait3A_716 = tpu.memref_squeeze %dma_wait3A_715 : memref<1x8x128xf32, #tpu.memory_space<vmem>> -> memref<8x128xf32, #tpu.memory_space<vmem>>
      %dma_wait3A_717 = arith.constant 0 : i32
      %dma_wait3A_718 = arith.constant 0 : i32
      %dma_wait3A_719 = tpu.memref_slice %arg4[%dma_wait3A_717, %dma_wait3A_718] : memref<64x1000000xf32, #tpu.memory_space<hbm>> -> memref<8x128xf32, #tpu.memory_space<hbm>>
      tpu.wait_dma2 semaphore(%arg21 : memref<!tpu.dma_semaphore, #tpu.memory_space<semaphore_mem>>) src(%dma_wait3A_719 : memref<8x128xf32, #tpu.memory_space<hbm>>) dst(%dma_wait3A_716 : memref<8x128xf32, #tpu.memory_space<vmem>>)
      %dma_wait3A_720 = arith.constant 5 : i32
      %dma_wait3A_721 = arith.constant 0 : i32
      %dma_wait3A_722 = arith.constant 0 : i32
      %dma_wait3A_723 = tpu.memref_slice %arg17[%dma_wait3A_720, %dma_wait3A_721, %dma_wait3A_722] : memref<8x8x128xf32, #tpu.memory_space<vmem>> -> memref<1x8x128xf32, #tpu.memory_space<vmem>>
      %dma_wait3A_724 = tpu.memref_squeeze %dma_wait3A_723 : memref<1x8x128xf32, #tpu.memory_space<vmem>> -> memref<8x128xf32, #tpu.memory_space<vmem>>
      %dma_wait3A_725 = arith.constant 0 : i32
      %dma_wait3A_726 = arith.constant 0 : i32
      %dma_wait3A_727 = tpu.memref_slice %arg4[%dma_wait3A_725, %dma_wait3A_726] : memref<64x1000000xf32, #tpu.memory_space<hbm>> -> memref<8x128xf32, #tpu.memory_space<hbm>>
      %dma_wait3A_728 = arith.constant 0 : i32
      %dma_wait3A_729 = arith.constant 0 : i32
      %dma_wait3A_730 = tpu.memref_slice %arg17[%dma_wait3A_720, %dma_wait3A_728, %dma_wait3A_729] : memref<8x8x128xf32, #tpu.memory_space<vmem>> -> memref<1x8x128xf32, #tpu.memory_space<vmem>>
      %dma_wait3A_731 = tpu.memref_squeeze %dma_wait3A_730 : memref<1x8x128xf32, #tpu.memory_space<vmem>> -> memref<8x128xf32, #tpu.memory_space<vmem>>
      %dma_wait3A_732 = arith.constant 0 : i32
      %dma_wait3A_733 = arith.constant 0 : i32
      %dma_wait3A_734 = tpu.memref_slice %arg4[%dma_wait3A_732, %dma_wait3A_733] : memref<64x1000000xf32, #tpu.memory_space<hbm>> -> memref<8x128xf32, #tpu.memory_space<hbm>>
      tpu.wait_dma2 semaphore(%arg21 : memref<!tpu.dma_semaphore, #tpu.memory_space<semaphore_mem>>) src(%dma_wait3A_734 : memref<8x128xf32, #tpu.memory_space<hbm>>) dst(%dma_wait3A_731 : memref<8x128xf32, #tpu.memory_space<vmem>>)
      %slice3A_735 = vector.extract_strided_slice %get3A_148 {offsets = [4], sizes = [1], strides = [1]} : vector<16xi32> to vector<1xi32>
      %squeeze3A_736 = vector.extract %slice3A_735[0] : i32 from vector<1xi32>
      %slice3A_737 = vector.extract_strided_slice %get3A_148 {offsets = [5], sizes = [1], strides = [1]} : vector<16xi32> to vector<1xi32>
      %squeeze3A_738 = vector.extract %slice3A_737[0] : i32 from vector<1xi32>
      %lt3A_739 = arith.constant 8 : i32
      %lt3A_740 = vector.broadcast %lt3A_739 : i32 to vector<16xi32>
      %lt3A_741 = arith.cmpi slt, %iota3A, %lt3A_740 : vector<16xi32>
      %broadcast_in_dim3A_742 = arith.constant 0 : i32
      %broadcast_in_dim3A_743 = vector.broadcast %broadcast_in_dim3A_742 : i32 to vector<16xi32>
      %add3A_744 = vector.broadcast %squeeze3A_736 : i32 to vector<16xi32>
      %add3A_745 = arith.addi %broadcast_in_dim3A_743, %add3A_744 : vector<16xi32>
      %broadcast_in_dim3A_746 = arith.constant 0 : i32
      %broadcast_in_dim3A_747 = vector.broadcast %broadcast_in_dim3A_746 : i32 to vector<16xi32>
      %add3A_748 = vector.broadcast %squeeze3A_738 : i32 to vector<16xi32>
      %add3A_749 = arith.addi %broadcast_in_dim3A_747, %add3A_748 : vector<16xi32>
      %select_n3A_750 = arith.select %lt3A_741, %add3A_745, %add3A_749 : vector<16xi1>, vector<16xi32>
      %jit3A_751 = arith.constant 128 : i32
      %div3A_752 = vector.broadcast %jit3A_751 : i32 to vector<16xi32>
      %div3A_753 = arith.divsi %select_n3A_750, %div3A_752 : vector<16xi32>
      %sign3A_754 = arith.constant 0 : i32
      %sign3A_755 = vector.broadcast %sign3A_754 : i32 to vector<16xi32>
      %sign3A_756 = arith.cmpi sgt, %select_n3A_750, %sign3A_755 : vector<16xi32>
      %sign3A_757 = arith.extui %sign3A_756 : vector<16xi1> to vector<16xi32>
      %sign3A_758 = arith.constant 0 : i32
      %sign3A_759 = vector.broadcast %sign3A_758 : i32 to vector<16xi32>
      %sign3A_760 = arith.cmpi slt, %select_n3A_750, %sign3A_759 : vector<16xi32>
      %sign3A_761 = arith.extui %sign3A_760 : vector<16xi1> to vector<16xi32>
      %sign3A_762 = arith.subi %sign3A_757, %sign3A_761 : vector<16xi32>
      %sign3A_763 = arith.constant 0 : i32
      %sign3A_764 = arith.cmpi sgt, %jit3A_751, %sign3A_763 : i32
      %sign3A_765 = arith.extui %sign3A_764 : i1 to i32
      %sign3A_766 = arith.constant 0 : i32
      %sign3A_767 = arith.cmpi slt, %jit3A_751, %sign3A_766 : i32
      %sign3A_768 = arith.extui %sign3A_767 : i1 to i32
      %sign3A_769 = arith.subi %sign3A_765, %sign3A_768 : i32
      %ne3A_770 = vector.broadcast %sign3A_769 : i32 to vector<16xi32>
      %ne3A_771 = arith.cmpi ne, %sign3A_762, %ne3A_770 : vector<16xi32>
      %rem3A_772 = vector.broadcast %jit3A_751 : i32 to vector<16xi32>
      %rem3A_773 = arith.remsi %select_n3A_750, %rem3A_772 : vector<16xi32>
      %ne3A_774 = arith.constant 0 : i32
      %ne3A_775 = vector.broadcast %ne3A_774 : i32 to vector<16xi32>
      %ne3A_776 = arith.cmpi ne, %rem3A_773, %ne3A_775 : vector<16xi32>
      %and3A_777 = arith.andi %ne3A_771, %ne3A_776 : vector<16xi1>
      %sub3A_778 = arith.constant 1 : i32
      %sub3A_779 = vector.broadcast %sub3A_778 : i32 to vector<16xi32>
      %sub3A_780 = arith.subi %div3A_753, %sub3A_779 : vector<16xi32>
      %select_n3A_781 = arith.select %and3A_777, %sub3A_780, %div3A_753 : vector<16xi1>, vector<16xi32>
      %mul3A_782 = arith.constant 128 : i32
      %mul3A_783 = vector.broadcast %mul3A_782 : i32 to vector<16xi32>
      %mul3A_784 = arith.muli %select_n3A_781, %mul3A_783 : vector<16xi32>
      %min3A_785 = arith.constant 999808 : i32
      %min3A_786 = vector.broadcast %min3A_785 : i32 to vector<16xi32>
      %min3A_787 = arith.minsi %mul3A_784, %min3A_786 : vector<16xi32>
      %sub3A_788 = arith.subi %select_n3A_750, %min3A_787 : vector<16xi32>
      %sub3A_789 = arith.constant 999936 : i32
      %sub3A_790 = vector.broadcast %sub3A_789 : i32 to vector<16xi32>
      %sub3A_791 = arith.subi %select_n3A_750, %sub3A_790 : vector<16xi32>
      %max3A_792 = arith.constant 0 : i32
      %max3A_793 = vector.broadcast %max3A_792 : i32 to vector<16xi32>
      %max3A_794 = arith.maxsi %sub3A_791, %max3A_793 : vector<16xi32>
      %add3A_795 = arith.constant 4 : i32
      %add3A_796 = vector.broadcast %add3A_795 : i32 to vector<16xi32>
      %add3A_797 = arith.addi %add3A_796, %select_n3A : vector<16xi32>
      %gather3A_798 = tpu.vector_load_idx %arg17[%add3A_797, %rem3A_97, %sub3A_788] : memref<8x8x128xf32, #tpu.memory_space<vmem>>[vector<16xi32>, vector<16xi32>, vector<16xi32>], vector<16xf32>,
      %add3A_799 = arith.constant 0 : i32
      %add3A_800 = vector.broadcast %add3A_799 : i32 to vector<16xi32>
      %add3A_801 = arith.addi %add3A_800, %rem3A_97 : vector<16xi32>
      %broadcast_in_dim3A_802 = arith.constant 0 : i32
      %broadcast_in_dim3A_803 = vector.broadcast %broadcast_in_dim3A_802 : i32 to vector<16xi32>
      %mul3A_804 = arith.constant 64 : i32
      %mul3A_805 = vector.broadcast %mul3A_804 : i32 to vector<16xi32>
      %mul3A_806 = arith.muli %add3A_801, %mul3A_805 : vector<16xi32>
      %add3A_807 = arith.addi %mul3A_806, %max3A_794 : vector<16xi32>
      %gather3A_808 = tpu.vector_load_idx %arg16[%broadcast_in_dim3A_803, %add3A_807] : memref<2x2048xf32, #tpu.memory_space<vmem>>[vector<16xi32>, vector<16xi32>], vector<16xf32>,
      %ge3A_809 = arith.constant 999936 : i32
      %ge3A_810 = vector.broadcast %ge3A_809 : i32 to vector<16xi32>
      %ge3A_811 = arith.cmpi sge, %select_n3A_750, %ge3A_810 : vector<16xi32>
      %select_n3A_812 = arith.select %ge3A_811, %gather3A_808, %gather3A_798 : vector<16xi1>, vector<16xf32>
      %mul3A_813 = arith.constant 8 : i32
      %mul3A_814 = arith.muli %add3A_145, %mul3A_813 : i32
      %add3A_815 = vector.broadcast %mul3A_814 : i32 to vector<16xi32>
      %add3A_816 = arith.addi %add3A_815, %add3A_797 : vector<16xi32>
      tpu.vector_store_idx %arg13[%add3A_801, %add3A_816], %select_n3A_812 : memref<32x256xf32, #tpu.memory_space<vmem>>[vector<16xi32>, vector<16xi32>], vector<16xf32>,
      %dma_wait3A_817 = arith.constant 6 : i32
      %dma_wait3A_818 = arith.constant 0 : i32
      %dma_wait3A_819 = arith.constant 0 : i32
      %dma_wait3A_820 = tpu.memref_slice %arg17[%dma_wait3A_817, %dma_wait3A_818, %dma_wait3A_819] : memref<8x8x128xf32, #tpu.memory_space<vmem>> -> memref<1x8x128xf32, #tpu.memory_space<vmem>>
      %dma_wait3A_821 = tpu.memref_squeeze %dma_wait3A_820 : memref<1x8x128xf32, #tpu.memory_space<vmem>> -> memref<8x128xf32, #tpu.memory_space<vmem>>
      %dma_wait3A_822 = arith.constant 0 : i32
      %dma_wait3A_823 = arith.constant 0 : i32
      %dma_wait3A_824 = tpu.memref_slice %arg4[%dma_wait3A_822, %dma_wait3A_823] : memref<64x1000000xf32, #tpu.memory_space<hbm>> -> memref<8x128xf32, #tpu.memory_space<hbm>>
      %dma_wait3A_825 = arith.constant 0 : i32
      %dma_wait3A_826 = arith.constant 0 : i32
      %dma_wait3A_827 = tpu.memref_slice %arg17[%dma_wait3A_817, %dma_wait3A_825, %dma_wait3A_826] : memref<8x8x128xf32, #tpu.memory_space<vmem>> -> memref<1x8x128xf32, #tpu.memory_space<vmem>>
      %dma_wait3A_828 = tpu.memref_squeeze %dma_wait3A_827 : memref<1x8x128xf32, #tpu.memory_space<vmem>> -> memref<8x128xf32, #tpu.memory_space<vmem>>
      %dma_wait3A_829 = arith.constant 0 : i32
      %dma_wait3A_830 = arith.constant 0 : i32
      %dma_wait3A_831 = tpu.memref_slice %arg4[%dma_wait3A_829, %dma_wait3A_830] : memref<64x1000000xf32, #tpu.memory_space<hbm>> -> memref<8x128xf32, #tpu.memory_space<hbm>>
      tpu.wait_dma2 semaphore(%arg21 : memref<!tpu.dma_semaphore, #tpu.memory_space<semaphore_mem>>) src(%dma_wait3A_831 : memref<8x128xf32, #tpu.memory_space<hbm>>) dst(%dma_wait3A_828 : memref<8x128xf32, #tpu.memory_space<vmem>>)
      %dma_wait3A_832 = arith.constant 7 : i32
      %dma_wait3A_833 = arith.constant 0 : i32
      %dma_wait3A_834 = arith.constant 0 : i32
      %dma_wait3A_835 = tpu.memref_slice %arg17[%dma_wait3A_832, %dma_wait3A_833, %dma_wait3A_834] : memref<8x8x128xf32, #tpu.memory_space<vmem>> -> memref<1x8x128xf32, #tpu.memory_space<vmem>>
      %dma_wait3A_836 = tpu.memref_squeeze %dma_wait3A_835 : memref<1x8x128xf32, #tpu.memory_space<vmem>> -> memref<8x128xf32, #tpu.memory_space<vmem>>
      %dma_wait3A_837 = arith.constant 0 : i32
      %dma_wait3A_838 = arith.constant 0 : i32
      %dma_wait3A_839 = tpu.memref_slice %arg4[%dma_wait3A_837, %dma_wait3A_838] : memref<64x1000000xf32, #tpu.memory_space<hbm>> -> memref<8x128xf32, #tpu.memory_space<hbm>>
      %dma_wait3A_840 = arith.constant 0 : i32
      %dma_wait3A_841 = arith.constant 0 : i32
      %dma_wait3A_842 = tpu.memref_slice %arg17[%dma_wait3A_832, %dma_wait3A_840, %dma_wait3A_841] : memref<8x8x128xf32, #tpu.memory_space<vmem>> -> memref<1x8x128xf32, #tpu.memory_space<vmem>>
      %dma_wait3A_843 = tpu.memref_squeeze %dma_wait3A_842 : memref<1x8x128xf32, #tpu.memory_space<vmem>> -> memref<8x128xf32, #tpu.memory_space<vmem>>
      %dma_wait3A_844 = arith.constant 0 : i32
      %dma_wait3A_845 = arith.constant 0 : i32
      %dma_wait3A_846 = tpu.memref_slice %arg4[%dma_wait3A_844, %dma_wait3A_845] : memref<64x1000000xf32, #tpu.memory_space<hbm>> -> memref<8x128xf32, #tpu.memory_space<hbm>>
      tpu.wait_dma2 semaphore(%arg21 : memref<!tpu.dma_semaphore, #tpu.memory_space<semaphore_mem>>) src(%dma_wait3A_846 : memref<8x128xf32, #tpu.memory_space<hbm>>) dst(%dma_wait3A_843 : memref<8x128xf32, #tpu.memory_space<vmem>>)
      %slice3A_847 = vector.extract_strided_slice %get3A_148 {offsets = [6], sizes = [1], strides = [1]} : vector<16xi32> to vector<1xi32>
      %squeeze3A_848 = vector.extract %slice3A_847[0] : i32 from vector<1xi32>
      %slice3A_849 = vector.extract_strided_slice %get3A_148 {offsets = [7], sizes = [1], strides = [1]} : vector<16xi32> to vector<1xi32>
      %squeeze3A_850 = vector.extract %slice3A_849[0] : i32 from vector<1xi32>
      %lt3A_851 = arith.constant 8 : i32
      %lt3A_852 = vector.broadcast %lt3A_851 : i32 to vector<16xi32>
      %lt3A_853 = arith.cmpi slt, %iota3A, %lt3A_852 : vector<16xi32>
      %broadcast_in_dim3A_854 = arith.constant 0 : i32
      %broadcast_in_dim3A_855 = vector.broadcast %broadcast_in_dim3A_854 : i32 to vector<16xi32>
      %add3A_856 = vector.broadcast %squeeze3A_848 : i32 to vector<16xi32>
      %add3A_857 = arith.addi %broadcast_in_dim3A_855, %add3A_856 : vector<16xi32>
      %broadcast_in_dim3A_858 = arith.constant 0 : i32
      %broadcast_in_dim3A_859 = vector.broadcast %broadcast_in_dim3A_858 : i32 to vector<16xi32>
      %add3A_860 = vector.broadcast %squeeze3A_850 : i32 to vector<16xi32>
      %add3A_861 = arith.addi %broadcast_in_dim3A_859, %add3A_860 : vector<16xi32>
      %select_n3A_862 = arith.select %lt3A_853, %add3A_857, %add3A_861 : vector<16xi1>, vector<16xi32>
      %jit3A_863 = arith.constant 128 : i32
      %div3A_864 = vector.broadcast %jit3A_863 : i32 to vector<16xi32>
      %div3A_865 = arith.divsi %select_n3A_862, %div3A_864 : vector<16xi32>
      %sign3A_866 = arith.constant 0 : i32
      %sign3A_867 = vector.broadcast %sign3A_866 : i32 to vector<16xi32>
      %sign3A_868 = arith.cmpi sgt, %select_n3A_862, %sign3A_867 : vector<16xi32>
      %sign3A_869 = arith.extui %sign3A_868 : vector<16xi1> to vector<16xi32>
      %sign3A_870 = arith.constant 0 : i32
      %sign3A_871 = vector.broadcast %sign3A_870 : i32 to vector<16xi32>
      %sign3A_872 = arith.cmpi slt, %select_n3A_862, %sign3A_871 : vector<16xi32>
      %sign3A_873 = arith.extui %sign3A_872 : vector<16xi1> to vector<16xi32>
      %sign3A_874 = arith.subi %sign3A_869, %sign3A_873 : vector<16xi32>
      %sign3A_875 = arith.constant 0 : i32
      %sign3A_876 = arith.cmpi sgt, %jit3A_863, %sign3A_875 : i32
      %sign3A_877 = arith.extui %sign3A_876 : i1 to i32
      %sign3A_878 = arith.constant 0 : i32
      %sign3A_879 = arith.cmpi slt, %jit3A_863, %sign3A_878 : i32
      %sign3A_880 = arith.extui %sign3A_879 : i1 to i32
      %sign3A_881 = arith.subi %sign3A_877, %sign3A_880 : i32
      %ne3A_882 = vector.broadcast %sign3A_881 : i32 to vector<16xi32>
      %ne3A_883 = arith.cmpi ne, %sign3A_874, %ne3A_882 : vector<16xi32>
      %rem3A_884 = vector.broadcast %jit3A_863 : i32 to vector<16xi32>
      %rem3A_885 = arith.remsi %select_n3A_862, %rem3A_884 : vector<16xi32>
      %ne3A_886 = arith.constant 0 : i32
      %ne3A_887 = vector.broadcast %ne3A_886 : i32 to vector<16xi32>
      %ne3A_888 = arith.cmpi ne, %rem3A_885, %ne3A_887 : vector<16xi32>
      %and3A_889 = arith.andi %ne3A_883, %ne3A_888 : vector<16xi1>
      %sub3A_890 = arith.constant 1 : i32
      %sub3A_891 = vector.broadcast %sub3A_890 : i32 to vector<16xi32>
      %sub3A_892 = arith.subi %div3A_865, %sub3A_891 : vector<16xi32>
      %select_n3A_893 = arith.select %and3A_889, %sub3A_892, %div3A_865 : vector<16xi1>, vector<16xi32>
      %mul3A_894 = arith.constant 128 : i32
      %mul3A_895 = vector.broadcast %mul3A_894 : i32 to vector<16xi32>
      %mul3A_896 = arith.muli %select_n3A_893, %mul3A_895 : vector<16xi32>
      %min3A_897 = arith.constant 999808 : i32
      %min3A_898 = vector.broadcast %min3A_897 : i32 to vector<16xi32>
      %min3A_899 = arith.minsi %mul3A_896, %min3A_898 : vector<16xi32>
      %sub3A_900 = arith.subi %select_n3A_862, %min3A_899 : vector<16xi32>
      %sub3A_901 = arith.constant 999936 : i32
      %sub3A_902 = vector.broadcast %sub3A_901 : i32 to vector<16xi32>
      %sub3A_903 = arith.subi %select_n3A_862, %sub3A_902 : vector<16xi32>
      %max3A_904 = arith.constant 0 : i32
      %max3A_905 = vector.broadcast %max3A_904 : i32 to vector<16xi32>
      %max3A_906 = arith.maxsi %sub3A_903, %max3A_905 : vector<16xi32>
      %add3A_907 = arith.constant 6 : i32
      %add3A_908 = vector.broadcast %add3A_907 : i32 to vector<16xi32>
      %add3A_909 = arith.addi %add3A_908, %select_n3A : vector<16xi32>
      %gather3A_910 = tpu.vector_load_idx %arg17[%add3A_909, %rem3A_97, %sub3A_900] : memref<8x8x128xf32, #tpu.memory_space<vmem>>[vector<16xi32>, vector<16xi32>, vector<16xi32>], vector<16xf32>,
      %add3A_911 = arith.constant 0 : i32
      %add3A_912 = vector.broadcast %add3A_911 : i32 to vector<16xi32>
      %add3A_913 = arith.addi %add3A_912, %rem3A_97 : vector<16xi32>
      %broadcast_in_dim3A_914 = arith.constant 0 : i32
      %broadcast_in_dim3A_915 = vector.broadcast %broadcast_in_dim3A_914 : i32 to vector<16xi32>
      %mul3A_916 = arith.constant 64 : i32
      %mul3A_917 = vector.broadcast %mul3A_916 : i32 to vector<16xi32>
      %mul3A_918 = arith.muli %add3A_913, %mul3A_917 : vector<16xi32>
      %add3A_919 = arith.addi %mul3A_918, %max3A_906 : vector<16xi32>
      %gather3A_920 = tpu.vector_load_idx %arg16[%broadcast_in_dim3A_915, %add3A_919] : memref<2x2048xf32, #tpu.memory_space<vmem>>[vector<16xi32>, vector<16xi32>], vector<16xf32>,
      %ge3A_921 = arith.constant 999936 : i32
      %ge3A_922 = vector.broadcast %ge3A_921 : i32 to vector<16xi32>
      %ge3A_923 = arith.cmpi sge, %select_n3A_862, %ge3A_922 : vector<16xi32>
      %select_n3A_924 = arith.select %ge3A_923, %gather3A_920, %gather3A_910 : vector<16xi1>, vector<16xf32>
      %mul3A_925 = arith.constant 8 : i32
      %mul3A_926 = arith.muli %add3A_145, %mul3A_925 : i32
      %add3A_927 = vector.broadcast %mul3A_926 : i32 to vector<16xi32>
      %add3A_928 = arith.addi %add3A_927, %add3A_909 : vector<16xi32>
      tpu.vector_store_idx %arg13[%add3A_913, %add3A_928], %select_n3A_924 : memref<32x256xf32, #tpu.memory_space<vmem>>[vector<16xi32>, vector<16xi32>], vector<16xf32>,
    }
    %scan3A_126 = arith.constant 32 : i32
    %scan3A_127 = arith.constant 0 : i32
    %scan3A_128 = arith.constant 32 : i32
    %scan3A_129 = arith.addi %scan3A_127, %scan3A_128 : i32
    %scan3A_130 = arith.constant 1 : i32
    scf.for %scan3A_142 = %scan3A_127 to %scan3A_129 step %scan3A_130  : i32 {
      %mul3A_143 = arith.constant 1 : i32
      %mul3A_144 = arith.muli %scan3A_142, %mul3A_143 : i32
      %add3A = arith.constant 0 : i32
      %add3A_145 = arith.addi %add3A, %mul3A_144 : i32
      %add3A_146 = arith.addi %mul3A_0, %add3A_145 : i32
      %jit3A_147 = arith.constant 8 : i32
      %div3A_148 = arith.divsi %add3A_145, %jit3A_147 : i32
      %sign3A_149 = arith.constant 0 : i32
      %sign3A_150 = arith.cmpi sgt, %add3A_145, %sign3A_149 : i32
      %sign3A_151 = arith.extui %sign3A_150 : i1 to i32
      %sign3A_152 = arith.constant 0 : i32
      %sign3A_153 = arith.cmpi slt, %add3A_145, %sign3A_152 : i32
      %sign3A_154 = arith.extui %sign3A_153 : i1 to i32
      %sign3A_155 = arith.subi %sign3A_151, %sign3A_154 : i32
      %sign3A_156 = arith.constant 0 : i32
      %sign3A_157 = arith.cmpi sgt, %jit3A_147, %sign3A_156 : i32
      %sign3A_158 = arith.extui %sign3A_157 : i1 to i32
      %sign3A_159 = arith.constant 0 : i32
      %sign3A_160 = arith.cmpi slt, %jit3A_147, %sign3A_159 : i32
      %sign3A_161 = arith.extui %sign3A_160 : i1 to i32
      %sign3A_162 = arith.subi %sign3A_158, %sign3A_161 : i32
      %ne3A_163 = arith.cmpi ne, %sign3A_155, %sign3A_162 : i32
      %rem3A_164 = arith.remsi %add3A_145, %jit3A_147 : i32
      %ne3A_165 = arith.constant 0 : i32
      %ne3A_166 = arith.cmpi ne, %rem3A_164, %ne3A_165 : i32
      %and3A_167 = arith.andi %ne3A_163, %ne3A_166 : i1
      %sub3A_168 = arith.constant 1 : i32
      %sub3A_169 = arith.subi %div3A_148, %sub3A_168 : i32
      %select_n3A_170 = arith.select %and3A_167, %sub3A_169, %div3A_148 : i32
      %add3A_171 = arith.constant 1 : i32
      %add3A_172 = arith.addi %select_n3A_170, %add3A_171 : i32
      %lt3A = arith.constant 4 : i32
      %lt3A_173 = arith.cmpi slt, %add3A_172, %lt3A : i32
      %convert_element_type3A_174 = arith.extui %lt3A_173 : i1 to i32
      %cond3A_175 = arith.constant 0 : i32
      %cond3A_176 = arith.cmpi ne, %convert_element_type3A_174, %cond3A_175 : i32
      scf.if %cond3A_176 {
        %scan3A_289 = arith.constant 0 : i32
        %scan3A_290 = arith.constant 4 : i32
        %scan3A_291 = arith.addi %scan3A_289, %scan3A_290 : i32
        %scan3A_292 = arith.constant 1 : i32
        scf.for %scan3A_294 = %scan3A_289 to %scan3A_291 step %scan3A_292  : i32 {
          %mul3A_295 = arith.constant 1 : i32
          %mul3A_296 = arith.muli %scan3A_294, %mul3A_295 : i32
          %add3A_297 = arith.constant 0 : i32
          %add3A_298 = arith.addi %add3A_297, %mul3A_296 : i32
          %rem3A_299 = arith.constant 8 : i32
          %rem3A_300 = arith.remsi %add3A_145, %rem3A_299 : i32
          %mul3A_301 = arith.constant 4 : i32
          %mul3A_302 = arith.muli %rem3A_300, %mul3A_301 : i32
          %add3A_303 = arith.addi %mul3A_302, %add3A_298 : i32
          %mul3A_304 = arith.constant 8 : i32
          %mul3A_305 = arith.muli %add3A_303, %mul3A_304 : i32
          %get3A = arith.index_cast %mul3A_305 : i32 to index
          %get3A_306 = tpu.vector_load %arg10[%get3A] {strides = array<i32>} : memref<272xi32, #tpu.memory_space<vmem>>, vector<16xi32>,
          %mul3A_307 = arith.constant 4 : i32
          %mul3A_308 = arith.muli %arg0, %mul3A_307 : i32
          %add3A_309 = arith.addi %mul3A_308, %add3A_172 : i32
          %mul3A_310 = arith.constant 8 : i32
          %mul3A_311 = arith.muli %add3A_309, %mul3A_310 : i32
          %multiple_of3A = tpu.assume_multiple %mul3A_311, 8 : i32
          %slice3A = vector.extract_strided_slice %get3A_306 {offsets = [0], sizes = [1], strides = [1]} : vector<16xi32> to vector<1xi32>
          %squeeze3A = vector.extract %slice3A[0] : i32 from vector<1xi32>
          %jit3A_312 = arith.constant 128 : i32
          %div3A_313 = arith.divsi %squeeze3A, %jit3A_312 : i32
          %sign3A_314 = arith.constant 0 : i32
          %sign3A_315 = arith.cmpi sgt, %squeeze3A, %sign3A_314 : i32
          %sign3A_316 = arith.extui %sign3A_315 : i1 to i32
          %sign3A_317 = arith.constant 0 : i32
          %sign3A_318 = arith.cmpi slt, %squeeze3A, %sign3A_317 : i32
          %sign3A_319 = arith.extui %sign3A_318 : i1 to i32
          %sign3A_320 = arith.subi %sign3A_316, %sign3A_319 : i32
          %sign3A_321 = arith.constant 0 : i32
          %sign3A_322 = arith.cmpi sgt, %jit3A_312, %sign3A_321 : i32
          %sign3A_323 = arith.extui %sign3A_322 : i1 to i32
          %sign3A_324 = arith.constant 0 : i32
          %sign3A_325 = arith.cmpi slt, %jit3A_312, %sign3A_324 : i32
          %sign3A_326 = arith.extui %sign3A_325 : i1 to i32
          %sign3A_327 = arith.subi %sign3A_323, %sign3A_326 : i32
          %ne3A_328 = arith.cmpi ne, %sign3A_320, %sign3A_327 : i32
          %rem3A_329 = arith.remsi %squeeze3A, %jit3A_312 : i32
          %ne3A_330 = arith.constant 0 : i32
          %ne3A_331 = arith.cmpi ne, %rem3A_329, %ne3A_330 : i32
          %and3A_332 = arith.andi %ne3A_328, %ne3A_331 : i1
          %sub3A_333 = arith.constant 1 : i32
          %sub3A_334 = arith.subi %div3A_313, %sub3A_333 : i32
          %select_n3A_335 = arith.select %and3A_332, %sub3A_334, %div3A_313 : i32
          %mul3A_336 = arith.constant 128 : i32
          %mul3A_337 = arith.muli %select_n3A_335, %mul3A_336 : i32
          %min3A = arith.constant 999808 : i32
          %min3A_338 = arith.minsi %mul3A_337, %min3A : i32
          %multiple_of3A_339 = tpu.assume_multiple %min3A_338, 128 : i32
          %dma_start3A = arith.constant 0 : i32
          %dma_start3A_340 = arith.constant 0 : i32
          %dma_start3A_341 = arith.constant 0 : i32
          %dma_start3A_342 = tpu.memref_slice %arg17[%dma_start3A, %dma_start3A_340, %dma_start3A_341] : memref<8x8x128xf32, #tpu.memory_space<vmem>> -> memref<1x8x128xf32, #tpu.memory_space<vmem>>
          %dma_start3A_343 = tpu.memref_squeeze %dma_start3A_342 : memref<1x8x128xf32, #tpu.memory_space<vmem>> -> memref<8x128xf32, #tpu.memory_space<vmem>>
          %dma_start3A_344 = tpu.memref_slice %arg4[%multiple_of3A, %multiple_of3A_339] : memref<64x1000000xf32, #tpu.memory_space<hbm>> -> memref<8x128xf32, #tpu.memory_space<hbm>>
          %dma_start3A_345 = arith.constant 0 : i32
          %dma_start3A_346 = arith.constant 0 : i32
          %dma_start3A_347 = tpu.memref_slice %arg17[%dma_start3A, %dma_start3A_345, %dma_start3A_346] : memref<8x8x128xf32, #tpu.memory_space<vmem>> -> memref<1x8x128xf32, #tpu.memory_space<vmem>>
          %dma_start3A_348 = tpu.memref_squeeze %dma_start3A_347 : memref<1x8x128xf32, #tpu.memory_space<vmem>> -> memref<8x128xf32, #tpu.memory_space<vmem>>
          %dma_start3A_349 = tpu.memref_slice %arg4[%multiple_of3A, %multiple_of3A_339] : memref<64x1000000xf32, #tpu.memory_space<hbm>> -> memref<8x128xf32, #tpu.memory_space<hbm>>
          tpu.enqueue_dma source(%dma_start3A_349 : memref<8x128xf32, #tpu.memory_space<hbm>>) target(%dma_start3A_348 : memref<8x128xf32, #tpu.memory_space<vmem>>) target_semaphore(%arg21 : memref<!tpu.dma_semaphore, #tpu.memory_space<semaphore_mem>>)
          %slice3A_350 = vector.extract_strided_slice %get3A_306 {offsets = [1], sizes = [1], strides = [1]} : vector<16xi32> to vector<1xi32>
          %squeeze3A_351 = vector.extract %slice3A_350[0] : i32 from vector<1xi32>
          %jit3A_352 = arith.constant 128 : i32
          %div3A_353 = arith.divsi %squeeze3A_351, %jit3A_352 : i32
          %sign3A_354 = arith.constant 0 : i32
          %sign3A_355 = arith.cmpi sgt, %squeeze3A_351, %sign3A_354 : i32
          %sign3A_356 = arith.extui %sign3A_355 : i1 to i32
          %sign3A_357 = arith.constant 0 : i32
          %sign3A_358 = arith.cmpi slt, %squeeze3A_351, %sign3A_357 : i32
          %sign3A_359 = arith.extui %sign3A_358 : i1 to i32
          %sign3A_360 = arith.subi %sign3A_356, %sign3A_359 : i32
          %sign3A_361 = arith.constant 0 : i32
          %sign3A_362 = arith.cmpi sgt, %jit3A_352, %sign3A_361 : i32
          %sign3A_363 = arith.extui %sign3A_362 : i1 to i32
          %sign3A_364 = arith.constant 0 : i32
          %sign3A_365 = arith.cmpi slt, %jit3A_352, %sign3A_364 : i32
          %sign3A_366 = arith.extui %sign3A_365 : i1 to i32
          %sign3A_367 = arith.subi %sign3A_363, %sign3A_366 : i32
          %ne3A_368 = arith.cmpi ne, %sign3A_360, %sign3A_367 : i32
          %rem3A_369 = arith.remsi %squeeze3A_351, %jit3A_352 : i32
          %ne3A_370 = arith.constant 0 : i32
          %ne3A_371 = arith.cmpi ne, %rem3A_369, %ne3A_370 : i32
          %and3A_372 = arith.andi %ne3A_368, %ne3A_371 : i1
          %sub3A_373 = arith.constant 1 : i32
          %sub3A_374 = arith.subi %div3A_353, %sub3A_373 : i32
          %select_n3A_375 = arith.select %and3A_372, %sub3A_374, %div3A_353 : i32
          %mul3A_376 = arith.constant 128 : i32
          %mul3A_377 = arith.muli %select_n3A_375, %mul3A_376 : i32
          %min3A_378 = arith.constant 999808 : i32
          %min3A_379 = arith.minsi %mul3A_377, %min3A_378 : i32
          %multiple_of3A_380 = tpu.assume_multiple %min3A_379, 128 : i32
          %dma_start3A_381 = arith.constant 1 : i32
          %dma_start3A_382 = arith.constant 0 : i32
          %dma_start3A_383 = arith.constant 0 : i32
          %dma_start3A_384 = tpu.memref_slice %arg17[%dma_start3A_381, %dma_start3A_382, %dma_start3A_383] : memref<8x8x128xf32, #tpu.memory_space<vmem>> -> memref<1x8x128xf32, #tpu.memory_space<vmem>>
          %dma_start3A_385 = tpu.memref_squeeze %dma_start3A_384 : memref<1x8x128xf32, #tpu.memory_space<vmem>> -> memref<8x128xf32, #tpu.memory_space<vmem>>
          %dma_start3A_386 = tpu.memref_slice %arg4[%multiple_of3A, %multiple_of3A_380] : memref<64x1000000xf32, #tpu.memory_space<hbm>> -> memref<8x128xf32, #tpu.memory_space<hbm>>
          %dma_start3A_387 = arith.constant 0 : i32
          %dma_start3A_388 = arith.constant 0 : i32
          %dma_start3A_389 = tpu.memref_slice %arg17[%dma_start3A_381, %dma_start3A_387, %dma_start3A_388] : memref<8x8x128xf32, #tpu.memory_space<vmem>> -> memref<1x8x128xf32, #tpu.memory_space<vmem>>
          %dma_start3A_390 = tpu.memref_squeeze %dma_start3A_389 : memref<1x8x128xf32, #tpu.memory_space<vmem>> -> memref<8x128xf32, #tpu.memory_space<vmem>>
          %dma_start3A_391 = tpu.memref_slice %arg4[%multiple_of3A, %multiple_of3A_380] : memref<64x1000000xf32, #tpu.memory_space<hbm>> -> memref<8x128xf32, #tpu.memory_space<hbm>>
          tpu.enqueue_dma source(%dma_start3A_391 : memref<8x128xf32, #tpu.memory_space<hbm>>) target(%dma_start3A_390 : memref<8x128xf32, #tpu.memory_space<vmem>>) target_semaphore(%arg21 : memref<!tpu.dma_semaphore, #tpu.memory_space<semaphore_mem>>)
          %slice3A_392 = vector.extract_strided_slice %get3A_306 {offsets = [2], sizes = [1], strides = [1]} : vector<16xi32> to vector<1xi32>
          %squeeze3A_393 = vector.extract %slice3A_392[0] : i32 from vector<1xi32>
          %jit3A_394 = arith.constant 128 : i32
          %div3A_395 = arith.divsi %squeeze3A_393, %jit3A_394 : i32
          %sign3A_396 = arith.constant 0 : i32
          %sign3A_397 = arith.cmpi sgt, %squeeze3A_393, %sign3A_396 : i32
          %sign3A_398 = arith.extui %sign3A_397 : i1 to i32
          %sign3A_399 = arith.constant 0 : i32
          %sign3A_400 = arith.cmpi slt, %squeeze3A_393, %sign3A_399 : i32
          %sign3A_401 = arith.extui %sign3A_400 : i1 to i32
          %sign3A_402 = arith.subi %sign3A_398, %sign3A_401 : i32
          %sign3A_403 = arith.constant 0 : i32
          %sign3A_404 = arith.cmpi sgt, %jit3A_394, %sign3A_403 : i32
          %sign3A_405 = arith.extui %sign3A_404 : i1 to i32
          %sign3A_406 = arith.constant 0 : i32
          %sign3A_407 = arith.cmpi slt, %jit3A_394, %sign3A_406 : i32
          %sign3A_408 = arith.extui %sign3A_407 : i1 to i32
          %sign3A_409 = arith.subi %sign3A_405, %sign3A_408 : i32
          %ne3A_410 = arith.cmpi ne, %sign3A_402, %sign3A_409 : i32
          %rem3A_411 = arith.remsi %squeeze3A_393, %jit3A_394 : i32
          %ne3A_412 = arith.constant 0 : i32
          %ne3A_413 = arith.cmpi ne, %rem3A_411, %ne3A_412 : i32
          %and3A_414 = arith.andi %ne3A_410, %ne3A_413 : i1
          %sub3A_415 = arith.constant 1 : i32
          %sub3A_416 = arith.subi %div3A_395, %sub3A_415 : i32
          %select_n3A_417 = arith.select %and3A_414, %sub3A_416, %div3A_395 : i32
          %mul3A_418 = arith.constant 128 : i32
          %mul3A_419 = arith.muli %select_n3A_417, %mul3A_418 : i32
          %min3A_420 = arith.constant 999808 : i32
          %min3A_421 = arith.minsi %mul3A_419, %min3A_420 : i32
          %multiple_of3A_422 = tpu.assume_multiple %min3A_421, 128 : i32
          %dma_start3A_423 = arith.constant 2 : i32
          %dma_start3A_424 = arith.constant 0 : i32
          %dma_start3A_425 = arith.constant 0 : i32
          %dma_start3A_426 = tpu.memref_slice %arg17[%dma_start3A_423, %dma_start3A_424, %dma_start3A_425] : memref<8x8x128xf32, #tpu.memory_space<vmem>> -> memref<1x8x128xf32, #tpu.memory_space<vmem>>
          %dma_start3A_427 = tpu.memref_squeeze %dma_start3A_426 : memref<1x8x128xf32, #tpu.memory_space<vmem>> -> memref<8x128xf32, #tpu.memory_space<vmem>>
          %dma_start3A_428 = tpu.memref_slice %arg4[%multiple_of3A, %multiple_of3A_422] : memref<64x1000000xf32, #tpu.memory_space<hbm>> -> memref<8x128xf32, #tpu.memory_space<hbm>>
          %dma_start3A_429 = arith.constant 0 : i32
          %dma_start3A_430 = arith.constant 0 : i32
          %dma_start3A_431 = tpu.memref_slice %arg17[%dma_start3A_423, %dma_start3A_429, %dma_start3A_430] : memref<8x8x128xf32, #tpu.memory_space<vmem>> -> memref<1x8x128xf32, #tpu.memory_space<vmem>>
          %dma_start3A_432 = tpu.memref_squeeze %dma_start3A_431 : memref<1x8x128xf32, #tpu.memory_space<vmem>> -> memref<8x128xf32, #tpu.memory_space<vmem>>
          %dma_start3A_433 = tpu.memref_slice %arg4[%multiple_of3A, %multiple_of3A_422] : memref<64x1000000xf32, #tpu.memory_space<hbm>> -> memref<8x128xf32, #tpu.memory_space<hbm>>
          tpu.enqueue_dma source(%dma_start3A_433 : memref<8x128xf32, #tpu.memory_space<hbm>>) target(%dma_start3A_432 : memref<8x128xf32, #tpu.memory_space<vmem>>) target_semaphore(%arg21 : memref<!tpu.dma_semaphore, #tpu.memory_space<semaphore_mem>>)
          %slice3A_434 = vector.extract_strided_slice %get3A_306 {offsets = [3], sizes = [1], strides = [1]} : vector<16xi32> to vector<1xi32>
          %squeeze3A_435 = vector.extract %slice3A_434[0] : i32 from vector<1xi32>
          %jit3A_436 = arith.constant 128 : i32
          %div3A_437 = arith.divsi %squeeze3A_435, %jit3A_436 : i32
          %sign3A_438 = arith.constant 0 : i32
          %sign3A_439 = arith.cmpi sgt, %squeeze3A_435, %sign3A_438 : i32
          %sign3A_440 = arith.extui %sign3A_439 : i1 to i32
          %sign3A_441 = arith.constant 0 : i32
          %sign3A_442 = arith.cmpi slt, %squeeze3A_435, %sign3A_441 : i32
          %sign3A_443 = arith.extui %sign3A_442 : i1 to i32
          %sign3A_444 = arith.subi %sign3A_440, %sign3A_443 : i32
          %sign3A_445 = arith.constant 0 : i32
          %sign3A_446 = arith.cmpi sgt, %jit3A_436, %sign3A_445 : i32
          %sign3A_447 = arith.extui %sign3A_446 : i1 to i32
          %sign3A_448 = arith.constant 0 : i32
          %sign3A_449 = arith.cmpi slt, %jit3A_436, %sign3A_448 : i32
          %sign3A_450 = arith.extui %sign3A_449 : i1 to i32
          %sign3A_451 = arith.subi %sign3A_447, %sign3A_450 : i32
          %ne3A_452 = arith.cmpi ne, %sign3A_444, %sign3A_451 : i32
          %rem3A_453 = arith.remsi %squeeze3A_435, %jit3A_436 : i32
          %ne3A_454 = arith.constant 0 : i32
          %ne3A_455 = arith.cmpi ne, %rem3A_453, %ne3A_454 : i32
          %and3A_456 = arith.andi %ne3A_452, %ne3A_455 : i1
          %sub3A_457 = arith.constant 1 : i32
          %sub3A_458 = arith.subi %div3A_437, %sub3A_457 : i32
          %select_n3A_459 = arith.select %and3A_456, %sub3A_458, %div3A_437 : i32
          %mul3A_460 = arith.constant 128 : i32
          %mul3A_461 = arith.muli %select_n3A_459, %mul3A_460 : i32
          %min3A_462 = arith.constant 999808 : i32
          %min3A_463 = arith.minsi %mul3A_461, %min3A_462 : i32
          %multiple_of3A_464 = tpu.assume_multiple %min3A_463, 128 : i32
          %dma_start3A_465 = arith.constant 3 : i32
          %dma_start3A_466 = arith.constant 0 : i32
          %dma_start3A_467 = arith.constant 0 : i32
          %dma_start3A_468 = tpu.memref_slice %arg17[%dma_start3A_465, %dma_start3A_466, %dma_start3A_467] : memref<8x8x128xf32, #tpu.memory_space<vmem>> -> memref<1x8x128xf32, #tpu.memory_space<vmem>>
          %dma_start3A_469 = tpu.memref_squeeze %dma_start3A_468 : memref<1x8x128xf32, #tpu.memory_space<vmem>> -> memref<8x128xf32, #tpu.memory_space<vmem>>
          %dma_start3A_470 = tpu.memref_slice %arg4[%multiple_of3A, %multiple_of3A_464] : memref<64x1000000xf32, #tpu.memory_space<hbm>> -> memref<8x128xf32, #tpu.memory_space<hbm>>
          %dma_start3A_471 = arith.constant 0 : i32
          %dma_start3A_472 = arith.constant 0 : i32
          %dma_start3A_473 = tpu.memref_slice %arg17[%dma_start3A_465, %dma_start3A_471, %dma_start3A_472] : memref<8x8x128xf32, #tpu.memory_space<vmem>> -> memref<1x8x128xf32, #tpu.memory_space<vmem>>
          %dma_start3A_474 = tpu.memref_squeeze %dma_start3A_473 : memref<1x8x128xf32, #tpu.memory_space<vmem>> -> memref<8x128xf32, #tpu.memory_space<vmem>>
          %dma_start3A_475 = tpu.memref_slice %arg4[%multiple_of3A, %multiple_of3A_464] : memref<64x1000000xf32, #tpu.memory_space<hbm>> -> memref<8x128xf32, #tpu.memory_space<hbm>>
          tpu.enqueue_dma source(%dma_start3A_475 : memref<8x128xf32, #tpu.memory_space<hbm>>) target(%dma_start3A_474 : memref<8x128xf32, #tpu.memory_space<vmem>>) target_semaphore(%arg21 : memref<!tpu.dma_semaphore, #tpu.memory_space<semaphore_mem>>)
          %slice3A_476 = vector.extract_strided_slice %get3A_306 {offsets = [4], sizes = [1], strides = [1]} : vector<16xi32> to vector<1xi32>
          %squeeze3A_477 = vector.extract %slice3A_476[0] : i32 from vector<1xi32>
          %jit3A_478 = arith.constant 128 : i32
          %div3A_479 = arith.divsi %squeeze3A_477, %jit3A_478 : i32
          %sign3A_480 = arith.constant 0 : i32
          %sign3A_481 = arith.cmpi sgt, %squeeze3A_477, %sign3A_480 : i32
          %sign3A_482 = arith.extui %sign3A_481 : i1 to i32
          %sign3A_483 = arith.constant 0 : i32
          %sign3A_484 = arith.cmpi slt, %squeeze3A_477, %sign3A_483 : i32
          %sign3A_485 = arith.extui %sign3A_484 : i1 to i32
          %sign3A_486 = arith.subi %sign3A_482, %sign3A_485 : i32
          %sign3A_487 = arith.constant 0 : i32
          %sign3A_488 = arith.cmpi sgt, %jit3A_478, %sign3A_487 : i32
          %sign3A_489 = arith.extui %sign3A_488 : i1 to i32
          %sign3A_490 = arith.constant 0 : i32
          %sign3A_491 = arith.cmpi slt, %jit3A_478, %sign3A_490 : i32
          %sign3A_492 = arith.extui %sign3A_491 : i1 to i32
          %sign3A_493 = arith.subi %sign3A_489, %sign3A_492 : i32
          %ne3A_494 = arith.cmpi ne, %sign3A_486, %sign3A_493 : i32
          %rem3A_495 = arith.remsi %squeeze3A_477, %jit3A_478 : i32
          %ne3A_496 = arith.constant 0 : i32
          %ne3A_497 = arith.cmpi ne, %rem3A_495, %ne3A_496 : i32
          %and3A_498 = arith.andi %ne3A_494, %ne3A_497 : i1
          %sub3A_499 = arith.constant 1 : i32
          %sub3A_500 = arith.subi %div3A_479, %sub3A_499 : i32
          %select_n3A_501 = arith.select %and3A_498, %sub3A_500, %div3A_479 : i32
          %mul3A_502 = arith.constant 128 : i32
          %mul3A_503 = arith.muli %select_n3A_501, %mul3A_502 : i32
          %min3A_504 = arith.constant 999808 : i32
          %min3A_505 = arith.minsi %mul3A_503, %min3A_504 : i32
          %multiple_of3A_506 = tpu.assume_multiple %min3A_505, 128 : i32
          %dma_start3A_507 = arith.constant 4 : i32
          %dma_start3A_508 = arith.constant 0 : i32
          %dma_start3A_509 = arith.constant 0 : i32
          %dma_start3A_510 = tpu.memref_slice %arg17[%dma_start3A_507, %dma_start3A_508, %dma_start3A_509] : memref<8x8x128xf32, #tpu.memory_space<vmem>> -> memref<1x8x128xf32, #tpu.memory_space<vmem>>
          %dma_start3A_511 = tpu.memref_squeeze %dma_start3A_510 : memref<1x8x128xf32, #tpu.memory_space<vmem>> -> memref<8x128xf32, #tpu.memory_space<vmem>>
          %dma_start3A_512 = tpu.memref_slice %arg4[%multiple_of3A, %multiple_of3A_506] : memref<64x1000000xf32, #tpu.memory_space<hbm>> -> memref<8x128xf32, #tpu.memory_space<hbm>>
          %dma_start3A_513 = arith.constant 0 : i32
          %dma_start3A_514 = arith.constant 0 : i32
          %dma_start3A_515 = tpu.memref_slice %arg17[%dma_start3A_507, %dma_start3A_513, %dma_start3A_514] : memref<8x8x128xf32, #tpu.memory_space<vmem>> -> memref<1x8x128xf32, #tpu.memory_space<vmem>>
          %dma_start3A_516 = tpu.memref_squeeze %dma_start3A_515 : memref<1x8x128xf32, #tpu.memory_space<vmem>> -> memref<8x128xf32, #tpu.memory_space<vmem>>
          %dma_start3A_517 = tpu.memref_slice %arg4[%multiple_of3A, %multiple_of3A_506] : memref<64x1000000xf32, #tpu.memory_space<hbm>> -> memref<8x128xf32, #tpu.memory_space<hbm>>
          tpu.enqueue_dma source(%dma_start3A_517 : memref<8x128xf32, #tpu.memory_space<hbm>>) target(%dma_start3A_516 : memref<8x128xf32, #tpu.memory_space<vmem>>) target_semaphore(%arg21 : memref<!tpu.dma_semaphore, #tpu.memory_space<semaphore_mem>>)
          %slice3A_518 = vector.extract_strided_slice %get3A_306 {offsets = [5], sizes = [1], strides = [1]} : vector<16xi32> to vector<1xi32>
          %squeeze3A_519 = vector.extract %slice3A_518[0] : i32 from vector<1xi32>
          %jit3A_520 = arith.constant 128 : i32
          %div3A_521 = arith.divsi %squeeze3A_519, %jit3A_520 : i32
          %sign3A_522 = arith.constant 0 : i32
          %sign3A_523 = arith.cmpi sgt, %squeeze3A_519, %sign3A_522 : i32
          %sign3A_524 = arith.extui %sign3A_523 : i1 to i32
          %sign3A_525 = arith.constant 0 : i32
          %sign3A_526 = arith.cmpi slt, %squeeze3A_519, %sign3A_525 : i32
          %sign3A_527 = arith.extui %sign3A_526 : i1 to i32
          %sign3A_528 = arith.subi %sign3A_524, %sign3A_527 : i32
          %sign3A_529 = arith.constant 0 : i32
          %sign3A_530 = arith.cmpi sgt, %jit3A_520, %sign3A_529 : i32
          %sign3A_531 = arith.extui %sign3A_530 : i1 to i32
          %sign3A_532 = arith.constant 0 : i32
          %sign3A_533 = arith.cmpi slt, %jit3A_520, %sign3A_532 : i32
          %sign3A_534 = arith.extui %sign3A_533 : i1 to i32
          %sign3A_535 = arith.subi %sign3A_531, %sign3A_534 : i32
          %ne3A_536 = arith.cmpi ne, %sign3A_528, %sign3A_535 : i32
          %rem3A_537 = arith.remsi %squeeze3A_519, %jit3A_520 : i32
          %ne3A_538 = arith.constant 0 : i32
          %ne3A_539 = arith.cmpi ne, %rem3A_537, %ne3A_538 : i32
          %and3A_540 = arith.andi %ne3A_536, %ne3A_539 : i1
          %sub3A_541 = arith.constant 1 : i32
          %sub3A_542 = arith.subi %div3A_521, %sub3A_541 : i32
          %select_n3A_543 = arith.select %and3A_540, %sub3A_542, %div3A_521 : i32
          %mul3A_544 = arith.constant 128 : i32
          %mul3A_545 = arith.muli %select_n3A_543, %mul3A_544 : i32
          %min3A_546 = arith.constant 999808 : i32
          %min3A_547 = arith.minsi %mul3A_545, %min3A_546 : i32
          %multiple_of3A_548 = tpu.assume_multiple %min3A_547, 128 : i32
          %dma_start3A_549 = arith.constant 5 : i32
          %dma_start3A_550 = arith.constant 0 : i32
          %dma_start3A_551 = arith.constant 0 : i32
          %dma_start3A_552 = tpu.memref_slice %arg17[%dma_start3A_549, %dma_start3A_550, %dma_start3A_551] : memref<8x8x128xf32, #tpu.memory_space<vmem>> -> memref<1x8x128xf32, #tpu.memory_space<vmem>>
          %dma_start3A_553 = tpu.memref_squeeze %dma_start3A_552 : memref<1x8x128xf32, #tpu.memory_space<vmem>> -> memref<8x128xf32, #tpu.memory_space<vmem>>
          %dma_start3A_554 = tpu.memref_slice %arg4[%multiple_of3A, %multiple_of3A_548] : memref<64x1000000xf32, #tpu.memory_space<hbm>> -> memref<8x128xf32, #tpu.memory_space<hbm>>
          %dma_start3A_555 = arith.constant 0 : i32
          %dma_start3A_556 = arith.constant 0 : i32
          %dma_start3A_557 = tpu.memref_slice %arg17[%dma_start3A_549, %dma_start3A_555, %dma_start3A_556] : memref<8x8x128xf32, #tpu.memory_space<vmem>> -> memref<1x8x128xf32, #tpu.memory_space<vmem>>
          %dma_start3A_558 = tpu.memref_squeeze %dma_start3A_557 : memref<1x8x128xf32, #tpu.memory_space<vmem>> -> memref<8x128xf32, #tpu.memory_space<vmem>>
          %dma_start3A_559 = tpu.memref_slice %arg4[%multiple_of3A, %multiple_of3A_548] : memref<64x1000000xf32, #tpu.memory_space<hbm>> -> memref<8x128xf32, #tpu.memory_space<hbm>>
          tpu.enqueue_dma source(%dma_start3A_559 : memref<8x128xf32, #tpu.memory_space<hbm>>) target(%dma_start3A_558 : memref<8x128xf32, #tpu.memory_space<vmem>>) target_semaphore(%arg21 : memref<!tpu.dma_semaphore, #tpu.memory_space<semaphore_mem>>)
          %slice3A_560 = vector.extract_strided_slice %get3A_306 {offsets = [6], sizes = [1], strides = [1]} : vector<16xi32> to vector<1xi32>
          %squeeze3A_561 = vector.extract %slice3A_560[0] : i32 from vector<1xi32>
          %jit3A_562 = arith.constant 128 : i32
          %div3A_563 = arith.divsi %squeeze3A_561, %jit3A_562 : i32
          %sign3A_564 = arith.constant 0 : i32
          %sign3A_565 = arith.cmpi sgt, %squeeze3A_561, %sign3A_564 : i32
          %sign3A_566 = arith.extui %sign3A_565 : i1 to i32
          %sign3A_567 = arith.constant 0 : i32
          %sign3A_568 = arith.cmpi slt, %squeeze3A_561, %sign3A_567 : i32
          %sign3A_569 = arith.extui %sign3A_568 : i1 to i32
          %sign3A_570 = arith.subi %sign3A_566, %sign3A_569 : i32
          %sign3A_571 = arith.constant 0 : i32
          %sign3A_572 = arith.cmpi sgt, %jit3A_562, %sign3A_571 : i32
          %sign3A_573 = arith.extui %sign3A_572 : i1 to i32
          %sign3A_574 = arith.constant 0 : i32
          %sign3A_575 = arith.cmpi slt, %jit3A_562, %sign3A_574 : i32
          %sign3A_576 = arith.extui %sign3A_575 : i1 to i32
          %sign3A_577 = arith.subi %sign3A_573, %sign3A_576 : i32
          %ne3A_578 = arith.cmpi ne, %sign3A_570, %sign3A_577 : i32
          %rem3A_579 = arith.remsi %squeeze3A_561, %jit3A_562 : i32
          %ne3A_580 = arith.constant 0 : i32
          %ne3A_581 = arith.cmpi ne, %rem3A_579, %ne3A_580 : i32
          %and3A_582 = arith.andi %ne3A_578, %ne3A_581 : i1
          %sub3A_583 = arith.constant 1 : i32
          %sub3A_584 = arith.subi %div3A_563, %sub3A_583 : i32
          %select_n3A_585 = arith.select %and3A_582, %sub3A_584, %div3A_563 : i32
          %mul3A_586 = arith.constant 128 : i32
          %mul3A_587 = arith.muli %select_n3A_585, %mul3A_586 : i32
          %min3A_588 = arith.constant 999808 : i32
          %min3A_589 = arith.minsi %mul3A_587, %min3A_588 : i32
          %multiple_of3A_590 = tpu.assume_multiple %min3A_589, 128 : i32
          %dma_start3A_591 = arith.constant 6 : i32
          %dma_start3A_592 = arith.constant 0 : i32
          %dma_start3A_593 = arith.constant 0 : i32
          %dma_start3A_594 = tpu.memref_slice %arg17[%dma_start3A_591, %dma_start3A_592, %dma_start3A_593] : memref<8x8x128xf32, #tpu.memory_space<vmem>> -> memref<1x8x128xf32, #tpu.memory_space<vmem>>
          %dma_start3A_595 = tpu.memref_squeeze %dma_start3A_594 : memref<1x8x128xf32, #tpu.memory_space<vmem>> -> memref<8x128xf32, #tpu.memory_space<vmem>>
          %dma_start3A_596 = tpu.memref_slice %arg4[%multiple_of3A, %multiple_of3A_590] : memref<64x1000000xf32, #tpu.memory_space<hbm>> -> memref<8x128xf32, #tpu.memory_space<hbm>>
          %dma_start3A_597 = arith.constant 0 : i32
          %dma_start3A_598 = arith.constant 0 : i32
          %dma_start3A_599 = tpu.memref_slice %arg17[%dma_start3A_591, %dma_start3A_597, %dma_start3A_598] : memref<8x8x128xf32, #tpu.memory_space<vmem>> -> memref<1x8x128xf32, #tpu.memory_space<vmem>>
          %dma_start3A_600 = tpu.memref_squeeze %dma_start3A_599 : memref<1x8x128xf32, #tpu.memory_space<vmem>> -> memref<8x128xf32, #tpu.memory_space<vmem>>
          %dma_start3A_601 = tpu.memref_slice %arg4[%multiple_of3A, %multiple_of3A_590] : memref<64x1000000xf32, #tpu.memory_space<hbm>> -> memref<8x128xf32, #tpu.memory_space<hbm>>
          tpu.enqueue_dma source(%dma_start3A_601 : memref<8x128xf32, #tpu.memory_space<hbm>>) target(%dma_start3A_600 : memref<8x128xf32, #tpu.memory_space<vmem>>) target_semaphore(%arg21 : memref<!tpu.dma_semaphore, #tpu.memory_space<semaphore_mem>>)
          %slice3A_602 = vector.extract_strided_slice %get3A_306 {offsets = [7], sizes = [1], strides = [1]} : vector<16xi32> to vector<1xi32>
          %squeeze3A_603 = vector.extract %slice3A_602[0] : i32 from vector<1xi32>
          %jit3A_604 = arith.constant 128 : i32
          %div3A_605 = arith.divsi %squeeze3A_603, %jit3A_604 : i32
          %sign3A_606 = arith.constant 0 : i32
          %sign3A_607 = arith.cmpi sgt, %squeeze3A_603, %sign3A_606 : i32
          %sign3A_608 = arith.extui %sign3A_607 : i1 to i32
          %sign3A_609 = arith.constant 0 : i32
          %sign3A_610 = arith.cmpi slt, %squeeze3A_603, %sign3A_609 : i32
          %sign3A_611 = arith.extui %sign3A_610 : i1 to i32
          %sign3A_612 = arith.subi %sign3A_608, %sign3A_611 : i32
          %sign3A_613 = arith.constant 0 : i32
          %sign3A_614 = arith.cmpi sgt, %jit3A_604, %sign3A_613 : i32
          %sign3A_615 = arith.extui %sign3A_614 : i1 to i32
          %sign3A_616 = arith.constant 0 : i32
          %sign3A_617 = arith.cmpi slt, %jit3A_604, %sign3A_616 : i32
          %sign3A_618 = arith.extui %sign3A_617 : i1 to i32
          %sign3A_619 = arith.subi %sign3A_615, %sign3A_618 : i32
          %ne3A_620 = arith.cmpi ne, %sign3A_612, %sign3A_619 : i32
          %rem3A_621 = arith.remsi %squeeze3A_603, %jit3A_604 : i32
          %ne3A_622 = arith.constant 0 : i32
          %ne3A_623 = arith.cmpi ne, %rem3A_621, %ne3A_622 : i32
          %and3A_624 = arith.andi %ne3A_620, %ne3A_623 : i1
          %sub3A_625 = arith.constant 1 : i32
          %sub3A_626 = arith.subi %div3A_605, %sub3A_625 : i32
          %select_n3A_627 = arith.select %and3A_624, %sub3A_626, %div3A_605 : i32
          %mul3A_628 = arith.constant 128 : i32
          %mul3A_629 = arith.muli %select_n3A_627, %mul3A_628 : i32
          %min3A_630 = arith.constant 999808 : i32
          %min3A_631 = arith.minsi %mul3A_629, %min3A_630 : i32
          %multiple_of3A_632 = tpu.assume_multiple %min3A_631, 128 : i32
          %dma_start3A_633 = arith.constant 7 : i32
          %dma_start3A_634 = arith.constant 0 : i32
          %dma_start3A_635 = arith.constant 0 : i32
          %dma_start3A_636 = tpu.memref_slice %arg17[%dma_start3A_633, %dma_start3A_634, %dma_start3A_635] : memref<8x8x128xf32, #tpu.memory_space<vmem>> -> memref<1x8x128xf32, #tpu.memory_space<vmem>>
          %dma_start3A_637 = tpu.memref_squeeze %dma_start3A_636 : memref<1x8x128xf32, #tpu.memory_space<vmem>> -> memref<8x128xf32, #tpu.memory_space<vmem>>
          %dma_start3A_638 = tpu.memref_slice %arg4[%multiple_of3A, %multiple_of3A_632] : memref<64x1000000xf32, #tpu.memory_space<hbm>> -> memref<8x128xf32, #tpu.memory_space<hbm>>
          %dma_start3A_639 = arith.constant 0 : i32
          %dma_start3A_640 = arith.constant 0 : i32
          %dma_start3A_641 = tpu.memref_slice %arg17[%dma_start3A_633, %dma_start3A_639, %dma_start3A_640] : memref<8x8x128xf32, #tpu.memory_space<vmem>> -> memref<1x8x128xf32, #tpu.memory_space<vmem>>
          %dma_start3A_642 = tpu.memref_squeeze %dma_start3A_641 : memref<1x8x128xf32, #tpu.memory_space<vmem>> -> memref<8x128xf32, #tpu.memory_space<vmem>>
          %dma_start3A_643 = tpu.memref_slice %arg4[%multiple_of3A, %multiple_of3A_632] : memref<64x1000000xf32, #tpu.memory_space<hbm>> -> memref<8x128xf32, #tpu.memory_space<hbm>>
          tpu.enqueue_dma source(%dma_start3A_643 : memref<8x128xf32, #tpu.memory_space<hbm>>) target(%dma_start3A_642 : memref<8x128xf32, #tpu.memory_space<vmem>>) target_semaphore(%arg21 : memref<!tpu.dma_semaphore, #tpu.memory_space<semaphore_mem>>)
          %dma_wait3A_644 = arith.constant 0 : i32
          %dma_wait3A_645 = arith.constant 0 : i32
          %dma_wait3A_646 = arith.constant 0 : i32
          %dma_wait3A_647 = tpu.memref_slice %arg17[%dma_wait3A_644, %dma_wait3A_645, %dma_wait3A_646] : memref<8x8x128xf32, #tpu.memory_space<vmem>> -> memref<1x8x128xf32, #tpu.memory_space<vmem>>
          %dma_wait3A_648 = tpu.memref_squeeze %dma_wait3A_647 : memref<1x8x128xf32, #tpu.memory_space<vmem>> -> memref<8x128xf32, #tpu.memory_space<vmem>>
          %dma_wait3A_649 = arith.constant 0 : i32
          %dma_wait3A_650 = arith.constant 0 : i32
          %dma_wait3A_651 = tpu.memref_slice %arg4[%dma_wait3A_649, %dma_wait3A_650] : memref<64x1000000xf32, #tpu.memory_space<hbm>> -> memref<8x128xf32, #tpu.memory_space<hbm>>
          %dma_wait3A_652 = arith.constant 0 : i32
          %dma_wait3A_653 = arith.constant 0 : i32
          %dma_wait3A_654 = tpu.memref_slice %arg17[%dma_wait3A_644, %dma_wait3A_652, %dma_wait3A_653] : memref<8x8x128xf32, #tpu.memory_space<vmem>> -> memref<1x8x128xf32, #tpu.memory_space<vmem>>
          %dma_wait3A_655 = tpu.memref_squeeze %dma_wait3A_654 : memref<1x8x128xf32, #tpu.memory_space<vmem>> -> memref<8x128xf32, #tpu.memory_space<vmem>>
          %dma_wait3A_656 = arith.constant 0 : i32
          %dma_wait3A_657 = arith.constant 0 : i32
          %dma_wait3A_658 = tpu.memref_slice %arg4[%dma_wait3A_656, %dma_wait3A_657] : memref<64x1000000xf32, #tpu.memory_space<hbm>> -> memref<8x128xf32, #tpu.memory_space<hbm>>
          tpu.wait_dma2 semaphore(%arg21 : memref<!tpu.dma_semaphore, #tpu.memory_space<semaphore_mem>>) src(%dma_wait3A_658 : memref<8x128xf32, #tpu.memory_space<hbm>>) dst(%dma_wait3A_655 : memref<8x128xf32, #tpu.memory_space<vmem>>)
          %dma_wait3A_659 = arith.constant 1 : i32
          %dma_wait3A_660 = arith.constant 0 : i32
          %dma_wait3A_661 = arith.constant 0 : i32
          %dma_wait3A_662 = tpu.memref_slice %arg17[%dma_wait3A_659, %dma_wait3A_660, %dma_wait3A_661] : memref<8x8x128xf32, #tpu.memory_space<vmem>> -> memref<1x8x128xf32, #tpu.memory_space<vmem>>
          %dma_wait3A_663 = tpu.memref_squeeze %dma_wait3A_662 : memref<1x8x128xf32, #tpu.memory_space<vmem>> -> memref<8x128xf32, #tpu.memory_space<vmem>>
          %dma_wait3A_664 = arith.constant 0 : i32
          %dma_wait3A_665 = arith.constant 0 : i32
          %dma_wait3A_666 = tpu.memref_slice %arg4[%dma_wait3A_664, %dma_wait3A_665] : memref<64x1000000xf32, #tpu.memory_space<hbm>> -> memref<8x128xf32, #tpu.memory_space<hbm>>
          %dma_wait3A_667 = arith.constant 0 : i32
          %dma_wait3A_668 = arith.constant 0 : i32
          %dma_wait3A_669 = tpu.memref_slice %arg17[%dma_wait3A_659, %dma_wait3A_667, %dma_wait3A_668] : memref<8x8x128xf32, #tpu.memory_space<vmem>> -> memref<1x8x128xf32, #tpu.memory_space<vmem>>
          %dma_wait3A_670 = tpu.memref_squeeze %dma_wait3A_669 : memref<1x8x128xf32, #tpu.memory_space<vmem>> -> memref<8x128xf32, #tpu.memory_space<vmem>>
          %dma_wait3A_671 = arith.constant 0 : i32
          %dma_wait3A_672 = arith.constant 0 : i32
          %dma_wait3A_673 = tpu.memref_slice %arg4[%dma_wait3A_671, %dma_wait3A_672] : memref<64x1000000xf32, #tpu.memory_space<hbm>> -> memref<8x128xf32, #tpu.memory_space<hbm>>
          tpu.wait_dma2 semaphore(%arg21 : memref<!tpu.dma_semaphore, #tpu.memory_space<semaphore_mem>>) src(%dma_wait3A_673 : memref<8x128xf32, #tpu.memory_space<hbm>>) dst(%dma_wait3A_670 : memref<8x128xf32, #tpu.memory_space<vmem>>)
          %slice3A_674 = vector.extract_strided_slice %get3A_306 {offsets = [0], sizes = [1], strides = [1]} : vector<16xi32> to vector<1xi32>
          %squeeze3A_675 = vector.extract %slice3A_674[0] : i32 from vector<1xi32>
          %slice3A_676 = vector.extract_strided_slice %get3A_306 {offsets = [1], sizes = [1], strides = [1]} : vector<16xi32> to vector<1xi32>
          %squeeze3A_677 = vector.extract %slice3A_676[0] : i32 from vector<1xi32>
          %lt3A_678 = arith.constant 8 : i32
          %lt3A_679 = vector.broadcast %lt3A_678 : i32 to vector<16xi32>
          %lt3A_680 = arith.cmpi slt, %iota3A, %lt3A_679 : vector<16xi32>
          %broadcast_in_dim3A_681 = arith.constant 0 : i32
          %broadcast_in_dim3A_682 = vector.broadcast %broadcast_in_dim3A_681 : i32 to vector<16xi32>
          %add3A_683 = vector.broadcast %squeeze3A_675 : i32 to vector<16xi32>
          %add3A_684 = arith.addi %broadcast_in_dim3A_682, %add3A_683 : vector<16xi32>
          %broadcast_in_dim3A_685 = arith.constant 0 : i32
          %broadcast_in_dim3A_686 = vector.broadcast %broadcast_in_dim3A_685 : i32 to vector<16xi32>
          %add3A_687 = vector.broadcast %squeeze3A_677 : i32 to vector<16xi32>
          %add3A_688 = arith.addi %broadcast_in_dim3A_686, %add3A_687 : vector<16xi32>
          %select_n3A_689 = arith.select %lt3A_680, %add3A_684, %add3A_688 : vector<16xi1>, vector<16xi32>
          %jit3A_690 = arith.constant 128 : i32
          %div3A_691 = vector.broadcast %jit3A_690 : i32 to vector<16xi32>
          %div3A_692 = arith.divsi %select_n3A_689, %div3A_691 : vector<16xi32>
          %sign3A_693 = arith.constant 0 : i32
          %sign3A_694 = vector.broadcast %sign3A_693 : i32 to vector<16xi32>
          %sign3A_695 = arith.cmpi sgt, %select_n3A_689, %sign3A_694 : vector<16xi32>
          %sign3A_696 = arith.extui %sign3A_695 : vector<16xi1> to vector<16xi32>
          %sign3A_697 = arith.constant 0 : i32
          %sign3A_698 = vector.broadcast %sign3A_697 : i32 to vector<16xi32>
          %sign3A_699 = arith.cmpi slt, %select_n3A_689, %sign3A_698 : vector<16xi32>
          %sign3A_700 = arith.extui %sign3A_699 : vector<16xi1> to vector<16xi32>
          %sign3A_701 = arith.subi %sign3A_696, %sign3A_700 : vector<16xi32>
          %sign3A_702 = arith.constant 0 : i32
          %sign3A_703 = arith.cmpi sgt, %jit3A_690, %sign3A_702 : i32
          %sign3A_704 = arith.extui %sign3A_703 : i1 to i32
          %sign3A_705 = arith.constant 0 : i32
          %sign3A_706 = arith.cmpi slt, %jit3A_690, %sign3A_705 : i32
          %sign3A_707 = arith.extui %sign3A_706 : i1 to i32
          %sign3A_708 = arith.subi %sign3A_704, %sign3A_707 : i32
          %ne3A_709 = vector.broadcast %sign3A_708 : i32 to vector<16xi32>
          %ne3A_710 = arith.cmpi ne, %sign3A_701, %ne3A_709 : vector<16xi32>
          %rem3A_711 = vector.broadcast %jit3A_690 : i32 to vector<16xi32>
          %rem3A_712 = arith.remsi %select_n3A_689, %rem3A_711 : vector<16xi32>
          %ne3A_713 = arith.constant 0 : i32
          %ne3A_714 = vector.broadcast %ne3A_713 : i32 to vector<16xi32>
          %ne3A_715 = arith.cmpi ne, %rem3A_712, %ne3A_714 : vector<16xi32>
          %and3A_716 = arith.andi %ne3A_710, %ne3A_715 : vector<16xi1>
          %sub3A_717 = arith.constant 1 : i32
          %sub3A_718 = vector.broadcast %sub3A_717 : i32 to vector<16xi32>
          %sub3A_719 = arith.subi %div3A_692, %sub3A_718 : vector<16xi32>
          %select_n3A_720 = arith.select %and3A_716, %sub3A_719, %div3A_692 : vector<16xi1>, vector<16xi32>
          %mul3A_721 = arith.constant 128 : i32
          %mul3A_722 = vector.broadcast %mul3A_721 : i32 to vector<16xi32>
          %mul3A_723 = arith.muli %select_n3A_720, %mul3A_722 : vector<16xi32>
          %min3A_724 = arith.constant 999808 : i32
          %min3A_725 = vector.broadcast %min3A_724 : i32 to vector<16xi32>
          %min3A_726 = arith.minsi %mul3A_723, %min3A_725 : vector<16xi32>
          %sub3A_727 = arith.subi %select_n3A_689, %min3A_726 : vector<16xi32>
          %sub3A_728 = arith.constant 999936 : i32
          %sub3A_729 = vector.broadcast %sub3A_728 : i32 to vector<16xi32>
          %sub3A_730 = arith.subi %select_n3A_689, %sub3A_729 : vector<16xi32>
          %max3A = arith.constant 0 : i32
          %max3A_731 = vector.broadcast %max3A : i32 to vector<16xi32>
          %max3A_732 = arith.maxsi %sub3A_730, %max3A_731 : vector<16xi32>
          %add3A_733 = arith.constant 0 : i32
          %add3A_734 = vector.broadcast %add3A_733 : i32 to vector<16xi32>
          %add3A_735 = arith.addi %add3A_734, %select_n3A : vector<16xi32>
          %gather3A = tpu.vector_load_idx %arg17[%add3A_735, %rem3A_97, %sub3A_727] : memref<8x8x128xf32, #tpu.memory_space<vmem>>[vector<16xi32>, vector<16xi32>, vector<16xi32>], vector<16xf32>,
          %mul3A_736 = arith.constant 8 : i32
          %mul3A_737 = arith.muli %add3A_172, %mul3A_736 : i32
          %add3A_738 = vector.broadcast %mul3A_737 : i32 to vector<16xi32>
          %add3A_739 = arith.addi %add3A_738, %rem3A_97 : vector<16xi32>
          %broadcast_in_dim3A_740 = arith.constant 0 : i32
          %broadcast_in_dim3A_741 = vector.broadcast %broadcast_in_dim3A_740 : i32 to vector<16xi32>
          %mul3A_742 = arith.constant 64 : i32
          %mul3A_743 = vector.broadcast %mul3A_742 : i32 to vector<16xi32>
          %mul3A_744 = arith.muli %add3A_739, %mul3A_743 : vector<16xi32>
          %add3A_745 = arith.addi %mul3A_744, %max3A_732 : vector<16xi32>
          %gather3A_746 = tpu.vector_load_idx %arg16[%broadcast_in_dim3A_741, %add3A_745] : memref<2x2048xf32, #tpu.memory_space<vmem>>[vector<16xi32>, vector<16xi32>], vector<16xf32>,
          %ge3A = arith.constant 999936 : i32
          %ge3A_747 = vector.broadcast %ge3A : i32 to vector<16xi32>
          %ge3A_748 = arith.cmpi sge, %select_n3A_689, %ge3A_747 : vector<16xi32>
          %select_n3A_749 = arith.select %ge3A_748, %gather3A_746, %gather3A : vector<16xi1>, vector<16xf32>
          %mul3A_750 = arith.constant 8 : i32
          %mul3A_751 = arith.muli %add3A_303, %mul3A_750 : i32
          %add3A_752 = vector.broadcast %mul3A_751 : i32 to vector<16xi32>
          %add3A_753 = arith.addi %add3A_752, %add3A_735 : vector<16xi32>
          tpu.vector_store_idx %arg13[%add3A_739, %add3A_753], %select_n3A_749 : memref<32x256xf32, #tpu.memory_space<vmem>>[vector<16xi32>, vector<16xi32>], vector<16xf32>,
          %dma_wait3A_754 = arith.constant 2 : i32
          %dma_wait3A_755 = arith.constant 0 : i32
          %dma_wait3A_756 = arith.constant 0 : i32
          %dma_wait3A_757 = tpu.memref_slice %arg17[%dma_wait3A_754, %dma_wait3A_755, %dma_wait3A_756] : memref<8x8x128xf32, #tpu.memory_space<vmem>> -> memref<1x8x128xf32, #tpu.memory_space<vmem>>
          %dma_wait3A_758 = tpu.memref_squeeze %dma_wait3A_757 : memref<1x8x128xf32, #tpu.memory_space<vmem>> -> memref<8x128xf32, #tpu.memory_space<vmem>>
          %dma_wait3A_759 = arith.constant 0 : i32
          %dma_wait3A_760 = arith.constant 0 : i32
          %dma_wait3A_761 = tpu.memref_slice %arg4[%dma_wait3A_759, %dma_wait3A_760] : memref<64x1000000xf32, #tpu.memory_space<hbm>> -> memref<8x128xf32, #tpu.memory_space<hbm>>
          %dma_wait3A_762 = arith.constant 0 : i32
          %dma_wait3A_763 = arith.constant 0 : i32
          %dma_wait3A_764 = tpu.memref_slice %arg17[%dma_wait3A_754, %dma_wait3A_762, %dma_wait3A_763] : memref<8x8x128xf32, #tpu.memory_space<vmem>> -> memref<1x8x128xf32, #tpu.memory_space<vmem>>
          %dma_wait3A_765 = tpu.memref_squeeze %dma_wait3A_764 : memref<1x8x128xf32, #tpu.memory_space<vmem>> -> memref<8x128xf32, #tpu.memory_space<vmem>>
          %dma_wait3A_766 = arith.constant 0 : i32
          %dma_wait3A_767 = arith.constant 0 : i32
          %dma_wait3A_768 = tpu.memref_slice %arg4[%dma_wait3A_766, %dma_wait3A_767] : memref<64x1000000xf32, #tpu.memory_space<hbm>> -> memref<8x128xf32, #tpu.memory_space<hbm>>
          tpu.wait_dma2 semaphore(%arg21 : memref<!tpu.dma_semaphore, #tpu.memory_space<semaphore_mem>>) src(%dma_wait3A_768 : memref<8x128xf32, #tpu.memory_space<hbm>>) dst(%dma_wait3A_765 : memref<8x128xf32, #tpu.memory_space<vmem>>)
          %dma_wait3A_769 = arith.constant 3 : i32
          %dma_wait3A_770 = arith.constant 0 : i32
          %dma_wait3A_771 = arith.constant 0 : i32
          %dma_wait3A_772 = tpu.memref_slice %arg17[%dma_wait3A_769, %dma_wait3A_770, %dma_wait3A_771] : memref<8x8x128xf32, #tpu.memory_space<vmem>> -> memref<1x8x128xf32, #tpu.memory_space<vmem>>
          %dma_wait3A_773 = tpu.memref_squeeze %dma_wait3A_772 : memref<1x8x128xf32, #tpu.memory_space<vmem>> -> memref<8x128xf32, #tpu.memory_space<vmem>>
          %dma_wait3A_774 = arith.constant 0 : i32
          %dma_wait3A_775 = arith.constant 0 : i32
          %dma_wait3A_776 = tpu.memref_slice %arg4[%dma_wait3A_774, %dma_wait3A_775] : memref<64x1000000xf32, #tpu.memory_space<hbm>> -> memref<8x128xf32, #tpu.memory_space<hbm>>
          %dma_wait3A_777 = arith.constant 0 : i32
          %dma_wait3A_778 = arith.constant 0 : i32
          %dma_wait3A_779 = tpu.memref_slice %arg17[%dma_wait3A_769, %dma_wait3A_777, %dma_wait3A_778] : memref<8x8x128xf32, #tpu.memory_space<vmem>> -> memref<1x8x128xf32, #tpu.memory_space<vmem>>
          %dma_wait3A_780 = tpu.memref_squeeze %dma_wait3A_779 : memref<1x8x128xf32, #tpu.memory_space<vmem>> -> memref<8x128xf32, #tpu.memory_space<vmem>>
          %dma_wait3A_781 = arith.constant 0 : i32
          %dma_wait3A_782 = arith.constant 0 : i32
          %dma_wait3A_783 = tpu.memref_slice %arg4[%dma_wait3A_781, %dma_wait3A_782] : memref<64x1000000xf32, #tpu.memory_space<hbm>> -> memref<8x128xf32, #tpu.memory_space<hbm>>
          tpu.wait_dma2 semaphore(%arg21 : memref<!tpu.dma_semaphore, #tpu.memory_space<semaphore_mem>>) src(%dma_wait3A_783 : memref<8x128xf32, #tpu.memory_space<hbm>>) dst(%dma_wait3A_780 : memref<8x128xf32, #tpu.memory_space<vmem>>)
          %slice3A_784 = vector.extract_strided_slice %get3A_306 {offsets = [2], sizes = [1], strides = [1]} : vector<16xi32> to vector<1xi32>
          %squeeze3A_785 = vector.extract %slice3A_784[0] : i32 from vector<1xi32>
          %slice3A_786 = vector.extract_strided_slice %get3A_306 {offsets = [3], sizes = [1], strides = [1]} : vector<16xi32> to vector<1xi32>
          %squeeze3A_787 = vector.extract %slice3A_786[0] : i32 from vector<1xi32>
          %lt3A_788 = arith.constant 8 : i32
          %lt3A_789 = vector.broadcast %lt3A_788 : i32 to vector<16xi32>
          %lt3A_790 = arith.cmpi slt, %iota3A, %lt3A_789 : vector<16xi32>
          %broadcast_in_dim3A_791 = arith.constant 0 : i32
          %broadcast_in_dim3A_792 = vector.broadcast %broadcast_in_dim3A_791 : i32 to vector<16xi32>
          %add3A_793 = vector.broadcast %squeeze3A_785 : i32 to vector<16xi32>
          %add3A_794 = arith.addi %broadcast_in_dim3A_792, %add3A_793 : vector<16xi32>
          %broadcast_in_dim3A_795 = arith.constant 0 : i32
          %broadcast_in_dim3A_796 = vector.broadcast %broadcast_in_dim3A_795 : i32 to vector<16xi32>
          %add3A_797 = vector.broadcast %squeeze3A_787 : i32 to vector<16xi32>
          %add3A_798 = arith.addi %broadcast_in_dim3A_796, %add3A_797 : vector<16xi32>
          %select_n3A_799 = arith.select %lt3A_790, %add3A_794, %add3A_798 : vector<16xi1>, vector<16xi32>
          %jit3A_800 = arith.constant 128 : i32
          %div3A_801 = vector.broadcast %jit3A_800 : i32 to vector<16xi32>
          %div3A_802 = arith.divsi %select_n3A_799, %div3A_801 : vector<16xi32>
          %sign3A_803 = arith.constant 0 : i32
          %sign3A_804 = vector.broadcast %sign3A_803 : i32 to vector<16xi32>
          %sign3A_805 = arith.cmpi sgt, %select_n3A_799, %sign3A_804 : vector<16xi32>
          %sign3A_806 = arith.extui %sign3A_805 : vector<16xi1> to vector<16xi32>
          %sign3A_807 = arith.constant 0 : i32
          %sign3A_808 = vector.broadcast %sign3A_807 : i32 to vector<16xi32>
          %sign3A_809 = arith.cmpi slt, %select_n3A_799, %sign3A_808 : vector<16xi32>
          %sign3A_810 = arith.extui %sign3A_809 : vector<16xi1> to vector<16xi32>
          %sign3A_811 = arith.subi %sign3A_806, %sign3A_810 : vector<16xi32>
          %sign3A_812 = arith.constant 0 : i32
          %sign3A_813 = arith.cmpi sgt, %jit3A_800, %sign3A_812 : i32
          %sign3A_814 = arith.extui %sign3A_813 : i1 to i32
          %sign3A_815 = arith.constant 0 : i32
          %sign3A_816 = arith.cmpi slt, %jit3A_800, %sign3A_815 : i32
          %sign3A_817 = arith.extui %sign3A_816 : i1 to i32
          %sign3A_818 = arith.subi %sign3A_814, %sign3A_817 : i32
          %ne3A_819 = vector.broadcast %sign3A_818 : i32 to vector<16xi32>
          %ne3A_820 = arith.cmpi ne, %sign3A_811, %ne3A_819 : vector<16xi32>
          %rem3A_821 = vector.broadcast %jit3A_800 : i32 to vector<16xi32>
          %rem3A_822 = arith.remsi %select_n3A_799, %rem3A_821 : vector<16xi32>
          %ne3A_823 = arith.constant 0 : i32
          %ne3A_824 = vector.broadcast %ne3A_823 : i32 to vector<16xi32>
          %ne3A_825 = arith.cmpi ne, %rem3A_822, %ne3A_824 : vector<16xi32>
          %and3A_826 = arith.andi %ne3A_820, %ne3A_825 : vector<16xi1>
          %sub3A_827 = arith.constant 1 : i32
          %sub3A_828 = vector.broadcast %sub3A_827 : i32 to vector<16xi32>
          %sub3A_829 = arith.subi %div3A_802, %sub3A_828 : vector<16xi32>
          %select_n3A_830 = arith.select %and3A_826, %sub3A_829, %div3A_802 : vector<16xi1>, vector<16xi32>
          %mul3A_831 = arith.constant 128 : i32
          %mul3A_832 = vector.broadcast %mul3A_831 : i32 to vector<16xi32>
          %mul3A_833 = arith.muli %select_n3A_830, %mul3A_832 : vector<16xi32>
          %min3A_834 = arith.constant 999808 : i32
          %min3A_835 = vector.broadcast %min3A_834 : i32 to vector<16xi32>
          %min3A_836 = arith.minsi %mul3A_833, %min3A_835 : vector<16xi32>
          %sub3A_837 = arith.subi %select_n3A_799, %min3A_836 : vector<16xi32>
          %sub3A_838 = arith.constant 999936 : i32
          %sub3A_839 = vector.broadcast %sub3A_838 : i32 to vector<16xi32>
          %sub3A_840 = arith.subi %select_n3A_799, %sub3A_839 : vector<16xi32>
          %max3A_841 = arith.constant 0 : i32
          %max3A_842 = vector.broadcast %max3A_841 : i32 to vector<16xi32>
          %max3A_843 = arith.maxsi %sub3A_840, %max3A_842 : vector<16xi32>
          %add3A_844 = arith.constant 2 : i32
          %add3A_845 = vector.broadcast %add3A_844 : i32 to vector<16xi32>
          %add3A_846 = arith.addi %add3A_845, %select_n3A : vector<16xi32>
          %gather3A_847 = tpu.vector_load_idx %arg17[%add3A_846, %rem3A_97, %sub3A_837] : memref<8x8x128xf32, #tpu.memory_space<vmem>>[vector<16xi32>, vector<16xi32>, vector<16xi32>], vector<16xf32>,
          %mul3A_848 = arith.constant 8 : i32
          %mul3A_849 = arith.muli %add3A_172, %mul3A_848 : i32
          %add3A_850 = vector.broadcast %mul3A_849 : i32 to vector<16xi32>
          %add3A_851 = arith.addi %add3A_850, %rem3A_97 : vector<16xi32>
          %broadcast_in_dim3A_852 = arith.constant 0 : i32
          %broadcast_in_dim3A_853 = vector.broadcast %broadcast_in_dim3A_852 : i32 to vector<16xi32>
          %mul3A_854 = arith.constant 64 : i32
          %mul3A_855 = vector.broadcast %mul3A_854 : i32 to vector<16xi32>
          %mul3A_856 = arith.muli %add3A_851, %mul3A_855 : vector<16xi32>
          %add3A_857 = arith.addi %mul3A_856, %max3A_843 : vector<16xi32>
          %gather3A_858 = tpu.vector_load_idx %arg16[%broadcast_in_dim3A_853, %add3A_857] : memref<2x2048xf32, #tpu.memory_space<vmem>>[vector<16xi32>, vector<16xi32>], vector<16xf32>,
          %ge3A_859 = arith.constant 999936 : i32
          %ge3A_860 = vector.broadcast %ge3A_859 : i32 to vector<16xi32>
          %ge3A_861 = arith.cmpi sge, %select_n3A_799, %ge3A_860 : vector<16xi32>
          %select_n3A_862 = arith.select %ge3A_861, %gather3A_858, %gather3A_847 : vector<16xi1>, vector<16xf32>
          %mul3A_863 = arith.constant 8 : i32
          %mul3A_864 = arith.muli %add3A_303, %mul3A_863 : i32
          %add3A_865 = vector.broadcast %mul3A_864 : i32 to vector<16xi32>
          %add3A_866 = arith.addi %add3A_865, %add3A_846 : vector<16xi32>
          tpu.vector_store_idx %arg13[%add3A_851, %add3A_866], %select_n3A_862 : memref<32x256xf32, #tpu.memory_space<vmem>>[vector<16xi32>, vector<16xi32>], vector<16xf32>,
          %dma_wait3A_867 = arith.constant 4 : i32
          %dma_wait3A_868 = arith.constant 0 : i32
          %dma_wait3A_869 = arith.constant 0 : i32
          %dma_wait3A_870 = tpu.memref_slice %arg17[%dma_wait3A_867, %dma_wait3A_868, %dma_wait3A_869] : memref<8x8x128xf32, #tpu.memory_space<vmem>> -> memref<1x8x128xf32, #tpu.memory_space<vmem>>
          %dma_wait3A_871 = tpu.memref_squeeze %dma_wait3A_870 : memref<1x8x128xf32, #tpu.memory_space<vmem>> -> memref<8x128xf32, #tpu.memory_space<vmem>>
          %dma_wait3A_872 = arith.constant 0 : i32
          %dma_wait3A_873 = arith.constant 0 : i32
          %dma_wait3A_874 = tpu.memref_slice %arg4[%dma_wait3A_872, %dma_wait3A_873] : memref<64x1000000xf32, #tpu.memory_space<hbm>> -> memref<8x128xf32, #tpu.memory_space<hbm>>
          %dma_wait3A_875 = arith.constant 0 : i32
          %dma_wait3A_876 = arith.constant 0 : i32
          %dma_wait3A_877 = tpu.memref_slice %arg17[%dma_wait3A_867, %dma_wait3A_875, %dma_wait3A_876] : memref<8x8x128xf32, #tpu.memory_space<vmem>> -> memref<1x8x128xf32, #tpu.memory_space<vmem>>
          %dma_wait3A_878 = tpu.memref_squeeze %dma_wait3A_877 : memref<1x8x128xf32, #tpu.memory_space<vmem>> -> memref<8x128xf32, #tpu.memory_space<vmem>>
          %dma_wait3A_879 = arith.constant 0 : i32
          %dma_wait3A_880 = arith.constant 0 : i32
          %dma_wait3A_881 = tpu.memref_slice %arg4[%dma_wait3A_879, %dma_wait3A_880] : memref<64x1000000xf32, #tpu.memory_space<hbm>> -> memref<8x128xf32, #tpu.memory_space<hbm>>
          tpu.wait_dma2 semaphore(%arg21 : memref<!tpu.dma_semaphore, #tpu.memory_space<semaphore_mem>>) src(%dma_wait3A_881 : memref<8x128xf32, #tpu.memory_space<hbm>>) dst(%dma_wait3A_878 : memref<8x128xf32, #tpu.memory_space<vmem>>)
          %dma_wait3A_882 = arith.constant 5 : i32
          %dma_wait3A_883 = arith.constant 0 : i32
          %dma_wait3A_884 = arith.constant 0 : i32
          %dma_wait3A_885 = tpu.memref_slice %arg17[%dma_wait3A_882, %dma_wait3A_883, %dma_wait3A_884] : memref<8x8x128xf32, #tpu.memory_space<vmem>> -> memref<1x8x128xf32, #tpu.memory_space<vmem>>
          %dma_wait3A_886 = tpu.memref_squeeze %dma_wait3A_885 : memref<1x8x128xf32, #tpu.memory_space<vmem>> -> memref<8x128xf32, #tpu.memory_space<vmem>>
          %dma_wait3A_887 = arith.constant 0 : i32
          %dma_wait3A_888 = arith.constant 0 : i32
          %dma_wait3A_889 = tpu.memref_slice %arg4[%dma_wait3A_887, %dma_wait3A_888] : memref<64x1000000xf32, #tpu.memory_space<hbm>> -> memref<8x128xf32, #tpu.memory_space<hbm>>
          %dma_wait3A_890 = arith.constant 0 : i32
          %dma_wait3A_891 = arith.constant 0 : i32
          %dma_wait3A_892 = tpu.memref_slice %arg17[%dma_wait3A_882, %dma_wait3A_890, %dma_wait3A_891] : memref<8x8x128xf32, #tpu.memory_space<vmem>> -> memref<1x8x128xf32, #tpu.memory_space<vmem>>
          %dma_wait3A_893 = tpu.memref_squeeze %dma_wait3A_892 : memref<1x8x128xf32, #tpu.memory_space<vmem>> -> memref<8x128xf32, #tpu.memory_space<vmem>>
          %dma_wait3A_894 = arith.constant 0 : i32
          %dma_wait3A_895 = arith.constant 0 : i32
          %dma_wait3A_896 = tpu.memref_slice %arg4[%dma_wait3A_894, %dma_wait3A_895] : memref<64x1000000xf32, #tpu.memory_space<hbm>> -> memref<8x128xf32, #tpu.memory_space<hbm>>
          tpu.wait_dma2 semaphore(%arg21 : memref<!tpu.dma_semaphore, #tpu.memory_space<semaphore_mem>>) src(%dma_wait3A_896 : memref<8x128xf32, #tpu.memory_space<hbm>>) dst(%dma_wait3A_893 : memref<8x128xf32, #tpu.memory_space<vmem>>)
          %slice3A_897 = vector.extract_strided_slice %get3A_306 {offsets = [4], sizes = [1], strides = [1]} : vector<16xi32> to vector<1xi32>
          %squeeze3A_898 = vector.extract %slice3A_897[0] : i32 from vector<1xi32>
          %slice3A_899 = vector.extract_strided_slice %get3A_306 {offsets = [5], sizes = [1], strides = [1]} : vector<16xi32> to vector<1xi32>
          %squeeze3A_900 = vector.extract %slice3A_899[0] : i32 from vector<1xi32>
          %lt3A_901 = arith.constant 8 : i32
          %lt3A_902 = vector.broadcast %lt3A_901 : i32 to vector<16xi32>
          %lt3A_903 = arith.cmpi slt, %iota3A, %lt3A_902 : vector<16xi32>
          %broadcast_in_dim3A_904 = arith.constant 0 : i32
          %broadcast_in_dim3A_905 = vector.broadcast %broadcast_in_dim3A_904 : i32 to vector<16xi32>
          %add3A_906 = vector.broadcast %squeeze3A_898 : i32 to vector<16xi32>
          %add3A_907 = arith.addi %broadcast_in_dim3A_905, %add3A_906 : vector<16xi32>
          %broadcast_in_dim3A_908 = arith.constant 0 : i32
          %broadcast_in_dim3A_909 = vector.broadcast %broadcast_in_dim3A_908 : i32 to vector<16xi32>
          %add3A_910 = vector.broadcast %squeeze3A_900 : i32 to vector<16xi32>
          %add3A_911 = arith.addi %broadcast_in_dim3A_909, %add3A_910 : vector<16xi32>
          %select_n3A_912 = arith.select %lt3A_903, %add3A_907, %add3A_911 : vector<16xi1>, vector<16xi32>
          %jit3A_913 = arith.constant 128 : i32
          %div3A_914 = vector.broadcast %jit3A_913 : i32 to vector<16xi32>
          %div3A_915 = arith.divsi %select_n3A_912, %div3A_914 : vector<16xi32>
          %sign3A_916 = arith.constant 0 : i32
          %sign3A_917 = vector.broadcast %sign3A_916 : i32 to vector<16xi32>
          %sign3A_918 = arith.cmpi sgt, %select_n3A_912, %sign3A_917 : vector<16xi32>
          %sign3A_919 = arith.extui %sign3A_918 : vector<16xi1> to vector<16xi32>
          %sign3A_920 = arith.constant 0 : i32
          %sign3A_921 = vector.broadcast %sign3A_920 : i32 to vector<16xi32>
          %sign3A_922 = arith.cmpi slt, %select_n3A_912, %sign3A_921 : vector<16xi32>
          %sign3A_923 = arith.extui %sign3A_922 : vector<16xi1> to vector<16xi32>
          %sign3A_924 = arith.subi %sign3A_919, %sign3A_923 : vector<16xi32>
          %sign3A_925 = arith.constant 0 : i32
          %sign3A_926 = arith.cmpi sgt, %jit3A_913, %sign3A_925 : i32
          %sign3A_927 = arith.extui %sign3A_926 : i1 to i32
          %sign3A_928 = arith.constant 0 : i32
          %sign3A_929 = arith.cmpi slt, %jit3A_913, %sign3A_928 : i32
          %sign3A_930 = arith.extui %sign3A_929 : i1 to i32
          %sign3A_931 = arith.subi %sign3A_927, %sign3A_930 : i32
          %ne3A_932 = vector.broadcast %sign3A_931 : i32 to vector<16xi32>
          %ne3A_933 = arith.cmpi ne, %sign3A_924, %ne3A_932 : vector<16xi32>
          %rem3A_934 = vector.broadcast %jit3A_913 : i32 to vector<16xi32>
          %rem3A_935 = arith.remsi %select_n3A_912, %rem3A_934 : vector<16xi32>
          %ne3A_936 = arith.constant 0 : i32
          %ne3A_937 = vector.broadcast %ne3A_936 : i32 to vector<16xi32>
          %ne3A_938 = arith.cmpi ne, %rem3A_935, %ne3A_937 : vector<16xi32>
          %and3A_939 = arith.andi %ne3A_933, %ne3A_938 : vector<16xi1>
          %sub3A_940 = arith.constant 1 : i32
          %sub3A_941 = vector.broadcast %sub3A_940 : i32 to vector<16xi32>
          %sub3A_942 = arith.subi %div3A_915, %sub3A_941 : vector<16xi32>
          %select_n3A_943 = arith.select %and3A_939, %sub3A_942, %div3A_915 : vector<16xi1>, vector<16xi32>
          %mul3A_944 = arith.constant 128 : i32
          %mul3A_945 = vector.broadcast %mul3A_944 : i32 to vector<16xi32>
          %mul3A_946 = arith.muli %select_n3A_943, %mul3A_945 : vector<16xi32>
          %min3A_947 = arith.constant 999808 : i32
          %min3A_948 = vector.broadcast %min3A_947 : i32 to vector<16xi32>
          %min3A_949 = arith.minsi %mul3A_946, %min3A_948 : vector<16xi32>
          %sub3A_950 = arith.subi %select_n3A_912, %min3A_949 : vector<16xi32>
          %sub3A_951 = arith.constant 999936 : i32
          %sub3A_952 = vector.broadcast %sub3A_951 : i32 to vector<16xi32>
          %sub3A_953 = arith.subi %select_n3A_912, %sub3A_952 : vector<16xi32>
          %max3A_954 = arith.constant 0 : i32
          %max3A_955 = vector.broadcast %max3A_954 : i32 to vector<16xi32>
          %max3A_956 = arith.maxsi %sub3A_953, %max3A_955 : vector<16xi32>
          %add3A_957 = arith.constant 4 : i32
          %add3A_958 = vector.broadcast %add3A_957 : i32 to vector<16xi32>
          %add3A_959 = arith.addi %add3A_958, %select_n3A : vector<16xi32>
          %gather3A_960 = tpu.vector_load_idx %arg17[%add3A_959, %rem3A_97, %sub3A_950] : memref<8x8x128xf32, #tpu.memory_space<vmem>>[vector<16xi32>, vector<16xi32>, vector<16xi32>], vector<16xf32>,
          %mul3A_961 = arith.constant 8 : i32
          %mul3A_962 = arith.muli %add3A_172, %mul3A_961 : i32
          %add3A_963 = vector.broadcast %mul3A_962 : i32 to vector<16xi32>
          %add3A_964 = arith.addi %add3A_963, %rem3A_97 : vector<16xi32>
          %broadcast_in_dim3A_965 = arith.constant 0 : i32
          %broadcast_in_dim3A_966 = vector.broadcast %broadcast_in_dim3A_965 : i32 to vector<16xi32>
          %mul3A_967 = arith.constant 64 : i32
          %mul3A_968 = vector.broadcast %mul3A_967 : i32 to vector<16xi32>
          %mul3A_969 = arith.muli %add3A_964, %mul3A_968 : vector<16xi32>
          %add3A_970 = arith.addi %mul3A_969, %max3A_956 : vector<16xi32>
          %gather3A_971 = tpu.vector_load_idx %arg16[%broadcast_in_dim3A_966, %add3A_970] : memref<2x2048xf32, #tpu.memory_space<vmem>>[vector<16xi32>, vector<16xi32>], vector<16xf32>,
          %ge3A_972 = arith.constant 999936 : i32
          %ge3A_973 = vector.broadcast %ge3A_972 : i32 to vector<16xi32>
          %ge3A_974 = arith.cmpi sge, %select_n3A_912, %ge3A_973 : vector<16xi32>
          %select_n3A_975 = arith.select %ge3A_974, %gather3A_971, %gather3A_960 : vector<16xi1>, vector<16xf32>
          %mul3A_976 = arith.constant 8 : i32
          %mul3A_977 = arith.muli %add3A_303, %mul3A_976 : i32
          %add3A_978 = vector.broadcast %mul3A_977 : i32 to vector<16xi32>
          %add3A_979 = arith.addi %add3A_978, %add3A_959 : vector<16xi32>
          tpu.vector_store_idx %arg13[%add3A_964, %add3A_979], %select_n3A_975 : memref<32x256xf32, #tpu.memory_space<vmem>>[vector<16xi32>, vector<16xi32>], vector<16xf32>,
          %dma_wait3A_980 = arith.constant 6 : i32
          %dma_wait3A_981 = arith.constant 0 : i32
          %dma_wait3A_982 = arith.constant 0 : i32
          %dma_wait3A_983 = tpu.memref_slice %arg17[%dma_wait3A_980, %dma_wait3A_981, %dma_wait3A_982] : memref<8x8x128xf32, #tpu.memory_space<vmem>> -> memref<1x8x128xf32, #tpu.memory_space<vmem>>
          %dma_wait3A_984 = tpu.memref_squeeze %dma_wait3A_983 : memref<1x8x128xf32, #tpu.memory_space<vmem>> -> memref<8x128xf32, #tpu.memory_space<vmem>>
          %dma_wait3A_985 = arith.constant 0 : i32
          %dma_wait3A_986 = arith.constant 0 : i32
          %dma_wait3A_987 = tpu.memref_slice %arg4[%dma_wait3A_985, %dma_wait3A_986] : memref<64x1000000xf32, #tpu.memory_space<hbm>> -> memref<8x128xf32, #tpu.memory_space<hbm>>
          %dma_wait3A_988 = arith.constant 0 : i32
          %dma_wait3A_989 = arith.constant 0 : i32
          %dma_wait3A_990 = tpu.memref_slice %arg17[%dma_wait3A_980, %dma_wait3A_988, %dma_wait3A_989] : memref<8x8x128xf32, #tpu.memory_space<vmem>> -> memref<1x8x128xf32, #tpu.memory_space<vmem>>
          %dma_wait3A_991 = tpu.memref_squeeze %dma_wait3A_990 : memref<1x8x128xf32, #tpu.memory_space<vmem>> -> memref<8x128xf32, #tpu.memory_space<vmem>>
          %dma_wait3A_992 = arith.constant 0 : i32
          %dma_wait3A_993 = arith.constant 0 : i32
          %dma_wait3A_994 = tpu.memref_slice %arg4[%dma_wait3A_992, %dma_wait3A_993] : memref<64x1000000xf32, #tpu.memory_space<hbm>> -> memref<8x128xf32, #tpu.memory_space<hbm>>
          tpu.wait_dma2 semaphore(%arg21 : memref<!tpu.dma_semaphore, #tpu.memory_space<semaphore_mem>>) src(%dma_wait3A_994 : memref<8x128xf32, #tpu.memory_space<hbm>>) dst(%dma_wait3A_991 : memref<8x128xf32, #tpu.memory_space<vmem>>)
          %dma_wait3A_995 = arith.constant 7 : i32
          %dma_wait3A_996 = arith.constant 0 : i32
          %dma_wait3A_997 = arith.constant 0 : i32
          %dma_wait3A_998 = tpu.memref_slice %arg17[%dma_wait3A_995, %dma_wait3A_996, %dma_wait3A_997] : memref<8x8x128xf32, #tpu.memory_space<vmem>> -> memref<1x8x128xf32, #tpu.memory_space<vmem>>
          %dma_wait3A_999 = tpu.memref_squeeze %dma_wait3A_998 : memref<1x8x128xf32, #tpu.memory_space<vmem>> -> memref<8x128xf32, #tpu.memory_space<vmem>>
          %dma_wait3A_1000 = arith.constant 0 : i32
          %dma_wait3A_1001 = arith.constant 0 : i32
          %dma_wait3A_1002 = tpu.memref_slice %arg4[%dma_wait3A_1000, %dma_wait3A_1001] : memref<64x1000000xf32, #tpu.memory_space<hbm>> -> memref<8x128xf32, #tpu.memory_space<hbm>>
          %dma_wait3A_1003 = arith.constant 0 : i32
          %dma_wait3A_1004 = arith.constant 0 : i32
          %dma_wait3A_1005 = tpu.memref_slice %arg17[%dma_wait3A_995, %dma_wait3A_1003, %dma_wait3A_1004] : memref<8x8x128xf32, #tpu.memory_space<vmem>> -> memref<1x8x128xf32, #tpu.memory_space<vmem>>
          %dma_wait3A_1006 = tpu.memref_squeeze %dma_wait3A_1005 : memref<1x8x128xf32, #tpu.memory_space<vmem>> -> memref<8x128xf32, #tpu.memory_space<vmem>>
          %dma_wait3A_1007 = arith.constant 0 : i32
          %dma_wait3A_1008 = arith.constant 0 : i32
          %dma_wait3A_1009 = tpu.memref_slice %arg4[%dma_wait3A_1007, %dma_wait3A_1008] : memref<64x1000000xf32, #tpu.memory_space<hbm>> -> memref<8x128xf32, #tpu.memory_space<hbm>>
          tpu.wait_dma2 semaphore(%arg21 : memref<!tpu.dma_semaphore, #tpu.memory_space<semaphore_mem>>) src(%dma_wait3A_1009 : memref<8x128xf32, #tpu.memory_space<hbm>>) dst(%dma_wait3A_1006 : memref<8x128xf32, #tpu.memory_space<vmem>>)
          %slice3A_1010 = vector.extract_strided_slice %get3A_306 {offsets = [6], sizes = [1], strides = [1]} : vector<16xi32> to vector<1xi32>
          %squeeze3A_1011 = vector.extract %slice3A_1010[0] : i32 from vector<1xi32>
          %slice3A_1012 = vector.extract_strided_slice %get3A_306 {offsets = [7], sizes = [1], strides = [1]} : vector<16xi32> to vector<1xi32>
          %squeeze3A_1013 = vector.extract %slice3A_1012[0] : i32 from vector<1xi32>
          %lt3A_1014 = arith.constant 8 : i32
          %lt3A_1015 = vector.broadcast %lt3A_1014 : i32 to vector<16xi32>
          %lt3A_1016 = arith.cmpi slt, %iota3A, %lt3A_1015 : vector<16xi32>
          %broadcast_in_dim3A_1017 = arith.constant 0 : i32
          %broadcast_in_dim3A_1018 = vector.broadcast %broadcast_in_dim3A_1017 : i32 to vector<16xi32>
          %add3A_1019 = vector.broadcast %squeeze3A_1011 : i32 to vector<16xi32>
          %add3A_1020 = arith.addi %broadcast_in_dim3A_1018, %add3A_1019 : vector<16xi32>
          %broadcast_in_dim3A_1021 = arith.constant 0 : i32
          %broadcast_in_dim3A_1022 = vector.broadcast %broadcast_in_dim3A_1021 : i32 to vector<16xi32>
          %add3A_1023 = vector.broadcast %squeeze3A_1013 : i32 to vector<16xi32>
          %add3A_1024 = arith.addi %broadcast_in_dim3A_1022, %add3A_1023 : vector<16xi32>
          %select_n3A_1025 = arith.select %lt3A_1016, %add3A_1020, %add3A_1024 : vector<16xi1>, vector<16xi32>
          %jit3A_1026 = arith.constant 128 : i32
          %div3A_1027 = vector.broadcast %jit3A_1026 : i32 to vector<16xi32>
          %div3A_1028 = arith.divsi %select_n3A_1025, %div3A_1027 : vector<16xi32>
          %sign3A_1029 = arith.constant 0 : i32
          %sign3A_1030 = vector.broadcast %sign3A_1029 : i32 to vector<16xi32>
          %sign3A_1031 = arith.cmpi sgt, %select_n3A_1025, %sign3A_1030 : vector<16xi32>
          %sign3A_1032 = arith.extui %sign3A_1031 : vector<16xi1> to vector<16xi32>
          %sign3A_1033 = arith.constant 0 : i32
          %sign3A_1034 = vector.broadcast %sign3A_1033 : i32 to vector<16xi32>
          %sign3A_1035 = arith.cmpi slt, %select_n3A_1025, %sign3A_1034 : vector<16xi32>
          %sign3A_1036 = arith.extui %sign3A_1035 : vector<16xi1> to vector<16xi32>
          %sign3A_1037 = arith.subi %sign3A_1032, %sign3A_1036 : vector<16xi32>
          %sign3A_1038 = arith.constant 0 : i32
          %sign3A_1039 = arith.cmpi sgt, %jit3A_1026, %sign3A_1038 : i32
          %sign3A_1040 = arith.extui %sign3A_1039 : i1 to i32
          %sign3A_1041 = arith.constant 0 : i32
          %sign3A_1042 = arith.cmpi slt, %jit3A_1026, %sign3A_1041 : i32
          %sign3A_1043 = arith.extui %sign3A_1042 : i1 to i32
          %sign3A_1044 = arith.subi %sign3A_1040, %sign3A_1043 : i32
          %ne3A_1045 = vector.broadcast %sign3A_1044 : i32 to vector<16xi32>
          %ne3A_1046 = arith.cmpi ne, %sign3A_1037, %ne3A_1045 : vector<16xi32>
          %rem3A_1047 = vector.broadcast %jit3A_1026 : i32 to vector<16xi32>
          %rem3A_1048 = arith.remsi %select_n3A_1025, %rem3A_1047 : vector<16xi32>
          %ne3A_1049 = arith.constant 0 : i32
          %ne3A_1050 = vector.broadcast %ne3A_1049 : i32 to vector<16xi32>
          %ne3A_1051 = arith.cmpi ne, %rem3A_1048, %ne3A_1050 : vector<16xi32>
          %and3A_1052 = arith.andi %ne3A_1046, %ne3A_1051 : vector<16xi1>
          %sub3A_1053 = arith.constant 1 : i32
          %sub3A_1054 = vector.broadcast %sub3A_1053 : i32 to vector<16xi32>
          %sub3A_1055 = arith.subi %div3A_1028, %sub3A_1054 : vector<16xi32>
          %select_n3A_1056 = arith.select %and3A_1052, %sub3A_1055, %div3A_1028 : vector<16xi1>, vector<16xi32>
          %mul3A_1057 = arith.constant 128 : i32
          %mul3A_1058 = vector.broadcast %mul3A_1057 : i32 to vector<16xi32>
          %mul3A_1059 = arith.muli %select_n3A_1056, %mul3A_1058 : vector<16xi32>
          %min3A_1060 = arith.constant 999808 : i32
          %min3A_1061 = vector.broadcast %min3A_1060 : i32 to vector<16xi32>
          %min3A_1062 = arith.minsi %mul3A_1059, %min3A_1061 : vector<16xi32>
          %sub3A_1063 = arith.subi %select_n3A_1025, %min3A_1062 : vector<16xi32>
          %sub3A_1064 = arith.constant 999936 : i32
          %sub3A_1065 = vector.broadcast %sub3A_1064 : i32 to vector<16xi32>
          %sub3A_1066 = arith.subi %select_n3A_1025, %sub3A_1065 : vector<16xi32>
          %max3A_1067 = arith.constant 0 : i32
          %max3A_1068 = vector.broadcast %max3A_1067 : i32 to vector<16xi32>
          %max3A_1069 = arith.maxsi %sub3A_1066, %max3A_1068 : vector<16xi32>
          %add3A_1070 = arith.constant 6 : i32
          %add3A_1071 = vector.broadcast %add3A_1070 : i32 to vector<16xi32>
          %add3A_1072 = arith.addi %add3A_1071, %select_n3A : vector<16xi32>
          %gather3A_1073 = tpu.vector_load_idx %arg17[%add3A_1072, %rem3A_97, %sub3A_1063] : memref<8x8x128xf32, #tpu.memory_space<vmem>>[vector<16xi32>, vector<16xi32>, vector<16xi32>], vector<16xf32>,
          %mul3A_1074 = arith.constant 8 : i32
          %mul3A_1075 = arith.muli %add3A_172, %mul3A_1074 : i32
          %add3A_1076 = vector.broadcast %mul3A_1075 : i32 to vector<16xi32>
          %add3A_1077 = arith.addi %add3A_1076, %rem3A_97 : vector<16xi32>
          %broadcast_in_dim3A_1078 = arith.constant 0 : i32
          %broadcast_in_dim3A_1079 = vector.broadcast %broadcast_in_dim3A_1078 : i32 to vector<16xi32>
          %mul3A_1080 = arith.constant 64 : i32
          %mul3A_1081 = vector.broadcast %mul3A_1080 : i32 to vector<16xi32>
          %mul3A_1082 = arith.muli %add3A_1077, %mul3A_1081 : vector<16xi32>
          %add3A_1083 = arith.addi %mul3A_1082, %max3A_1069 : vector<16xi32>
          %gather3A_1084 = tpu.vector_load_idx %arg16[%broadcast_in_dim3A_1079, %add3A_1083] : memref<2x2048xf32, #tpu.memory_space<vmem>>[vector<16xi32>, vector<16xi32>], vector<16xf32>,
          %ge3A_1085 = arith.constant 999936 : i32
          %ge3A_1086 = vector.broadcast %ge3A_1085 : i32 to vector<16xi32>
          %ge3A_1087 = arith.cmpi sge, %select_n3A_1025, %ge3A_1086 : vector<16xi32>
          %select_n3A_1088 = arith.select %ge3A_1087, %gather3A_1084, %gather3A_1073 : vector<16xi1>, vector<16xf32>
          %mul3A_1089 = arith.constant 8 : i32
          %mul3A_1090 = arith.muli %add3A_303, %mul3A_1089 : i32
          %add3A_1091 = vector.broadcast %mul3A_1090 : i32 to vector<16xi32>
          %add3A_1092 = arith.addi %add3A_1091, %add3A_1072 : vector<16xi32>
          tpu.vector_store_idx %arg13[%add3A_1077, %add3A_1092], %select_n3A_1088 : memref<32x256xf32, #tpu.memory_space<vmem>>[vector<16xi32>, vector<16xi32>], vector<16xf32>,
        }
        %scan3A_293 = arith.constant 4 : i32
      } else {
      }
      %eq3A_177 = arith.constant 0 : i32
      %eq3A_178 = arith.cmpi eq, %arg1, %eq3A_177 : i32
      %convert_element_type3A_179 = arith.extui %eq3A_178 : i1 to i32
      %cond3A_180 = arith.constant 0 : i32
      %cond3A_181 = arith.cmpi ne, %convert_element_type3A_179, %cond3A_180 : i32
      scf.if %cond3A_181 {
        %dma_wait3A_289 = arith.constant 0 : i32
        %dma_wait3A_290 = arith.constant 0 : i32
        %dma_wait3A_291 = tpu.memref_slice %arg18[%dma_wait3A_290] : memref<1000000xf32, #tpu.memory_space<vmem_shared>> -> memref<62464xf32, #tpu.memory_space<vmem_shared>>
        %dma_wait3A_292 = arith.constant 0 : i32
        %dma_wait3A_293 = tpu.memref_slice %arg5[%dma_wait3A_289, %dma_wait3A_292] : memref<64x1000000xf32, #tpu.memory_space<hbm>> -> memref<1x62464xf32, #tpu.memory_space<hbm>>
        %dma_wait3A_294 = tpu.memref_squeeze %dma_wait3A_293 : memref<1x62464xf32, #tpu.memory_space<hbm>> -> memref<62464xf32, #tpu.memory_space<hbm>>
        tpu.wait_dma2 semaphore(%arg19 : memref<!tpu.dma_semaphore, #tpu.memory_space<semaphore_mem>>) src(%dma_wait3A_294 : memref<62464xf32, #tpu.memory_space<hbm>>) dst(%dma_wait3A_291 : memref<62464xf32, #tpu.memory_space<vmem_shared>>)
      } else {
      }
      %eq3A_182 = arith.constant 1 : i32
      %eq3A_183 = arith.cmpi eq, %arg1, %eq3A_182 : i32
      %convert_element_type3A_184 = arith.extui %eq3A_183 : i1 to i32
      %cond3A_185 = arith.constant 0 : i32
      %cond3A_186 = arith.cmpi ne, %convert_element_type3A_184, %cond3A_185 : i32
      scf.if %cond3A_186 {
        %dma_wait3A_289 = arith.constant 0 : i32
        %dma_wait3A_290 = arith.constant 62464 : i32
        %dma_wait3A_291 = tpu.memref_slice %arg18[%dma_wait3A_290] : memref<1000000xf32, #tpu.memory_space<vmem_shared>> -> memref<62464xf32, #tpu.memory_space<vmem_shared>>
        %dma_wait3A_292 = arith.constant 62464 : i32
        %dma_wait3A_293 = tpu.memref_slice %arg5[%dma_wait3A_289, %dma_wait3A_292] : memref<64x1000000xf32, #tpu.memory_space<hbm>> -> memref<1x62464xf32, #tpu.memory_space<hbm>>
        %dma_wait3A_294 = tpu.memref_squeeze %dma_wait3A_293 : memref<1x62464xf32, #tpu.memory_space<hbm>> -> memref<62464xf32, #tpu.memory_space<hbm>>
        tpu.wait_dma2 semaphore(%arg19 : memref<!tpu.dma_semaphore, #tpu.memory_space<semaphore_mem>>) src(%dma_wait3A_294 : memref<62464xf32, #tpu.memory_space<hbm>>) dst(%dma_wait3A_291 : memref<62464xf32, #tpu.memory_space<vmem_shared>>)
      } else {
      }
      %eq3A_187 = arith.constant 2 : i32
      %eq3A_188 = arith.cmpi eq, %arg1, %eq3A_187 : i32
      %convert_element_type3A_189 = arith.extui %eq3A_188 : i1 to i32
      %cond3A_190 = arith.constant 0 : i32
      %cond3A_191 = arith.cmpi ne, %convert_element_type3A_189, %cond3A_190 : i32
      scf.if %cond3A_191 {
        %dma_wait3A_289 = arith.constant 0 : i32
        %dma_wait3A_290 = arith.constant 124928 : i32
        %dma_wait3A_291 = tpu.memref_slice %arg18[%dma_wait3A_290] : memref<1000000xf32, #tpu.memory_space<vmem_shared>> -> memref<62464xf32, #tpu.memory_space<vmem_shared>>
        %dma_wait3A_292 = arith.constant 124928 : i32
        %dma_wait3A_293 = tpu.memref_slice %arg5[%dma_wait3A_289, %dma_wait3A_292] : memref<64x1000000xf32, #tpu.memory_space<hbm>> -> memref<1x62464xf32, #tpu.memory_space<hbm>>
        %dma_wait3A_294 = tpu.memref_squeeze %dma_wait3A_293 : memref<1x62464xf32, #tpu.memory_space<hbm>> -> memref<62464xf32, #tpu.memory_space<hbm>>
        tpu.wait_dma2 semaphore(%arg19 : memref<!tpu.dma_semaphore, #tpu.memory_space<semaphore_mem>>) src(%dma_wait3A_294 : memref<62464xf32, #tpu.memory_space<hbm>>) dst(%dma_wait3A_291 : memref<62464xf32, #tpu.memory_space<vmem_shared>>)
      } else {
      }
      %eq3A_192 = arith.constant 3 : i32
      %eq3A_193 = arith.cmpi eq, %arg1, %eq3A_192 : i32
      %convert_element_type3A_194 = arith.extui %eq3A_193 : i1 to i32
      %cond3A_195 = arith.constant 0 : i32
      %cond3A_196 = arith.cmpi ne, %convert_element_type3A_194, %cond3A_195 : i32
      scf.if %cond3A_196 {
        %dma_wait3A_289 = arith.constant 0 : i32
        %dma_wait3A_290 = arith.constant 187392 : i32
        %dma_wait3A_291 = tpu.memref_slice %arg18[%dma_wait3A_290] : memref<1000000xf32, #tpu.memory_space<vmem_shared>> -> memref<62592xf32, #tpu.memory_space<vmem_shared>>
        %dma_wait3A_292 = arith.constant 187392 : i32
        %dma_wait3A_293 = tpu.memref_slice %arg5[%dma_wait3A_289, %dma_wait3A_292] : memref<64x1000000xf32, #tpu.memory_space<hbm>> -> memref<1x62592xf32, #tpu.memory_space<hbm>>
        %dma_wait3A_294 = tpu.memref_squeeze %dma_wait3A_293 : memref<1x62592xf32, #tpu.memory_space<hbm>> -> memref<62592xf32, #tpu.memory_space<hbm>>
        tpu.wait_dma2 semaphore(%arg19 : memref<!tpu.dma_semaphore, #tpu.memory_space<semaphore_mem>>) src(%dma_wait3A_294 : memref<62592xf32, #tpu.memory_space<hbm>>) dst(%dma_wait3A_291 : memref<62592xf32, #tpu.memory_space<vmem_shared>>)
      } else {
      }
      %eq3A_197 = arith.constant 4 : i32
      %eq3A_198 = arith.cmpi eq, %arg1, %eq3A_197 : i32
      %convert_element_type3A_199 = arith.extui %eq3A_198 : i1 to i32
      %cond3A_200 = arith.constant 0 : i32
      %cond3A_201 = arith.cmpi ne, %convert_element_type3A_199, %cond3A_200 : i32
      scf.if %cond3A_201 {
        %dma_wait3A_289 = arith.constant 0 : i32
        %dma_wait3A_290 = arith.constant 249984 : i32
        %dma_wait3A_291 = tpu.memref_slice %arg18[%dma_wait3A_290] : memref<1000000xf32, #tpu.memory_space<vmem_shared>> -> memref<62464xf32, #tpu.memory_space<vmem_shared>>
        %dma_wait3A_292 = arith.constant 249984 : i32
        %dma_wait3A_293 = tpu.memref_slice %arg5[%dma_wait3A_289, %dma_wait3A_292] : memref<64x1000000xf32, #tpu.memory_space<hbm>> -> memref<1x62464xf32, #tpu.memory_space<hbm>>
        %dma_wait3A_294 = tpu.memref_squeeze %dma_wait3A_293 : memref<1x62464xf32, #tpu.memory_space<hbm>> -> memref<62464xf32, #tpu.memory_space<hbm>>
        tpu.wait_dma2 semaphore(%arg19 : memref<!tpu.dma_semaphore, #tpu.memory_space<semaphore_mem>>) src(%dma_wait3A_294 : memref<62464xf32, #tpu.memory_space<hbm>>) dst(%dma_wait3A_291 : memref<62464xf32, #tpu.memory_space<vmem_shared>>)
      } else {
      }
      %eq3A_202 = arith.constant 5 : i32
      %eq3A_203 = arith.cmpi eq, %arg1, %eq3A_202 : i32
      %convert_element_type3A_204 = arith.extui %eq3A_203 : i1 to i32
      %cond3A_205 = arith.constant 0 : i32
      %cond3A_206 = arith.cmpi ne, %convert_element_type3A_204, %cond3A_205 : i32
      scf.if %cond3A_206 {
        %dma_wait3A_289 = arith.constant 0 : i32
        %dma_wait3A_290 = arith.constant 312448 : i32
        %dma_wait3A_291 = tpu.memref_slice %arg18[%dma_wait3A_290] : memref<1000000xf32, #tpu.memory_space<vmem_shared>> -> memref<62464xf32, #tpu.memory_space<vmem_shared>>
        %dma_wait3A_292 = arith.constant 312448 : i32
        %dma_wait3A_293 = tpu.memref_slice %arg5[%dma_wait3A_289, %dma_wait3A_292] : memref<64x1000000xf32, #tpu.memory_space<hbm>> -> memref<1x62464xf32, #tpu.memory_space<hbm>>
        %dma_wait3A_294 = tpu.memref_squeeze %dma_wait3A_293 : memref<1x62464xf32, #tpu.memory_space<hbm>> -> memref<62464xf32, #tpu.memory_space<hbm>>
        tpu.wait_dma2 semaphore(%arg19 : memref<!tpu.dma_semaphore, #tpu.memory_space<semaphore_mem>>) src(%dma_wait3A_294 : memref<62464xf32, #tpu.memory_space<hbm>>) dst(%dma_wait3A_291 : memref<62464xf32, #tpu.memory_space<vmem_shared>>)
      } else {
      }
      %eq3A_207 = arith.constant 6 : i32
      %eq3A_208 = arith.cmpi eq, %arg1, %eq3A_207 : i32
      %convert_element_type3A_209 = arith.extui %eq3A_208 : i1 to i32
      %cond3A_210 = arith.constant 0 : i32
      %cond3A_211 = arith.cmpi ne, %convert_element_type3A_209, %cond3A_210 : i32
      scf.if %cond3A_211 {
        %dma_wait3A_289 = arith.constant 0 : i32
        %dma_wait3A_290 = arith.constant 374912 : i32
        %dma_wait3A_291 = tpu.memref_slice %arg18[%dma_wait3A_290] : memref<1000000xf32, #tpu.memory_space<vmem_shared>> -> memref<62464xf32, #tpu.memory_space<vmem_shared>>
        %dma_wait3A_292 = arith.constant 374912 : i32
        %dma_wait3A_293 = tpu.memref_slice %arg5[%dma_wait3A_289, %dma_wait3A_292] : memref<64x1000000xf32, #tpu.memory_space<hbm>> -> memref<1x62464xf32, #tpu.memory_space<hbm>>
        %dma_wait3A_294 = tpu.memref_squeeze %dma_wait3A_293 : memref<1x62464xf32, #tpu.memory_space<hbm>> -> memref<62464xf32, #tpu.memory_space<hbm>>
        tpu.wait_dma2 semaphore(%arg19 : memref<!tpu.dma_semaphore, #tpu.memory_space<semaphore_mem>>) src(%dma_wait3A_294 : memref<62464xf32, #tpu.memory_space<hbm>>) dst(%dma_wait3A_291 : memref<62464xf32, #tpu.memory_space<vmem_shared>>)
      } else {
      }
      %eq3A_212 = arith.constant 7 : i32
      %eq3A_213 = arith.cmpi eq, %arg1, %eq3A_212 : i32
      %convert_element_type3A_214 = arith.extui %eq3A_213 : i1 to i32
      %cond3A_215 = arith.constant 0 : i32
      %cond3A_216 = arith.cmpi ne, %convert_element_type3A_214, %cond3A_215 : i32
      scf.if %cond3A_216 {
        %dma_wait3A_289 = arith.constant 0 : i32
        %dma_wait3A_290 = arith.constant 437376 : i32
        %dma_wait3A_291 = tpu.memref_slice %arg18[%dma_wait3A_290] : memref<1000000xf32, #tpu.memory_space<vmem_shared>> -> memref<62592xf32, #tpu.memory_space<vmem_shared>>
        %dma_wait3A_292 = arith.constant 437376 : i32
        %dma_wait3A_293 = tpu.memref_slice %arg5[%dma_wait3A_289, %dma_wait3A_292] : memref<64x1000000xf32, #tpu.memory_space<hbm>> -> memref<1x62592xf32, #tpu.memory_space<hbm>>
        %dma_wait3A_294 = tpu.memref_squeeze %dma_wait3A_293 : memref<1x62592xf32, #tpu.memory_space<hbm>> -> memref<62592xf32, #tpu.memory_space<hbm>>
        tpu.wait_dma2 semaphore(%arg19 : memref<!tpu.dma_semaphore, #tpu.memory_space<semaphore_mem>>) src(%dma_wait3A_294 : memref<62592xf32, #tpu.memory_space<hbm>>) dst(%dma_wait3A_291 : memref<62592xf32, #tpu.memory_space<vmem_shared>>)
      } else {
      }
      %eq3A_217 = arith.constant 8 : i32
      %eq3A_218 = arith.cmpi eq, %arg1, %eq3A_217 : i32
      %convert_element_type3A_219 = arith.extui %eq3A_218 : i1 to i32
      %cond3A_220 = arith.constant 0 : i32
      %cond3A_221 = arith.cmpi ne, %convert_element_type3A_219, %cond3A_220 : i32
      scf.if %cond3A_221 {
        %dma_wait3A_289 = arith.constant 0 : i32
        %dma_wait3A_290 = arith.constant 499968 : i32
        %dma_wait3A_291 = tpu.memref_slice %arg18[%dma_wait3A_290] : memref<1000000xf32, #tpu.memory_space<vmem_shared>> -> memref<62464xf32, #tpu.memory_space<vmem_shared>>
        %dma_wait3A_292 = arith.constant 499968 : i32
        %dma_wait3A_293 = tpu.memref_slice %arg5[%dma_wait3A_289, %dma_wait3A_292] : memref<64x1000000xf32, #tpu.memory_space<hbm>> -> memref<1x62464xf32, #tpu.memory_space<hbm>>
        %dma_wait3A_294 = tpu.memref_squeeze %dma_wait3A_293 : memref<1x62464xf32, #tpu.memory_space<hbm>> -> memref<62464xf32, #tpu.memory_space<hbm>>
        tpu.wait_dma2 semaphore(%arg19 : memref<!tpu.dma_semaphore, #tpu.memory_space<semaphore_mem>>) src(%dma_wait3A_294 : memref<62464xf32, #tpu.memory_space<hbm>>) dst(%dma_wait3A_291 : memref<62464xf32, #tpu.memory_space<vmem_shared>>)
      } else {
      }
      %eq3A_222 = arith.constant 9 : i32
      %eq3A_223 = arith.cmpi eq, %arg1, %eq3A_222 : i32
      %convert_element_type3A_224 = arith.extui %eq3A_223 : i1 to i32
      %cond3A_225 = arith.constant 0 : i32
      %cond3A_226 = arith.cmpi ne, %convert_element_type3A_224, %cond3A_225 : i32
      scf.if %cond3A_226 {
        %dma_wait3A_289 = arith.constant 0 : i32
        %dma_wait3A_290 = arith.constant 562432 : i32
        %dma_wait3A_291 = tpu.memref_slice %arg18[%dma_wait3A_290] : memref<1000000xf32, #tpu.memory_space<vmem_shared>> -> memref<62464xf32, #tpu.memory_space<vmem_shared>>
        %dma_wait3A_292 = arith.constant 562432 : i32
        %dma_wait3A_293 = tpu.memref_slice %arg5[%dma_wait3A_289, %dma_wait3A_292] : memref<64x1000000xf32, #tpu.memory_space<hbm>> -> memref<1x62464xf32, #tpu.memory_space<hbm>>
        %dma_wait3A_294 = tpu.memref_squeeze %dma_wait3A_293 : memref<1x62464xf32, #tpu.memory_space<hbm>> -> memref<62464xf32, #tpu.memory_space<hbm>>
        tpu.wait_dma2 semaphore(%arg19 : memref<!tpu.dma_semaphore, #tpu.memory_space<semaphore_mem>>) src(%dma_wait3A_294 : memref<62464xf32, #tpu.memory_space<hbm>>) dst(%dma_wait3A_291 : memref<62464xf32, #tpu.memory_space<vmem_shared>>)
      } else {
      }
      %eq3A_227 = arith.constant 10 : i32
      %eq3A_228 = arith.cmpi eq, %arg1, %eq3A_227 : i32
      %convert_element_type3A_229 = arith.extui %eq3A_228 : i1 to i32
      %cond3A_230 = arith.constant 0 : i32
      %cond3A_231 = arith.cmpi ne, %convert_element_type3A_229, %cond3A_230 : i32
      scf.if %cond3A_231 {
        %dma_wait3A_289 = arith.constant 0 : i32
        %dma_wait3A_290 = arith.constant 624896 : i32
        %dma_wait3A_291 = tpu.memref_slice %arg18[%dma_wait3A_290] : memref<1000000xf32, #tpu.memory_space<vmem_shared>> -> memref<62464xf32, #tpu.memory_space<vmem_shared>>
        %dma_wait3A_292 = arith.constant 624896 : i32
        %dma_wait3A_293 = tpu.memref_slice %arg5[%dma_wait3A_289, %dma_wait3A_292] : memref<64x1000000xf32, #tpu.memory_space<hbm>> -> memref<1x62464xf32, #tpu.memory_space<hbm>>
        %dma_wait3A_294 = tpu.memref_squeeze %dma_wait3A_293 : memref<1x62464xf32, #tpu.memory_space<hbm>> -> memref<62464xf32, #tpu.memory_space<hbm>>
        tpu.wait_dma2 semaphore(%arg19 : memref<!tpu.dma_semaphore, #tpu.memory_space<semaphore_mem>>) src(%dma_wait3A_294 : memref<62464xf32, #tpu.memory_space<hbm>>) dst(%dma_wait3A_291 : memref<62464xf32, #tpu.memory_space<vmem_shared>>)
      } else {
      }
      %eq3A_232 = arith.constant 11 : i32
      %eq3A_233 = arith.cmpi eq, %arg1, %eq3A_232 : i32
      %convert_element_type3A_234 = arith.extui %eq3A_233 : i1 to i32
      %cond3A_235 = arith.constant 0 : i32
      %cond3A_236 = arith.cmpi ne, %convert_element_type3A_234, %cond3A_235 : i32
      scf.if %cond3A_236 {
        %dma_wait3A_289 = arith.constant 0 : i32
        %dma_wait3A_290 = arith.constant 687360 : i32
        %dma_wait3A_291 = tpu.memref_slice %arg18[%dma_wait3A_290] : memref<1000000xf32, #tpu.memory_space<vmem_shared>> -> memref<62592xf32, #tpu.memory_space<vmem_shared>>
        %dma_wait3A_292 = arith.constant 687360 : i32
        %dma_wait3A_293 = tpu.memref_slice %arg5[%dma_wait3A_289, %dma_wait3A_292] : memref<64x1000000xf32, #tpu.memory_space<hbm>> -> memref<1x62592xf32, #tpu.memory_space<hbm>>
        %dma_wait3A_294 = tpu.memref_squeeze %dma_wait3A_293 : memref<1x62592xf32, #tpu.memory_space<hbm>> -> memref<62592xf32, #tpu.memory_space<hbm>>
        tpu.wait_dma2 semaphore(%arg19 : memref<!tpu.dma_semaphore, #tpu.memory_space<semaphore_mem>>) src(%dma_wait3A_294 : memref<62592xf32, #tpu.memory_space<hbm>>) dst(%dma_wait3A_291 : memref<62592xf32, #tpu.memory_space<vmem_shared>>)
      } else {
      }
      %eq3A_237 = arith.constant 12 : i32
      %eq3A_238 = arith.cmpi eq, %arg1, %eq3A_237 : i32
      %convert_element_type3A_239 = arith.extui %eq3A_238 : i1 to i32
      %cond3A_240 = arith.constant 0 : i32
      %cond3A_241 = arith.cmpi ne, %convert_element_type3A_239, %cond3A_240 : i32
      scf.if %cond3A_241 {
        %dma_wait3A_289 = arith.constant 0 : i32
        %dma_wait3A_290 = arith.constant 749952 : i32
        %dma_wait3A_291 = tpu.memref_slice %arg18[%dma_wait3A_290] : memref<1000000xf32, #tpu.memory_space<vmem_shared>> -> memref<62464xf32, #tpu.memory_space<vmem_shared>>
        %dma_wait3A_292 = arith.constant 749952 : i32
        %dma_wait3A_293 = tpu.memref_slice %arg5[%dma_wait3A_289, %dma_wait3A_292] : memref<64x1000000xf32, #tpu.memory_space<hbm>> -> memref<1x62464xf32, #tpu.memory_space<hbm>>
        %dma_wait3A_294 = tpu.memref_squeeze %dma_wait3A_293 : memref<1x62464xf32, #tpu.memory_space<hbm>> -> memref<62464xf32, #tpu.memory_space<hbm>>
        tpu.wait_dma2 semaphore(%arg19 : memref<!tpu.dma_semaphore, #tpu.memory_space<semaphore_mem>>) src(%dma_wait3A_294 : memref<62464xf32, #tpu.memory_space<hbm>>) dst(%dma_wait3A_291 : memref<62464xf32, #tpu.memory_space<vmem_shared>>)
      } else {
      }
      %eq3A_242 = arith.constant 13 : i32
      %eq3A_243 = arith.cmpi eq, %arg1, %eq3A_242 : i32
      %convert_element_type3A_244 = arith.extui %eq3A_243 : i1 to i32
      %cond3A_245 = arith.constant 0 : i32
      %cond3A_246 = arith.cmpi ne, %convert_element_type3A_244, %cond3A_245 : i32
      scf.if %cond3A_246 {
        %dma_wait3A_289 = arith.constant 0 : i32
        %dma_wait3A_290 = arith.constant 812416 : i32
        %dma_wait3A_291 = tpu.memref_slice %arg18[%dma_wait3A_290] : memref<1000000xf32, #tpu.memory_space<vmem_shared>> -> memref<62464xf32, #tpu.memory_space<vmem_shared>>
        %dma_wait3A_292 = arith.constant 812416 : i32
        %dma_wait3A_293 = tpu.memref_slice %arg5[%dma_wait3A_289, %dma_wait3A_292] : memref<64x1000000xf32, #tpu.memory_space<hbm>> -> memref<1x62464xf32, #tpu.memory_space<hbm>>
        %dma_wait3A_294 = tpu.memref_squeeze %dma_wait3A_293 : memref<1x62464xf32, #tpu.memory_space<hbm>> -> memref<62464xf32, #tpu.memory_space<hbm>>
        tpu.wait_dma2 semaphore(%arg19 : memref<!tpu.dma_semaphore, #tpu.memory_space<semaphore_mem>>) src(%dma_wait3A_294 : memref<62464xf32, #tpu.memory_space<hbm>>) dst(%dma_wait3A_291 : memref<62464xf32, #tpu.memory_space<vmem_shared>>)
      } else {
      }
      %eq3A_247 = arith.constant 14 : i32
      %eq3A_248 = arith.cmpi eq, %arg1, %eq3A_247 : i32
      %convert_element_type3A_249 = arith.extui %eq3A_248 : i1 to i32
      %cond3A_250 = arith.constant 0 : i32
      %cond3A_251 = arith.cmpi ne, %convert_element_type3A_249, %cond3A_250 : i32
      scf.if %cond3A_251 {
        %dma_wait3A_289 = arith.constant 0 : i32
        %dma_wait3A_290 = arith.constant 874880 : i32
        %dma_wait3A_291 = tpu.memref_slice %arg18[%dma_wait3A_290] : memref<1000000xf32, #tpu.memory_space<vmem_shared>> -> memref<62464xf32, #tpu.memory_space<vmem_shared>>
        %dma_wait3A_292 = arith.constant 874880 : i32
        %dma_wait3A_293 = tpu.memref_slice %arg5[%dma_wait3A_289, %dma_wait3A_292] : memref<64x1000000xf32, #tpu.memory_space<hbm>> -> memref<1x62464xf32, #tpu.memory_space<hbm>>
        %dma_wait3A_294 = tpu.memref_squeeze %dma_wait3A_293 : memref<1x62464xf32, #tpu.memory_space<hbm>> -> memref<62464xf32, #tpu.memory_space<hbm>>
        tpu.wait_dma2 semaphore(%arg19 : memref<!tpu.dma_semaphore, #tpu.memory_space<semaphore_mem>>) src(%dma_wait3A_294 : memref<62464xf32, #tpu.memory_space<hbm>>) dst(%dma_wait3A_291 : memref<62464xf32, #tpu.memory_space<vmem_shared>>)
      } else {
      }
      %eq3A_252 = arith.constant 15 : i32
      %eq3A_253 = arith.cmpi eq, %arg1, %eq3A_252 : i32
      %convert_element_type3A_254 = arith.extui %eq3A_253 : i1 to i32
      %cond3A_255 = arith.constant 0 : i32
      %cond3A_256 = arith.cmpi ne, %convert_element_type3A_254, %cond3A_255 : i32
      scf.if %cond3A_256 {
        %dma_wait3A_289 = arith.constant 0 : i32
        %dma_wait3A_290 = arith.constant 937344 : i32
        %dma_wait3A_291 = tpu.memref_slice %arg18[%dma_wait3A_290] : memref<1000000xf32, #tpu.memory_space<vmem_shared>> -> memref<62592xf32, #tpu.memory_space<vmem_shared>>
        %dma_wait3A_292 = arith.constant 937344 : i32
        %dma_wait3A_293 = tpu.memref_slice %arg5[%dma_wait3A_289, %dma_wait3A_292] : memref<64x1000000xf32, #tpu.memory_space<hbm>> -> memref<1x62592xf32, #tpu.memory_space<hbm>>
        %dma_wait3A_294 = tpu.memref_squeeze %dma_wait3A_293 : memref<1x62592xf32, #tpu.memory_space<hbm>> -> memref<62592xf32, #tpu.memory_space<hbm>>
        tpu.wait_dma2 semaphore(%arg19 : memref<!tpu.dma_semaphore, #tpu.memory_space<semaphore_mem>>) src(%dma_wait3A_294 : memref<62592xf32, #tpu.memory_space<hbm>>) dst(%dma_wait3A_291 : memref<62592xf32, #tpu.memory_space<vmem_shared>>)
      } else {
      }
      %eq3A_257 = arith.constant 0 : i32
      %eq3A_258 = arith.cmpi eq, %arg1, %eq3A_257 : i32
      %convert_element_type3A_259 = arith.extui %eq3A_258 : i1 to i32
      %cond3A_260 = arith.constant 0 : i32
      %cond3A_261 = arith.cmpi ne, %convert_element_type3A_259, %cond3A_260 : i32
      scf.if %cond3A_261 {
        %dma_wait3A_289 = arith.constant 0 : i32
        %dma_wait3A_290 = arith.constant 0 : i32
        %dma_wait3A_291 = tpu.memref_slice %arg16[%dma_wait3A_289, %dma_wait3A_290] : memref<2x2048xf32, #tpu.memory_space<vmem>> -> memref<1x64xf32, #tpu.memory_space<vmem>>
        %dma_wait3A_292 = tpu.memref_squeeze %dma_wait3A_291 : memref<1x64xf32, #tpu.memory_space<vmem>> -> memref<64xf32, #tpu.memory_space<vmem>>
        %dma_wait3A_293 = arith.constant 999936 : i32
        %dma_wait3A_294 = tpu.memref_slice %arg18[%dma_wait3A_293] : memref<1000000xf32, #tpu.memory_space<vmem_shared>> -> memref<64xf32, #tpu.memory_space<vmem_shared>>
        %dma_wait3A_295 = arith.constant 999936 : i32
        %dma_wait3A_296 = tpu.memref_slice %arg18[%dma_wait3A_295] : memref<1000000xf32, #tpu.memory_space<vmem_shared>> -> memref<64xf32, #tpu.memory_space<vmem_shared>>
        %dma_wait3A_297 = arith.constant 0 : i32
        %dma_wait3A_298 = tpu.memref_slice %arg16[%dma_wait3A_289, %dma_wait3A_297] : memref<2x2048xf32, #tpu.memory_space<vmem>> -> memref<1x64xf32, #tpu.memory_space<vmem>>
        %dma_wait3A_299 = tpu.memref_squeeze %dma_wait3A_298 : memref<1x64xf32, #tpu.memory_space<vmem>> -> memref<64xf32, #tpu.memory_space<vmem>>
        tpu.wait_dma2 semaphore(%arg19 : memref<!tpu.dma_semaphore, #tpu.memory_space<semaphore_mem>>) src(%dma_wait3A_299 : memref<64xf32, #tpu.memory_space<vmem>>) dst(%dma_wait3A_296 : memref<64xf32, #tpu.memory_space<vmem_shared>>)
      } else {
      }
      %barrier3A = arith.constant 0 : index
      tpu.barrier barrier_id(%barrier3A)
      %scan3A_262 = arith.constant 0 : i32
      %scan3A_263 = arith.constant 42 : i32
      %scan3A_264 = arith.addi %scan3A_262, %scan3A_263 : i32
      %scan3A_265 = arith.constant 1 : i32
      scf.for %scan3A_289 = %scan3A_262 to %scan3A_264 step %scan3A_265  : i32 {
        %mul3A_290 = arith.constant 1 : i32
        %mul3A_291 = arith.muli %scan3A_289, %mul3A_290 : i32
        %add3A_292 = arith.constant 0 : i32
        %add3A_293 = arith.addi %add3A_292, %mul3A_291 : i32
        %mul3A_294 = arith.constant 128 : i32
        %mul3A_295 = arith.muli %add3A_293, %mul3A_294 : i32
        %mul3A_296 = arith.constant 128 : i32
        %mul3A_297 = arith.muli %add3A_293, %mul3A_296 : i32
        %dma_start3A = tpu.memref_slice %arg14[%mul3A_297] : memref<5376xf32, #tpu.memory_space<vmem>> -> memref<128xf32, #tpu.memory_space<vmem>>
        %dma_start3A_298 = tpu.memref_slice %arg11[%mul3A_295] : memref<5376xi32, #tpu.memory_space<vmem>> -> memref<128xi32, #tpu.memory_space<vmem>>
        %dma_start3A_299 = arith.constant 0 : i32
        %dma_start3A_300 = tpu.memref_slice %arg18[%dma_start3A_299] : memref<1000000xf32, #tpu.memory_space<vmem_shared>> -> memref<1000000xf32, #tpu.memory_space<vmem_shared>>
        tpu.enqueue_indirect_dma source(%dma_start3A_300 : memref<1000000xf32, #tpu.memory_space<vmem_shared>>) target(%dma_start3A : memref<128xf32, #tpu.memory_space<vmem>>) offsets(%dma_start3A_298 : memref<128xi32, #tpu.memory_space<vmem>>) semaphore(%arg20 : memref<!tpu.dma_semaphore, #tpu.memory_space<semaphore_mem>>)
      }
      %scan3A_266 = arith.constant 42 : i32
      %dma_wait3A = arith.constant 0 : i32
      %dma_wait3A_267 = arith.constant 0 : i32
      %dma_wait3A_268 = tpu.memref_slice %arg5[%dma_wait3A, %dma_wait3A_267] : memref<64x1000000xf32, #tpu.memory_space<hbm>> -> memref<1x5376xf32, #tpu.memory_space<hbm>>
      %dma_wait3A_269 = tpu.memref_squeeze %dma_wait3A_268 : memref<1x5376xf32, #tpu.memory_space<hbm>> -> memref<5376xf32, #tpu.memory_space<hbm>>
      %dma_wait3A_270 = arith.constant 0 : i32
      %dma_wait3A_271 = tpu.memref_slice %arg5[%dma_wait3A, %dma_wait3A_270] : memref<64x1000000xf32, #tpu.memory_space<hbm>> -> memref<1x5376xf32, #tpu.memory_space<hbm>>
      %dma_wait3A_272 = tpu.memref_squeeze %dma_wait3A_271 : memref<1x5376xf32, #tpu.memory_space<hbm>> -> memref<5376xf32, #tpu.memory_space<hbm>>
      tpu.wait_dma2 semaphore(%arg20 : memref<!tpu.dma_semaphore, #tpu.memory_space<semaphore_mem>>) src(%dma_wait3A_272 : memref<5376xf32, #tpu.memory_space<hbm>>) dst(%arg14 : memref<5376xf32, #tpu.memory_space<vmem>>)
      %barrier3A_273 = arith.constant 0 : index
      tpu.barrier barrier_id(%barrier3A_273)
      %add3A_274 = arith.constant 1 : i32
      %add3A_275 = arith.addi %add3A_145, %add3A_274 : i32
      %lt3A_276 = arith.constant 32 : i32
      %lt3A_277 = arith.cmpi slt, %add3A_275, %lt3A_276 : i32
      %convert_element_type3A_278 = arith.extui %lt3A_277 : i1 to i32
      %cond3A_279 = arith.constant 0 : i32
      %cond3A_280 = arith.cmpi ne, %convert_element_type3A_278, %cond3A_279 : i32
      scf.if %cond3A_280 {
        %add3A_289 = arith.constant 1 : i32
        %add3A_290 = arith.addi %add3A_146, %add3A_289 : i32
        %eq3A_291 = arith.constant 0 : i32
        %eq3A_292 = arith.cmpi eq, %arg1, %eq3A_291 : i32
        %convert_element_type3A_293 = arith.extui %eq3A_292 : i1 to i32
        %cond3A_294 = arith.constant 0 : i32
        %cond3A_295 = arith.cmpi ne, %convert_element_type3A_293, %cond3A_294 : i32
        scf.if %cond3A_295 {
          %dma_start3A = arith.constant 0 : i32
          %dma_start3A_376 = tpu.memref_slice %arg18[%dma_start3A] : memref<1000000xf32, #tpu.memory_space<vmem_shared>> -> memref<62464xf32, #tpu.memory_space<vmem_shared>>
          %dma_start3A_377 = arith.constant 0 : i32
          %dma_start3A_378 = tpu.memref_slice %arg5[%add3A_290, %dma_start3A_377] : memref<64x1000000xf32, #tpu.memory_space<hbm>> -> memref<1x62464xf32, #tpu.memory_space<hbm>>
          %dma_start3A_379 = tpu.memref_squeeze %dma_start3A_378 : memref<1x62464xf32, #tpu.memory_space<hbm>> -> memref<62464xf32, #tpu.memory_space<hbm>>
          tpu.enqueue_dma source(%dma_start3A_379 : memref<62464xf32, #tpu.memory_space<hbm>>) target(%dma_start3A_376 : memref<62464xf32, #tpu.memory_space<vmem_shared>>) target_semaphore(%arg19 : memref<!tpu.dma_semaphore, #tpu.memory_space<semaphore_mem>>)
        } else {
        }
        %eq3A_296 = arith.constant 1 : i32
        %eq3A_297 = arith.cmpi eq, %arg1, %eq3A_296 : i32
        %convert_element_type3A_298 = arith.extui %eq3A_297 : i1 to i32
        %cond3A_299 = arith.constant 0 : i32
        %cond3A_300 = arith.cmpi ne, %convert_element_type3A_298, %cond3A_299 : i32
        scf.if %cond3A_300 {
          %dma_start3A = arith.constant 62464 : i32
          %dma_start3A_376 = tpu.memref_slice %arg18[%dma_start3A] : memref<1000000xf32, #tpu.memory_space<vmem_shared>> -> memref<62464xf32, #tpu.memory_space<vmem_shared>>
          %dma_start3A_377 = arith.constant 62464 : i32
          %dma_start3A_378 = tpu.memref_slice %arg5[%add3A_290, %dma_start3A_377] : memref<64x1000000xf32, #tpu.memory_space<hbm>> -> memref<1x62464xf32, #tpu.memory_space<hbm>>
          %dma_start3A_379 = tpu.memref_squeeze %dma_start3A_378 : memref<1x62464xf32, #tpu.memory_space<hbm>> -> memref<62464xf32, #tpu.memory_space<hbm>>
          tpu.enqueue_dma source(%dma_start3A_379 : memref<62464xf32, #tpu.memory_space<hbm>>) target(%dma_start3A_376 : memref<62464xf32, #tpu.memory_space<vmem_shared>>) target_semaphore(%arg19 : memref<!tpu.dma_semaphore, #tpu.memory_space<semaphore_mem>>)
        } else {
        }
        %eq3A_301 = arith.constant 2 : i32
        %eq3A_302 = arith.cmpi eq, %arg1, %eq3A_301 : i32
        %convert_element_type3A_303 = arith.extui %eq3A_302 : i1 to i32
        %cond3A_304 = arith.constant 0 : i32
        %cond3A_305 = arith.cmpi ne, %convert_element_type3A_303, %cond3A_304 : i32
        scf.if %cond3A_305 {
          %dma_start3A = arith.constant 124928 : i32
          %dma_start3A_376 = tpu.memref_slice %arg18[%dma_start3A] : memref<1000000xf32, #tpu.memory_space<vmem_shared>> -> memref<62464xf32, #tpu.memory_space<vmem_shared>>
          %dma_start3A_377 = arith.constant 124928 : i32
          %dma_start3A_378 = tpu.memref_slice %arg5[%add3A_290, %dma_start3A_377] : memref<64x1000000xf32, #tpu.memory_space<hbm>> -> memref<1x62464xf32, #tpu.memory_space<hbm>>
          %dma_start3A_379 = tpu.memref_squeeze %dma_start3A_378 : memref<1x62464xf32, #tpu.memory_space<hbm>> -> memref<62464xf32, #tpu.memory_space<hbm>>
          tpu.enqueue_dma source(%dma_start3A_379 : memref<62464xf32, #tpu.memory_space<hbm>>) target(%dma_start3A_376 : memref<62464xf32, #tpu.memory_space<vmem_shared>>) target_semaphore(%arg19 : memref<!tpu.dma_semaphore, #tpu.memory_space<semaphore_mem>>)
        } else {
        }
        %eq3A_306 = arith.constant 3 : i32
        %eq3A_307 = arith.cmpi eq, %arg1, %eq3A_306 : i32
        %convert_element_type3A_308 = arith.extui %eq3A_307 : i1 to i32
        %cond3A_309 = arith.constant 0 : i32
        %cond3A_310 = arith.cmpi ne, %convert_element_type3A_308, %cond3A_309 : i32
        scf.if %cond3A_310 {
          %dma_start3A = arith.constant 187392 : i32
          %dma_start3A_376 = tpu.memref_slice %arg18[%dma_start3A] : memref<1000000xf32, #tpu.memory_space<vmem_shared>> -> memref<62592xf32, #tpu.memory_space<vmem_shared>>
          %dma_start3A_377 = arith.constant 187392 : i32
          %dma_start3A_378 = tpu.memref_slice %arg5[%add3A_290, %dma_start3A_377] : memref<64x1000000xf32, #tpu.memory_space<hbm>> -> memref<1x62592xf32, #tpu.memory_space<hbm>>
          %dma_start3A_379 = tpu.memref_squeeze %dma_start3A_378 : memref<1x62592xf32, #tpu.memory_space<hbm>> -> memref<62592xf32, #tpu.memory_space<hbm>>
          tpu.enqueue_dma source(%dma_start3A_379 : memref<62592xf32, #tpu.memory_space<hbm>>) target(%dma_start3A_376 : memref<62592xf32, #tpu.memory_space<vmem_shared>>) target_semaphore(%arg19 : memref<!tpu.dma_semaphore, #tpu.memory_space<semaphore_mem>>)
        } else {
        }
        %eq3A_311 = arith.constant 4 : i32
        %eq3A_312 = arith.cmpi eq, %arg1, %eq3A_311 : i32
        %convert_element_type3A_313 = arith.extui %eq3A_312 : i1 to i32
        %cond3A_314 = arith.constant 0 : i32
        %cond3A_315 = arith.cmpi ne, %convert_element_type3A_313, %cond3A_314 : i32
        scf.if %cond3A_315 {
          %dma_start3A = arith.constant 249984 : i32
          %dma_start3A_376 = tpu.memref_slice %arg18[%dma_start3A] : memref<1000000xf32, #tpu.memory_space<vmem_shared>> -> memref<62464xf32, #tpu.memory_space<vmem_shared>>
          %dma_start3A_377 = arith.constant 249984 : i32
          %dma_start3A_378 = tpu.memref_slice %arg5[%add3A_290, %dma_start3A_377] : memref<64x1000000xf32, #tpu.memory_space<hbm>> -> memref<1x62464xf32, #tpu.memory_space<hbm>>
          %dma_start3A_379 = tpu.memref_squeeze %dma_start3A_378 : memref<1x62464xf32, #tpu.memory_space<hbm>> -> memref<62464xf32, #tpu.memory_space<hbm>>
          tpu.enqueue_dma source(%dma_start3A_379 : memref<62464xf32, #tpu.memory_space<hbm>>) target(%dma_start3A_376 : memref<62464xf32, #tpu.memory_space<vmem_shared>>) target_semaphore(%arg19 : memref<!tpu.dma_semaphore, #tpu.memory_space<semaphore_mem>>)
        } else {
        }
        %eq3A_316 = arith.constant 5 : i32
        %eq3A_317 = arith.cmpi eq, %arg1, %eq3A_316 : i32
        %convert_element_type3A_318 = arith.extui %eq3A_317 : i1 to i32
        %cond3A_319 = arith.constant 0 : i32
        %cond3A_320 = arith.cmpi ne, %convert_element_type3A_318, %cond3A_319 : i32
        scf.if %cond3A_320 {
          %dma_start3A = arith.constant 312448 : i32
          %dma_start3A_376 = tpu.memref_slice %arg18[%dma_start3A] : memref<1000000xf32, #tpu.memory_space<vmem_shared>> -> memref<62464xf32, #tpu.memory_space<vmem_shared>>
          %dma_start3A_377 = arith.constant 312448 : i32
          %dma_start3A_378 = tpu.memref_slice %arg5[%add3A_290, %dma_start3A_377] : memref<64x1000000xf32, #tpu.memory_space<hbm>> -> memref<1x62464xf32, #tpu.memory_space<hbm>>
          %dma_start3A_379 = tpu.memref_squeeze %dma_start3A_378 : memref<1x62464xf32, #tpu.memory_space<hbm>> -> memref<62464xf32, #tpu.memory_space<hbm>>
          tpu.enqueue_dma source(%dma_start3A_379 : memref<62464xf32, #tpu.memory_space<hbm>>) target(%dma_start3A_376 : memref<62464xf32, #tpu.memory_space<vmem_shared>>) target_semaphore(%arg19 : memref<!tpu.dma_semaphore, #tpu.memory_space<semaphore_mem>>)
        } else {
        }
        %eq3A_321 = arith.constant 6 : i32
        %eq3A_322 = arith.cmpi eq, %arg1, %eq3A_321 : i32
        %convert_element_type3A_323 = arith.extui %eq3A_322 : i1 to i32
        %cond3A_324 = arith.constant 0 : i32
        %cond3A_325 = arith.cmpi ne, %convert_element_type3A_323, %cond3A_324 : i32
        scf.if %cond3A_325 {
          %dma_start3A = arith.constant 374912 : i32
          %dma_start3A_376 = tpu.memref_slice %arg18[%dma_start3A] : memref<1000000xf32, #tpu.memory_space<vmem_shared>> -> memref<62464xf32, #tpu.memory_space<vmem_shared>>
          %dma_start3A_377 = arith.constant 374912 : i32
          %dma_start3A_378 = tpu.memref_slice %arg5[%add3A_290, %dma_start3A_377] : memref<64x1000000xf32, #tpu.memory_space<hbm>> -> memref<1x62464xf32, #tpu.memory_space<hbm>>
          %dma_start3A_379 = tpu.memref_squeeze %dma_start3A_378 : memref<1x62464xf32, #tpu.memory_space<hbm>> -> memref<62464xf32, #tpu.memory_space<hbm>>
          tpu.enqueue_dma source(%dma_start3A_379 : memref<62464xf32, #tpu.memory_space<hbm>>) target(%dma_start3A_376 : memref<62464xf32, #tpu.memory_space<vmem_shared>>) target_semaphore(%arg19 : memref<!tpu.dma_semaphore, #tpu.memory_space<semaphore_mem>>)
        } else {
        }
        %eq3A_326 = arith.constant 7 : i32
        %eq3A_327 = arith.cmpi eq, %arg1, %eq3A_326 : i32
        %convert_element_type3A_328 = arith.extui %eq3A_327 : i1 to i32
        %cond3A_329 = arith.constant 0 : i32
        %cond3A_330 = arith.cmpi ne, %convert_element_type3A_328, %cond3A_329 : i32
        scf.if %cond3A_330 {
          %dma_start3A = arith.constant 437376 : i32
          %dma_start3A_376 = tpu.memref_slice %arg18[%dma_start3A] : memref<1000000xf32, #tpu.memory_space<vmem_shared>> -> memref<62592xf32, #tpu.memory_space<vmem_shared>>
          %dma_start3A_377 = arith.constant 437376 : i32
          %dma_start3A_378 = tpu.memref_slice %arg5[%add3A_290, %dma_start3A_377] : memref<64x1000000xf32, #tpu.memory_space<hbm>> -> memref<1x62592xf32, #tpu.memory_space<hbm>>
          %dma_start3A_379 = tpu.memref_squeeze %dma_start3A_378 : memref<1x62592xf32, #tpu.memory_space<hbm>> -> memref<62592xf32, #tpu.memory_space<hbm>>
          tpu.enqueue_dma source(%dma_start3A_379 : memref<62592xf32, #tpu.memory_space<hbm>>) target(%dma_start3A_376 : memref<62592xf32, #tpu.memory_space<vmem_shared>>) target_semaphore(%arg19 : memref<!tpu.dma_semaphore, #tpu.memory_space<semaphore_mem>>)
        } else {
        }
        %eq3A_331 = arith.constant 8 : i32
        %eq3A_332 = arith.cmpi eq, %arg1, %eq3A_331 : i32
        %convert_element_type3A_333 = arith.extui %eq3A_332 : i1 to i32
        %cond3A_334 = arith.constant 0 : i32
        %cond3A_335 = arith.cmpi ne, %convert_element_type3A_333, %cond3A_334 : i32
        scf.if %cond3A_335 {
          %dma_start3A = arith.constant 499968 : i32
          %dma_start3A_376 = tpu.memref_slice %arg18[%dma_start3A] : memref<1000000xf32, #tpu.memory_space<vmem_shared>> -> memref<62464xf32, #tpu.memory_space<vmem_shared>>
          %dma_start3A_377 = arith.constant 499968 : i32
          %dma_start3A_378 = tpu.memref_slice %arg5[%add3A_290, %dma_start3A_377] : memref<64x1000000xf32, #tpu.memory_space<hbm>> -> memref<1x62464xf32, #tpu.memory_space<hbm>>
          %dma_start3A_379 = tpu.memref_squeeze %dma_start3A_378 : memref<1x62464xf32, #tpu.memory_space<hbm>> -> memref<62464xf32, #tpu.memory_space<hbm>>
          tpu.enqueue_dma source(%dma_start3A_379 : memref<62464xf32, #tpu.memory_space<hbm>>) target(%dma_start3A_376 : memref<62464xf32, #tpu.memory_space<vmem_shared>>) target_semaphore(%arg19 : memref<!tpu.dma_semaphore, #tpu.memory_space<semaphore_mem>>)
        } else {
        }
        %eq3A_336 = arith.constant 9 : i32
        %eq3A_337 = arith.cmpi eq, %arg1, %eq3A_336 : i32
        %convert_element_type3A_338 = arith.extui %eq3A_337 : i1 to i32
        %cond3A_339 = arith.constant 0 : i32
        %cond3A_340 = arith.cmpi ne, %convert_element_type3A_338, %cond3A_339 : i32
        scf.if %cond3A_340 {
          %dma_start3A = arith.constant 562432 : i32
          %dma_start3A_376 = tpu.memref_slice %arg18[%dma_start3A] : memref<1000000xf32, #tpu.memory_space<vmem_shared>> -> memref<62464xf32, #tpu.memory_space<vmem_shared>>
          %dma_start3A_377 = arith.constant 562432 : i32
          %dma_start3A_378 = tpu.memref_slice %arg5[%add3A_290, %dma_start3A_377] : memref<64x1000000xf32, #tpu.memory_space<hbm>> -> memref<1x62464xf32, #tpu.memory_space<hbm>>
          %dma_start3A_379 = tpu.memref_squeeze %dma_start3A_378 : memref<1x62464xf32, #tpu.memory_space<hbm>> -> memref<62464xf32, #tpu.memory_space<hbm>>
          tpu.enqueue_dma source(%dma_start3A_379 : memref<62464xf32, #tpu.memory_space<hbm>>) target(%dma_start3A_376 : memref<62464xf32, #tpu.memory_space<vmem_shared>>) target_semaphore(%arg19 : memref<!tpu.dma_semaphore, #tpu.memory_space<semaphore_mem>>)
        } else {
        }
        %eq3A_341 = arith.constant 10 : i32
        %eq3A_342 = arith.cmpi eq, %arg1, %eq3A_341 : i32
        %convert_element_type3A_343 = arith.extui %eq3A_342 : i1 to i32
        %cond3A_344 = arith.constant 0 : i32
        %cond3A_345 = arith.cmpi ne, %convert_element_type3A_343, %cond3A_344 : i32
        scf.if %cond3A_345 {
          %dma_start3A = arith.constant 624896 : i32
          %dma_start3A_376 = tpu.memref_slice %arg18[%dma_start3A] : memref<1000000xf32, #tpu.memory_space<vmem_shared>> -> memref<62464xf32, #tpu.memory_space<vmem_shared>>
          %dma_start3A_377 = arith.constant 624896 : i32
          %dma_start3A_378 = tpu.memref_slice %arg5[%add3A_290, %dma_start3A_377] : memref<64x1000000xf32, #tpu.memory_space<hbm>> -> memref<1x62464xf32, #tpu.memory_space<hbm>>
          %dma_start3A_379 = tpu.memref_squeeze %dma_start3A_378 : memref<1x62464xf32, #tpu.memory_space<hbm>> -> memref<62464xf32, #tpu.memory_space<hbm>>
          tpu.enqueue_dma source(%dma_start3A_379 : memref<62464xf32, #tpu.memory_space<hbm>>) target(%dma_start3A_376 : memref<62464xf32, #tpu.memory_space<vmem_shared>>) target_semaphore(%arg19 : memref<!tpu.dma_semaphore, #tpu.memory_space<semaphore_mem>>)
        } else {
        }
        %eq3A_346 = arith.constant 11 : i32
        %eq3A_347 = arith.cmpi eq, %arg1, %eq3A_346 : i32
        %convert_element_type3A_348 = arith.extui %eq3A_347 : i1 to i32
        %cond3A_349 = arith.constant 0 : i32
        %cond3A_350 = arith.cmpi ne, %convert_element_type3A_348, %cond3A_349 : i32
        scf.if %cond3A_350 {
          %dma_start3A = arith.constant 687360 : i32
          %dma_start3A_376 = tpu.memref_slice %arg18[%dma_start3A] : memref<1000000xf32, #tpu.memory_space<vmem_shared>> -> memref<62592xf32, #tpu.memory_space<vmem_shared>>
          %dma_start3A_377 = arith.constant 687360 : i32
          %dma_start3A_378 = tpu.memref_slice %arg5[%add3A_290, %dma_start3A_377] : memref<64x1000000xf32, #tpu.memory_space<hbm>> -> memref<1x62592xf32, #tpu.memory_space<hbm>>
          %dma_start3A_379 = tpu.memref_squeeze %dma_start3A_378 : memref<1x62592xf32, #tpu.memory_space<hbm>> -> memref<62592xf32, #tpu.memory_space<hbm>>
          tpu.enqueue_dma source(%dma_start3A_379 : memref<62592xf32, #tpu.memory_space<hbm>>) target(%dma_start3A_376 : memref<62592xf32, #tpu.memory_space<vmem_shared>>) target_semaphore(%arg19 : memref<!tpu.dma_semaphore, #tpu.memory_space<semaphore_mem>>)
        } else {
        }
        %eq3A_351 = arith.constant 12 : i32
        %eq3A_352 = arith.cmpi eq, %arg1, %eq3A_351 : i32
        %convert_element_type3A_353 = arith.extui %eq3A_352 : i1 to i32
        %cond3A_354 = arith.constant 0 : i32
        %cond3A_355 = arith.cmpi ne, %convert_element_type3A_353, %cond3A_354 : i32
        scf.if %cond3A_355 {
          %dma_start3A = arith.constant 749952 : i32
          %dma_start3A_376 = tpu.memref_slice %arg18[%dma_start3A] : memref<1000000xf32, #tpu.memory_space<vmem_shared>> -> memref<62464xf32, #tpu.memory_space<vmem_shared>>
          %dma_start3A_377 = arith.constant 749952 : i32
          %dma_start3A_378 = tpu.memref_slice %arg5[%add3A_290, %dma_start3A_377] : memref<64x1000000xf32, #tpu.memory_space<hbm>> -> memref<1x62464xf32, #tpu.memory_space<hbm>>
          %dma_start3A_379 = tpu.memref_squeeze %dma_start3A_378 : memref<1x62464xf32, #tpu.memory_space<hbm>> -> memref<62464xf32, #tpu.memory_space<hbm>>
          tpu.enqueue_dma source(%dma_start3A_379 : memref<62464xf32, #tpu.memory_space<hbm>>) target(%dma_start3A_376 : memref<62464xf32, #tpu.memory_space<vmem_shared>>) target_semaphore(%arg19 : memref<!tpu.dma_semaphore, #tpu.memory_space<semaphore_mem>>)
        } else {
        }
        %eq3A_356 = arith.constant 13 : i32
        %eq3A_357 = arith.cmpi eq, %arg1, %eq3A_356 : i32
        %convert_element_type3A_358 = arith.extui %eq3A_357 : i1 to i32
        %cond3A_359 = arith.constant 0 : i32
        %cond3A_360 = arith.cmpi ne, %convert_element_type3A_358, %cond3A_359 : i32
        scf.if %cond3A_360 {
          %dma_start3A = arith.constant 812416 : i32
          %dma_start3A_376 = tpu.memref_slice %arg18[%dma_start3A] : memref<1000000xf32, #tpu.memory_space<vmem_shared>> -> memref<62464xf32, #tpu.memory_space<vmem_shared>>
          %dma_start3A_377 = arith.constant 812416 : i32
          %dma_start3A_378 = tpu.memref_slice %arg5[%add3A_290, %dma_start3A_377] : memref<64x1000000xf32, #tpu.memory_space<hbm>> -> memref<1x62464xf32, #tpu.memory_space<hbm>>
          %dma_start3A_379 = tpu.memref_squeeze %dma_start3A_378 : memref<1x62464xf32, #tpu.memory_space<hbm>> -> memref<62464xf32, #tpu.memory_space<hbm>>
          tpu.enqueue_dma source(%dma_start3A_379 : memref<62464xf32, #tpu.memory_space<hbm>>) target(%dma_start3A_376 : memref<62464xf32, #tpu.memory_space<vmem_shared>>) target_semaphore(%arg19 : memref<!tpu.dma_semaphore, #tpu.memory_space<semaphore_mem>>)
        } else {
        }
        %eq3A_361 = arith.constant 14 : i32
        %eq3A_362 = arith.cmpi eq, %arg1, %eq3A_361 : i32
        %convert_element_type3A_363 = arith.extui %eq3A_362 : i1 to i32
        %cond3A_364 = arith.constant 0 : i32
        %cond3A_365 = arith.cmpi ne, %convert_element_type3A_363, %cond3A_364 : i32
        scf.if %cond3A_365 {
          %dma_start3A = arith.constant 874880 : i32
          %dma_start3A_376 = tpu.memref_slice %arg18[%dma_start3A] : memref<1000000xf32, #tpu.memory_space<vmem_shared>> -> memref<62464xf32, #tpu.memory_space<vmem_shared>>
          %dma_start3A_377 = arith.constant 874880 : i32
          %dma_start3A_378 = tpu.memref_slice %arg5[%add3A_290, %dma_start3A_377] : memref<64x1000000xf32, #tpu.memory_space<hbm>> -> memref<1x62464xf32, #tpu.memory_space<hbm>>
          %dma_start3A_379 = tpu.memref_squeeze %dma_start3A_378 : memref<1x62464xf32, #tpu.memory_space<hbm>> -> memref<62464xf32, #tpu.memory_space<hbm>>
          tpu.enqueue_dma source(%dma_start3A_379 : memref<62464xf32, #tpu.memory_space<hbm>>) target(%dma_start3A_376 : memref<62464xf32, #tpu.memory_space<vmem_shared>>) target_semaphore(%arg19 : memref<!tpu.dma_semaphore, #tpu.memory_space<semaphore_mem>>)
        } else {
        }
        %eq3A_366 = arith.constant 15 : i32
        %eq3A_367 = arith.cmpi eq, %arg1, %eq3A_366 : i32
        %convert_element_type3A_368 = arith.extui %eq3A_367 : i1 to i32
        %cond3A_369 = arith.constant 0 : i32
        %cond3A_370 = arith.cmpi ne, %convert_element_type3A_368, %cond3A_369 : i32
        scf.if %cond3A_370 {
          %dma_start3A = arith.constant 937344 : i32
          %dma_start3A_376 = tpu.memref_slice %arg18[%dma_start3A] : memref<1000000xf32, #tpu.memory_space<vmem_shared>> -> memref<62592xf32, #tpu.memory_space<vmem_shared>>
          %dma_start3A_377 = arith.constant 937344 : i32
          %dma_start3A_378 = tpu.memref_slice %arg5[%add3A_290, %dma_start3A_377] : memref<64x1000000xf32, #tpu.memory_space<hbm>> -> memref<1x62592xf32, #tpu.memory_space<hbm>>
          %dma_start3A_379 = tpu.memref_squeeze %dma_start3A_378 : memref<1x62592xf32, #tpu.memory_space<hbm>> -> memref<62592xf32, #tpu.memory_space<hbm>>
          tpu.enqueue_dma source(%dma_start3A_379 : memref<62592xf32, #tpu.memory_space<hbm>>) target(%dma_start3A_376 : memref<62592xf32, #tpu.memory_space<vmem_shared>>) target_semaphore(%arg19 : memref<!tpu.dma_semaphore, #tpu.memory_space<semaphore_mem>>)
        } else {
        }
        %eq3A_371 = arith.constant 0 : i32
        %eq3A_372 = arith.cmpi eq, %arg1, %eq3A_371 : i32
        %convert_element_type3A_373 = arith.extui %eq3A_372 : i1 to i32
        %cond3A_374 = arith.constant 0 : i32
        %cond3A_375 = arith.cmpi ne, %convert_element_type3A_373, %cond3A_374 : i32
        scf.if %cond3A_375 {
          %sub3A_376 = arith.subi %add3A_290, %mul3A_0 : i32
          %mul3A_377 = arith.constant 64 : i32
          %mul3A_378 = arith.muli %sub3A_376, %mul3A_377 : i32
          %dma_start3A = arith.constant 1 : i32
          %dma_start3A_379 = tpu.memref_slice %arg16[%dma_start3A, %mul3A_378] : memref<2x2048xf32, #tpu.memory_space<vmem>> -> memref<1x64xf32, #tpu.memory_space<vmem>>
          %dma_start3A_380 = tpu.memref_squeeze %dma_start3A_379 : memref<1x64xf32, #tpu.memory_space<vmem>> -> memref<64xf32, #tpu.memory_space<vmem>>
          %dma_start3A_381 = arith.constant 999936 : i32
          %dma_start3A_382 = tpu.memref_slice %arg18[%dma_start3A_381] : memref<1000000xf32, #tpu.memory_space<vmem_shared>> -> memref<64xf32, #tpu.memory_space<vmem_shared>>
          %dma_start3A_383 = arith.constant 999936 : i32
          %dma_start3A_384 = tpu.memref_slice %arg18[%dma_start3A_383] : memref<1000000xf32, #tpu.memory_space<vmem_shared>> -> memref<64xf32, #tpu.memory_space<vmem_shared>>
          %dma_start3A_385 = tpu.memref_slice %arg16[%dma_start3A, %mul3A_378] : memref<2x2048xf32, #tpu.memory_space<vmem>> -> memref<1x64xf32, #tpu.memory_space<vmem>>
          %dma_start3A_386 = tpu.memref_squeeze %dma_start3A_385 : memref<1x64xf32, #tpu.memory_space<vmem>> -> memref<64xf32, #tpu.memory_space<vmem>>
          tpu.enqueue_dma source(%dma_start3A_386 : memref<64xf32, #tpu.memory_space<vmem>>) target(%dma_start3A_384 : memref<64xf32, #tpu.memory_space<vmem_shared>>) target_semaphore(%arg19 : memref<!tpu.dma_semaphore, #tpu.memory_space<semaphore_mem>>)
        } else {
        }
      } else {
      }
      %broadcast_in_dim3A = arith.constant 0 : i32
      %broadcast_in_dim3A_281 = vector.broadcast %broadcast_in_dim3A : i32 to vector<16xi32>
      %add3A_282 = vector.broadcast %add3A_145 : i32 to vector<16xi32>
      %add3A_283 = arith.addi %broadcast_in_dim3A_281, %add3A_282 : vector<16xi32>
      %scan3A_284 = arith.constant 0 : i32
      %scan3A_285 = arith.constant 336 : i32
      %scan3A_286 = arith.addi %scan3A_284, %scan3A_285 : i32
      %scan3A_287 = arith.constant 1 : i32
      scf.for %scan3A_289 = %scan3A_284 to %scan3A_286 step %scan3A_287  : i32 {
        %mul3A_290 = arith.constant 1 : i32
        %mul3A_291 = arith.muli %scan3A_289, %mul3A_290 : i32
        %add3A_292 = arith.constant 0 : i32
        %add3A_293 = arith.addi %add3A_292, %mul3A_291 : i32
        %mul3A_294 = arith.constant 16 : i32
        %mul3A_295 = arith.muli %add3A_293, %mul3A_294 : i32
        %get3A = arith.index_cast %mul3A_295 : i32 to index
        %get3A_296 = tpu.vector_load %arg12[%get3A] {strides = array<i32>} : memref<5376xi32, #tpu.memory_space<vmem>>, vector<16xi32>,
        %gather3A = tpu.vector_load_idx %arg13[%add3A_283, %get3A_296] : memref<32x256xf32, #tpu.memory_space<vmem>>[vector<16xi32>, vector<16xi32>], vector<16xf32>,
        %mul3A_297 = arith.constant 16 : i32
        %mul3A_298 = arith.muli %add3A_293, %mul3A_297 : i32
        %mul3A_299 = arith.constant 16 : i32
        %mul3A_300 = arith.muli %add3A_293, %mul3A_299 : i32
        %get3A_301 = arith.index_cast %mul3A_300 : i32 to index
        %get3A_302 = tpu.vector_load %arg14[%get3A_301] {strides = array<i32>} : memref<5376xf32, #tpu.memory_space<vmem>>, vector<16xf32>,
        %mul3A_303 = arith.mulf %gather3A, %get3A_302 : vector<16xf32>
        %swap3A = arith.index_cast %mul3A_298 : i32 to index
        %swap3A_304 = tpu.vector_load %arg15[%swap3A] {strides = array<i32>} : memref<5376xf32, #tpu.memory_space<vmem>>, vector<16xf32>,
        tpu.vector_store %arg15[%swap3A], %mul3A_303 {add = true, strides = array<i32>} : memref<5376xf32, #tpu.memory_space<vmem>>, vector<16xf32>,
      }
      %scan3A_288 = arith.constant 336 : i32
    }
    %scan3A_131 = arith.constant 32 : i32
    %eq3A_132 = arith.constant 0 : i32
    %eq3A_133 = arith.cmpi eq, %arg0, %eq3A_132 : i32
    %convert_element_type3A_134 = arith.extui %eq3A_133 : i1 to i32
    %cond3A_135 = arith.constant 0 : i32
    %cond3A_136 = arith.cmpi ne, %convert_element_type3A_134, %cond3A_135 : i32
    scf.if %cond3A_136 {
      %mul3A_142 = arith.constant 5376 : i32
      %mul3A_143 = arith.muli %arg1, %mul3A_142 : i32
      "tpu.region"() ({
        %run_scoped3A_144 = tpu.sem_alloc : memref<!tpu.dma_semaphore, #tpu.memory_space<semaphore_mem>>
        %dma_start3A = tpu.memref_slice %arg8[%mul3A_143] : memref<86016xf32, #tpu.memory_space<hbm>> -> memref<5376xf32, #tpu.memory_space<hbm>>
        %dma_start3A_145 = tpu.memref_slice %arg8[%mul3A_143] : memref<86016xf32, #tpu.memory_space<hbm>> -> memref<5376xf32, #tpu.memory_space<hbm>>
        tpu.enqueue_dma source(%arg15 : memref<5376xf32, #tpu.memory_space<vmem>>) target(%dma_start3A_145 : memref<5376xf32, #tpu.memory_space<hbm>>) target_semaphore(%run_scoped3A_144 : memref<!tpu.dma_semaphore, #tpu.memory_space<semaphore_mem>>)
        %dma_wait3A = tpu.memref_slice %arg8[%mul3A_143] : memref<86016xf32, #tpu.memory_space<hbm>> -> memref<5376xf32, #tpu.memory_space<hbm>>
        %dma_wait3A_146 = tpu.memref_slice %arg8[%mul3A_143] : memref<86016xf32, #tpu.memory_space<hbm>> -> memref<5376xf32, #tpu.memory_space<hbm>>
        tpu.wait_dma2 semaphore(%run_scoped3A_144 : memref<!tpu.dma_semaphore, #tpu.memory_space<semaphore_mem>>) src(%arg15 : memref<5376xf32, #tpu.memory_space<vmem>>) dst(%dma_wait3A_146 : memref<5376xf32, #tpu.memory_space<hbm>>)
        tpu.yield
      }) : () -> ()
    } else {
    }
    %eq3A_137 = arith.constant 1 : i32
    %eq3A_138 = arith.cmpi eq, %arg0, %eq3A_137 : i32
    %convert_element_type3A_139 = arith.extui %eq3A_138 : i1 to i32
    %cond3A_140 = arith.constant 0 : i32
    %cond3A_141 = arith.cmpi ne, %convert_element_type3A_139, %cond3A_140 : i32
    scf.if %cond3A_141 {
      %mul3A_142 = arith.constant 5376 : i32
      %mul3A_143 = arith.muli %arg1, %mul3A_142 : i32
      "tpu.region"() ({
        %run_scoped3A_144 = tpu.sem_alloc : memref<!tpu.dma_semaphore, #tpu.memory_space<semaphore_mem>>
        %dma_start3A = tpu.memref_slice %arg9[%mul3A_143] : memref<86016xf32, #tpu.memory_space<hbm>> -> memref<5376xf32, #tpu.memory_space<hbm>>
        %dma_start3A_145 = tpu.memref_slice %arg9[%mul3A_143] : memref<86016xf32, #tpu.memory_space<hbm>> -> memref<5376xf32, #tpu.memory_space<hbm>>
        tpu.enqueue_dma source(%arg15 : memref<5376xf32, #tpu.memory_space<vmem>>) target(%dma_start3A_145 : memref<5376xf32, #tpu.memory_space<hbm>>) target_semaphore(%run_scoped3A_144 : memref<!tpu.dma_semaphore, #tpu.memory_space<semaphore_mem>>)
        %dma_wait3A = tpu.memref_slice %arg9[%mul3A_143] : memref<86016xf32, #tpu.memory_space<hbm>> -> memref<5376xf32, #tpu.memory_space<hbm>>
        %dma_wait3A_146 = tpu.memref_slice %arg9[%mul3A_143] : memref<86016xf32, #tpu.memory_space<hbm>> -> memref<5376xf32, #tpu.memory_space<hbm>>
        tpu.wait_dma2 semaphore(%run_scoped3A_144 : memref<!tpu.dma_semaphore, #tpu.memory_space<semaphore_mem>>) src(%arg15 : memref<5376xf32, #tpu.memory_space<vmem>>) dst(%dma_wait3A_146 : memref<5376xf32, #tpu.memory_space<hbm>>)
        tpu.yield
      }) : () -> ()
    } else {
    }
    return
  }
}

#map = affine_map<(d0, d1) -> (0)>
module attributes {stable_mosaic.version = 14 : i64} {
  func.func @_combine_body(%arg0: i32, %arg1: i32, %arg2: memref<86016xf32, #tpu.memory_space<hbm>>, %arg3: memref<86016xf32, #tpu.memory_space<hbm>>, %arg4: memref<86016xf32, #tpu.memory_space<hbm>>, %arg5: memref<2688xf32, #tpu.memory_space<vmem>>, %arg6: memref<2688xf32, #tpu.memory_space<vmem>>, %arg7: memref<2688xf32, #tpu.memory_space<vmem>>) attributes {dimension_semantics = [#tpu.dimension_semantics<core_parallel>, #tpu.dimension_semantics<subcore_parallel>], iteration_bounds = array<i64: 2, 16>, scalar_prefetch = 0 : i64, scratch_operands = 3 : i64, tpu.core_type = #tpu.core_type<sc_vector_subcore>, window_params = [{transform_indices = #map}, {transform_indices = #map}, {transform_indices = #map}]} {
    %mul3A = arith.constant 2 : i32
    %mul3A_0 = arith.muli %arg1, %mul3A : i32
    %add3A = arith.addi %mul3A_0, %arg0 : i32
    %mul3A_1 = arith.constant 2688 : i32
    %mul3A_2 = arith.muli %add3A, %mul3A_1 : i32
    "tpu.region"() ({
      %run_scoped3A = tpu.sem_alloc : memref<!tpu.dma_semaphore, #tpu.memory_space<semaphore_mem>>
      %dma_start3A = tpu.memref_slice %arg2[%mul3A_2] : memref<86016xf32, #tpu.memory_space<hbm>> -> memref<2688xf32, #tpu.memory_space<hbm>>
      %dma_start3A_11 = tpu.memref_slice %arg2[%mul3A_2] : memref<86016xf32, #tpu.memory_space<hbm>> -> memref<2688xf32, #tpu.memory_space<hbm>>
      tpu.enqueue_dma source(%dma_start3A_11 : memref<2688xf32, #tpu.memory_space<hbm>>) target(%arg5 : memref<2688xf32, #tpu.memory_space<vmem>>) target_semaphore(%run_scoped3A : memref<!tpu.dma_semaphore, #tpu.memory_space<semaphore_mem>>)
      %dma_wait3A = tpu.memref_slice %arg2[%mul3A_2] : memref<86016xf32, #tpu.memory_space<hbm>> -> memref<2688xf32, #tpu.memory_space<hbm>>
      %dma_wait3A_12 = tpu.memref_slice %arg2[%mul3A_2] : memref<86016xf32, #tpu.memory_space<hbm>> -> memref<2688xf32, #tpu.memory_space<hbm>>
      tpu.wait_dma2 semaphore(%run_scoped3A : memref<!tpu.dma_semaphore, #tpu.memory_space<semaphore_mem>>) src(%dma_wait3A_12 : memref<2688xf32, #tpu.memory_space<hbm>>) dst(%arg5 : memref<2688xf32, #tpu.memory_space<vmem>>)
      tpu.yield
    }) : () -> ()
    %mul3A_3 = arith.constant 2688 : i32
    %mul3A_4 = arith.muli %add3A, %mul3A_3 : i32
    "tpu.region"() ({
      %run_scoped3A = tpu.sem_alloc : memref<!tpu.dma_semaphore, #tpu.memory_space<semaphore_mem>>
      %dma_start3A = tpu.memref_slice %arg3[%mul3A_4] : memref<86016xf32, #tpu.memory_space<hbm>> -> memref<2688xf32, #tpu.memory_space<hbm>>
      %dma_start3A_11 = tpu.memref_slice %arg3[%mul3A_4] : memref<86016xf32, #tpu.memory_space<hbm>> -> memref<2688xf32, #tpu.memory_space<hbm>>
      tpu.enqueue_dma source(%dma_start3A_11 : memref<2688xf32, #tpu.memory_space<hbm>>) target(%arg6 : memref<2688xf32, #tpu.memory_space<vmem>>) target_semaphore(%run_scoped3A : memref<!tpu.dma_semaphore, #tpu.memory_space<semaphore_mem>>)
      %dma_wait3A = tpu.memref_slice %arg3[%mul3A_4] : memref<86016xf32, #tpu.memory_space<hbm>> -> memref<2688xf32, #tpu.memory_space<hbm>>
      %dma_wait3A_12 = tpu.memref_slice %arg3[%mul3A_4] : memref<86016xf32, #tpu.memory_space<hbm>> -> memref<2688xf32, #tpu.memory_space<hbm>>
      tpu.wait_dma2 semaphore(%run_scoped3A : memref<!tpu.dma_semaphore, #tpu.memory_space<semaphore_mem>>) src(%dma_wait3A_12 : memref<2688xf32, #tpu.memory_space<hbm>>) dst(%arg6 : memref<2688xf32, #tpu.memory_space<vmem>>)
      tpu.yield
    }) : () -> ()
    %scan3A = arith.constant 0 : i32
    %scan3A_5 = arith.constant 168 : i32
    %scan3A_6 = arith.addi %scan3A, %scan3A_5 : i32
    %scan3A_7 = arith.constant 1 : i32
    scf.for %scan3A_11 = %scan3A to %scan3A_6 step %scan3A_7  : i32 {
      %mul3A_12 = arith.constant 1 : i32
      %mul3A_13 = arith.muli %scan3A_11, %mul3A_12 : i32
      %add3A_14 = arith.constant 0 : i32
      %add3A_15 = arith.addi %add3A_14, %mul3A_13 : i32
      %mul3A_16 = arith.constant 16 : i32
      %mul3A_17 = arith.muli %add3A_15, %mul3A_16 : i32
      %get3A = arith.index_cast %mul3A_17 : i32 to index
      %get3A_18 = tpu.vector_load %arg5[%get3A] {strides = array<i32>} : memref<2688xf32, #tpu.memory_space<vmem>>, vector<16xf32>,
      %get3A_19 = arith.index_cast %mul3A_17 : i32 to index
      %get3A_20 = tpu.vector_load %arg6[%get3A_19] {strides = array<i32>} : memref<2688xf32, #tpu.memory_space<vmem>>, vector<16xf32>,
      %add3A_21 = arith.addf %get3A_18, %get3A_20 : vector<16xf32>
      %swap3A = arith.index_cast %mul3A_17 : i32 to index
      %swap3A_22 = tpu.vector_load %arg7[%swap3A] {strides = array<i32>} : memref<2688xf32, #tpu.memory_space<vmem>>, vector<16xf32>,
      tpu.vector_store %arg7[%swap3A], %add3A_21 {strides = array<i32>} : memref<2688xf32, #tpu.memory_space<vmem>>, vector<16xf32>,
    }
    %scan3A_8 = arith.constant 168 : i32
    %mul3A_9 = arith.constant 2688 : i32
    %mul3A_10 = arith.muli %add3A, %mul3A_9 : i32
    "tpu.region"() ({
      %run_scoped3A = tpu.sem_alloc : memref<!tpu.dma_semaphore, #tpu.memory_space<semaphore_mem>>
      %dma_start3A = tpu.memref_slice %arg4[%mul3A_10] : memref<86016xf32, #tpu.memory_space<hbm>> -> memref<2688xf32, #tpu.memory_space<hbm>>
      %dma_start3A_11 = tpu.memref_slice %arg4[%mul3A_10] : memref<86016xf32, #tpu.memory_space<hbm>> -> memref<2688xf32, #tpu.memory_space<hbm>>
      tpu.enqueue_dma source(%arg7 : memref<2688xf32, #tpu.memory_space<vmem>>) target(%dma_start3A_11 : memref<2688xf32, #tpu.memory_space<hbm>>) target_semaphore(%run_scoped3A : memref<!tpu.dma_semaphore, #tpu.memory_space<semaphore_mem>>)
      %dma_wait3A = tpu.memref_slice %arg4[%mul3A_10] : memref<86016xf32, #tpu.memory_space<hbm>> -> memref<2688xf32, #tpu.memory_space<hbm>>
      %dma_wait3A_12 = tpu.memref_slice %arg4[%mul3A_10] : memref<86016xf32, #tpu.memory_space<hbm>> -> memref<2688xf32, #tpu.memory_space<hbm>>
      tpu.wait_dma2 semaphore(%run_scoped3A : memref<!tpu.dma_semaphore, #tpu.memory_space<semaphore_mem>>) src(%arg7 : memref<2688xf32, #tpu.memory_space<vmem>>) dst(%dma_wait3A_12 : memref<2688xf32, #tpu.memory_space<hbm>>)
      tpu.yield
    }) : () -> ()
    return
  }
}

</mosaic_0001>

<sc_bundles>
// kernel: _run.4.cloned.1.call-start
scs
__scs_entry_jumppad:
0x0: {  	(pc) =	sbr.rel $0x88, $3  }
0x1: {  	(tag) =	ssettag $0x0;
	lr =	simm.s32 $0x1  }
0x2: {  	[smem:$0x3F9B] =	sst lr;
	_ =	strace $0xD0000000  }
0x3: {  	_ = 	snop  }
0x4: {  	_ = 	snop  }
0x5: {  	_ = 	snop  }
0x6: {  	_ = 	snop  }
0x7: {  	_ = 	snop  }
__scs_overlays_trampoline_lowered:
0x8: {  	[smem:$0x3FAA] =	sst s0  }
0x9: {  	[smem:$0x3FAB] =	sst s1  }
0xa: {  	[smem:$0x3FAC] =	sst s2  }
0xb: {  	[smem:$0x3FAD] =	sst s3  }
0xc: {  	[smem:$0x3FAE] =	sst s4  }
0xd: {  	[smem:$0x3FAF] =	sst s5  }
0xe: {  	[smem:$0x3FB0] =	sst s6  }
0xf: {  	[smem:$0x3FB1] =	sst s7  }
0x10: {  	[smem:$0x3FB2] =	sst s8  }
0x11: {  	[smem:$0x3FB3] =	sst s9;
	s0 =	simm.s32 @!p0 $0x0  }
0x12: {  	s1 =	sld [smem:$0x3F99];
	s0 =	simm.s32 @p0 $0x1  }
0x13: {  	[smem:$0x3FB4] =	sst s0;
	s0 =	simm.s32 @!p1 $0x0  }
0x14: {  	s2 =	sld [smem:$0x3F98];
	s0 =	simm.s32 @p1 $0x1  }
0x15: {  	[smem:$0x3FB5] =	sst s0;
	s0 =	simm.s32 @!p2 $0x0  }
0x16: {  	s3 =	sld [smem:$0x3FDB];
	s0 =	simm.s32 @p2 $0x1  }
0x17: {  	s4 =	simm.s32 $0x1BF5;
	[smem:$0x3FB7] =	sst s0  }
0x18: {  	s0 =	sld [smem:$0x3F9A];
	_ =	swait.ge [sflag:s4], $0x0  }
0x19: {  	s7 =	sld [smem:$0x3F9B]  }
0x1a: {  	s8 =	sadd.s32 $0xFFFFE003, lr  }
0x1b: {  	s9 =	sadd.s32 $0xFFFFFEF7, lr;
	s5 =	simm.s32 $0xFFFFFFFF;
	p2 =	slt.u32 s8, $0xFFFFF086  }
0x1c: {  	p1 =	slt.u32 s9, $0xF7A;
	s5 =	simm.s32 @!p2 $0x0  }
0x1d: {  	s5 =	simm.s32 @p1 $0x1;
	p0 =	seq.s32 s7, s2  }
0x1e: {  	s7 =	smul.u32 @!p0 $0xF7A, s2;
	p2 =	seq.s32 @!p0 s5, $0x0  }
0x1f: {  	s9 =	smul.u32 $0xF7A, s1;
	s8 =	simm.s32 @!p0 $0x1BF5;
	p2 =	por !p2, p0  }
0x20: {  	[sflag:s8] =	ssyncset.s32 @!p0 $0xFFFFF086;
	s6 =	sadd.s32 @!p0 s3, s7;
	s7 =	simm.s32 @!p0 $0x108  }
0x21: {  	s3 =	sadd.s32 s3, s9;
	s6 =	sadd.s32 @!p0 $0x88, s6;
	s7 =	simm.s32 @p2 $0x1082  }
0x22: {  	[simem:s7], [sflag:s8] =	dma.local @!p0 [hbm:s6], $0xF7A  }
0x23: {  	s9 =	sor.u32 $0xD0000000, s2;
	s6 =	simm.s32 $0x108;
	_ =	swait.ge @!p0 [sflag:s8], $0x0  }
0x24: {  	s3 =	sadd.s32 $0x88, s3;
	s6 =	simm.s32 @!p1 $0x1082;
	[sflag:s4] =	ssyncset.s32 $0xFFFFF086  }
0x25: {  	[simem:s6], [sflag:s4] =	dma.local [hbm:s3], $0xF7A  }
0x26: {  	[smem:$0x3F9B] =	sst s1;
	(tag) =	ssettag s2;
	_ =	strace s9  }
0x27: {  	s1 =	sld [smem:$0x3FAB]  }
0x28: {  	s2 =	sld [smem:$0x3FAC]  }
0x29: {  	s4 =	sld [smem:$0x3FAE]  }
0x2a: {  	p0 =	seq.s32 s5, $0x0;
	s5 =	sld [smem:$0x3FAF]  }
0x2b: {  	s6 =	sld [smem:$0x3FB0]  }
0x2c: {  	s7 =	sld [smem:$0x3FB1]  }
0x2d: {  	s3 =	simm.s32 $0x108;
	s8 =	sld [smem:$0x3FB2]  }
0x2e: {  	s3 =	simm.s32 @!p0 $0x1082;
	s9 =	sld [smem:$0x3FB3]  }
0x2f: {  	lr =	sadd.s32 s0, s3;
	s0 =	sld [smem:$0x3FAA]  }
0x30: {  	s3 =	sld [smem:$0x3FAD]  }
0x31: {  	[smem:$0x3FB6] =	sst s10  }
0x32: {  	s10 =	sld [smem:$0x3FB4];
	_ =	sdelay $0x3  }
0x33: {  	p0 =	seq.s32 s10, $0x1;
	s10 =	sld [smem:$0x3FB6];
	_ =	sdelay $0x3  }
0x34: {  	[smem:$0x3FB6] =	sst s10  }
0x35: {  	s10 =	sld [smem:$0x3FB5];
	_ =	sdelay $0x3  }
0x36: {  	p1 =	seq.s32 s10, $0x1;
	s10 =	sld [smem:$0x3FB6];
	_ =	sdelay $0x3  }
0x37: {  	[smem:$0x3FB6] =	sst s10  }
0x38: {  	s10 =	sld [smem:$0x3FB7]  }
0x39: {  	_ = 	snop;
	(pc) =	sbr.ind lr, $3  }
0x3a: {  	_ = 	snop  }
0x3b: {  	_ = 	snop  }
0x3c: {  	p2 =	seq.s32 s10, $0x1;
	s10 =	sld [smem:$0x3FB6]  }
0x3d: {  	_ =	shalt  }
0x3e: {  	_ =	shalt  }
0x3f: {  	_ =	shalt  }
0x40: {  	_ =	shalt  }
0x41: {  	_ =	shalt  }
0x42: {  	_ =	shalt  }
0x43: {  	_ =	shalt  }
0x44: {  	_ =	shalt  }
0x45: {  	_ =	shalt  }
0x46: {  	_ =	shalt  }
0x47: {  	_ =	shalt  }
0x48: {  	_ =	shalt  }
0x49: {  	_ =	shalt  }
0x4a: {  	_ =	shalt  }
0x4b: {  	_ =	shalt  }
0x4c: {  	_ =	shalt  }
0x4d: {  	_ =	shalt  }
0x4e: {  	_ =	shalt  }
0x4f: {  	_ =	shalt  }
0x50: {  	_ =	shalt  }
0x51: {  	_ =	shalt  }
0x52: {  	_ =	shalt  }
0x53: {  	_ =	shalt  }
0x54: {  	_ =	shalt  }
0x55: {  	_ =	shalt  }
0x56: {  	_ =	shalt  }
0x57: {  	_ =	shalt  }
0x58: {  	_ =	shalt  }
0x59: {  	_ =	shalt  }
0x5a: {  	_ =	shalt  }
0x5b: {  	_ =	shalt  }
0x5c: {  	_ =	shalt  }
0x5d: {  	_ =	shalt  }
0x5e: {  	_ =	shalt  }
0x5f: {  	_ =	shalt  }
0x60: {  	_ =	shalt  }
0x61: {  	_ =	shalt  }
0x62: {  	_ =	shalt  }
0x63: {  	_ =	shalt  }
0x64: {  	_ =	shalt  }
0x65: {  	_ =	shalt  }
0x66: {  	_ =	shalt  }
0x67: {  	_ =	shalt  }
0x68: {  	_ =	shalt  }
0x69: {  	_ =	shalt  }
0x6a: {  	_ =	shalt  }
0x6b: {  	_ =	shalt  }
0x6c: {  	_ =	shalt  }
0x6d: {  	_ =	shalt  }
0x6e: {  	_ =	shalt  }
0x6f: {  	_ =	shalt  }
0x70: {  	_ =	shalt  }
0x71: {  	_ =	shalt  }
0x72: {  	_ =	shalt  }
0x73: {  	_ =	shalt  }
0x74: {  	_ =	shalt  }
0x75: {  	_ =	shalt  }
0x76: {  	_ =	shalt  }
0x77: {  	_ =	shalt  }
0x78: {  	_ =	shalt  }
0x79: {  	_ =	shalt  }
0x7a: {  	_ =	shalt  }
0x7b: {  	_ =	shalt  }
0x7c: {  	_ =	shalt  }
0x7d: {  	_ =	shalt  }
0x7e: {  	_ =	shalt  }
0x7f: {  	_ =	shalt  }
0x80: {  	_ =	shalt  }
0x81: {  	_ =	shalt  }
0x82: {  	_ =	shalt  }
0x83: {  	_ =	shalt  }
0x84: {  	_ =	shalt  }
0x85: {  	_ =	shalt  }
0x86: {  	_ =	shalt  }
0x87: {  	_ =	shalt  }
.Lfunc_end0:
.L_simem_size_0:
called_computation_lowered:
.L_overlay_start_0:
0x88: {  	s2 =	sld [smem:$0x3FD9]  }
0x89: {  	s3 =	sld [smem:$0x3FFE];
	_ =	sdelay $0x1  }
0x8a: {  	s1 =	srdreg.scid  }
0x8b: {  	s0 =	sand.u32 $0x1, s1  }
0x8c: {  	s17 =	sshll.u32 s0, $0xA;
	s2 =	sadd.s32 s3, s2  }
0x8d: {  	s2 =	sadd.s32 s2, s17  }
0x8e: {  	[smem:$0x3FC2] =	sst s2  }
0x8f: {  	_ = 	snop  }
0x90: {  	s2 =	sld [smem:$0x3FC9]  }
0x91: {  	s18 =	sld [smem:$0x3FC8]  }
0x92: {  	s4 =	sld [smem:$0x3FC7]  }
0x93: {  	s5 =	sld [smem:$0x3FC6]  }
0x94: {  	s6 =	sld [smem:$0x3FC5]  }
0x95: {  	s7 =	sld [smem:$0x3FC4];
	(tm) =	ssettm $0x1  }
0x96: {  	s8 =	sld [smem:$0x3FFB];
	_ =	sdelay $0x3  }
0x97: {  	_ =	strace s8  }
0x98: {  	s8 =	sld [smem:$0x3FFC];
	_ =	sdelay $0x3  }
0x99: {  	_ =	strace s8  }
0x9a: {  	s8 =	sld [smem:$0x3FFD];
	_ =	sdelay $0x3  }
0x9b: {  	_ =	strace s8  }
0x9c: {  	_ =	strace $0x8FFFFFFF  }
0x9d: {  	s19 =	sld [smem:$0x3FDB];
	_ =	sdelay $0x1  }
0x9e: {  	s9 =	simm.s32 $_scs_section_size  }
0x9f: {  	s10 =	simm.s32 $_size__tile_overlayer_lowered;
	s11 =	simm.s32 $_tile_overlayer_lowered  }
0xa0: {  	s22 =	simm.s32 $0x1BFF;
	s21 =	sshll.u32 s11, $0x1;
	s8 =	sadd.s32 s9, s19  }
0xa1: {  	s12 =	simm.s32 $0x0;
	s20 =	sshll.u32 s10, $0x1;
	s10 =	sadd.s32 s21, s8  }
0xa2: {  	[timem:s12], [sflag:s22] =	dma.local [hbm:s10], s20  }
0xa3: {  	_ =	swait.ge [sflag:s22], s20  }
0xa4: {  	s9 =	ssub.s32 $0x0, s20;
	[sflag:s22] =	ssyncset.done $0x0  }
0xa5: {  	[sflag:s22] =	ssyncadd.s32 s9;
	_ =	sdelay $0x1  }
0xa6: {  	s23 =	simm.s32 $0x1B8B  }
0xa7: {  	_ =	swait.ge [sflag:s23], $0x1  }
0xa8: {  	[sflag:s23] =	ssyncset.done $0x0  }
0xa9: {  	s25 =	simm.s32 $0x1B8E;
	s24 =	sld [smem:$0x3FFE];
	[sflag:s23] =	ssyncadd.s32 $0xFFFFFFFF  }
0xaa: {  	s26 =	simm.s32 $execute0_lowered;
	[smem:$0x3FD2] =	sst s25  }
0xab: {  	s10 =	sshll.u32 s26, $0x1;
	_ =	strace $0x80000046;
	[dreg:$0x1] =	wrdreg $0xFFFFFFFF  }
0xac: {  	s28 =	simm.s32 $_size_execute0_lowered;
	s8 =	sadd.s32 s8, s10;
	[dreg:$0x0] =	wrdreg $0x0  }
0xad: {  	s10 =	sshll.u32 s28, $0x1;
	[dreg:$0x2] =	wrdreg s8  }
0xae: {  	[dreg:$0x3] =	wrdreg s10  }
0xaf: {  	[dreg:$0x4] =	wrdreg $0xC0  }
0xb0: {  	_ =	task [dreg:s12], $0x5FFFF  }
0xb1: {  	[dreg:$0x1] =	wrdreg $0xFFFFFFFF  }
0xb2: {  	[dreg:$0x0] =	wrdreg $0x60  }
0xb3: {  	[dreg:$0x2] =	wrdreg s2  }
0xb4: {  	[dreg:$0x3] =	wrdreg s18  }
0xb5: {  	[dreg:$0x4] =	wrdreg s4  }
0xb6: {  	[dreg:$0x5] =	wrdreg s5  }
0xb7: {  	[dreg:$0x6] =	wrdreg s6  }
0xb8: {  	[dreg:$0x7] =	wrdreg s7  }
0xb9: {  	[dreg:$0x8] =	wrdreg s24  }
0xba: {  	[dreg:$0x9] =	wrdreg $0xA5800  }
0xbb: {  	[dreg:$0xa] =	wrdreg $0x9  }
0xbc: {  	_ =	task.clear_ibuf [dreg:s12], $0xBFFFF;
	_ =	strace $0x90000046  }
0xbd: {  	s29 =	simm.s32 $0x9;
	_ =	strace $0x80000048  }
0xbe: {  	_ =	swait.ge [sflag:s29], $0x1  }
0xbf: {  	[sflag:s29] =	ssyncadd.s32 $0xFFFFFFFF  }
0xc0: {  	_ =	strace $0x90000048  }
0xc1: {  	_ =	sfence  }
0xc2: {  	s30 =	sld [smem:$0x0];
	_ =	sdelay $0x2  }
0xc3: {  	s31 =	sshll.u32 s1, $0xD;
	s1 =	sshrl.u32 s1, $0x2  }
0xc4: {  	s3 =	sand.u32 $0x4000, s31;
	s1 =	sadd.s32 s1, s30  }
0xc5: {  	s0 =	sor.u32 s3, s0;
	s1 =	sshll.u32 s1, $0x11  }
0xc6: {  	s0 =	sor.u32 s1, s0  }
0xc7: {  	s0 =	sadd.s32 $0x8F2B, s0  }
0xc8: {  	[sflag:s0] =	ssyncadd.remote.s32 $0x1  }
0xc9: {  	_ =	sfence.sel $0xFFFF  }
0xca: {  	[dreg:$0x0] =	wrdreg $0xFFFFFFFF;
	(pc) =	sbr.abs _section_cstart, $3  }
0xcb: {  	[dreg:$0x1] =	wrdreg $0xFFFFFFFF  }
0xcc: {  	_ =	task.clear_ibuf [dreg:s12], $0x2FFFF;
	_ =	strace $0x9FFFFFFF  }
0xcd: {  	(tm) =	ssettm $0x7FFFFFFF  }
tec
execute0_lowered:
.L_overlay_start_1:
0x0: {  	(tag) =	ssettag $0x1  }
0x1: {  	s1 =	rddreg [dreg:$0x0]  }
0x2: {  	s6 =	rddreg [dreg:$0x1]  }
0x3: {  	s14 =	rddreg [dreg:$0x2]  }
0x4: {  	s2 =	rddreg [dreg:$0x3]  }
0x5: {  	s7 =	rddreg [dreg:$0x4]  }
0x6: {  	s8 =	rddreg [dreg:$0x5]  }
0x7: {  	s9 =	rddreg [dreg:$0x6]  }
0x8: {  	s3 =	rddreg [dreg:$0x7]  }
0x9: {  	s4 =	simm.s32 $0x0;
	s0 =	srdreg.scid;
	s5 =	stileid.u32  }
0xa: {  	[smem:$0x7FF] =	sst s4;
	s10 =	sand.u32 $0x1, s0;
	s15 =	smul.u32 $0x1500, s5  }
0xb: {  	s12 =	sshll.u32 s5, $0x8;
	s23 =	sshll.u32 s5, $0x5;
	_ =	strace $0x80000047  }
0xc: {  	s0 =	ssub.s32 $0x2, s10;
	s13 =	smul.u32 $0x1E85000, s10;
	s1 =	sadd.s32 s1, s23  }
0xd: {  	s26 =	sshll.u32 s10, $0x8;
	s23 =	smul.u32 $0x3D0A00, s10;
	[dreg:$0xa] =	wrdreg s1  }
0xe: {  	s11 =	sshrl.u32 s0, $0x1;
	[dreg:$0x9] =	wrdreg s15;
	s24 =	sshrl.u32 s15, $0x3  }
0xf: {  	s7 =	sadd.s32 s7, s26;
	s11 =	ssub.s32 s0, s11;
	s0 =	ssub.s32 $0x0, s12  }
0x10: {  	s25 =	sshrl.u32 s13, $0x3;
	s6 =	sadd.s32 s6, s24;
	[dreg:$0xc] =	wrdreg s7  }
0x11: {  	s29 =	sadd.s32 s14, s23;
	s14 =	sadd.s32 $0xE4D80, s3;
	[dreg:$0xb] =	wrdreg s6  }
0x12: {  	s12 =	sadd.s32 s2, s25;
	s6 =	sadd.s32 s8, s26;
	[smem:$0x7F1] =	sst s14  }
0x13: {  	[dreg:$0xd] =	wrdreg s6;
	s8 =	sadd.s32 $0xE4D80, s12  }
0x14: {  	s13 =	sadd.s32 $0xD5980, s12;
	[dreg:$0xe] =	wrdreg s8  }
0x15: {  	s15 =	sadd.s32 $0xC6580, s12;
	[dreg:$0xf] =	wrdreg s13  }
0x16: {  	s16 =	sadd.s32 $0xB7180, s12;
	[dreg:$0x10] =	wrdreg s15  }
0x17: {  	s17 =	sadd.s32 $0xA7D00, s12;
	[dreg:$0x11] =	wrdreg s16  }
0x18: {  	s18 =	sadd.s32 $0x98900, s12;
	[dreg:$0x12] =	wrdreg s17  }
0x19: {  	s31 =	simm.s32 $0xA180;
	s19 =	sadd.s32 $0x89500, s12;
	[dreg:$0x13] =	wrdreg s18  }
0x1a: {  	p2 =	sgt.s32 s5, $0x1;
	s20 =	sadd.s32 $0x7A100, s12;
	[dreg:$0x14] =	wrdreg s19  }
0x1b: {  	p3 =	sgt.s32 s5, $0x5;
	s21 =	sadd.s32 $0x6AC80, s12;
	[dreg:$0x15] =	wrdreg s20  }
0x1c: {  	s28 =	sadd.s32 $0xF4200, s3;
	s22 =	sadd.s32 $0x5B880, s12;
	[dreg:$0x16] =	wrdreg s21  }
0x1d: {  	p0 =	seq.s32 s10, $0x1;
	s25 =	sadd.s32 $0x3D080, s12;
	[dreg:$0x18] =	wrdreg s22  }
0x1e: {  	s30 =	sshll.u32 s10, $0x5;
	s26 =	sadd.s32 $0x2DC00, s12;
	[dreg:$0x1a] =	wrdreg s25  }
0x1f: {  	v0 =	vmov s0;
	s0 =	simm.s32 $0x9580;
	s7 =	sadd.s32 $0x1E800, s12;
	[dreg:$0x1b] =	wrdreg s26  }
0x20: {  	s14 =	simm.s32 $0x2;
	[dreg:$0x1c] =	wrdreg s7;
	s8 =	sadd.s32 $0xF400, s12  }
0x21: {  	s6 =	simm.s32 $0x3600;
	s13 =	smax.u32 s11, $0x1;
	[dreg:$0x1d] =	wrdreg s8  }
0x22: {  	s6 =	simm.s32 @!p0 $0xC00;
	s15 =	sadd.s32 $0xD5980, s3;
	[smem:$0x7E4] =	sst s13  }
0x23: {  	p0 =	seq.s32 @p2 s5, $0x2;
	s16 =	sadd.s32 $0xC6580, s3;
	[smem:$0x7F2] =	sst s15  }
0x24: {  	s17 =	sadd.s32 $0xB7180, s3;
	s18 =	sadd.s32 $0xA7D00, s3;
	[smem:$0x7F3] =	sst s16  }
0x25: {  	s19 =	sadd.s32 $0x98900, s3;
	s20 =	sadd.s32 $0x89500, s3;
	[smem:$0x7F4] =	sst s17  }
0x26: {  	s21 =	sadd.s32 $0x7A100, s3;
	s22 =	sadd.s32 $0x6AC80, s3;
	[smem:$0x7F5] =	sst s18  }
0x27: {  	s25 =	sadd.s32 $0x3D080, s3;
	s26 =	sadd.s32 $0x2DC00, s3;
	[smem:$0x7F6] =	sst s19  }
0x28: {  	s7 =	simm.s32 $0x9180;
	s6 =	sadd.s32 s6, s9;
	[smem:$0x7F7] =	sst s20  }
0x29: {  	p1 =	por !p0, !p2;
	[smem:$0x7F8] =	sst s21;
	s1 =	sadd.s32 s6, s24  }
0x2a: {  	s11 =	simm.s32 $0x3;
	[dreg:$0x17] =	wrdreg s1;
	s1 =	simm.s32 @!p1 $0x0  }
0x2b: {  	p0 =	por p0, !p2;
	[smem:$0x7F9] =	sst s22;
	s1 =	simm.s32 @p1 $0x1  }
0x2c: {  	p1 =	seq.s32 @!p2 s5, $0x0;
	[smem:$0x7E5] =	sst s1;
	s1 =	simm.s32 @!p0 $0x0  }
0x2d: {  	[smem:$0x7FC] =	sst s25;
	s1 =	simm.s32 @p0 $0x1;
	p0 =	por !p1, p2  }
0x2e: {  	s9 =	sadd.s32 s2, s23;
	[smem:$0x7E6] =	sst s1;
	s1 =	simm.s32 @!p0 $0x0  }
0x2f: {  	s23 =	sadd.s32 $0x5B880, s3;
	[smem:$0x7FD] =	sst s26;
	s1 =	simm.s32 @p0 $0x1  }
0x30: {  	s25 =	sadd.s32 $0x1E800, s3;
	[smem:$0x7E7] =	sst s1;
	s1 =	simm.s32 @!p2 $0x0  }
0x31: {  	s26 =	sadd.s32 $0xF400, s3;
	p1 =	por p1, p2;
	s1 =	simm.s32 @p2 $0x1  }
0x32: {  	p0 =	seq.s32 @p3 s5, $0x6;
	[smem:$0x7E8] =	sst s1;
	s1 =	simm.s32 @!p1 $0x0  }
0x33: {  	s19 =	simm.s32 $0x4;
	s1 =	simm.s32 @p1 $0x1;
	p1 =	por !p0, !p3  }
0x34: {  	s8 =	simm.s32 $0x7580;
	[smem:$0x7E9] =	sst s1;
	s1 =	simm.s32 @!p1 $0x0  }
0x35: {  	s20 =	simm.s32 $0x8580;
	p0 =	por p0, !p3;
	s1 =	simm.s32 @p1 $0x1  }
0x36: {  	p1 =	seq.s32 @!p3 s5, $0x4;
	[smem:$0x7EA] =	sst s1;
	s1 =	simm.s32 @!p0 $0x0  }
0x37: {  	s13 =	simm.s32 $0x80;
	s1 =	simm.s32 @p0 $0x1;
	p0 =	por !p1, p3  }
0x38: {  	s16 =	simm.s32 $0x0;
	[smem:$0x7EB] =	sst s1;
	s1 =	simm.s32 @!p0 $0x0  }
0x39: {  	s24 =	sadd.s32 $0x4C480, s12;
	[dreg:$0x1e] =	wrdreg s9;
	s1 =	simm.s32 @p0 $0x1  }
0x3a: {  	s12 =	sshll.u32 s10, $0x2;
	[smem:$0x7EC] =	sst s1;
	s1 =	simm.s32 @!p3 $0x0  }
0x3b: {  	[smem:$0x7FA] =	sst s23;
	p0 =	por p1, p3;
	s1 =	simm.s32 @p3 $0x1  }
0x3c: {  	s6 =	simm.s32 $0x8D80;
	[smem:$0x7ED] =	sst s1;
	s1 =	simm.s32 @!p0 $0x0  }
0x3d: {  	[dreg:$0x19] =	wrdreg s24;
	s1 =	simm.s32 @p0 $0x1;
	p0 =	sgt.s32 s5, $0x7  }
0x3e: {  	v1 =	vlaneseq.u32;
	v2 =	vimm.s32 $0x0;
	v3 =	vimm.f32 $0.0e+00;
	s9 =	simm.s32 $0x9980;
	[smem:$0x7EE] =	sst s1;
	s1 =	simm.s32 @!p0 $0x0  }
0x3f: {  	vm0 =	vmmov $0xff;
	v4 =	vmul.u32 $0x80, v1;
	v7 =	vand.u32 $0x7, v1;
	[dreg:$0x1f] =	wrdreg s12;
	s1 =	simm.s32 @p0 $0x1;
	p0 =	sgt.s32 s5, $0x3  }
0x40: {  	v6 =	vshrl.u32 v1, $0x3;
	v5 =	vmul.u32 $0x40, v7;
	v7 =	vmul.u32 $0x80, v7;
	s24 =	sadd.s32 $0x4C480, s3;
	[smem:$0x7EF] =	sst s1;
	s1 =	simm.s32 @!p0 $0x0  }
0x41: {  	v9 =	vor.u32 $0x2, v6;
	v11 =	vor.u32 $0x4, v6;
	v13 =	vor.u32 $0x6, v6;
	s10 =	simm.s32 $0x9D80;
	[smem:$0x7FB] =	sst s24;
	s1 =	simm.s32 @p0 $0x1  }
0x42: {  	v8 =	vor.u32 $0x800, v4;
	v10 =	vor.u32 $0x1000, v4;
	v12 =	vor.u32 $0x1800, v4;
	s12 =	simm.s32 $0x2B80;
	[smem:$0x7F0] =	sst s1;
	s1 =	simm.s32 $0x8980  }
.LBB2_1:
0x43: {  	[smem:$0x7E3] =	sst s16  }
0x44: {  	s15 =	rddreg [dreg:$0xa]  }
0x45: {  	[tilespmem:s4], [sflag:$0x4] =	stream.linear.gather [hbm4b:s15+s4], $0x100, $0x38;
	[tilespmem:$0x199A8] =	vst v63  }
0x46: {  	_ =	swait.ge [sflag:s19], $0x100  }
0x47: {  	[sflag:s19] =	ssyncset.done $0x0  }
0x48: {  	s21 =	simm.s32 $0x180;
	s18 =	rddreg [dreg:$0xb];
	[sflag:s19] =	ssyncadd.s32 $0xFFFFFF00  }
0x49: {  	[tilespmem:s21], [sflag:$0x4] =	stream.linear.gather [hbm4b:s18+s4], $0x1500, $0x38;
	[tilespmem:$0x199A8] =	vst v63  }
0x4a: {  	_ =	swait.ge [sflag:s19], $0x1500  }
0x4b: {  	[sflag:s19] =	ssyncset.done $0x0  }
0x4c: {  	s16 =	rddreg [dreg:$0xc];
	[sflag:s19] =	ssyncadd.s32 $0xFFFFEB00  }
0x4d: {  	[tilespmem:s8], [sflag:$0x4] =	stream.linear.gather [hbm4b:s16+s4], $0x80, $0x38;
	[tilespmem:$0x199A8] =	vst v63  }
0x4e: {  	s17 =	simm.s32 $0x7680;
	s22 =	sadd.s32 $0x10, s16  }
0x4f: {  	[tilespmem:s17], [sflag:$0x4] =	stream.linear.gather [hbm4b:s22+s4], $0x80, $0x38;
	[tilespmem:$0x199A8] =	vst v63  }
0x50: {  	s24 =	simm.s32 $0x7780;
	s23 =	sadd.s32 $0x20, s16  }
0x51: {  	[tilespmem:s24], [sflag:$0x4] =	stream.linear.gather [hbm4b:s23+s4], $0x80, $0x38;
	[tilespmem:$0x199A8] =	vst v63  }
0x52: {  	s18 =	simm.s32 $0x7880;
	s17 =	sadd.s32 $0x30, s16  }
0x53: {  	[tilespmem:s18], [sflag:$0x4] =	stream.linear.gather [hbm4b:s17+s4], $0x80, $0x38;
	[tilespmem:$0x199A8] =	vst v63  }
0x54: {  	s21 =	sadd.s32 $0x40, s16;
	s22 =	simm.s32 $0x7980  }
0x55: {  	[tilespmem:s22], [sflag:$0x4] =	stream.linear.gather [hbm4b:s21+s4], $0x80, $0x38;
	[tilespmem:$0x199A8] =	vst v63  }
0x56: {  	s23 =	sadd.s32 $0x50, s16;
	s24 =	simm.s32 $0x7A80  }
0x57: {  	[tilespmem:s24], [sflag:$0x4] =	stream.linear.gather [hbm4b:s23+s4], $0x80, $0x38;
	[tilespmem:$0x199A8] =	vst v63  }
0x58: {  	s17 =	sadd.s32 $0x60, s16;
	s18 =	simm.s32 $0x7B80  }
0x59: {  	[tilespmem:s18], [sflag:$0x4] =	stream.linear.gather [hbm4b:s17+s4], $0x80, $0x38;
	[tilespmem:$0x199A8] =	vst v63  }
0x5a: {  	s21 =	sadd.s32 $0x70, s16;
	s22 =	simm.s32 $0x7C80  }
0x5b: {  	[tilespmem:s22], [sflag:$0x4] =	stream.linear.gather [hbm4b:s21+s4], $0x80, $0x38;
	[tilespmem:$0x199A8] =	vst v63  }
0x5c: {  	s23 =	sadd.s32 $0x80, s16;
	s24 =	simm.s32 $0x7D80  }
0x5d: {  	[tilespmem:s24], [sflag:$0x4] =	stream.linear.gather [hbm4b:s23+s4], $0x80, $0x38;
	[tilespmem:$0x199A8] =	vst v63  }
0x5e: {  	s17 =	sadd.s32 $0x90, s16;
	s18 =	simm.s32 $0x7E80  }
0x5f: {  	[tilespmem:s18], [sflag:$0x4] =	stream.linear.gather [hbm4b:s17+s4], $0x80, $0x38;
	[tilespmem:$0x199A8] =	vst v63  }
0x60: {  	s21 =	sadd.s32 $0xA0, s16;
	s22 =	simm.s32 $0x7F80  }
0x61: {  	[tilespmem:s22], [sflag:$0x4] =	stream.linear.gather [hbm4b:s21+s4], $0x80, $0x38;
	[tilespmem:$0x199A8] =	vst v63  }
0x62: {  	s23 =	sadd.s32 $0xB0, s16;
	s24 =	simm.s32 $0x8080  }
0x63: {  	[tilespmem:s24], [sflag:$0x4] =	stream.linear.gather [hbm4b:s23+s4], $0x80, $0x38;
	[tilespmem:$0x199A8] =	vst v63  }
0x64: {  	s17 =	sadd.s32 $0xC0, s16;
	s18 =	simm.s32 $0x8180  }
0x65: {  	[tilespmem:s18], [sflag:$0x4] =	stream.linear.gather [hbm4b:s17+s4], $0x80, $0x38;
	[tilespmem:$0x199A8] =	vst v63  }
0x66: {  	s21 =	sadd.s32 $0xD0, s16;
	s22 =	simm.s32 $0x8280  }
0x67: {  	[tilespmem:s22], [sflag:$0x4] =	stream.linear.gather [hbm4b:s21+s4], $0x80, $0x38;
	[tilespmem:$0x199A8] =	vst v63  }
0x68: {  	s23 =	sadd.s32 $0xE0, s16;
	s24 =	simm.s32 $0x8380  }
0x69: {  	[tilespmem:s24], [sflag:$0x4] =	stream.linear.gather [hbm4b:s23+s4], $0x80, $0x38;
	[tilespmem:$0x199A8] =	vst v63  }
0x6a: {  	s18 =	sadd.s32 $0xF0, s16;
	s21 =	simm.s32 $0x8480  }
0x6b: {  	[tilespmem:s21], [sflag:$0x4] =	stream.linear.gather [hbm4b:s18+s4], $0x80, $0x38;
	[tilespmem:$0x199A8] =	vst v63  }
0x6c: {  	_ =	swait.ge [sflag:s19], $0x800  }
0x6d: {  	[sflag:s19] =	ssyncset.done $0x0  }
0x6e: {  	s22 =	simm.s32 $0x7600;
	s18 =	rddreg [dreg:$0xd];
	[sflag:s19] =	ssyncadd.s32 $0xFFFFF800  }
0x6f: {  	[tilespmem:s22], [sflag:$0x4] =	stream.linear.gather [hbm4b:s18+s4], $0x80, $0x38;
	[tilespmem:$0x199A8] =	vst v63  }
0x70: {  	s24 =	simm.s32 $0x7700;
	s23 =	sadd.s32 $0x10, s18  }
0x71: {  	[tilespmem:s24], [sflag:$0x4] =	stream.linear.gather [hbm4b:s23+s4], $0x80, $0x38;
	[tilespmem:$0x199A8] =	vst v63  }
0x72: {  	s17 =	simm.s32 $0x7800;
	s16 =	sadd.s32 $0x20, s18  }
0x73: {  	[tilespmem:s17], [sflag:$0x4] =	stream.linear.gather [hbm4b:s16+s4], $0x80, $0x38;
	[tilespmem:$0x199A8] =	vst v63  }
0x74: {  	s21 =	sadd.s32 $0x30, s18;
	s22 =	simm.s32 $0x7900  }
0x75: {  	[tilespmem:s22], [sflag:$0x4] =	stream.linear.gather [hbm4b:s21+s4], $0x80, $0x38;
	[tilespmem:$0x199A8] =	vst v63  }
0x76: {  	s23 =	sadd.s32 $0x40, s18;
	s24 =	simm.s32 $0x7A00  }
0x77: {  	[tilespmem:s24], [sflag:$0x4] =	stream.linear.gather [hbm4b:s23+s4], $0x80, $0x38;
	[tilespmem:$0x199A8] =	vst v63  }
0x78: {  	s16 =	sadd.s32 $0x50, s18;
	s17 =	simm.s32 $0x7B00  }
0x79: {  	[tilespmem:s17], [sflag:$0x4] =	stream.linear.gather [hbm4b:s16+s4], $0x80, $0x38;
	[tilespmem:$0x199A8] =	vst v63  }
0x7a: {  	s21 =	sadd.s32 $0x60, s18;
	s22 =	simm.s32 $0x7C00  }
0x7b: {  	[tilespmem:s22], [sflag:$0x4] =	stream.linear.gather [hbm4b:s21+s4], $0x80, $0x38;
	[tilespmem:$0x199A8] =	vst v63  }
0x7c: {  	s23 =	sadd.s32 $0x70, s18;
	s24 =	simm.s32 $0x7D00  }
0x7d: {  	[tilespmem:s24], [sflag:$0x4] =	stream.linear.gather [hbm4b:s23+s4], $0x80, $0x38;
	[tilespmem:$0x199A8] =	vst v63  }
0x7e: {  	s16 =	sadd.s32 $0x80, s18;
	s17 =	simm.s32 $0x7E00  }
0x7f: {  	[tilespmem:s17], [sflag:$0x4] =	stream.linear.gather [hbm4b:s16+s4], $0x80, $0x38;
	[tilespmem:$0x199A8] =	vst v63  }
0x80: {  	s21 =	sadd.s32 $0x90, s18;
	s22 =	simm.s32 $0x7F00  }
0x81: {  	[tilespmem:s22], [sflag:$0x4] =	stream.linear.gather [hbm4b:s21+s4], $0x80, $0x38;
	[tilespmem:$0x199A8] =	vst v63  }
0x82: {  	s23 =	sadd.s32 $0xA0, s18;
	s24 =	simm.s32 $0x8000  }
0x83: {  	[tilespmem:s24], [sflag:$0x4] =	stream.linear.gather [hbm4b:s23+s4], $0x80, $0x38;
	[tilespmem:$0x199A8] =	vst v63  }
0x84: {  	s16 =	sadd.s32 $0xB0, s18;
	s17 =	simm.s32 $0x8100  }
0x85: {  	[tilespmem:s17], [sflag:$0x4] =	stream.linear.gather [hbm4b:s16+s4], $0x80, $0x38;
	[tilespmem:$0x199A8] =	vst v63  }
0x86: {  	s17 =	rddreg [dreg:$0x9]  }
0x87: {  	v15 =	vor.u32 s17, v1  }
0x88: {  	s21 =	sadd.s32 $0xC0, s18;
	s22 =	simm.s32 $0x8200;
	v14 =	vmulhi.u32 $0x86186187, v15  }
0x89: {  	[tilespmem:s22], [sflag:$0x4] =	stream.linear.gather [hbm4b:s21+s4], $0x80, $0x38;
	[tilespmem:$0x199A8] =	vst v63  }
0x8a: {  	s23 =	sadd.s32 $0xD0, s18;
	s24 =	simm.s32 $0x8300;
	v16 =	vsub.s32 v15, v14  }
0x8b: {  	[tilespmem:s24], [sflag:$0x4] =	stream.linear.gather [hbm4b:s23+s4], $0x80, $0x38;
	v16 =	vshrl.u32 v16, $0x1;
	[tilespmem:$0x199A8] =	vst v63  }
0x8c: {  	s16 =	sadd.s32 $0x10, s17;
	s21 =	sadd.s32 $0xE0, s18;
	s22 =	simm.s32 $0x8400;
	v16 =	vadd.s32 v14, v16  }
0x8d: {  	[tilespmem:s22], [sflag:$0x4] =	stream.linear.gather [hbm4b:s21+s4], $0x80, $0x38;
	v14 =	vor.u32 s16, v1;
	v16 =	vshrl.u32 v16, $0x4;
	[tilespmem:$0x199A8] =	vst v63  }
0x8e: {  	s23 =	sadd.s32 $0xF0, s18;
	s24 =	simm.s32 $0x8500;
	v17 =	vmulhi.u32 $0x86186187, v14;
	v18 =	vmul.u32 $0xFFFFFFEB, v16  }
0x8f: {  	v19 =	vmov s17;
	v15 =	vsub.s32 $0x0, v15;
	[tilespmem:s24], [sflag:$0x4] =	stream.linear.gather [hbm4b:s23+s4], $0x80, $0x38;
	[tilespmem:$0x199A8] =	vst v63  }
0x90: {  	vm1 =	veq.s32 v19, v1;
	_ =	swait.ge [sflag:s19], $0x800;
	v20 =	vsub.s32 v14, v17;
	vm2 =	vne.s32 v18, v15  }
0x91: {  	s15 =	simm.s32 $0x40;
	s17 =	simm.s32 $0x0;
	[sflag:s19] =	ssyncset.done $0x0;
	v15 =	vshrl.u32 v20, $0x1;
	vm1 =	vmand vm1, vm2  }
0x92: {  	s18 =	simm.s32 $0x80;
	v16 =	vadd.s32 v0, v16;
	[sflag:s19] =	ssyncadd.s32 $0xFFFFF800;
	v17 =	vadd.s32 v17, v15;
	s19 =	sadd.s32 $0x10, s16;
	v15 =	vsel vm1, $0xFFFFFFFF, v2  }
.LBB2_2:
0x93: {  	p0 =	sne.s32 s18, $0x53C0;
	s21 =	sshra.s32 s17, $0x2  }
0x94: {  	v18 =	vor.u32 s19, v1;
	v19 =	vshrl.u32 v17, $0x4;
	v15 =	vadd.s32 v15, v16;
	s17 =	smov.u32 s15;
	s15 =	smov.u32 s18;
	s18 =	sadd.s32 $0x40, s18  }
.Ltmp0:
0x95: {  	v16 =	vmulhi.u32 $0x86186187, v18;
	v17 =	vmul.u32 $0xFFFFFFEB, v19;
	[tilespmem:s21+$0x1680] =	vst v15;
	(pc) =	sbr.rel @p0 .LBB2_2-.Ltmp0, $4  }
0x96: {  	v20 =	vsub.s32 $0x0, v14;
	v15 =	vmov s16;
	v14 =	vmov v18;
	s16 =	smov.u32 s19;
	[tilespmem:s21+$0x6080] =	vst v3  }
0x97: {  	vm1 =	veq.s32 v15, v1;
	v18 =	vsub.s32 v14, v16;
	vm2 =	vne.s32 v17, v20  }
0x98: {  	v15 =	vshrl.u32 v18, $0x1;
	vm1 =	vmand vm1, vm2  }
0x99: {  	s19 =	sadd.s32 $0x10, s19;
	v17 =	vadd.s32 v16, v15;
	v15 =	vsel vm1, $0xFFFFFFFF, v2;
	v16 =	vadd.s32 v0, v19  }
0x9a: {  	s24 =	sld [smem:$0x7EF]  }
0x9b: {  	v17 =	vshrl.u32 v17, $0x4  }
0x9c: {  	v18 =	vmul.u32 $0xFFFFFFEB, v17  }
0x9d: {  	v19 =	vmov s16;
	v14 =	vsub.s32 $0x0, v14;
	p0 =	seq.s32 s24, $0x1  }
.Ltmp1:
0x9e: {  	s23 =	sshra.s32 s17, $0x2;
	vm2 =	veq.s32 v19, v1;
	vm1 =	vne.s32 v18, v14;
	(pc) =	sbr.rel @p0 .LBB2_7-.Ltmp1, $4  }
0x9f: {  	[tilespmem:s23+$0x6080] =	vst v3;
	v14 =	vadd.s32 v15, v16;
	vm1 =	vmand vm2, vm1  }
0xa0: {  	s15 =	sshra.s32 s15, $0x2;
	v15 =	vadd.s32 v0, v17;
	[tilespmem:s23+$0x1680] =	vst v14;
	v14 =	vsel vm1, $0xFFFFFFFF, v2  }
0xa1: {  	[tilespmem:s15+$0x6080] =	vst v3;
	v14 =	vadd.s32 v14, v15  }
0xa2: {  	[tilespmem:s15+$0x1680] =	vst v14  }
0xa3: {  	s15 =	sld [smem:$0x7F0];
	_ =	sdelay $0x2  }
0xa4: {  	p0 =	seq.s32 s15, $0x1  }
.Ltmp2:
0xa5: {  	_ = 	snop;
	(pc) =	sbr.rel @p0 .LBB2_6-.Ltmp2, $1  }
0xa6: {  	_ =	sdelay $0x3  }
0xa7: {  	s15 =	sld [smem:$0x7E5];
	_ =	sdelay $0x2  }
0xa8: {  	p4 =	seq.s32 s15, $0x1  }
0xa9: {  	s21 =	rddreg [dreg:$0x1c];
	s15 =	sshrl.u32 @!p4 s25, $0x3;
	s16 =	simm.s32 @!p4 $0x1  }
0xaa: {  	s17 =	simm.s32 @!p4 $0x10;
	s18 =	simm.s32 @!p4 $0x80;
	s19 =	simm.s32 @!p4 $0x1C81  }
0xab: {  	[spmem:s15@s17], [sflag:s19] =	dma.strided @!p4 [hbm:s21@s18], $0x1E80, s16, $0x10   }
0xac: {  	s15 =	sld [smem:$0x7E6];
	_ =	sdelay $0x2  }
0xad: {  	p2 =	seq.s32 s15, $0x1;
	s15 =	sld [smem:$0x7FD];
	_ =	sdelay $0x1  }
0xae: {  	s21 =	rddreg [dreg:$0x1b];
	s16 =	simm.s32 @!p2 $0x1;
	s17 =	simm.s32 @!p2 $0x10  }
0xaf: {  	s18 =	simm.s32 @!p2 $0x80;
	s19 =	simm.s32 @!p2 $0x1CC1;
	s15 =	sshrl.u32 @!p2 s15, $0x3  }
0xb0: {  	[spmem:s15@s17], [sflag:s19] =	dma.strided @!p2 [hbm:s21@s18], $0x1E90, s16, $0x10   }
0xb1: {  	s15 =	sld [smem:$0x7E7];
	_ =	sdelay $0x2  }
0xb2: {  	p3 =	por @!p4 $0x1, $0x1;
	p5 =	seq.s32 s15, $0x1  }
0xb3: {  	s21 =	rddreg [dreg:$0x1e];
	s15 =	sshrl.u32 @!p5 s3, $0x3;
	s16 =	simm.s32 @!p5 $0x1  }
0xb4: {  	s17 =	simm.s32 @!p5 $0x10;
	s18 =	simm.s32 @!p5 $0x80;
	s19 =	simm.s32 @!p5 $0x1C01  }
0xb5: {  	[spmem:s15@s17], [sflag:s19] =	dma.strided @!p5 [hbm:s21@s18], $0x1E80, s16, $0x10   }
0xb6: {  	p6 =	por @!p4 $0x0, $0x0;
	p1 =	por @!p2 $0x1, $0x1;
	s16 =	sld [smem:$0x7E9]  }
0xb7: {  	p0 =	por @!p2 $0x0, $0x0;
	p2 =	por @!p2 $0x0, $0x0;
	s15 =	simm.s32 @!p5 $0x7600  }
0xb8: {  	[spmem:s28] =	stream.linear.scatter @!p5 [tilespmem:s15], [sflag:$0x1], $0x40, $0x38;
	[tilespmem:$0x199A8] =	vst v63  }
0xb9: {  	p0 =	por @!p4 p3, p3;
	p2 =	por @!p4 p6, p6;
	p6 =	seq.s32 s16, $0x1  }
0xba: {  	s21 =	rddreg [dreg:$0x1d];
	s15 =	sshrl.u32 @!p6 s26, $0x3;
	s16 =	simm.s32 @!p6 $0x1  }
0xbb: {  	s17 =	simm.s32 @!p6 $0x10;
	s18 =	simm.s32 @!p6 $0x80;
	s19 =	simm.s32 @!p6 $0x1C41  }
0xbc: {  	[spmem:s15@s17], [sflag:s19] =	dma.strided @!p6 [hbm:s21@s18], $0x1E80, s16, $0x10   }
0xbd: {  	s15 =	simm.s32 @!p0 $0x0  }
0xbe: {  	s15 =	simm.s32 @p0 $0x1;
	p0 =	por @!p4 $0x0, $0x0  }
0xbf: {  	s17 =	sld [smem:$0x7E8];
	p1 =	por @!p4 p0, p0  }
0xc0: {  	p3 =	por @!p6 $0x1, $0x1;
	[smem:$0x7DD] =	sst s15;
	s15 =	simm.s32 @!p1 $0x0  }
0xc1: {  	p0 =	por @!p5 $0x0, $0x0;
	s15 =	simm.s32 @p1 $0x1;
	p1 =	por @!p6 $0x0, $0x0  }
0xc2: {  	p3 =	por @!p5 p0, p0;
	[smem:$0x7DE] =	sst s15;
	p1 =	por @!p5 p0, p0  }
0xc3: {  	p0 =	por p2, p2;
	p5 =	seq.s32 s17, $0x1;
	s15 =	simm.s32 @!p1 $0x0  }
0xc4: {  	p0 =	por @!p5 p1, p1;
	s15 =	simm.s32 @p1 $0x1  }
0xc5: {  	p4 =	por p2, p2;
	[smem:$0x7E1] =	sst s15;
	s15 =	simm.s32 @!p0 $0x0  }
0xc6: {  	p6 =	por p2, p2;
	p2 =	por @!p5 p1, p1;
	s15 =	simm.s32 @p0 $0x1  }
0xc7: {  	p0 =	por p6, p6;
	[smem:$0x7D7] =	sst s15;
	s15 =	simm.s32 @!p2 $0x0  }
0xc8: {  	p0 =	por @!p5 p1, p1;
	s15 =	simm.s32 @p2 $0x1  }
0xc9: {  	p2 =	por p6, p6;
	[smem:$0x7D8] =	sst s15;
	s15 =	simm.s32 @!p0 $0x0  }
0xca: {  	p2 =	por @!p5 p1, p1;
	s15 =	simm.s32 @p0 $0x1  }
0xcb: {  	p0 =	por p6, p6;
	[smem:$0x7D9] =	sst s15;
	s15 =	simm.s32 @!p2 $0x0  }
0xcc: {  	s18 =	sld [smem:$0x7DD];
	p0 =	por @!p5 p1, p1;
	s15 =	simm.s32 @p2 $0x1  }
0xcd: {  	p2 =	por p6, p6;
	[smem:$0x7DA] =	sst s15;
	s15 =	simm.s32 @!p0 $0x0  }
0xce: {  	s19 =	sld [smem:$0x7DE];
	p2 =	por @!p5 p1, p1;
	s15 =	simm.s32 @p0 $0x1  }
0xcf: {  	p0 =	seq.s32 s18, $0x1;
	[smem:$0x7DB] =	sst s15;
	s15 =	simm.s32 @!p2 $0x0  }
0xd0: {  	p0 =	por @!p5 p1, p1;
	s15 =	simm.s32 @p2 $0x1  }
0xd1: {  	[smem:$0x7DC] =	sst s15;
	s15 =	simm.s32 @!p0 $0x0  }
0xd2: {  	s15 =	simm.s32 @p0 $0x1;
	p0 =	seq.s32 s19, $0x1  }
0xd3: {  	p0 =	por @!p5 p1, p1  }
0xd4: {  	[smem:$0x7DD] =	sst s15;
	s15 =	simm.s32 @!p0 $0x0  }
0xd5: {  	s15 =	simm.s32 @p0 $0x1;
	p0 =	por p6, p6  }
0xd6: {  	p0 =	por @!p5 p1, p1  }
0xd7: {  	[smem:$0x7DE] =	sst s15;
	s15 =	simm.s32 @!p0 $0x0  }
0xd8: {  	s15 =	simm.s32 @p0 $0x1  }
0xd9: {  	[smem:$0x7DF] =	sst s15;
	s15 =	simm.s32 @!p6 $0x0  }
0xda: {  	s24 =	sld [smem:$0x7E8];
	s15 =	simm.s32 @p6 $0x1  }
0xdb: {  	[smem:$0x7E2] =	sst s15  }
0xdc: {  	p4 =	por @!p5 p3, p3;
	p3 =	por p6, p6;
	s21 =	sld [smem:$0x7E2]  }
0xdd: {  	p3 =	por @!p5 p1, p1;
	s23 =	sld [smem:$0x7E1]  }
0xde: {  	p0 =	por p6, p6;
	p6 =	por @!p5 p1, p1;
	s22 =	sld [smem:$0x7E2]  }
0xdf: {  	p0 =	por @!p5 p1, p1;
	s15 =	simm.s32 @!p6 $0x0;
	p2 =	seq.s32 s21, $0x1  }
0xe0: {  	s15 =	simm.s32 @p6 $0x1;
	p6 =	seq.s32 s24, $0x1;
	p2 =	por @!p5 p1, p1  }
.Ltmp3:
0xe1: {  	p1 =	seq.s32 s22, $0x1;
	p5 =	seq.s32 s23, $0x1;
	(pc) =	sbr.rel .LBB2_10-.Ltmp3, $4  }
0xe2: {  	p1 =	por @!p6 p5, p5  }
0xe3: {  	[smem:$0x7E0] =	sst s15;
	s15 =	simm.s32 @!p1 $0x0  }
0xe4: {  	s15 =	simm.s32 @p1 $0x1  }
0xe5: {  	[smem:$0x7E2] =	sst s15  }
.LBB2_7:
0xe6: {  	p0 =	sgt.s32 s5, $0xB  }
.Ltmp4:
0xe7: {  	_ = 	snop;
	(pc) =	sbr.rel @p0 .LBB2_9-.Ltmp4, $1  }
0xe8: {  	_ =	sdelay $0x3  }
0xe9: {  	p5 =	sgt.s32 s5, $0x9;
	s15 =	sld [smem:$0x7F6]  }
0xea: {  	p1 =	seq.s32 @p5 s5, $0xA  }
0xeb: {  	p0 =	por !p1, !p5  }
0xec: {  	s21 =	rddreg [dreg:$0x13];
	s15 =	sshrl.u32 @!p0 s15, $0x3;
	s16 =	simm.s32 @!p0 $0x1  }
0xed: {  	s17 =	simm.s32 @!p0 $0x10;
	s18 =	simm.s32 @!p0 $0x80;
	s19 =	simm.s32 @!p0 $0x1E81  }
0xee: {  	[spmem:s15@s17], [sflag:s19] =	dma.strided @!p0 [hbm:s21@s18], $0x1E80, s16, $0x10   }
0xef: {  	s15 =	sld [smem:$0x7F5]  }
0xf0: {  	p1 =	por p1, !p5  }
0xf1: {  	s16 =	simm.s32 @!p1 $0x1;
	s17 =	simm.s32 @!p1 $0x10;
	s18 =	simm.s32 @!p1 $0x80  }
0xf2: {  	s19 =	simm.s32 @!p1 $0x1EC1;
	s21 =	rddreg [dreg:$0x12];
	s15 =	sshrl.u32 @!p1 s15, $0x3  }
0xf3: {  	[spmem:s15@s17], [sflag:s19] =	dma.strided @!p1 [hbm:s21@s18], $0x1E90, s16, $0x10   }
0xf4: {  	s15 =	simm.s32 @!p5 $0x0  }
0xf5: {  	s15 =	simm.s32 @p5 $0x1  }
0xf6: {  	[smem:$0x7D5] =	sst s15  }
0xf7: {  	p3 =	seq.s32 @!p5 s5, $0x8;
	s15 =	sld [smem:$0x7F8]  }
0xf8: {  	p2 =	por !p3, p5  }
0xf9: {  	s16 =	simm.s32 @!p2 $0x1;
	s17 =	simm.s32 @!p2 $0x10;
	s18 =	simm.s32 @!p2 $0x80  }
0xfa: {  	s19 =	simm.s32 @!p2 $0x1E01;
	s21 =	rddreg [dreg:$0x15];
	s15 =	sshrl.u32 @!p2 s15, $0x3  }
0xfb: {  	[spmem:s15@s17], [sflag:s19] =	dma.strided @!p2 [hbm:s21@s18], $0x1E80, s16, $0x10   }
0xfc: {  	p4 =	por @!p0 $0x1, $0x1;
	p6 =	por @!p1 $0x0, $0x0;
	s15 =	sld [smem:$0x7F7]  }
0xfd: {  	p3 =	por p3, p5;
	p5 =	por p6, p6;
	p6 =	por @!p0 p4, p4  }
0xfe: {  	s16 =	simm.s32 @!p3 $0x1;
	s17 =	simm.s32 @!p3 $0x10;
	s18 =	simm.s32 @!p3 $0x80  }
0xff: {  	s19 =	simm.s32 @!p3 $0x1E41;
	s21 =	rddreg [dreg:$0x14];
	s15 =	sshrl.u32 @!p3 s15, $0x3  }
0x100: {  	[spmem:s15@s17], [sflag:s19] =	dma.strided @!p3 [hbm:s21@s18], $0x1E80, s16, $0x10   }
0x101: {  	p4 =	por @!p0 $0x0, $0x0;
	s15 =	simm.s32 @!p6 $0x0  }
0x102: {  	p5 =	por @!p0 p4, p4;
	p4 =	por @!p3 $0x0, $0x0;
	s15 =	simm.s32 @p6 $0x1  }
0x103: {  	p6 =	por @!p1 $0x1, $0x1;
	p1 =	por @!p0 $0x0, $0x0;
	[smem:$0x7D9] =	sst s15  }
0x104: {  	s15 =	simm.s32 @!p5 $0x0;
	p6 =	por @!p0 p1, p1;
	p0 =	por @!p2 $0x1, $0x1  }
0x105: {  	p1 =	por p4, p4;
	s15 =	simm.s32 @p5 $0x1;
	p4 =	por @!p2 p0, p0  }
0x106: {  	[smem:$0x7E2] =	sst s15;
	s15 =	simm.s32 @!p4 $0x0  }
0x107: {  	p0 =	por @!p3 $0x1, $0x1;
	s15 =	simm.s32 @p4 $0x1  }
0x108: {  	[smem:$0x7D3] =	sst s15;
	s15 =	simm.s32 @!p0 $0x0  }
0x109: {  	s16 =	sld [smem:$0x7D5];
	s15 =	simm.s32 @p0 $0x1  }
0x10a: {  	[smem:$0x7D4] =	sst s15  }
0x10b: {  	s15 =	sld [smem:$0x7D4]  }
0x10c: {  	s18 =	sld [smem:$0x7D5]  }
0x10d: {  	s17 =	sld [smem:$0x7D3]  }
0x10e: {  	p3 =	por @!p2 $0x0, $0x0;
	p0 =	por @!p2 $0x0, $0x0;
	p4 =	seq.s32 s15, $0x1  }
0x10f: {  	p1 =	por @!p2 p0, p0;
	p0 =	por p5, p5;
	p4 =	por @!p2 p3, p3  }
0x110: {  	p2 =	seq.s32 s16, $0x1;
	p3 =	seq.s32 s17, $0x1;
	s15 =	simm.s32 @!p4 $0x0  }
0x111: {  	p0 =	por @!p2 p3, p3;
	p2 =	por p5, p5;
	s15 =	simm.s32 @p4 $0x1  }
0x112: {  	p4 =	seq.s32 s18, $0x1;
	[smem:$0x7D4] =	sst s15;
	s15 =	simm.s32 @!p0 $0x0  }
0x113: {  	p2 =	por @!p4 p1, p1;
	s15 =	simm.s32 @p0 $0x1  }
0x114: {  	[smem:$0x7DA] =	sst s15;
	s15 =	simm.s32 @!p2 $0x0  }
0x115: {  	s21 =	sld [smem:$0x7D9];
	s15 =	simm.s32 @p2 $0x1;
	p2 =	por p5, p5  }
0x116: {  	p2 =	por @!p4 p1, p1  }
0x117: {  	[smem:$0x7D7] =	sst s15;
	s15 =	simm.s32 @!p2 $0x0  }
0x118: {  	s19 =	sld [smem:$0x7D4];
	s15 =	simm.s32 @p2 $0x1;
	p2 =	seq.s32 s21, $0x1  }
0x119: {  	p2 =	por @!p4 p1, p1  }
0x11a: {  	p0 =	por p5, p5;
	[smem:$0x7D8] =	sst s15;
	s15 =	simm.s32 @!p2 $0x0  }
0x11b: {  	p3 =	seq.s32 s19, $0x1;
	s15 =	simm.s32 @p2 $0x1;
	p2 =	por p5, p5  }
0x11c: {  	s22 =	sld [smem:$0x7D5];
	p0 =	por @!p4 p3, p3;
	p2 =	por @!p4 p1, p1  }
0x11d: {  	p3 =	por p5, p5;
	[smem:$0x7D9] =	sst s15;
	s15 =	simm.s32 @!p2 $0x0  }
0x11e: {  	p3 =	por @!p4 p1, p1;
	s15 =	simm.s32 @p2 $0x1  }
0x11f: {  	[smem:$0x7DB] =	sst s15;
	s15 =	simm.s32 @!p3 $0x0  }
0x120: {  	p2 =	por p5, p5;
	s15 =	simm.s32 @p3 $0x1;
	p3 =	seq.s32 s22, $0x1  }
0x121: {  	p2 =	por @!p3 p1, p1  }
0x122: {  	[smem:$0x7DC] =	sst s15;
	s15 =	simm.s32 @!p2 $0x0  }
0x123: {  	s23 =	sld [smem:$0x7D5];
	s15 =	simm.s32 @p2 $0x1  }
0x124: {  	[smem:$0x7DD] =	sst s15;
	s15 =	simm.s32 @!p5 $0x0  }
0x125: {  	s16 =	sld [smem:$0x7D5];
	s15 =	simm.s32 @p5 $0x1  }
0x126: {  	[smem:$0x7DE] =	sst s15  }
0x127: {  	s24 =	sld [smem:$0x7DE]  }
0x128: {  	s17 =	sld [smem:$0x7E2];
	p4 =	por p5, p5  }
0x129: {  	s18 =	sld [smem:$0x7D5];
	p4 =	por @!p3 p1, p1  }
0x12a: {  	p3 =	por p5, p5;
	p2 =	seq.s32 s23, $0x1;
	p5 =	seq.s32 s24, $0x1  }
0x12b: {  	s19 =	sld [smem:$0x7D5];
	p5 =	por @!p2 p1, p1;
	p2 =	seq.s32 s16, $0x1  }
0x12c: {  	s21 =	sld [smem:$0x7E2];
	s15 =	simm.s32 @!p5 $0x0;
	p3 =	por @!p2 p1, p1  }
0x12d: {  	p2 =	seq.s32 s17, $0x1;
	s15 =	simm.s32 @p5 $0x1;
	p5 =	seq.s32 s18, $0x1  }
0x12e: {  	s22 =	sld [smem:$0x7D5];
	p2 =	por @!p5 p1, p1  }
0x12f: {  	[smem:$0x7DE] =	sst s15;
	s15 =	simm.s32 @!p2 $0x0  }
0x130: {  	s23 =	sld [smem:$0x7D5];
	s15 =	simm.s32 @p2 $0x1;
	p2 =	seq.s32 s19, $0x1  }
0x131: {  	s24 =	sld [smem:$0x7E2];
	p5 =	seq.s32 s22, $0x1;
	p6 =	por @!p2 p1, p1  }
0x132: {  	[smem:$0x7DF] =	sst s15;
	p2 =	seq.s32 s21, $0x1;
	s15 =	simm.s32 @!p6 $0x0  }
0x133: {  	p2 =	por @!p5 p1, p1;
	p5 =	seq.s32 s23, $0x1;
	s15 =	simm.s32 @p6 $0x1  }
.Ltmp5:
0x134: {  	p6 =	por p1, p1;
	p1 =	seq.s32 s24, $0x1;
	(pc) =	sbr.rel .LBB2_10-.Ltmp5, $4  }
0x135: {  	p1 =	por @!p5 p6, p6  }
0x136: {  	[smem:$0x7E0] =	sst s15;
	s15 =	simm.s32 @!p1 $0x0  }
0x137: {  	s15 =	simm.s32 @p1 $0x1  }
0x138: {  	[smem:$0x7E2] =	sst s15  }
.LBB2_6:
0x139: {  	s15 =	sld [smem:$0x7EA];
	_ =	sdelay $0x2  }
0x13a: {  	p2 =	seq.s32 s15, $0x1;
	s15 =	sld [smem:$0x7FA];
	_ =	sdelay $0x1  }
0x13b: {  	s21 =	rddreg [dreg:$0x18];
	s16 =	simm.s32 @!p2 $0x1;
	s17 =	simm.s32 @!p2 $0x10  }
0x13c: {  	s18 =	simm.s32 @!p2 $0x80;
	s19 =	simm.s32 @!p2 $0x1D81;
	s15 =	sshrl.u32 @!p2 s15, $0x3  }
0x13d: {  	[spmem:s15@s17], [sflag:s19] =	dma.strided @!p2 [hbm:s21@s18], $0x1E80, s16, $0x10   }
0x13e: {  	s15 =	sld [smem:$0x7EB];
	_ =	sdelay $0x2  }
0x13f: {  	p4 =	por @!p2 $0x1, $0x1;
	p3 =	seq.s32 s15, $0x1;
	s15 =	sld [smem:$0x7F9]  }
0x140: {  	p1 =	por @!p2 $0x0, $0x0;
	s21 =	rddreg [dreg:$0x16];
	s16 =	simm.s32 @!p3 $0x1  }
0x141: {  	s17 =	simm.s32 @!p3 $0x10;
	s18 =	simm.s32 @!p3 $0x80;
	p5 =	por @!p3 $0x0, $0x0  }
0x142: {  	s19 =	simm.s32 @!p3 $0x1DC1;
	p5 =	por @!p2 p4, p4;
	s15 =	sshrl.u32 @!p3 s15, $0x3  }
0x143: {  	[spmem:s15@s17], [sflag:s19] =	dma.strided @!p3 [hbm:s21@s18], $0x1E90, s16, $0x10   }
0x144: {  	p0 =	por @!p3 $0x0, $0x0;
	p3 =	por @!p3 $0x1, $0x1;
	s15 =	simm.s32 @!p5 $0x0  }
0x145: {  	s15 =	simm.s32 @p5 $0x1;
	p3 =	por @!p2 p1, p1  }
0x146: {  	[smem:$0x7DB] =	sst s15;
	s15 =	simm.s32 @!p3 $0x0  }
0x147: {  	s17 =	sld [smem:$0x7EC];
	s15 =	simm.s32 @p3 $0x1  }
0x148: {  	[smem:$0x7DF] =	sst s15  }
0x149: {  	s15 =	sld [smem:$0x7FC]  }
0x14a: {  	p4 =	seq.s32 s17, $0x1  }
0x14b: {  	s21 =	rddreg [dreg:$0x1a];
	s16 =	simm.s32 @!p4 $0x1;
	s17 =	simm.s32 @!p4 $0x10  }
0x14c: {  	s18 =	simm.s32 @!p4 $0x80;
	s19 =	simm.s32 @!p4 $0x1D01;
	s15 =	sshrl.u32 @!p4 s15, $0x3  }
0x14d: {  	[spmem:s15@s17], [sflag:s19] =	dma.strided @!p4 [hbm:s21@s18], $0x1E80, s16, $0x10   }
0x14e: {  	s15 =	sld [smem:$0x7EE];
	_ =	sdelay $0x2  }
0x14f: {  	p5 =	seq.s32 s15, $0x1;
	s15 =	sld [smem:$0x7FB]  }
0x150: {  	p0 =	por @!p2 p1, p1  }
0x151: {  	s21 =	rddreg [dreg:$0x19];
	s16 =	simm.s32 @!p5 $0x1;
	s17 =	simm.s32 @!p5 $0x10  }
0x152: {  	s18 =	simm.s32 @!p5 $0x80;
	s19 =	simm.s32 @!p5 $0x1D41;
	s15 =	sshrl.u32 @!p5 s15, $0x3  }
0x153: {  	[spmem:s15@s17], [sflag:s19] =	dma.strided @!p5 [hbm:s21@s18], $0x1E80, s16, $0x10   }
0x154: {  	p2 =	por p0, p0;
	s15 =	sld [smem:$0x7ED]  }
0x155: {  	p6 =	por @!p4 $0x1, $0x1;
	p3 =	por @!p5 $0x0, $0x0;
	p1 =	por @!p5 $0x0, $0x0  }
0x156: {  	p3 =	por @!p4 p6, p6;
	p6 =	por @!p5 $0x1, $0x1;
	p5 =	por @!p4 $0x0, $0x0  }
0x157: {  	p1 =	por @!p4 p5, p5;
	p6 =	por @!p4 p5, p5;
	p5 =	seq.s32 s15, $0x1  }
0x158: {  	p2 =	por @!p5 p3, p3  }
0x159: {  	s15 =	simm.s32 @!p2 $0x0  }
0x15a: {  	s15 =	simm.s32 @p2 $0x1;
	p2 =	por p0, p0  }
0x15b: {  	p2 =	por @!p5 p1, p1  }
0x15c: {  	[smem:$0x7DC] =	sst s15;
	s15 =	simm.s32 @!p2 $0x0  }
0x15d: {  	s15 =	simm.s32 @p2 $0x1;
	p2 =	por p0, p0  }
0x15e: {  	p2 =	por @!p5 p1, p1  }
0x15f: {  	p4 =	por p0, p0;
	[smem:$0x7D7] =	sst s15;
	s15 =	simm.s32 @!p2 $0x0  }
0x160: {  	p4 =	por @!p5 p1, p1;
	s15 =	simm.s32 @p2 $0x1  }
0x161: {  	[smem:$0x7D8] =	sst s15;
	s15 =	simm.s32 @!p4 $0x0  }
0x162: {  	s18 =	sld [smem:$0x7DB];
	p3 =	por p0, p0;
	s15 =	simm.s32 @p4 $0x1  }
0x163: {  	p3 =	por @!p5 p6, p6;
	[smem:$0x7D9] =	sst s15;
	s15 =	simm.s32 @!p0 $0x0  }
0x164: {  	p6 =	por p0, p0;
	s15 =	simm.s32 @p0 $0x1;
	p0 =	por @!p5 p1, p1  }
0x165: {  	[smem:$0x7E2] =	sst s15;
	s15 =	simm.s32 @!p0 $0x0  }
0x166: {  	s15 =	simm.s32 @p0 $0x1;
	p0 =	seq.s32 s18, $0x1  }
0x167: {  	p0 =	por @!p5 p1, p1  }
0x168: {  	[smem:$0x7DA] =	sst s15;
	s15 =	simm.s32 @!p0 $0x0  }
0x169: {  	s15 =	simm.s32 @p0 $0x1;
	p0 =	por p6, p6  }
0x16a: {  	p0 =	por @!p5 p1, p1  }
0x16b: {  	[smem:$0x7DB] =	sst s15;
	s15 =	simm.s32 @!p0 $0x0  }
0x16c: {  	s19 =	sld [smem:$0x7DF];
	s15 =	simm.s32 @p0 $0x1;
	p0 =	por p6, p6  }
0x16d: {  	p0 =	por @!p5 p1, p1  }
0x16e: {  	[smem:$0x7DD] =	sst s15;
	s15 =	simm.s32 @!p0 $0x0  }
0x16f: {  	s15 =	simm.s32 @p0 $0x1;
	p0 =	seq.s32 s19, $0x1  }
0x170: {  	s24 =	sld [smem:$0x7ED];
	p0 =	por @!p5 p1, p1  }
0x171: {  	p4 =	por p6, p6;
	[smem:$0x7DE] =	sst s15;
	s15 =	simm.s32 @!p0 $0x0  }
0x172: {  	s15 =	simm.s32 @p0 $0x1;
	p0 =	por p6, p6;
	p6 =	por @!p5 p1, p1  }
0x173: {  	[smem:$0x7DF] =	sst s15;
	s15 =	simm.s32 @!p6 $0x0  }
0x174: {  	s21 =	sld [smem:$0x7E2];
	s15 =	simm.s32 @p6 $0x1  }
0x175: {  	[smem:$0x7E0] =	sst s15;
	s15 =	simm.s32 @!p1 $0x0  }
0x176: {  	s22 =	sld [smem:$0x7E2];
	s15 =	simm.s32 @p1 $0x1  }
0x177: {  	[smem:$0x7D6] =	sst s15  }
0x178: {  	s23 =	sld [smem:$0x7D6]  }
0x179: {  	p4 =	por @!p5 p1, p1;
	p2 =	seq.s32 s21, $0x1  }
0x17a: {  	p2 =	por @!p5 p1, p1;
	p0 =	por @!p5 p1, p1;
	p6 =	seq.s32 s24, $0x1  }
.Ltmp6:
0x17b: {  	p1 =	seq.s32 s22, $0x1;
	p5 =	seq.s32 s23, $0x1;
	(pc) =	sbr.rel .LBB2_10-.Ltmp6, $4  }
0x17c: {  	p1 =	por @!p6 p5, p5  }
0x17d: {  	s15 =	simm.s32 @!p1 $0x0  }
0x17e: {  	s15 =	simm.s32 @p1 $0x1  }
0x17f: {  	[smem:$0x7E2] =	sst s15  }
.LBB2_9:
0x180: {  	p5 =	sgt.s32 s5, $0xD;
	s15 =	sld [smem:$0x7F2]  }
0x181: {  	p1 =	seq.s32 @p5 s5, $0xE  }
0x182: {  	p0 =	por !p1, !p5  }
0x183: {  	s21 =	rddreg [dreg:$0xf];
	s15 =	sshrl.u32 @!p0 s15, $0x3;
	s16 =	simm.s32 @!p0 $0x1  }
0x184: {  	s17 =	simm.s32 @!p0 $0x10;
	s18 =	simm.s32 @!p0 $0x80;
	s19 =	simm.s32 @!p0 $0x1F81  }
0x185: {  	[spmem:s15@s17], [sflag:s19] =	dma.strided @!p0 [hbm:s21@s18], $0x1E80, s16, $0x10   }
0x186: {  	s15 =	sld [smem:$0x7F1]  }
0x187: {  	p1 =	por p1, !p5  }
0x188: {  	s16 =	simm.s32 @!p1 $0x1;
	s17 =	simm.s32 @!p1 $0x10;
	s18 =	simm.s32 @!p1 $0x80  }
0x189: {  	s19 =	simm.s32 @!p1 $0x1FC1;
	s21 =	rddreg [dreg:$0xe];
	s15 =	sshrl.u32 @!p1 s15, $0x3  }
0x18a: {  	[spmem:s15@s17], [sflag:s19] =	dma.strided @!p1 [hbm:s21@s18], $0x1E90, s16, $0x10   }
0x18b: {  	s15 =	simm.s32 @!p5 $0x0  }
0x18c: {  	s15 =	simm.s32 @p5 $0x1  }
0x18d: {  	[smem:$0x7D2] =	sst s15  }
0x18e: {  	p2 =	seq.s32 @!p5 s5, $0xC;
	s15 =	sld [smem:$0x7F4]  }
0x18f: {  	p3 =	por !p2, p5;
	p4 =	por p2, p5;
	p2 =	por @!p1 $0x0, $0x0  }
0x190: {  	s16 =	simm.s32 @!p3 $0x1;
	s17 =	simm.s32 @!p3 $0x10;
	s18 =	simm.s32 @!p3 $0x80  }
0x191: {  	s19 =	simm.s32 @!p3 $0x1F01;
	s21 =	rddreg [dreg:$0x11];
	s15 =	sshrl.u32 @!p3 s15, $0x3  }
0x192: {  	[spmem:s15@s17], [sflag:s19] =	dma.strided @!p3 [hbm:s21@s18], $0x1E80, s16, $0x10   }
0x193: {  	p6 =	por @!p0 $0x1, $0x1;
	p5 =	por p2, p2;
	s15 =	sld [smem:$0x7F3]  }
0x194: {  	p5 =	por @!p0 p6, p6  }
0x195: {  	s16 =	simm.s32 @!p4 $0x1;
	s17 =	simm.s32 @!p4 $0x10;
	s18 =	simm.s32 @!p4 $0x80  }
0x196: {  	s19 =	simm.s32 @!p4 $0x1F41;
	s21 =	rddreg [dreg:$0x10];
	s15 =	sshrl.u32 @!p4 s15, $0x3  }
0x197: {  	[spmem:s15@s17], [sflag:s19] =	dma.strided @!p4 [hbm:s21@s18], $0x1E80, s16, $0x10   }
0x198: {  	p1 =	por @!p1 $0x1, $0x1;
	s15 =	simm.s32 @!p5 $0x0  }
0x199: {  	s15 =	simm.s32 @p5 $0x1;
	p5 =	por @!p0 $0x0, $0x0;
	s16 =	sld [smem:$0x7D2]  }
0x19a: {  	p6 =	por @!p4 $0x0, $0x0;
	[smem:$0x7D7] =	sst s15;
	p1 =	por @!p0 p5, p5  }
0x19b: {  	p2 =	por @!p0 p5, p5;
	p5 =	por @!p3 $0x1, $0x1;
	s15 =	simm.s32 @!p1 $0x0  }
0x19c: {  	p0 =	por @!p3 $0x0, $0x0;
	s15 =	simm.s32 @p1 $0x1;
	p1 =	por p6, p6  }
0x19d: {  	p6 =	por @!p3 p5, p5;
	p1 =	por @!p3 p0, p0  }
0x19e: {  	p5 =	por @!p4 $0x1, $0x1;
	[smem:$0x7E2] =	sst s15;
	s15 =	simm.s32 @!p1 $0x0  }
0x19f: {  	p4 =	por p2, p2;
	s15 =	simm.s32 @p1 $0x1;
	p1 =	seq.s32 s16, $0x1  }
0x1a0: {  	p4 =	por @!p1 p6, p6  }
0x1a1: {  	[smem:$0x7D1] =	sst s15;
	s15 =	simm.s32 @!p4 $0x0  }
0x1a2: {  	s15 =	simm.s32 @p4 $0x1  }
0x1a3: {  	[smem:$0x7D8] =	sst s15;
	s15 =	simm.s32 @!p2 $0x0  }
0x1a4: {  	s24 =	sld [smem:$0x7D2];
	s15 =	simm.s32 @p2 $0x1  }
0x1a5: {  	[smem:$0x7D9] =	sst s15;
	s15 =	simm.s32 @!p2 $0x0  }
0x1a6: {  	s17 =	sld [smem:$0x7D7];
	s15 =	simm.s32 @p2 $0x1  }
0x1a7: {  	[smem:$0x7DA] =	sst s15;
	s15 =	simm.s32 @!p2 $0x0  }
0x1a8: {  	s18 =	sld [smem:$0x7D1];
	s15 =	simm.s32 @p2 $0x1  }
0x1a9: {  	[smem:$0x7DB] =	sst s15;
	s15 =	simm.s32 @!p2 $0x0  }
0x1aa: {  	s21 =	sld [smem:$0x7D1];
	s15 =	simm.s32 @p2 $0x1  }
0x1ab: {  	[smem:$0x7DC] =	sst s15;
	s15 =	simm.s32 @!p2 $0x0  }
0x1ac: {  	s23 =	sld [smem:$0x7D1];
	s15 =	simm.s32 @p2 $0x1  }
0x1ad: {  	[smem:$0x7DD] =	sst s15;
	s15 =	simm.s32 @!p2 $0x0  }
0x1ae: {  	s19 =	sld [smem:$0x7D9];
	s15 =	simm.s32 @p2 $0x1  }
0x1af: {  	p5 =	por @!p3 p0, p0;
	[smem:$0x7D0] =	sst s15;
	s15 =	simm.s32 @!p2 $0x0  }
0x1b0: {  	p3 =	por p2, p2;
	s22 =	sld [smem:$0x7DA];
	s15 =	simm.s32 @p2 $0x1  }
0x1b1: {  	p0 =	por p2, p2;
	[smem:$0x7DE] =	sst s15;
	s15 =	simm.s32 @!p2 $0x0  }
0x1b2: {  	p6 =	por p2, p2;
	s16 =	sld [smem:$0x7DB];
	s15 =	simm.s32 @p2 $0x1  }
0x1b3: {  	p2 =	por @!p1 p5, p5;
	p5 =	seq.s32 s17, $0x1;
	s17 =	sld [smem:$0x7D1]  }
0x1b4: {  	p4 =	por p1, p1;
	p1 =	seq.s32 s18, $0x1;
	s18 =	sld [smem:$0x7D2]  }
0x1b5: {  	[smem:$0x7DF] =	sst s15;
	p5 =	por @!p4 p1, p1;
	p1 =	por p4, p4  }
0x1b6: {  	p4 =	seq.s32 s21, $0x1;
	s21 =	sld [smem:$0x7D1];
	s15 =	simm.s32 @!p5 $0x0  }
0x1b7: {  	s15 =	simm.s32 @p5 $0x1;
	p5 =	seq.s32 s19, $0x1;
	s19 =	sld [smem:$0x7DC]  }
0x1b8: {  	[smem:$0x7D7] =	sst s15  }
0x1b9: {  	p5 =	por @!p1 p4, p4;
	p1 =	seq.s32 s23, $0x1;
	s23 =	sld [smem:$0x7DD]  }
0x1ba: {  	p4 =	seq.s32 s24, $0x1;
	s24 =	sld [smem:$0x7D1];
	s15 =	simm.s32 @!p5 $0x0  }
0x1bb: {  	s15 =	simm.s32 @p5 $0x1;
	p5 =	seq.s32 s22, $0x1;
	s22 =	sld [smem:$0x7D2]  }
0x1bc: {  	[smem:$0x7D9] =	sst s15  }
0x1bd: {  	p5 =	por @!p4 p1, p1;
	p1 =	seq.s32 s17, $0x1;
	s17 =	sld [smem:$0x7D1]  }
0x1be: {  	p4 =	seq.s32 s18, $0x1;
	s18 =	sld [smem:$0x7D2];
	s15 =	simm.s32 @!p5 $0x0  }
0x1bf: {  	s15 =	simm.s32 @p5 $0x1;
	p5 =	seq.s32 s16, $0x1;
	s16 =	sld [smem:$0x7D2]  }
0x1c0: {  	[smem:$0x7DA] =	sst s15  }
0x1c1: {  	p5 =	por @!p4 p1, p1;
	p1 =	seq.s32 s21, $0x1;
	s21 =	sld [smem:$0x7DE]  }
0x1c2: {  	p4 =	seq.s32 s22, $0x1;
	s22 =	sld [smem:$0x7D1];
	s15 =	simm.s32 @!p5 $0x0  }
0x1c3: {  	s15 =	simm.s32 @p5 $0x1;
	p5 =	seq.s32 s19, $0x1;
	s19 =	sld [smem:$0x7D0]  }
0x1c4: {  	[smem:$0x7DB] =	sst s15  }
0x1c5: {  	p5 =	por @!p4 p1, p1;
	p1 =	seq.s32 s24, $0x1;
	s24 =	sld [smem:$0x7D1]  }
0x1c6: {  	p4 =	seq.s32 s16, $0x1;
	s16 =	sld [smem:$0x7D2];
	s15 =	simm.s32 @!p5 $0x0  }
0x1c7: {  	s15 =	simm.s32 @p5 $0x1;
	p5 =	seq.s32 s23, $0x1;
	s23 =	sld [smem:$0x7D2]  }
0x1c8: {  	[smem:$0x7DC] =	sst s15  }
0x1c9: {  	p5 =	por @!p4 p1, p1;
	p1 =	seq.s32 s17, $0x1;
	s17 =	sld [smem:$0x7DF]  }
0x1ca: {  	p4 =	seq.s32 s18, $0x1;
	s18 =	sld [smem:$0x7D1];
	s15 =	simm.s32 @!p5 $0x0  }
0x1cb: {  	s15 =	simm.s32 @p5 $0x1;
	p5 =	seq.s32 s19, $0x1;
	s19 =	sld [smem:$0x7D2]  }
0x1cc: {  	[smem:$0x7DD] =	sst s15;
	p5 =	por @!p4 p1, p1  }
0x1cd: {  	p1 =	seq.s32 s22, $0x1;
	s22 =	sld [smem:$0x7D1];
	s15 =	simm.s32 @!p5 $0x0  }
0x1ce: {  	p4 =	seq.s32 s23, $0x1;
	s23 =	sld [smem:$0x7D2];
	s15 =	simm.s32 @p5 $0x1  }
0x1cf: {  	p5 =	seq.s32 s21, $0x1;
	[smem:$0x7D0] =	sst s15  }
0x1d0: {  	p5 =	por @!p4 p1, p1;
	p1 =	seq.s32 s24, $0x1;
	p4 =	seq.s32 s16, $0x1  }
0x1d1: {  	s15 =	simm.s32 @!p5 $0x0;
	p3 =	por @!p4 p1, p1;
	p1 =	seq.s32 s18, $0x1  }
0x1d2: {  	p4 =	seq.s32 s19, $0x1;
	s15 =	simm.s32 @p5 $0x1;
	p5 =	seq.s32 s17, $0x1  }
0x1d3: {  	s24 =	sld [smem:$0x7E2];
	p5 =	por @!p4 p1, p1  }
0x1d4: {  	[smem:$0x7DE] =	sst s15;
	s15 =	simm.s32 @!p5 $0x0  }
0x1d5: {  	p1 =	seq.s32 s23, $0x1;
	s15 =	simm.s32 @p5 $0x1;
	p5 =	seq.s32 s22, $0x1  }
0x1d6: {  	p6 =	por @!p1 p5, p5  }
0x1d7: {  	[smem:$0x7DF] =	sst s15;
	p0 =	por @!p1 p5, p5;
	s15 =	simm.s32 @!p6 $0x0  }
0x1d8: {  	s15 =	simm.s32 @p6 $0x1;
	p6 =	por p1, p1;
	p1 =	seq.s32 s24, $0x1  }
0x1d9: {  	s21 =	sld [smem:$0x7D0];
	p1 =	por @!p6 p5, p5  }
0x1da: {  	[smem:$0x7E0] =	sst s15;
	s15 =	simm.s32 @!p1 $0x0  }
0x1db: {  	s15 =	simm.s32 @p1 $0x1  }
0x1dc: {  	p4 =	seq.s32 s21, $0x1;
	[smem:$0x7E2] =	sst s15  }
.LBB2_10:
0x1dd: {  	s15 =	simm.s32 $0x0;
	s16 =	simm.s32 $0x0;
	s17 =	simm.s32 $0x0  }
.LBB2_11:
0x1de: {  	v14 =	vld [tilespmem:s16+$0x0];
	_ =	sdelay $0x4  }
0x1df: {  	(v2sf) =	vpush v14, $0x0;
	_ =	sdelay $0x6  }
0x1e0: {  	(v2sf) =	vpush v14, $0x1;
	_ =	sdelay $0x7  }
0x1e1: {  	s18 =	spop (v2sf)  }
0x1e2: {  	(v2sf) =	vpush v14, $0x2;
	s19 =	sand.u32 $0x7F, s18  }
0x1e3: {  	s23 =	sshra.s32 s18, $0x1F;
	p5 =	slt.s32 s18, $0x1;
	p1 =	sne.s32 s19, $0x0  }
0x1e4: {  	s19 =	sshrl.u32 s23, $0x19;
	p1 =	por !p5, !p1  }
0x1e5: {  	s18 =	sadd.s32 s19, s18;
	s19 =	simm.s32 $0x1;
	p1 =	por !p1, !p1  }
0x1e6: {  	s18 =	sshrl.u32 s18, $0x7;
	s19 =	simm.s32 @!p1 $0x0  }
0x1e7: {  	s18 =	ssub.s32 s18, s19  }
0x1e8: {  	s24 =	spop (v2sf);
	s18 =	sshll.u32 s18, $0x7  }
0x1e9: {  	s21 =	sand.u32 $0x7F, s24;
	s22 =	sshra.s32 s24, $0x1F;
	p1 =	slt.s32 s18, $0xF4180  }
0x1ea: {  	(v2sf) =	vpush v14, $0x3;
	p6 =	slt.s32 s24, $0x1;
	p5 =	sne.s32 s21, $0x0;
	s18 =	simm.s32 @!p1 $0xF4180  }
0x1eb: {  	s19 =	sshrl.u32 s22, $0x19;
	p1 =	por !p6, !p5;
	s18 =	sadd.s32 s18, s29  }
0x1ec: {  	[tilespmem:s20], [sflag:$0x3] =	stream.linear.gather [hbm4b:s18+s15], $0x400, $0x38;
	[tilespmem:$0x199A8] =	vst v63  }
0x1ed: {  	p1 =	por !p1, !p1;
	s18 =	sadd.s32 s19, s24;
	s19 =	simm.s32 $0x1  }
0x1ee: {  	s18 =	sshrl.u32 s18, $0x7;
	s19 =	simm.s32 @!p1 $0x0  }
0x1ef: {  	s18 =	ssub.s32 s18, s19  }
0x1f0: {  	s18 =	sshll.u32 s18, $0x7  }
0x1f1: {  	p1 =	slt.s32 s18, $0xF4180;
	s23 =	spop (v2sf)  }
0x1f2: {  	s18 =	simm.s32 @!p1 $0xF4180;
	s24 =	sand.u32 $0x7F, s23;
	s21 =	sshra.s32 s23, $0x1F  }
0x1f3: {  	(v2sf) =	vpush v14, $0x4;
	p6 =	slt.s32 s23, $0x1;
	s18 =	sadd.s32 s18, s29;
	p5 =	sne.s32 s24, $0x0  }
0x1f4: {  	[tilespmem:s1], [sflag:$0x3] =	stream.linear.gather [hbm4b:s18+s15], $0x400, $0x38;
	[tilespmem:$0x199A8] =	vst v63  }
0x1f5: {  	s19 =	sshrl.u32 s21, $0x19;
	p1 =	por !p6, !p5  }
0x1f6: {  	s18 =	sadd.s32 s19, s23;
	s19 =	simm.s32 $0x1;
	p1 =	por !p1, !p1  }
0x1f7: {  	s18 =	sshrl.u32 s18, $0x7;
	s19 =	simm.s32 @!p1 $0x0  }
0x1f8: {  	s18 =	ssub.s32 s18, s19  }
0x1f9: {  	s22 =	spop (v2sf);
	s18 =	sshll.u32 s18, $0x7  }
0x1fa: {  	s24 =	sshra.s32 s22, $0x1F;
	s23 =	sand.u32 $0x7F, s22;
	p1 =	slt.s32 s18, $0xF4180  }
0x1fb: {  	(v2sf) =	vpush v14, $0x5;
	p6 =	slt.s32 s22, $0x1;
	p5 =	sne.s32 s23, $0x0;
	s18 =	simm.s32 @!p1 $0xF4180  }
0x1fc: {  	s19 =	sshrl.u32 s24, $0x19;
	p1 =	por !p6, !p5;
	s18 =	sadd.s32 s18, s29  }
0x1fd: {  	[tilespmem:s6], [sflag:$0x3] =	stream.linear.gather [hbm4b:s18+s15], $0x400, $0x38;
	[tilespmem:$0x199A8] =	vst v63  }
0x1fe: {  	p1 =	por !p1, !p1;
	s18 =	sadd.s32 s19, s22;
	s19 =	simm.s32 $0x1  }
0x1ff: {  	s18 =	sshrl.u32 s18, $0x7;
	s19 =	simm.s32 @!p1 $0x0  }
0x200: {  	s18 =	ssub.s32 s18, s19  }
0x201: {  	s18 =	sshll.u32 s18, $0x7  }
0x202: {  	p1 =	slt.s32 s18, $0xF4180;
	s21 =	spop (v2sf)  }
0x203: {  	s18 =	simm.s32 @!p1 $0xF4180;
	s22 =	sand.u32 $0x7F, s21;
	s23 =	sshra.s32 s21, $0x1F  }
0x204: {  	(v2sf) =	vpush v14, $0x6;
	p6 =	slt.s32 s21, $0x1;
	s18 =	sadd.s32 s18, s29;
	p5 =	sne.s32 s22, $0x0  }
0x205: {  	[tilespmem:s7], [sflag:$0x3] =	stream.linear.gather [hbm4b:s18+s15], $0x400, $0x38;
	[tilespmem:$0x199A8] =	vst v63  }
0x206: {  	s19 =	sshrl.u32 s23, $0x19;
	p1 =	por !p6, !p5  }
0x207: {  	s18 =	sadd.s32 s19, s21;
	s19 =	simm.s32 $0x1;
	p1 =	por !p1, !p1  }
0x208: {  	s18 =	sshrl.u32 s18, $0x7;
	s19 =	simm.s32 @!p1 $0x0  }
0x209: {  	s18 =	ssub.s32 s18, s19  }
0x20a: {  	s24 =	spop (v2sf);
	s18 =	sshll.u32 s18, $0x7  }
0x20b: {  	s22 =	sshra.s32 s24, $0x1F;
	s21 =	sand.u32 $0x7F, s24;
	p1 =	slt.s32 s18, $0xF4180  }
0x20c: {  	(v2sf) =	vpush v14, $0x7;
	p6 =	slt.s32 s24, $0x1;
	p5 =	sne.s32 s21, $0x0;
	s18 =	simm.s32 @!p1 $0xF4180  }
0x20d: {  	s19 =	sshrl.u32 s22, $0x19;
	p1 =	por !p6, !p5;
	s18 =	sadd.s32 s18, s29  }
0x20e: {  	[tilespmem:s0], [sflag:$0x3] =	stream.linear.gather [hbm4b:s18+s15], $0x400, $0x38;
	[tilespmem:$0x199A8] =	vst v63  }
0x20f: {  	p1 =	por !p1, !p1;
	s18 =	sadd.s32 s19, s24;
	s19 =	simm.s32 $0x1  }
0x210: {  	s18 =	sshrl.u32 s18, $0x7;
	s19 =	simm.s32 @!p1 $0x0  }
0x211: {  	s18 =	ssub.s32 s18, s19  }
0x212: {  	s18 =	sshll.u32 s18, $0x7  }
0x213: {  	p1 =	slt.s32 s18, $0xF4180;
	s23 =	spop (v2sf)  }
0x214: {  	s18 =	simm.s32 @!p1 $0xF4180;
	s24 =	sand.u32 $0x7F, s23;
	s21 =	sshra.s32 s23, $0x1F  }
0x215: {  	p6 =	slt.s32 s23, $0x1;
	s18 =	sadd.s32 s18, s29;
	p5 =	sne.s32 s24, $0x0  }
0x216: {  	[tilespmem:s9], [sflag:$0x3] =	stream.linear.gather [hbm4b:s18+s15], $0x400, $0x38;
	[tilespmem:$0x199A8] =	vst v63  }
0x217: {  	s18 =	sshrl.u32 s21, $0x19;
	p1 =	por !p6, !p5  }
0x218: {  	s19 =	simm.s32 $0x1;
	s18 =	sadd.s32 s18, s23;
	p1 =	por !p1, !p1  }
0x219: {  	s18 =	sshrl.u32 s18, $0x7;
	s19 =	simm.s32 @!p1 $0x0  }
0x21a: {  	s18 =	ssub.s32 s18, s19  }
0x21b: {  	v15 =	vbroadcast v14, $0x0;
	v16 =	vbroadcast v14, $0x1;
	s22 =	spop (v2sf);
	s18 =	sshll.u32 s18, $0x7  }
0x21c: {  	s24 =	sshra.s32 s22, $0x1F;
	s23 =	sand.u32 $0x7F, s22;
	p1 =	slt.s32 s18, $0xF4180  }
0x21d: {  	v15 =	vsel vm0, v15, v16;
	p6 =	slt.s32 s22, $0x1;
	p5 =	sne.s32 s23, $0x0;
	s18 =	simm.s32 @!p1 $0xF4180  }
0x21e: {  	v16 =	vshra.s32 v15, $0x1F;
	v17 =	vand.u32 $0x7F, v15;
	s19 =	sshrl.u32 s24, $0x19;
	p1 =	por !p6, !p5;
	s18 =	sadd.s32 s18, s29  }
0x21f: {  	vm1 =	vlt.s32 v15, $0x1;
	v16 =	vshrl.u32 v16, $0x19;
	vm2 =	vne.s32 v17, $0x0;
	[tilespmem:s10], [sflag:$0x3] =	stream.linear.gather [hbm4b:s18+s15], $0x400, $0x38;
	[tilespmem:$0x199A8] =	vst v63  }
0x220: {  	v16 =	vadd.s32 v16, v15;
	vm1 =	vmand vm1, vm2;
	p1 =	por !p1, !p1;
	s18 =	sadd.s32 s19, s22;
	s19 =	simm.s32 $0x1  }
0x221: {  	v16 =	vshrl.u32 v16, $0x7;
	v18 =	vsel vm1, $0xFFFFFFFF, v2;
	s18 =	sshrl.u32 s18, $0x7;
	s19 =	simm.s32 @!p1 $0x0  }
0x222: {  	v16 =	vadd.s32 v18, v16;
	s18 =	ssub.s32 s18, s19  }
0x223: {  	v16 =	vshll.u32 v16, $0x7;
	s18 =	sshll.u32 s18, $0x7  }
0x224: {  	v39 =	vadd.s32 $0xFFF0BE00, v15;
	vm1 =	vlt.s32 v16, $0xF4180;
	p1 =	slt.s32 s18, $0xF4180  }
0x225: {  	v16 =	vnsel vm1, $0xF4180, v16;
	vm1 =	vgt.s32 v39, $0x0;
	s18 =	simm.s32 @!p1 $0xF4180  }
0x226: {  	v16 =	vsub.s32 v15, v16;
	v18 =	vnsel vm1, $0x0, v39;
	s18 =	sadd.s32 s18, s29  }
0x227: {  	v19 =	vbroadcast v14, $0x2;
	v16 =	vand.u32 $0xFFFFFF80, v16;
	v40 =	vadd.s32 v5, v18;
	[tilespmem:s31], [sflag:$0x3] =	stream.linear.gather [hbm4b:s18+s15], $0x400, $0x38;
	[tilespmem:$0x199A8] =	vst v63  }
0x228: {  	v20 =	vbroadcast v14, $0x3;
	v16 =	vor.u32 v17, v16;
	v18 =	vshll.u32 v40, $0x1;
	_ =	swait.ge [sflag:s11], $0x400  }
0x229: {  	v17 =	vand.u32 $0x7F, v40;
	v16 =	vadd.s32 v4, v16;
	v18 =	vand.u32 $0xFFFFFF00, v18;
	[sflag:s11] =	ssyncset.done $0x0  }
0x22a: {  	v19 =	vsel vm0, v19, v20;
	v17 =	vor.u32 v17, v18;
	[sflag:s11] =	ssyncadd.s32 $0xFFFFFC00  }
0x22b: {  	v41 =	vmov s17;
	v42 =	vor.u32 s17, v6;
	v21 =	vshra.s32 v19, $0x1F;
	_ =	swait.ge [sflag:s11], $0x400  }
0x22c: {  	v20 =	vand.u32 $0x79, v42;
	v22 =	vand.u32 $0x7F, v19;
	v21 =	vshrl.u32 v21, $0x19;
	[sflag:s11] =	ssyncset.done $0x0  }
0x22d: {  	vm2 =	vne.s32 v22, $0x0;
	vm1 =	vlt.s32 v19, $0x1;
	v18 =	vshll.u32 v41, $0x3;
	[sflag:s11] =	ssyncadd.s32 $0xFFFFFC00  }
0x22e: {  	v21 =	vadd.s32 v21, v19;
	vm1 =	vmand vm1, vm2;
	v18 =	vand.u32 $0x400, v18;
	v16 =	vld.idx.msk [tilespmem:v16+s20+$0x0], $0xffff  }
0x22f: {  	v21 =	vshrl.u32 v21, $0x7;
	v23 =	vsel vm1, $0xFFFFFFFF, v2;
	v18 =	vor.u32 v7, v18;
	v17 =	vld.idx.msk [tilespmem:v17+s8+$0x0], $0xffff  }
0x230: {  	v21 =	vadd.s32 v23, v21;
	v20 =	vor.u32 v20, v18  }
0x231: {  	v21 =	vshll.u32 v21, $0x7  }
0x232: {  	v43 =	vadd.s32 $0xFFF0BE00, v19;
	vm1 =	vlt.s32 v21, $0xF4180  }
0x233: {  	vm2 =	vgt.s32 v43, $0x0;
	v21 =	vnsel vm1, $0xF4180, v21;
	vm1 =	vgt.s32 v15, $0xF41FF  }
0x234: {  	v44 =	vnsel vm2, $0x0, v43;
	v15 =	vsub.s32 v19, v21;
	v16 =	vsel vm1, v17, v16  }
0x235: {  	v46 =	vbroadcast v14, $0x4;
	v45 =	vadd.s32 v5, v44;
	v15 =	vand.u32 $0xFFFFFF80, v15;
	[tilespmem:v20+s12+$0x0] =	vst.idx.msk $0xffff, v16  }
0x236: {  	v47 =	vbroadcast v14, $0x5;
	v15 =	vor.u32 v22, v15;
	v17 =	vshll.u32 v45, $0x1;
	_ =	swait.ge [sflag:s11], $0x400  }
0x237: {  	v15 =	vadd.s32 v8, v15;
	v16 =	vand.u32 $0x7F, v45;
	v17 =	vand.u32 $0xFFFFFF00, v17;
	[sflag:s11] =	ssyncset.done $0x0  }
0x238: {  	v16 =	vor.u32 v16, v17;
	[sflag:s11] =	ssyncadd.s32 $0xFFFFFC00  }
0x239: {  	v48 =	vsel vm0, v46, v47;
	_ =	swait.ge [sflag:s11], $0x400  }
0x23a: {  	v21 =	vand.u32 $0x7F, v48;
	v20 =	vshra.s32 v48, $0x1F;
	[sflag:s11] =	ssyncset.done $0x0  }
0x23b: {  	vm2 =	vne.s32 v21, $0x0;
	vm1 =	vlt.s32 v48, $0x1;
	v20 =	vshrl.u32 v20, $0x19;
	[sflag:s11] =	ssyncadd.s32 $0xFFFFFC00  }
0x23c: {  	v49 =	vor.u32 s17, v9;
	vm1 =	vmand vm1, vm2;
	v20 =	vadd.s32 v20, v48;
	v15 =	vld.idx.msk [tilespmem:v15+s20+$0x0], $0xffff  }
0x23d: {  	v22 =	vand.u32 $0x7B, v49;
	v50 =	vsel vm1, $0xFFFFFFFF, v2;
	v20 =	vshrl.u32 v20, $0x7;
	v16 =	vld.idx.msk [tilespmem:v16+s8+$0x0], $0xffff  }
0x23e: {  	v22 =	vor.u32 v22, v18;
	v20 =	vadd.s32 v50, v20  }
0x23f: {  	v20 =	vshll.u32 v20, $0x7  }
0x240: {  	v51 =	vadd.s32 $0xFFF0BE00, v48;
	vm1 =	vlt.s32 v20, $0xF4180  }
0x241: {  	vm2 =	vgt.s32 v51, $0x0;
	v20 =	vnsel vm1, $0xF4180, v20;
	vm1 =	vgt.s32 v19, $0xF41FF  }
0x242: {  	v53 =	vnsel vm2, $0x0, v51;
	v52 =	vsub.s32 v48, v20;
	v15 =	vsel vm1, v16, v15  }
0x243: {  	v55 =	vbroadcast v14, $0x6;
	v19 =	vand.u32 $0xFFFFFF80, v52;
	v16 =	vadd.s32 v5, v53;
	[tilespmem:v22+s12+$0x0] =	vst.idx.msk $0xffff, v15  }
0x244: {  	v15 =	vor.u32 v21, v19;
	v54 =	vand.u32 $0x7F, v16;
	v16 =	vshll.u32 v16, $0x1;
	_ =	swait.ge [sflag:s11], $0x400  }
0x245: {  	v14 =	vbroadcast v14, $0x7;
	v15 =	vadd.s32 v10, v15;
	v16 =	vand.u32 $0xFFFFFF00, v16;
	[sflag:s11] =	ssyncset.done $0x0  }
0x246: {  	v16 =	vor.u32 v54, v16;
	[sflag:s11] =	ssyncadd.s32 $0xFFFFFC00  }
0x247: {  	v14 =	vsel vm0, v55, v14;
	_ =	swait.ge [sflag:s11], $0x400  }
0x248: {  	v56 =	vshra.s32 v14, $0x1F;
	v20 =	vand.u32 $0x7F, v14;
	[sflag:s11] =	ssyncset.done $0x0  }
0x249: {  	vm2 =	vne.s32 v20, $0x0;
	vm1 =	vlt.s32 v14, $0x1;
	v19 =	vshrl.u32 v56, $0x19;
	[sflag:s11] =	ssyncadd.s32 $0xFFFFFC00  }
0x24a: {  	v57 =	vor.u32 s17, v11;
	vm1 =	vmand vm1, vm2;
	v19 =	vadd.s32 v19, v14;
	v15 =	vld.idx.msk [tilespmem:v15+s20+$0x0], $0xffff  }
0x24b: {  	v21 =	vand.u32 $0x7D, v57;
	v58 =	vsel vm1, $0xFFFFFFFF, v2;
	v19 =	vshrl.u32 v19, $0x7;
	v16 =	vld.idx.msk [tilespmem:v16+s8+$0x0], $0xffff  }
0x24c: {  	v21 =	vor.u32 v21, v18;
	v19 =	vadd.s32 v58, v19  }
0x24d: {  	v19 =	vshll.u32 v19, $0x7  }
0x24e: {  	v59 =	vadd.s32 $0xFFF0BE00, v14;
	vm1 =	vlt.s32 v19, $0xF4180  }
0x24f: {  	vm2 =	vgt.s32 v48, $0xF41FF;
	v60 =	vnsel vm1, $0xF4180, v19;
	vm1 =	vgt.s32 v59, $0x0  }
0x250: {  	v61 =	vnsel vm1, $0x0, v59;
	v17 =	vsub.s32 v14, v60;
	v15 =	vsel vm2, v16, v15  }
0x251: {  	v16 =	vadd.s32 v5, v61;
	[tilespmem:v21+s12+$0x0] =	vst.idx.msk $0xffff, v15;
	v15 =	vand.u32 $0xFFFFFF80, v17  }
0x252: {  	v62 =	vshll.u32 v16, $0x1;
	_ =	swait.ge [sflag:s11], $0x400;
	v15 =	vor.u32 v20, v15  }
0x253: {  	v16 =	vand.u32 $0x7F, v16;
	v17 =	vand.u32 $0xFFFFFF00, v62;
	[sflag:s11] =	ssyncset.done $0x0;
	v15 =	vadd.s32 v12, v15  }
0x254: {  	v16 =	vor.u32 v16, v17;
	[sflag:s11] =	ssyncadd.s32 $0xFFFFFC00  }
0x255: {  	_ =	swait.ge [sflag:s11], $0x400  }
0x256: {  	[sflag:s11] =	ssyncset.done $0x0  }
0x257: {  	[sflag:s11] =	ssyncadd.s32 $0xFFFFFC00  }
0x258: {  	v63 =	vor.u32 s17, v13;
	v15 =	vld.idx.msk [tilespmem:v15+s20+$0x0], $0xffff  }
0x259: {  	v17 =	vand.u32 $0x7F, v63;
	v16 =	vld.idx.msk [tilespmem:v16+s8+$0x0], $0xffff  }
0x25a: {  	p1 =	seq.s32 s17, $0xF8;
	v17 =	vor.u32 v17, v18  }
.Ltmp7:
0x25b: {  	_ = 	snop;
	(pc) =	sbr.rel @!p1 .LBB2_11-.Ltmp7, $4  }
0x25c: {  	_ = 	snop  }
0x25d: {  	vm1 =	vgt.s32 v14, $0xF41FF  }
0x25e: {  	v14 =	vsel vm1, v16, v15  }
0x25f: {  	s16 =	sadd.s32 $0x8, s16;
	s17 =	sadd.s32 $0x8, s17;
	[tilespmem:v17+s12+$0x0] =	vst.idx.msk $0xffff, v14  }
0x260: {  	s16 =	simm.s32 $0x0  }
.LBB2_14:
0x261: {  	p1 =	sgt.u32 s15, $0x17  }
.Ltmp8:
0x262: {  	_ = 	snop;
	(pc) =	sbr.rel @p1 .LBB2_17-.Ltmp8, $1  }
0x263: {  	_ =	sdelay $0x3  }
0x264: {  	s17 =	sshrl.u32 s15, $0x3  }
0x265: {  	s18 =	rddreg [dreg:$0x1f];
	s17 =	sadd.s32 $0x1, s17  }
0x266: {  	s18 =	sadd.s32 s18, s17;
	s17 =	sshll.u32 s17, $0x3  }
0x267: {  	s19 =	sshll.u32 s16, $0x5;
	v14 =	vmov s17  }
0x268: {  	s17 =	sand.u32 $0xE0, s19;
	v15 =	vshll.u32 v14, $0x6;
	v16 =	vshll.u32 v14, $0x8  }
0x269: {  	v14 =	vor.u32 v5, v15;
	v15 =	vor.u32 v7, v16;
	v16 =	vmov s17  }
0x26a: {  	s18 =	smul.u32 $0xF4280, s18  }
0x26b: {  	s24 =	rddreg [dreg:$0x2]  }
0x26c: {  	s19 =	simm.s32 $0x0;
	s18 =	sadd.s32 s24, s18  }
.LBB2_16:
0x26d: {  	s21 =	sshra.s32 s19, $0x2  }
0x26e: {  	v17 =	vld.idx.msk [tilespmem:v16+s21+$0x0 ss:$0x1], $0xffff;
	_ =	sdelay $0x4  }
0x26f: {  	(v2sf) =	vpush v17, $0x0;
	_ =	sdelay $0xb  }
0x270: {  	(v2sf) =	vpush v17, $0x1;
	_ =	sdelay $0x2  }
0x271: {  	s23 =	spop (v2sf)  }
0x272: {  	s22 =	sand.u32 $0x7F, s23  }
0x273: {  	s24 =	sshra.s32 s23, $0x1F;
	p5 =	slt.s32 s23, $0x1;
	p1 =	sne.s32 s22, $0x0  }
0x274: {  	s22 =	sshrl.u32 s24, $0x19;
	p1 =	por !p5, !p1  }
0x275: {  	s21 =	sadd.s32 s22, s23;
	s22 =	simm.s32 $0x1;
	p1 =	por !p1, !p1  }
0x276: {  	s21 =	sshrl.u32 s21, $0x7;
	s22 =	simm.s32 @!p1 $0x0  }
0x277: {  	s21 =	ssub.s32 s21, s22  }
0x278: {  	s21 =	sshll.u32 s21, $0x7  }
0x279: {  	p1 =	slt.s32 s21, $0xF4180  }
0x27a: {  	(v2sf) =	vpush v17, $0x2;
	s21 =	simm.s32 @!p1 $0xF4180  }
0x27b: {  	s21 =	sadd.s32 s21, s18  }
0x27c: {  	[tilespmem:s20], [sflag:$0x3] =	stream.linear.gather [hbm4b:s21+s4], $0x400, $0x38;
	[tilespmem:$0x199A8] =	vst v63  }
0x27d: {  	s21 =	spop (v2sf)  }
0x27e: {  	s23 =	sand.u32 $0x7F, s21  }
0x27f: {  	s24 =	sshra.s32 s21, $0x1F;
	p6 =	slt.s32 s21, $0x1;
	p5 =	sne.s32 s23, $0x0  }
0x280: {  	s22 =	sshrl.u32 s24, $0x19;
	p1 =	por !p6, !p5  }
0x281: {  	s21 =	sadd.s32 s22, s21;
	s22 =	simm.s32 $0x1;
	p1 =	por !p1, !p1  }
0x282: {  	s21 =	sshrl.u32 s21, $0x7;
	s22 =	simm.s32 @!p1 $0x0  }
0x283: {  	s21 =	ssub.s32 s21, s22  }
0x284: {  	s21 =	sshll.u32 s21, $0x7  }
0x285: {  	p1 =	slt.s32 s21, $0xF4180  }
0x286: {  	(v2sf) =	vpush v17, $0x3;
	s21 =	simm.s32 @!p1 $0xF4180  }
0x287: {  	s21 =	sadd.s32 s21, s18  }
0x288: {  	[tilespmem:s1], [sflag:$0x3] =	stream.linear.gather [hbm4b:s21+s4], $0x400, $0x38;
	[tilespmem:$0x199A8] =	vst v63  }
0x289: {  	s21 =	spop (v2sf)  }
0x28a: {  	s23 =	sand.u32 $0x7F, s21  }
0x28b: {  	s24 =	sshra.s32 s21, $0x1F;
	p6 =	slt.s32 s21, $0x1;
	p5 =	sne.s32 s23, $0x0  }
0x28c: {  	s22 =	sshrl.u32 s24, $0x19;
	p1 =	por !p6, !p5  }
0x28d: {  	s21 =	sadd.s32 s22, s21;
	s22 =	simm.s32 $0x1;
	p1 =	por !p1, !p1  }
0x28e: {  	s21 =	sshrl.u32 s21, $0x7;
	s22 =	simm.s32 @!p1 $0x0  }
0x28f: {  	s21 =	ssub.s32 s21, s22  }
0x290: {  	s21 =	sshll.u32 s21, $0x7  }
0x291: {  	p1 =	slt.s32 s21, $0xF4180  }
0x292: {  	(v2sf) =	vpush v17, $0x4;
	s21 =	simm.s32 @!p1 $0xF4180  }
0x293: {  	s21 =	sadd.s32 s21, s18  }
0x294: {  	[tilespmem:s6], [sflag:$0x3] =	stream.linear.gather [hbm4b:s21+s4], $0x400, $0x38;
	[tilespmem:$0x199A8] =	vst v63  }
0x295: {  	s21 =	spop (v2sf)  }
0x296: {  	s23 =	sand.u32 $0x7F, s21  }
0x297: {  	s24 =	sshra.s32 s21, $0x1F;
	p6 =	slt.s32 s21, $0x1;
	p5 =	sne.s32 s23, $0x0  }
0x298: {  	s22 =	sshrl.u32 s24, $0x19;
	p1 =	por !p6, !p5  }
0x299: {  	s21 =	sadd.s32 s22, s21;
	s22 =	simm.s32 $0x1;
	p1 =	por !p1, !p1  }
0x29a: {  	s21 =	sshrl.u32 s21, $0x7;
	s22 =	simm.s32 @!p1 $0x0  }
0x29b: {  	s21 =	ssub.s32 s21, s22  }
0x29c: {  	s21 =	sshll.u32 s21, $0x7  }
0x29d: {  	p1 =	slt.s32 s21, $0xF4180  }
0x29e: {  	(v2sf) =	vpush v17, $0x5;
	s21 =	simm.s32 @!p1 $0xF4180  }
0x29f: {  	s21 =	sadd.s32 s21, s18  }
0x2a0: {  	[tilespmem:s7], [sflag:$0x3] =	stream.linear.gather [hbm4b:s21+s4], $0x400, $0x38;
	[tilespmem:$0x199A8] =	vst v63  }
0x2a1: {  	s21 =	spop (v2sf)  }
0x2a2: {  	s23 =	sand.u32 $0x7F, s21  }
0x2a3: {  	s24 =	sshra.s32 s21, $0x1F;
	p6 =	slt.s32 s21, $0x1;
	p5 =	sne.s32 s23, $0x0  }
0x2a4: {  	s22 =	sshrl.u32 s24, $0x19;
	p1 =	por !p6, !p5  }
0x2a5: {  	s21 =	sadd.s32 s22, s21;
	s22 =	simm.s32 $0x1;
	p1 =	por !p1, !p1  }
0x2a6: {  	(v2sf) =	vpush v17, $0x6;
	s21 =	sshrl.u32 s21, $0x7;
	s22 =	simm.s32 @!p1 $0x0  }
0x2a7: {  	s21 =	ssub.s32 s21, s22  }
0x2a8: {  	s21 =	sshll.u32 s21, $0x7  }
0x2a9: {  	p1 =	slt.s32 s21, $0xF4180  }
0x2aa: {  	s21 =	simm.s32 @!p1 $0xF4180  }
0x2ab: {  	s21 =	sadd.s32 s21, s18  }
0x2ac: {  	[tilespmem:s0], [sflag:$0x3] =	stream.linear.gather [hbm4b:s21+s4], $0x400, $0x38;
	[tilespmem:$0x199A8] =	vst v63  }
0x2ad: {  	s21 =	spop (v2sf)  }
0x2ae: {  	s23 =	sand.u32 $0x7F, s21  }
0x2af: {  	s24 =	sshra.s32 s21, $0x1F;
	p6 =	slt.s32 s21, $0x1;
	p5 =	sne.s32 s23, $0x0  }
0x2b0: {  	s22 =	sshrl.u32 s24, $0x19;
	p1 =	por !p6, !p5  }
0x2b1: {  	s21 =	sadd.s32 s22, s21;
	s22 =	simm.s32 $0x1;
	p1 =	por !p1, !p1  }
0x2b2: {  	s21 =	sshrl.u32 s21, $0x7;
	s22 =	simm.s32 @!p1 $0x0  }
0x2b3: {  	(v2sf) =	vpush v17, $0x7;
	s21 =	ssub.s32 s21, s22  }
0x2b4: {  	s21 =	sshll.u32 s21, $0x7  }
0x2b5: {  	s22 =	spop (v2sf);
	p1 =	slt.s32 s21, $0xF4180  }
0x2b6: {  	s23 =	sand.u32 $0x7F, s22;
	s24 =	sshra.s32 s22, $0x1F;
	s21 =	simm.s32 @!p1 $0xF4180  }
0x2b7: {  	p6 =	slt.s32 s22, $0x1;
	p5 =	sne.s32 s23, $0x0;
	s21 =	sadd.s32 s21, s18  }
0x2b8: {  	[tilespmem:s9], [sflag:$0x3] =	stream.linear.gather [hbm4b:s21+s4], $0x400, $0x38;
	[tilespmem:$0x199A8] =	vst v63  }
0x2b9: {  	p1 =	por !p6, !p5;
	s21 =	sshrl.u32 s24, $0x19  }
0x2ba: {  	p1 =	por !p1, !p1;
	s21 =	sadd.s32 s21, s22;
	s22 =	simm.s32 $0x1  }
0x2bb: {  	s21 =	sshrl.u32 s21, $0x7;
	s22 =	simm.s32 @!p1 $0x0  }
0x2bc: {  	s21 =	ssub.s32 s21, s22  }
0x2bd: {  	s21 =	sshll.u32 s21, $0x7  }
0x2be: {  	p1 =	slt.s32 s21, $0xF4180  }
0x2bf: {  	s21 =	simm.s32 @!p1 $0xF4180  }
0x2c0: {  	s21 =	sadd.s32 s21, s18  }
0x2c1: {  	v18 =	vbroadcast v17, $0x0;
	v19 =	vbroadcast v17, $0x1;
	[tilespmem:s10], [sflag:$0x3] =	stream.linear.gather [hbm4b:s21+s4], $0x400, $0x38;
	[tilespmem:$0x199A8] =	vst v63  }
0x2c2: {  	s21 =	spop (v2sf)  }
0x2c3: {  	v18 =	vsel vm0, v18, v19;
	s23 =	sand.u32 $0x7F, s21  }
0x2c4: {  	v19 =	vshra.s32 v18, $0x1F;
	v20 =	vand.u32 $0x7F, v18;
	s24 =	sshra.s32 s21, $0x1F;
	p6 =	slt.s32 s21, $0x1;
	p5 =	sne.s32 s23, $0x0  }
0x2c5: {  	vm1 =	vlt.s32 v18, $0x1;
	v19 =	vshrl.u32 v19, $0x19;
	vm2 =	vne.s32 v20, $0x0;
	s22 =	sshrl.u32 s24, $0x19;
	p1 =	por !p6, !p5  }
0x2c6: {  	v19 =	vadd.s32 v19, v18;
	vm1 =	vmand vm1, vm2;
	s21 =	sadd.s32 s22, s21;
	s22 =	simm.s32 $0x1;
	p1 =	por !p1, !p1  }
0x2c7: {  	v19 =	vshrl.u32 v19, $0x7;
	v21 =	vsel vm1, $0xFFFFFFFF, v2;
	s21 =	sshrl.u32 s21, $0x7;
	s22 =	simm.s32 @!p1 $0x0  }
0x2c8: {  	v19 =	vadd.s32 v21, v19;
	s21 =	ssub.s32 s21, s22  }
0x2c9: {  	v19 =	vshll.u32 v19, $0x7;
	s21 =	sshll.u32 s21, $0x7  }
0x2ca: {  	v42 =	vadd.s32 $0xFFF0BE00, v18;
	vm1 =	vlt.s32 v19, $0xF4180;
	p1 =	slt.s32 s21, $0xF4180  }
0x2cb: {  	v19 =	vnsel vm1, $0xF4180, v19;
	vm1 =	vgt.s32 v42, $0x0;
	s21 =	simm.s32 @!p1 $0xF4180  }
0x2cc: {  	v19 =	vsub.s32 v18, v19;
	v21 =	vnsel vm1, $0x0, v42;
	s21 =	sadd.s32 s21, s18  }
0x2cd: {  	v22 =	vbroadcast v17, $0x2;
	v19 =	vand.u32 $0xFFFFFF80, v19;
	v43 =	vadd.s32 v14, v21;
	[tilespmem:s31], [sflag:$0x3] =	stream.linear.gather [hbm4b:s21+s4], $0x400, $0x38;
	[tilespmem:$0x199A8] =	vst v63  }
0x2ce: {  	v23 =	vbroadcast v17, $0x3;
	v19 =	vor.u32 v20, v19;
	v21 =	vshll.u32 v43, $0x1;
	_ =	swait.ge [sflag:s11], $0x400  }
0x2cf: {  	v20 =	vand.u32 $0x7F, v43;
	v19 =	vadd.s32 v4, v19;
	v21 =	vand.u32 $0xFFFFFF00, v21;
	[sflag:s11] =	ssyncset.done $0x0  }
0x2d0: {  	v22 =	vsel vm0, v22, v23;
	v20 =	vor.u32 v20, v21;
	[sflag:s11] =	ssyncadd.s32 $0xFFFFFC00  }
0x2d1: {  	v44 =	vmov s17;
	v45 =	vor.u32 s17, v6;
	v24 =	vshra.s32 v22, $0x1F;
	_ =	swait.ge [sflag:s11], $0x400  }
0x2d2: {  	v23 =	vand.u32 $0x79, v45;
	v25 =	vand.u32 $0x7F, v22;
	v24 =	vshrl.u32 v24, $0x19;
	[sflag:s11] =	ssyncset.done $0x0  }
0x2d3: {  	vm2 =	vne.s32 v25, $0x0;
	vm1 =	vlt.s32 v22, $0x1;
	v21 =	vshll.u32 v44, $0x3;
	[sflag:s11] =	ssyncadd.s32 $0xFFFFFC00  }
0x2d4: {  	v24 =	vadd.s32 v24, v22;
	vm1 =	vmand vm1, vm2;
	v21 =	vand.u32 $0x400, v21;
	v19 =	vld.idx.msk [tilespmem:v19+s20+$0x0], $0xffff  }
0x2d5: {  	v24 =	vshrl.u32 v24, $0x7;
	v26 =	vsel vm1, $0xFFFFFFFF, v2;
	v21 =	vor.u32 v15, v21;
	v20 =	vld.idx.msk [tilespmem:v20+s8+$0x0], $0xffff  }
0x2d6: {  	v24 =	vadd.s32 v26, v24;
	v23 =	vor.u32 v23, v21  }
0x2d7: {  	v24 =	vshll.u32 v24, $0x7  }
0x2d8: {  	v46 =	vadd.s32 $0xFFF0BE00, v22;
	vm1 =	vlt.s32 v24, $0xF4180  }
0x2d9: {  	vm2 =	vgt.s32 v46, $0x0;
	v24 =	vnsel vm1, $0xF4180, v24;
	vm1 =	vgt.s32 v18, $0xF41FF  }
0x2da: {  	v47 =	vnsel vm2, $0x0, v46;
	v18 =	vsub.s32 v22, v24;
	v19 =	vsel vm1, v20, v19  }
0x2db: {  	v48 =	vbroadcast v17, $0x4;
	v18 =	vand.u32 $0xFFFFFF80, v18;
	[tilespmem:v23+s12+$0x0] =	vst.idx.msk $0xffff, v19;
	v19 =	vadd.s32 v14, v47  }
0x2dc: {  	v49 =	vbroadcast v17, $0x5;
	v18 =	vor.u32 v25, v18;
	_ =	swait.ge [sflag:s11], $0x400;
	v20 =	vshll.u32 v19, $0x1  }
0x2dd: {  	v18 =	vadd.s32 v8, v18;
	v19 =	vand.u32 $0x7F, v19;
	[sflag:s11] =	ssyncset.done $0x0;
	v20 =	vand.u32 $0xFFFFFF00, v20  }
0x2de: {  	[sflag:s11] =	ssyncadd.s32 $0xFFFFFC00;
	v19 =	vor.u32 v19, v20  }
0x2df: {  	v50 =	vsel vm0, v48, v49;
	_ =	swait.ge [sflag:s11], $0x400  }
0x2e0: {  	v24 =	vand.u32 $0x7F, v50;
	v23 =	vshra.s32 v50, $0x1F;
	[sflag:s11] =	ssyncset.done $0x0  }
0x2e1: {  	vm2 =	vne.s32 v24, $0x0;
	vm1 =	vlt.s32 v50, $0x1;
	v23 =	vshrl.u32 v23, $0x19;
	[sflag:s11] =	ssyncadd.s32 $0xFFFFFC00  }
0x2e2: {  	v51 =	vor.u32 s17, v9;
	vm1 =	vmand vm1, vm2;
	v23 =	vadd.s32 v23, v50;
	v18 =	vld.idx.msk [tilespmem:v18+s20+$0x0], $0xffff  }
0x2e3: {  	v25 =	vand.u32 $0x7B, v51;
	v52 =	vsel vm1, $0xFFFFFFFF, v2;
	v23 =	vshrl.u32 v23, $0x7;
	v19 =	vld.idx.msk [tilespmem:v19+s8+$0x0], $0xffff  }
0x2e4: {  	v25 =	vor.u32 v25, v21;
	v23 =	vadd.s32 v52, v23  }
0x2e5: {  	v23 =	vshll.u32 v23, $0x7  }
0x2e6: {  	v53 =	vadd.s32 $0xFFF0BE00, v50;
	vm1 =	vlt.s32 v23, $0xF4180  }
0x2e7: {  	vm2 =	vgt.s32 v53, $0x0;
	v23 =	vnsel vm1, $0xF4180, v23;
	vm1 =	vgt.s32 v22, $0xF41FF  }
0x2e8: {  	v54 =	vsub.s32 v50, v23;
	v18 =	vsel vm1, v19, v18;
	v19 =	vnsel vm2, $0x0, v53  }
0x2e9: {  	v56 =	vbroadcast v17, $0x6;
	v22 =	vand.u32 $0xFFFFFF80, v54;
	[tilespmem:v25+s12+$0x0] =	vst.idx.msk $0xffff, v18;
	v19 =	vadd.s32 v14, v19  }
0x2ea: {  	v18 =	vor.u32 v24, v22;
	_ =	swait.ge [sflag:s11], $0x400;
	v55 =	vand.u32 $0x7F, v19;
	v19 =	vshll.u32 v19, $0x1  }
0x2eb: {  	v17 =	vbroadcast v17, $0x7;
	v18 =	vadd.s32 v10, v18;
	[sflag:s11] =	ssyncset.done $0x0;
	v19 =	vand.u32 $0xFFFFFF00, v19  }
0x2ec: {  	[sflag:s11] =	ssyncadd.s32 $0xFFFFFC00;
	v19 =	vor.u32 v55, v19  }
0x2ed: {  	v17 =	vsel vm0, v56, v17;
	_ =	swait.ge [sflag:s11], $0x400  }
0x2ee: {  	v57 =	vshra.s32 v17, $0x1F;
	v23 =	vand.u32 $0x7F, v17;
	[sflag:s11] =	ssyncset.done $0x0  }
0x2ef: {  	vm1 =	vlt.s32 v17, $0x1;
	vm2 =	vne.s32 v23, $0x0;
	v22 =	vshrl.u32 v57, $0x19;
	[sflag:s11] =	ssyncadd.s32 $0xFFFFFC00  }
0x2f0: {  	v58 =	vor.u32 s17, v11;
	vm1 =	vmand vm1, vm2;
	v22 =	vadd.s32 v22, v17;
	v18 =	vld.idx.msk [tilespmem:v18+s20+$0x0], $0xffff  }
0x2f1: {  	v24 =	vand.u32 $0x7D, v58;
	v59 =	vsel vm1, $0xFFFFFFFF, v2;
	v22 =	vshrl.u32 v22, $0x7;
	v19 =	vld.idx.msk [tilespmem:v19+s8+$0x0], $0xffff  }
0x2f2: {  	v24 =	vor.u32 v24, v21;
	v22 =	vadd.s32 v59, v22  }
0x2f3: {  	v22 =	vshll.u32 v22, $0x7  }
0x2f4: {  	v60 =	vadd.s32 $0xFFF0BE00, v17;
	vm1 =	vlt.s32 v22, $0xF4180  }
0x2f5: {  	vm2 =	vgt.s32 v50, $0xF41FF;
	v61 =	vnsel vm1, $0xF4180, v22;
	vm1 =	vgt.s32 v60, $0x0  }
0x2f6: {  	v20 =	vsub.s32 v17, v61;
	v18 =	vsel vm2, v19, v18;
	v19 =	vnsel vm1, $0x0, v60  }
0x2f7: {  	[tilespmem:v24+s12+$0x0] =	vst.idx.msk $0xffff, v18;
	v18 =	vand.u32 $0xFFFFFF80, v20;
	v19 =	vadd.s32 v14, v19  }
0x2f8: {  	_ =	swait.ge [sflag:s11], $0x400;
	v18 =	vor.u32 v23, v18;
	v62 =	vshll.u32 v19, $0x1  }
0x2f9: {  	v19 =	vand.u32 $0x7F, v19;
	[sflag:s11] =	ssyncset.done $0x0;
	v18 =	vadd.s32 v12, v18;
	v20 =	vand.u32 $0xFFFFFF00, v62  }
0x2fa: {  	[sflag:s11] =	ssyncadd.s32 $0xFFFFFC00;
	v19 =	vor.u32 v19, v20  }
0x2fb: {  	_ =	swait.ge [sflag:s11], $0x400  }
0x2fc: {  	[sflag:s11] =	ssyncset.done $0x0  }
0x2fd: {  	[sflag:s11] =	ssyncadd.s32 $0xFFFFFC00  }
0x2fe: {  	v63 =	vor.u32 s17, v13;
	v18 =	vld.idx.msk [tilespmem:v18+s20+$0x0], $0xffff  }
0x2ff: {  	v20 =	vand.u32 $0x7F, v63;
	v19 =	vld.idx.msk [tilespmem:v19+s8+$0x0], $0xffff  }
0x300: {  	p1 =	sne.s32 s19, $0x60;
	v20 =	vor.u32 v20, v21  }
.Ltmp9:
0x301: {  	_ = 	snop;
	(pc) =	sbr.rel @p1 .LBB2_16-.Ltmp9, $4  }
0x302: {  	_ = 	snop  }
0x303: {  	vm1 =	vgt.s32 v17, $0xF41FF  }
0x304: {  	v17 =	vsel vm1, v19, v18  }
0x305: {  	s17 =	sadd.s32 $0x8, s17;
	s19 =	sadd.s32 $0x20, s19;
	[tilespmem:v20+s12+$0x0] =	vst.idx.msk $0xffff, v17  }
.LBB2_17:
0x306: {  	p1 =	sne.s32 s5, $0x0  }
0x307: {  	s17 =	simm.s32 @!p1 $0x1  }
0x308: {  	_ =	swait.ge @!p1 [sflag:s17], $0x1E80  }
0x309: {  	[sflag:s17] =	ssyncset.done @!p1 $0x0  }
0x30a: {  	s18 =	simm.s32 @p4 $0x1;
	[sflag:s17] =	ssyncadd.s32 @!p1 $0xFFFFE180  }
0x30b: {  	_ =	swait.ge @p4 [sflag:s18], $0x1E80  }
0x30c: {  	s24 =	sld [smem:$0x7DD];
	_ =	sdelay $0x2  }
0x30d: {  	[sflag:s18] =	ssyncset.done @p4 $0x0;
	p5 =	seq.s32 s24, $0x1  }
0x30e: {  	[sflag:s18] =	ssyncadd.s32 @p4 $0xFFFFE180;
	s18 =	simm.s32 @p5 $0x1  }
0x30f: {  	_ =	swait.ge @p5 [sflag:s18], $0x1E80  }
0x310: {  	s19 =	sld [smem:$0x7DE];
	_ =	sdelay $0x1  }
0x311: {  	[sflag:s18] =	ssyncset.done @p5 $0x0  }
0x312: {  	[sflag:s18] =	ssyncadd.s32 @p5 $0xFFFFE180;
	p5 =	seq.s32 s19, $0x1  }
0x313: {  	s18 =	simm.s32 @p5 $0x1  }
0x314: {  	_ =	swait.ge @p5 [sflag:s18], $0x1E90  }
0x315: {  	s21 =	sld [smem:$0x7DC];
	_ =	sdelay $0x1  }
0x316: {  	[sflag:s18] =	ssyncset.done @p5 $0x0  }
0x317: {  	[sflag:s18] =	ssyncadd.s32 @p5 $0xFFFFE170;
	p5 =	seq.s32 s21, $0x1  }
0x318: {  	s18 =	simm.s32 @p5 $0x1  }
0x319: {  	_ =	swait.ge @p5 [sflag:s18], $0x1E80  }
0x31a: {  	[sflag:s18] =	ssyncset.done @p5 $0x0  }
0x31b: {  	[sflag:s18] =	ssyncadd.s32 @p5 $0xFFFFE180;
	s18 =	simm.s32 @p3 $0x1  }
0x31c: {  	_ =	swait.ge @p3 [sflag:s18], $0x1E80  }
0x31d: {  	s22 =	sld [smem:$0x7DB];
	_ =	sdelay $0x2  }
0x31e: {  	[sflag:s18] =	ssyncset.done @p3 $0x0;
	p5 =	seq.s32 s22, $0x1  }
0x31f: {  	[sflag:s18] =	ssyncadd.s32 @p3 $0xFFFFE180;
	s18 =	simm.s32 @p5 $0x1  }
0x320: {  	_ =	swait.ge @p5 [sflag:s18], $0x1E80  }
0x321: {  	s23 =	sld [smem:$0x7DF];
	_ =	sdelay $0x1  }
0x322: {  	[sflag:s18] =	ssyncset.done @p5 $0x0  }
0x323: {  	[sflag:s18] =	ssyncadd.s32 @p5 $0xFFFFE180;
	p5 =	seq.s32 s23, $0x1  }
0x324: {  	s18 =	simm.s32 @p5 $0x1  }
0x325: {  	_ =	swait.ge @p5 [sflag:s18], $0x1E90  }
0x326: {  	s24 =	sld [smem:$0x7DA];
	_ =	sdelay $0x1  }
0x327: {  	[sflag:s18] =	ssyncset.done @p5 $0x0  }
0x328: {  	[sflag:s18] =	ssyncadd.s32 @p5 $0xFFFFE170;
	p5 =	seq.s32 s24, $0x1  }
0x329: {  	s18 =	simm.s32 @p5 $0x1  }
0x32a: {  	_ =	swait.ge @p5 [sflag:s18], $0x1E80  }
0x32b: {  	[sflag:s18] =	ssyncset.done @p5 $0x0  }
0x32c: {  	[sflag:s18] =	ssyncadd.s32 @p5 $0xFFFFE180;
	s18 =	simm.s32 @p0 $0x1  }
0x32d: {  	_ =	swait.ge @p0 [sflag:s18], $0x1E80  }
0x32e: {  	s19 =	sld [smem:$0x7D9];
	_ =	sdelay $0x2  }
0x32f: {  	[sflag:s18] =	ssyncset.done @p0 $0x0;
	p5 =	seq.s32 s19, $0x1  }
0x330: {  	[sflag:s18] =	ssyncadd.s32 @p0 $0xFFFFE180;
	s18 =	simm.s32 @p5 $0x1  }
0x331: {  	_ =	swait.ge @p5 [sflag:s18], $0x1E80  }
0x332: {  	s21 =	sld [smem:$0x7E0];
	_ =	sdelay $0x1  }
0x333: {  	[sflag:s18] =	ssyncset.done @p5 $0x0  }
0x334: {  	[sflag:s18] =	ssyncadd.s32 @p5 $0xFFFFE180;
	p5 =	seq.s32 s21, $0x1  }
0x335: {  	s18 =	simm.s32 @p5 $0x1  }
0x336: {  	_ =	swait.ge @p5 [sflag:s18], $0x1E90  }
0x337: {  	s22 =	sld [smem:$0x7D8];
	_ =	sdelay $0x1  }
0x338: {  	[sflag:s18] =	ssyncset.done @p5 $0x0  }
0x339: {  	[sflag:s18] =	ssyncadd.s32 @p5 $0xFFFFE170;
	p5 =	seq.s32 s22, $0x1  }
0x33a: {  	s18 =	simm.s32 @p5 $0x1  }
0x33b: {  	_ =	swait.ge @p5 [sflag:s18], $0x1E80  }
0x33c: {  	[sflag:s18] =	ssyncset.done @p5 $0x0  }
0x33d: {  	[sflag:s18] =	ssyncadd.s32 @p5 $0xFFFFE180;
	s18 =	simm.s32 @p2 $0x1  }
0x33e: {  	_ =	swait.ge @p2 [sflag:s18], $0x1E80  }
0x33f: {  	s23 =	sld [smem:$0x7D7];
	_ =	sdelay $0x2  }
0x340: {  	[sflag:s18] =	ssyncset.done @p2 $0x0;
	p5 =	seq.s32 s23, $0x1  }
0x341: {  	[sflag:s18] =	ssyncadd.s32 @p2 $0xFFFFE180;
	s18 =	simm.s32 @p5 $0x1  }
0x342: {  	_ =	swait.ge @p5 [sflag:s18], $0x1E80  }
0x343: {  	s24 =	sld [smem:$0x7E2];
	_ =	sdelay $0x1  }
0x344: {  	[sflag:s18] =	ssyncset.done @p5 $0x0  }
0x345: {  	[sflag:s18] =	ssyncadd.s32 @p5 $0xFFFFE180;
	p5 =	seq.s32 s24, $0x1  }
0x346: {  	s18 =	simm.s32 @p5 $0x1  }
0x347: {  	_ =	swait.ge @p5 [sflag:s18], $0x1E90  }
0x348: {  	[sflag:s18] =	ssyncset.done @p5 $0x0  }
0x349: {  	[sflag:s18] =	ssyncadd.s32 @p5 $0xFFFFE170  }
0x34a: {  	_ =	swait.ge @!p1 [sflag:s17], $0x40  }
0x34b: {  	[sflag:s17] =	ssyncset.done @!p1 $0x0  }
0x34c: {  	s19 =	simm.s32 $0x4B80;
	s21 =	simm.s32 $0x180;
	[sflag:s17] =	ssyncadd.s32 @!p1 $0xFFFFFFC0  }
0x34d: {  	s18 =	simm.s32 $0x200;
	s17 =	sor.u32 s30, s15;
	[bflag:$0x0] =	sbarrier.arrive $0xFFFF  }
.LBB2_18:
0x34e: {  	[tilespmem:s19], [sflag:$0x2] =	stream.indirect.gather [spmem:s3], $0x1, s21, s13, $0xb8;
	[tilespmem:$0x199A8] =	vst v63  }
0x34f: {  	s19 =	smov.u32 s18;
	p5 =	sne.s32 s18, $0x5200  }
.Ltmp10:
0x350: {  	s18 =	sadd.s32 $0x200, s18;
	(pc) =	sbr.rel @p5 .LBB2_18-.Ltmp10, $3  }
0x351: {  	_ =	sdelay $0x1  }
0x352: {  	s21 =	sshra.s32 s19, $0x2  }
0x353: {  	s19 =	sadd.s32 $0x4B80, s21;
	s21 =	sadd.s32 $0x180, s21  }
0x354: {  	[tilespmem:s19], [sflag:$0x2] =	stream.indirect.gather [spmem:s3], $0x1, s21, s13, $0xb8;
	[tilespmem:$0x199A8] =	vst v63  }
0x355: {  	p5 =	seq.s32 s15, $0x1F  }
.Ltmp11:
0x356: {  	_ =	swait.ge [sflag:s14], $0x1500;
	(pc) =	sbr.rel @p5 .LBB2_21-.Ltmp11, $3  }
0x357: {  	[sflag:s14] =	ssyncset.done $0x0  }
0x358: {  	[sflag:s14] =	ssyncadd.s32 $0xFFFFEB00  }
0x359: {  	[bflag:$0x0] =	sbarrier.arrive $0xFFFF;
	_ =	sdelay $0x1  }
0x35a: {  	s17 =	sadd.s32 $0x1, s17  }
0x35b: {  	s18 =	sshrl.u32 @!p1 s17, $0x3  }
0x35c: {  	s19 =	sshll.u32 @!p1 s17, $0x7;
	s18 =	smul.u32 @!p1 $0x7A1400, s18  }
0x35d: {  	s19 =	sand.u32 @!p1 $0x380, s19  }
0x35e: {  	s21 =	simm.s32 @!p1 $0x1;
	s18 =	sor.u32 @!p1 s19, s18  }
0x35f: {  	s22 =	simm.s32 @!p1 $0x10;
	s23 =	simm.s32 @!p1 $0x80;
	s18 =	sshrl.u32 @!p1 s18, $0x3  }
0x360: {  	s24 =	simm.s32 @!p1 $0x1C01;
	s19 =	sshrl.u32 @!p1 s3, $0x3;
	s18 =	sadd.s32 @!p1 s2, s18  }
0x361: {  	[spmem:s19@s22], [sflag:s24] =	dma.strided @!p1 [hbm:s18@s23], $0x1E80, s21, $0x10   }
0x362: {  	s18 =	sshrl.u32 @p4 s17, $0x3  }
0x363: {  	s19 =	sshll.u32 @p4 s17, $0x7;
	s18 =	smul.u32 @p4 $0x7A1400, s18  }
0x364: {  	s19 =	sand.u32 @p4 $0x380, s19  }
0x365: {  	s18 =	sor.u32 @p4 s19, s18  }
0x366: {  	s21 =	sshrl.u32 @p4 s26, $0x3;
	s22 =	simm.s32 @p4 $0x1;
	s18 =	sadd.s32 @p4 $0x7A000, s18  }
0x367: {  	s23 =	simm.s32 @p4 $0x10;
	s19 =	sshll.u32 @p4 s5, $0x6;
	s18 =	sshrl.u32 @p4 s18, $0x3  }
0x368: {  	s24 =	simm.s32 @p4 $0x80;
	s19 =	sor.u32 @p4 $0x1C01, s19;
	s18 =	sadd.s32 @p4 s2, s18  }
0x369: {  	[spmem:s21@s23], [sflag:s19] =	dma.strided @p4 [hbm:s18@s24], $0x1E80, s22, $0x10   }
0x36a: {  	s18 =	sld [smem:$0x7DD];
	_ =	sdelay $0x2  }
0x36b: {  	p5 =	seq.s32 s18, $0x1  }
0x36c: {  	s18 =	sshrl.u32 @p5 s17, $0x3  }
0x36d: {  	s19 =	sshll.u32 @p5 s17, $0x7;
	s18 =	smul.u32 @p5 $0x7A1400, s18  }
0x36e: {  	s19 =	sand.u32 @p5 $0x380, s19  }
0x36f: {  	s18 =	sor.u32 @p5 s19, s18  }
0x370: {  	s21 =	sshrl.u32 @p5 s25, $0x3;
	s22 =	simm.s32 @p5 $0x1;
	s18 =	sadd.s32 @p5 $0xF4000, s18  }
0x371: {  	s23 =	simm.s32 @p5 $0x10;
	s19 =	sshll.u32 @p5 s5, $0x6;
	s18 =	sshrl.u32 @p5 s18, $0x3  }
0x372: {  	s24 =	simm.s32 @p5 $0x80;
	s19 =	sor.u32 @p5 $0x1C01, s19;
	s18 =	sadd.s32 @p5 s2, s18  }
0x373: {  	[spmem:s21@s23], [sflag:s19] =	dma.strided @p5 [hbm:s18@s24], $0x1E80, s22, $0x10   }
0x374: {  	s18 =	sld [smem:$0x7DE];
	_ =	sdelay $0x2  }
0x375: {  	p5 =	seq.s32 s18, $0x1  }
0x376: {  	s18 =	sshrl.u32 @p5 s17, $0x3  }
0x377: {  	s21 =	sld [smem:$0x7FD];
	s19 =	sshll.u32 @p5 s17, $0x7;
	s18 =	smul.u32 @p5 $0x7A1400, s18  }
0x378: {  	s19 =	sand.u32 @p5 $0x380, s19  }
0x379: {  	s18 =	sor.u32 @p5 s19, s18  }
0x37a: {  	s21 =	sshrl.u32 @p5 s21, $0x3;
	s22 =	simm.s32 @p5 $0x1;
	s18 =	sadd.s32 @p5 $0x16E000, s18  }
0x37b: {  	s23 =	simm.s32 @p5 $0x10;
	s19 =	sshll.u32 @p5 s5, $0x6;
	s18 =	sshrl.u32 @p5 s18, $0x3  }
0x37c: {  	s24 =	simm.s32 @p5 $0x80;
	s19 =	sor.u32 @p5 $0x1C01, s19;
	s18 =	sadd.s32 @p5 s2, s18  }
0x37d: {  	[spmem:s21@s23], [sflag:s19] =	dma.strided @p5 [hbm:s18@s24], $0x1E90, s22, $0x10   }
0x37e: {  	s18 =	sld [smem:$0x7DC];
	_ =	sdelay $0x2  }
0x37f: {  	p5 =	seq.s32 s18, $0x1  }
0x380: {  	s18 =	sshrl.u32 @p5 s17, $0x3  }
0x381: {  	s21 =	sld [smem:$0x7FC];
	s19 =	sshll.u32 @p5 s17, $0x7;
	s18 =	smul.u32 @p5 $0x7A1400, s18  }
0x382: {  	s19 =	sand.u32 @p5 $0x380, s19  }
0x383: {  	s18 =	sor.u32 @p5 s19, s18  }
0x384: {  	s21 =	sshrl.u32 @p5 s21, $0x3;
	s22 =	simm.s32 @p5 $0x1;
	s18 =	sadd.s32 @p5 $0x1E8400, s18  }
0x385: {  	s23 =	simm.s32 @p5 $0x10;
	s19 =	sshll.u32 @p5 s5, $0x6;
	s18 =	sshrl.u32 @p5 s18, $0x3  }
0x386: {  	s24 =	simm.s32 @p5 $0x80;
	s19 =	sor.u32 @p5 $0x1C01, s19;
	s18 =	sadd.s32 @p5 s2, s18  }
0x387: {  	[spmem:s21@s23], [sflag:s19] =	dma.strided @p5 [hbm:s18@s24], $0x1E80, s22, $0x10   }
0x388: {  	s18 =	sshrl.u32 @p3 s17, $0x3  }
0x389: {  	s19 =	sshll.u32 @p3 s17, $0x7;
	s18 =	smul.u32 @p3 $0x7A1400, s18  }
0x38a: {  	s19 =	sand.u32 @p3 $0x380, s19  }
0x38b: {  	s21 =	sld [smem:$0x7FB];
	s18 =	sor.u32 @p3 s19, s18  }
0x38c: {  	s22 =	simm.s32 @p3 $0x1;
	s23 =	simm.s32 @p3 $0x10;
	s18 =	sadd.s32 @p3 $0x262400, s18  }
0x38d: {  	s24 =	simm.s32 @p3 $0x80;
	s19 =	sshll.u32 @p3 s5, $0x6;
	s18 =	sshrl.u32 @p3 s18, $0x3  }
0x38e: {  	s19 =	sor.u32 @p3 $0x1C01, s19;
	s21 =	sshrl.u32 @p3 s21, $0x3;
	s18 =	sadd.s32 @p3 s2, s18  }
0x38f: {  	[spmem:s21@s23], [sflag:s19] =	dma.strided @p3 [hbm:s18@s24], $0x1E80, s22, $0x10   }
0x390: {  	s18 =	sld [smem:$0x7DB];
	_ =	sdelay $0x2  }
0x391: {  	p5 =	seq.s32 s18, $0x1  }
0x392: {  	s18 =	sshrl.u32 @p5 s17, $0x3  }
0x393: {  	s21 =	sld [smem:$0x7FA];
	s19 =	sshll.u32 @p5 s17, $0x7;
	s18 =	smul.u32 @p5 $0x7A1400, s18  }
0x394: {  	s19 =	sand.u32 @p5 $0x380, s19  }
0x395: {  	s18 =	sor.u32 @p5 s19, s18  }
0x396: {  	s21 =	sshrl.u32 @p5 s21, $0x3;
	s22 =	simm.s32 @p5 $0x1;
	s18 =	sadd.s32 @p5 $0x2DC400, s18  }
0x397: {  	s23 =	simm.s32 @p5 $0x10;
	s19 =	sshll.u32 @p5 s5, $0x6;
	s18 =	sshrl.u32 @p5 s18, $0x3  }
0x398: {  	s24 =	simm.s32 @p5 $0x80;
	s19 =	sor.u32 @p5 $0x1C01, s19;
	s18 =	sadd.s32 @p5 s2, s18  }
0x399: {  	[spmem:s21@s23], [sflag:s19] =	dma.strided @p5 [hbm:s18@s24], $0x1E80, s22, $0x10   }
0x39a: {  	s18 =	sld [smem:$0x7DF];
	_ =	sdelay $0x2  }
0x39b: {  	p5 =	seq.s32 s18, $0x1  }
0x39c: {  	s18 =	sshrl.u32 @p5 s17, $0x3  }
0x39d: {  	s21 =	sld [smem:$0x7F9];
	s19 =	sshll.u32 @p5 s17, $0x7;
	s18 =	smul.u32 @p5 $0x7A1400, s18  }
0x39e: {  	s19 =	sand.u32 @p5 $0x380, s19  }
0x39f: {  	s18 =	sor.u32 @p5 s19, s18  }
0x3a0: {  	s21 =	sshrl.u32 @p5 s21, $0x3;
	s22 =	simm.s32 @p5 $0x1;
	s18 =	sadd.s32 @p5 $0x356400, s18  }
0x3a1: {  	s23 =	simm.s32 @p5 $0x10;
	s19 =	sshll.u32 @p5 s5, $0x6;
	s18 =	sshrl.u32 @p5 s18, $0x3  }
0x3a2: {  	s24 =	simm.s32 @p5 $0x80;
	s19 =	sor.u32 @p5 $0x1C01, s19;
	s18 =	sadd.s32 @p5 s2, s18  }
0x3a3: {  	[spmem:s21@s23], [sflag:s19] =	dma.strided @p5 [hbm:s18@s24], $0x1E90, s22, $0x10   }
0x3a4: {  	s18 =	sld [smem:$0x7DA];
	_ =	sdelay $0x2  }
0x3a5: {  	p5 =	seq.s32 s18, $0x1  }
0x3a6: {  	s18 =	sshrl.u32 @p5 s17, $0x3  }
0x3a7: {  	s21 =	sld [smem:$0x7F8];
	s19 =	sshll.u32 @p5 s17, $0x7;
	s18 =	smul.u32 @p5 $0x7A1400, s18  }
0x3a8: {  	s19 =	sand.u32 @p5 $0x380, s19  }
0x3a9: {  	s18 =	sor.u32 @p5 s19, s18  }
0x3aa: {  	s21 =	sshrl.u32 @p5 s21, $0x3;
	s22 =	simm.s32 @p5 $0x1;
	s18 =	sadd.s32 @p5 $0x3D0800, s18  }
0x3ab: {  	s23 =	simm.s32 @p5 $0x10;
	s19 =	sshll.u32 @p5 s5, $0x6;
	s18 =	sshrl.u32 @p5 s18, $0x3  }
0x3ac: {  	s24 =	simm.s32 @p5 $0x80;
	s19 =	sor.u32 @p5 $0x1C01, s19;
	s18 =	sadd.s32 @p5 s2, s18  }
0x3ad: {  	[spmem:s21@s23], [sflag:s19] =	dma.strided @p5 [hbm:s18@s24], $0x1E80, s22, $0x10   }
0x3ae: {  	s18 =	sshrl.u32 @p0 s17, $0x3  }
0x3af: {  	s19 =	sshll.u32 @p0 s17, $0x7;
	s18 =	smul.u32 @p0 $0x7A1400, s18  }
0x3b0: {  	s19 =	sand.u32 @p0 $0x380, s19  }
0x3b1: {  	s21 =	sld [smem:$0x7F7];
	s18 =	sor.u32 @p0 s19, s18  }
0x3b2: {  	s22 =	simm.s32 @p0 $0x1;
	s23 =	simm.s32 @p0 $0x10;
	s18 =	sadd.s32 @p0 $0x44A800, s18  }
0x3b3: {  	s24 =	simm.s32 @p0 $0x80;
	s19 =	sshll.u32 @p0 s5, $0x6;
	s18 =	sshrl.u32 @p0 s18, $0x3  }
0x3b4: {  	s19 =	sor.u32 @p0 $0x1C01, s19;
	s21 =	sshrl.u32 @p0 s21, $0x3;
	s18 =	sadd.s32 @p0 s2, s18  }
0x3b5: {  	[spmem:s21@s23], [sflag:s19] =	dma.strided @p0 [hbm:s18@s24], $0x1E80, s22, $0x10   }
0x3b6: {  	s18 =	sld [smem:$0x7D9];
	_ =	sdelay $0x2  }
0x3b7: {  	p5 =	seq.s32 s18, $0x1  }
0x3b8: {  	s18 =	sshrl.u32 @p5 s17, $0x3  }
0x3b9: {  	s21 =	sld [smem:$0x7F6];
	s19 =	sshll.u32 @p5 s17, $0x7;
	s18 =	smul.u32 @p5 $0x7A1400, s18  }
0x3ba: {  	s19 =	sand.u32 @p5 $0x380, s19  }
0x3bb: {  	s18 =	sor.u32 @p5 s19, s18  }
0x3bc: {  	s21 =	sshrl.u32 @p5 s21, $0x3;
	s22 =	simm.s32 @p5 $0x1;
	s18 =	sadd.s32 @p5 $0x4C4800, s18  }
0x3bd: {  	s23 =	simm.s32 @p5 $0x10;
	s19 =	sshll.u32 @p5 s5, $0x6;
	s18 =	sshrl.u32 @p5 s18, $0x3  }
0x3be: {  	s24 =	simm.s32 @p5 $0x80;
	s19 =	sor.u32 @p5 $0x1C01, s19;
	s18 =	sadd.s32 @p5 s2, s18  }
0x3bf: {  	[spmem:s21@s23], [sflag:s19] =	dma.strided @p5 [hbm:s18@s24], $0x1E80, s22, $0x10   }
0x3c0: {  	s18 =	sld [smem:$0x7E0];
	_ =	sdelay $0x2  }
0x3c1: {  	p5 =	seq.s32 s18, $0x1  }
0x3c2: {  	s18 =	sshrl.u32 @p5 s17, $0x3  }
0x3c3: {  	s21 =	sld [smem:$0x7F5];
	s19 =	sshll.u32 @p5 s17, $0x7;
	s18 =	smul.u32 @p5 $0x7A1400, s18  }
0x3c4: {  	s19 =	sand.u32 @p5 $0x380, s19  }
0x3c5: {  	s18 =	sor.u32 @p5 s19, s18  }
0x3c6: {  	s21 =	sshrl.u32 @p5 s21, $0x3;
	s22 =	simm.s32 @p5 $0x1;
	s18 =	sadd.s32 @p5 $0x53E800, s18  }
0x3c7: {  	s23 =	simm.s32 @p5 $0x10;
	s19 =	sshll.u32 @p5 s5, $0x6;
	s18 =	sshrl.u32 @p5 s18, $0x3  }
0x3c8: {  	s24 =	simm.s32 @p5 $0x80;
	s19 =	sor.u32 @p5 $0x1C01, s19;
	s18 =	sadd.s32 @p5 s2, s18  }
0x3c9: {  	[spmem:s21@s23], [sflag:s19] =	dma.strided @p5 [hbm:s18@s24], $0x1E90, s22, $0x10   }
0x3ca: {  	s18 =	sld [smem:$0x7D8];
	_ =	sdelay $0x2  }
0x3cb: {  	p5 =	seq.s32 s18, $0x1  }
0x3cc: {  	s18 =	sshrl.u32 @p5 s17, $0x3  }
0x3cd: {  	s21 =	sld [smem:$0x7F4];
	s19 =	sshll.u32 @p5 s17, $0x7;
	s18 =	smul.u32 @p5 $0x7A1400, s18  }
0x3ce: {  	s19 =	sand.u32 @p5 $0x380, s19  }
0x3cf: {  	s18 =	sor.u32 @p5 s19, s18  }
0x3d0: {  	s21 =	sshrl.u32 @p5 s21, $0x3;
	s22 =	simm.s32 @p5 $0x1;
	s18 =	sadd.s32 @p5 $0x5B8C00, s18  }
0x3d1: {  	s23 =	simm.s32 @p5 $0x10;
	s19 =	sshll.u32 @p5 s5, $0x6;
	s18 =	sshrl.u32 @p5 s18, $0x3  }
0x3d2: {  	s24 =	simm.s32 @p5 $0x80;
	s19 =	sor.u32 @p5 $0x1C01, s19;
	s18 =	sadd.s32 @p5 s2, s18  }
0x3d3: {  	[spmem:s21@s23], [sflag:s19] =	dma.strided @p5 [hbm:s18@s24], $0x1E80, s22, $0x10   }
0x3d4: {  	s18 =	sshrl.u32 @p2 s17, $0x3  }
0x3d5: {  	s19 =	sshll.u32 @p2 s17, $0x7;
	s18 =	smul.u32 @p2 $0x7A1400, s18  }
0x3d6: {  	s19 =	sand.u32 @p2 $0x380, s19  }
0x3d7: {  	s21 =	sld [smem:$0x7F3];
	s18 =	sor.u32 @p2 s19, s18  }
0x3d8: {  	s22 =	simm.s32 @p2 $0x1;
	s23 =	simm.s32 @p2 $0x10;
	s18 =	sadd.s32 @p2 $0x632C00, s18  }
0x3d9: {  	s24 =	simm.s32 @p2 $0x80;
	s19 =	sshll.u32 @p2 s5, $0x6;
	s18 =	sshrl.u32 @p2 s18, $0x3  }
0x3da: {  	s19 =	sor.u32 @p2 $0x1C01, s19;
	s21 =	sshrl.u32 @p2 s21, $0x3;
	s18 =	sadd.s32 @p2 s2, s18  }
0x3db: {  	[spmem:s21@s23], [sflag:s19] =	dma.strided @p2 [hbm:s18@s24], $0x1E80, s22, $0x10   }
0x3dc: {  	s18 =	sld [smem:$0x7D7];
	_ =	sdelay $0x2  }
0x3dd: {  	p5 =	seq.s32 s18, $0x1  }
0x3de: {  	s18 =	sshrl.u32 @p5 s17, $0x3  }
0x3df: {  	s21 =	sld [smem:$0x7F2];
	s19 =	sshll.u32 @p5 s17, $0x7;
	s18 =	smul.u32 @p5 $0x7A1400, s18  }
0x3e0: {  	s19 =	sand.u32 @p5 $0x380, s19  }
0x3e1: {  	s18 =	sor.u32 @p5 s19, s18  }
0x3e2: {  	s21 =	sshrl.u32 @p5 s21, $0x3;
	s22 =	simm.s32 @p5 $0x1;
	s18 =	sadd.s32 @p5 $0x6ACC00, s18  }
0x3e3: {  	s23 =	simm.s32 @p5 $0x10;
	s19 =	sshll.u32 @p5 s5, $0x6;
	s18 =	sshrl.u32 @p5 s18, $0x3  }
0x3e4: {  	s24 =	simm.s32 @p5 $0x80;
	s19 =	sor.u32 @p5 $0x1C01, s19;
	s18 =	sadd.s32 @p5 s2, s18  }
0x3e5: {  	[spmem:s21@s23], [sflag:s19] =	dma.strided @p5 [hbm:s18@s24], $0x1E80, s22, $0x10   }
0x3e6: {  	s18 =	sld [smem:$0x7E2];
	_ =	sdelay $0x2  }
0x3e7: {  	p5 =	seq.s32 s18, $0x1  }
0x3e8: {  	s18 =	sshrl.u32 @p5 s17, $0x3  }
0x3e9: {  	s21 =	sld [smem:$0x7F1];
	s19 =	sshll.u32 @p5 s17, $0x7;
	s18 =	smul.u32 @p5 $0x7A1400, s18  }
0x3ea: {  	s19 =	sand.u32 @p5 $0x380, s19  }
0x3eb: {  	s18 =	sor.u32 @p5 s19, s18  }
0x3ec: {  	s21 =	sshrl.u32 @p5 s21, $0x3;
	s22 =	simm.s32 @p5 $0x1;
	s18 =	sadd.s32 @p5 $0x726C00, s18  }
0x3ed: {  	s23 =	simm.s32 @p5 $0x10;
	s19 =	sshll.u32 @p5 s5, $0x6;
	s18 =	sshrl.u32 @p5 s18, $0x3  }
0x3ee: {  	s24 =	simm.s32 @p5 $0x80;
	s19 =	sor.u32 @p5 $0x1C01, s19;
	s18 =	sadd.s32 @p5 s2, s18  }
0x3ef: {  	[spmem:s21@s23], [sflag:s19] =	dma.strided @p5 [hbm:s18@s24], $0x1E90, s22, $0x10   }
0x3f0: {  	s18 =	ssub.s32 @!p1 s17, s30;
	s17 =	sshll.u32 @!p1 s17, $0x6  }
0x3f1: {  	s17 =	sand.u32 @!p1 $0x40, s17;
	s18 =	sshll.u32 @!p1 s18, $0x7  }
0x3f2: {  	s17 =	sor.u32 @!p1 s17, s18  }
0x3f3: {  	s17 =	sor.u32 @!p1 $0x80, s17  }
0x3f4: {  	s17 =	sadd.s32 @!p1 $0x7580, s17  }
0x3f5: {  	[spmem:s28] =	stream.linear.scatter @!p1 [tilespmem:s17], [sflag:$0x1], $0x40, $0x38;
	[tilespmem:$0x199A8] =	vst v63  }
.LBB2_21:
0x3f6: {  	s18 =	simm.s32 $0x0  }
0x3f7: {  	v15 =	vld [tilespmem:s18+$0x1680];
	_ =	sdelay $0x2  }
0x3f8: {  	v14 =	vmov s15  }
0x3f9: {  	v16 =	vshll.u32 v14, $0x8;
	v14 =	vshll.u32 v14, $0x7  }
0x3fa: {  	v16 =	vand.u32 $0x1800, v16;
	v14 =	vand.u32 $0x380, v14;
	v17 =	vshll.u32 v15, $0x3  }
0x3fb: {  	s17 =	simm.s32 $0x10;
	v14 =	vor.u32 v14, v16;
	v16 =	vand.u32 $0xFFFFFC00, v17  }
0x3fc: {  	v15 =	vand.u32 $0x7F, v15;
	v17 =	vld [tilespmem:s17+$0x1680];
	v16 =	vadd.s32 v14, v16  }
0x3fd: {  	v15 =	vor.u32 v15, v16;
	_ =	sdelay $0x3  }
0x3fe: {  	v16 =	vshll.u32 v17, $0x3  }
0x3ff: {  	v16 =	vand.u32 $0xFFFFFC00, v16;
	v15 =	vld.idx.msk [tilespmem:v15+s12+$0x0], $0xffff  }
0x400: {  	v18 =	vadd.s32 v14, v16;
	v16 =	vld [tilespmem:s18+$0x4B80];
	_ =	sdelay $0x1  }
0x401: {  	v17 =	vand.u32 $0x7F, v17  }
0x402: {  	s15 =	sadd.s32 $0x1, s15;
	s19 =	simm.s32 $0x20;
	s21 =	simm.s32 $0xC0;
	v17 =	vor.u32 v17, v18  }
.LBB2_22:
0x403: {  	p5 =	seq.s32 s21, $0x53C0;
	v18 =	vld [tilespmem:s19+$0x1680]  }
0x404: {  	v15 =	vmul.f32 v16, v15;
	_ =	sdelay $0x1  }
0x405: {  	[tilespmem:s18+$0x6080] =	vst.add.f32.msk $0xffff, v15;
	s18 =	smov.u32 s17;
	s17 =	smov.u32 s19  }
.Ltmp12:
0x406: {  	v15 =	vld.idx.msk [tilespmem:v17+s12+$0x0], $0xffff;
	(pc) =	sbr.rel @!p5 .LBB2_22-.Ltmp12, $4  }
0x407: {  	v17 =	vshll.u32 v18, $0x3;
	v16 =	vld [tilespmem:s18+$0x4B80]  }
0x408: {  	v17 =	vand.u32 $0xFFFFFC00, v17  }
0x409: {  	v18 =	vand.u32 $0x7F, v18;
	v17 =	vadd.s32 v14, v17  }
0x40a: {  	s19 =	sshra.s32 s21, $0x2;
	s21 =	sadd.s32 $0x40, s21;
	v17 =	vor.u32 v18, v17  }
0x40b: {  	_ = 	snop  }
0x40c: {  	v18 =	vld [tilespmem:s19+$0x1680];
	v15 =	vmul.f32 v16, v15;
	_ =	sdelay $0x1  }
0x40d: {  	[tilespmem:s18+$0x6080] =	vst.add.f32.msk $0xffff, v15  }
0x40e: {  	v15 =	vld.idx.msk [tilespmem:v17+s12+$0x0], $0xffff  }
0x40f: {  	v63 =	vld [tilespmem:s17+$0x4B80]  }
0x410: {  	v62 =	vshll.u32 v18, $0x3  }
0x411: {  	v16 =	vand.u32 $0xFFFFFC00, v62  }
0x412: {  	v18 =	vand.u32 $0x7F, v18;
	v14 =	vadd.s32 v14, v16  }
0x413: {  	v14 =	vor.u32 v18, v14  }
0x414: {  	v15 =	vmul.f32 v63, v15;
	_ =	sdelay $0x1  }
0x415: {  	[tilespmem:s17+$0x6080] =	vst.add.f32.msk $0xffff, v15  }
0x416: {  	v15 =	vld [tilespmem:s19+$0x4B80]  }
0x417: {  	v14 =	vld.idx.msk [tilespmem:v14+s12+$0x0], $0xffff;
	_ =	sdelay $0x4  }
0x418: {  	v14 =	vmul.f32 v15, v14;
	_ =	sdelay $0x1  }
0x419: {  	[tilespmem:s19+$0x6080] =	vst.add.f32.msk $0xffff, v14  }
0x41a: {  	p5 =	seq.s32 s15, $0x20  }
.Ltmp13:
0x41b: {  	_ = 	snop;
	(pc) =	sbr.rel @!p5 .LBB2_14-.Ltmp13, $2  }
0x41c: {  	_ =	sdelay $0x2  }
0x41d: {  	s16 =	sadd.s32 $0x1, s16  }
0x41e: {  	s15 =	rddreg [dreg:$0x17];
	s16 =	simm.s32 $0x6080;
	s19 =	simm.s32 $0x4  }
0x41f: {  	[hbm4b:s15+s4] =	stream.linear.scatter [tilespmem:s16], [sflag:$0x4], $0x1500, $0x38;
	[tilespmem:$0x199A8] =	vst v63  }
0x420: {  	_ =	swait.ge [sflag:s19], $0x1500  }
0x421: {  	s23 =	sld [smem:$0x7E3]  }
0x422: {  	s24 =	sld [smem:$0x7E4];
	_ =	sdelay $0x1  }
0x423: {  	s16 =	sadd.s32 $0x1, s23  }
0x424: {  	p0 =	sne.s32 s16, s24  }
.Ltmp14:
0x425: {  	_ = 	snop;
	(pc) =	sbr.rel @p0 .LBB2_1-.Ltmp14, $3  }
0x426: {  	_ =	sdelay $0x1  }
0x427: {  	[sflag:s19] =	ssyncset.done $0x0  }
0x428: {  	[sflag:s19] =	ssyncadd.s32 $0xFFFFEB00  }
0x429: {  	_ =	sfence.sel $0x180000  }
0x42a: {  	[bflag:$0x0] =	sbarrier.arrive $0xFFFF  }
0x42b: {  	_ =	strace $0x90000047  }
0x42c: {  	[bflag:$0x2] =	sbarrier.arrive $0xFFFF  }
0x42d: {  	s0 =	rddreg [dreg:$0x8]  }
0x42e: {  	s0 =	sadd.s32 @!p1 $0x100000, s0  }
0x42f: {  	[sflag:s0] =	ssyncadd.tile.s32 @!p1 $0x1;
	_ =	shalt  }
.Lfunc_end2:
_tile_overlayer_lowered:
.L_overlay_start_2:
0x430: {  	(tag) =	ssettag $0x2  }
0x431: {  	s0 =	rddreg [dreg:$0x0];
	s2 =	stileid.u32  }
0x432: {  	s1 =	rddreg [dreg:$0x1];
	p0 =	sne.s32 s2, $0x0  }
0x433: {  	s3 =	rddreg [dreg:$0x2];
	[bflag:$0x3] =	sbarrier.arrive $0xFFFF;
	s2 =	simm.s32 @!p0 $0x1C04  }
0x434: {  	[timem:s3], [sflag:s2] =	dma.local @!p0 [hbm:s0], s1  }
0x435: {  	s0 =	simm.s32 @!p0 $0x4  }
0x436: {  	_ =	swait.ge @!p0 [sflag:s0], s1  }
0x437: {  	s1 =	ssub.s32 @!p0 $0x0, s1;
	[sflag:s0] =	ssyncset.done @!p0 $0x0  }
0x438: {  	[sflag:s0] =	ssyncadd.s32 @!p0 s1  }
0x439: {  	[bflag:$0x3] =	sbarrier.arrive $0xFFFF  }
0x43a: {  	_ =	shalt  }

// kernel: _run.7.cloned.1.call-start
scs
__scs_entry_jumppad:
0x0: {  	(pc) =	sbr.rel $0x88, $3  }
0x1: {  	(tag) =	ssettag $0x0;
	lr =	simm.s32 $0x1  }
0x2: {  	[smem:$0x3F9B] =	sst lr;
	_ =	strace $0xD0000000  }
0x3: {  	_ = 	snop  }
0x4: {  	_ = 	snop  }
0x5: {  	_ = 	snop  }
0x6: {  	_ = 	snop  }
0x7: {  	_ = 	snop  }
__scs_overlays_trampoline_lowered:
0x8: {  	[smem:$0x3FAA] =	sst s0  }
0x9: {  	[smem:$0x3FAB] =	sst s1  }
0xa: {  	[smem:$0x3FAC] =	sst s2  }
0xb: {  	[smem:$0x3FAD] =	sst s3  }
0xc: {  	[smem:$0x3FAE] =	sst s4  }
0xd: {  	[smem:$0x3FAF] =	sst s5  }
0xe: {  	[smem:$0x3FB0] =	sst s6  }
0xf: {  	[smem:$0x3FB1] =	sst s7  }
0x10: {  	[smem:$0x3FB2] =	sst s8  }
0x11: {  	[smem:$0x3FB3] =	sst s9;
	s0 =	simm.s32 @!p0 $0x0  }
0x12: {  	s1 =	sld [smem:$0x3F99];
	s0 =	simm.s32 @p0 $0x1  }
0x13: {  	[smem:$0x3FB4] =	sst s0;
	s0 =	simm.s32 @!p1 $0x0  }
0x14: {  	s2 =	sld [smem:$0x3F98];
	s0 =	simm.s32 @p1 $0x1  }
0x15: {  	[smem:$0x3FB5] =	sst s0;
	s0 =	simm.s32 @!p2 $0x0  }
0x16: {  	s3 =	sld [smem:$0x3FDB];
	s0 =	simm.s32 @p2 $0x1  }
0x17: {  	s4 =	simm.s32 $0x1BF5;
	[smem:$0x3FB7] =	sst s0  }
0x18: {  	s0 =	sld [smem:$0x3F9A];
	_ =	swait.ge [sflag:s4], $0x0  }
0x19: {  	s7 =	sld [smem:$0x3F9B]  }
0x1a: {  	s8 =	sadd.s32 $0xFFFFE003, lr  }
0x1b: {  	s9 =	sadd.s32 $0xFFFFFEF7, lr;
	s5 =	simm.s32 $0xFFFFFFFF;
	p2 =	slt.u32 s8, $0xFFFFF086  }
0x1c: {  	p1 =	slt.u32 s9, $0xF7A;
	s5 =	simm.s32 @!p2 $0x0  }
0x1d: {  	s5 =	simm.s32 @p1 $0x1;
	p0 =	seq.s32 s7, s2  }
0x1e: {  	s7 =	smul.u32 @!p0 $0xF7A, s2;
	p2 =	seq.s32 @!p0 s5, $0x0  }
0x1f: {  	s9 =	smul.u32 $0xF7A, s1;
	s8 =	simm.s32 @!p0 $0x1BF5;
	p2 =	por !p2, p0  }
0x20: {  	[sflag:s8] =	ssyncset.s32 @!p0 $0xFFFFF086;
	s6 =	sadd.s32 @!p0 s3, s7;
	s7 =	simm.s32 @!p0 $0x108  }
0x21: {  	s3 =	sadd.s32 s3, s9;
	s6 =	sadd.s32 @!p0 $0x88, s6;
	s7 =	simm.s32 @p2 $0x1082  }
0x22: {  	[simem:s7], [sflag:s8] =	dma.local @!p0 [hbm:s6], $0xF7A  }
0x23: {  	s9 =	sor.u32 $0xD0000000, s2;
	s6 =	simm.s32 $0x108;
	_ =	swait.ge @!p0 [sflag:s8], $0x0  }
0x24: {  	s3 =	sadd.s32 $0x88, s3;
	s6 =	simm.s32 @!p1 $0x1082;
	[sflag:s4] =	ssyncset.s32 $0xFFFFF086  }
0x25: {  	[simem:s6], [sflag:s4] =	dma.local [hbm:s3], $0xF7A  }
0x26: {  	[smem:$0x3F9B] =	sst s1;
	(tag) =	ssettag s2;
	_ =	strace s9  }
0x27: {  	s1 =	sld [smem:$0x3FAB]  }
0x28: {  	s2 =	sld [smem:$0x3FAC]  }
0x29: {  	s4 =	sld [smem:$0x3FAE]  }
0x2a: {  	p0 =	seq.s32 s5, $0x0;
	s5 =	sld [smem:$0x3FAF]  }
0x2b: {  	s6 =	sld [smem:$0x3FB0]  }
0x2c: {  	s7 =	sld [smem:$0x3FB1]  }
0x2d: {  	s3 =	simm.s32 $0x108;
	s8 =	sld [smem:$0x3FB2]  }
0x2e: {  	s3 =	simm.s32 @!p0 $0x1082;
	s9 =	sld [smem:$0x3FB3]  }
0x2f: {  	lr =	sadd.s32 s0, s3;
	s0 =	sld [smem:$0x3FAA]  }
0x30: {  	s3 =	sld [smem:$0x3FAD]  }
0x31: {  	[smem:$0x3FB6] =	sst s10  }
0x32: {  	s10 =	sld [smem:$0x3FB4];
	_ =	sdelay $0x3  }
0x33: {  	p0 =	seq.s32 s10, $0x1;
	s10 =	sld [smem:$0x3FB6];
	_ =	sdelay $0x3  }
0x34: {  	[smem:$0x3FB6] =	sst s10  }
0x35: {  	s10 =	sld [smem:$0x3FB5];
	_ =	sdelay $0x3  }
0x36: {  	p1 =	seq.s32 s10, $0x1;
	s10 =	sld [smem:$0x3FB6];
	_ =	sdelay $0x3  }
0x37: {  	[smem:$0x3FB6] =	sst s10  }
0x38: {  	s10 =	sld [smem:$0x3FB7]  }
0x39: {  	_ = 	snop;
	(pc) =	sbr.ind lr, $3  }
0x3a: {  	_ = 	snop  }
0x3b: {  	_ = 	snop  }
0x3c: {  	p2 =	seq.s32 s10, $0x1;
	s10 =	sld [smem:$0x3FB6]  }
0x3d: {  	_ =	shalt  }
0x3e: {  	_ =	shalt  }
0x3f: {  	_ =	shalt  }
0x40: {  	_ =	shalt  }
0x41: {  	_ =	shalt  }
0x42: {  	_ =	shalt  }
0x43: {  	_ =	shalt  }
0x44: {  	_ =	shalt  }
0x45: {  	_ =	shalt  }
0x46: {  	_ =	shalt  }
0x47: {  	_ =	shalt  }
0x48: {  	_ =	shalt  }
0x49: {  	_ =	shalt  }
0x4a: {  	_ =	shalt  }
0x4b: {  	_ =	shalt  }
0x4c: {  	_ =	shalt  }
0x4d: {  	_ =	shalt  }
0x4e: {  	_ =	shalt  }
0x4f: {  	_ =	shalt  }
0x50: {  	_ =	shalt  }
0x51: {  	_ =	shalt  }
0x52: {  	_ =	shalt  }
0x53: {  	_ =	shalt  }
0x54: {  	_ =	shalt  }
0x55: {  	_ =	shalt  }
0x56: {  	_ =	shalt  }
0x57: {  	_ =	shalt  }
0x58: {  	_ =	shalt  }
0x59: {  	_ =	shalt  }
0x5a: {  	_ =	shalt  }
0x5b: {  	_ =	shalt  }
0x5c: {  	_ =	shalt  }
0x5d: {  	_ =	shalt  }
0x5e: {  	_ =	shalt  }
0x5f: {  	_ =	shalt  }
0x60: {  	_ =	shalt  }
0x61: {  	_ =	shalt  }
0x62: {  	_ =	shalt  }
0x63: {  	_ =	shalt  }
0x64: {  	_ =	shalt  }
0x65: {  	_ =	shalt  }
0x66: {  	_ =	shalt  }
0x67: {  	_ =	shalt  }
0x68: {  	_ =	shalt  }
0x69: {  	_ =	shalt  }
0x6a: {  	_ =	shalt  }
0x6b: {  	_ =	shalt  }
0x6c: {  	_ =	shalt  }
0x6d: {  	_ =	shalt  }
0x6e: {  	_ =	shalt  }
0x6f: {  	_ =	shalt  }
0x70: {  	_ =	shalt  }
0x71: {  	_ =	shalt  }
0x72: {  	_ =	shalt  }
0x73: {  	_ =	shalt  }
0x74: {  	_ =	shalt  }
0x75: {  	_ =	shalt  }
0x76: {  	_ =	shalt  }
0x77: {  	_ =	shalt  }
0x78: {  	_ =	shalt  }
0x79: {  	_ =	shalt  }
0x7a: {  	_ =	shalt  }
0x7b: {  	_ =	shalt  }
0x7c: {  	_ =	shalt  }
0x7d: {  	_ =	shalt  }
0x7e: {  	_ =	shalt  }
0x7f: {  	_ =	shalt  }
0x80: {  	_ =	shalt  }
0x81: {  	_ =	shalt  }
0x82: {  	_ =	shalt  }
0x83: {  	_ =	shalt  }
0x84: {  	_ =	shalt  }
0x85: {  	_ =	shalt  }
0x86: {  	_ =	shalt  }
0x87: {  	_ =	shalt  }
.Lfunc_end0:
.L_simem_size_0:
called_computation.1_lowered:
.L_overlay_start_0:
0x88: {  	s2 =	sld [smem:$0x3FD9]  }
0x89: {  	s3 =	sld [smem:$0x3FFE];
	_ =	sdelay $0x1  }
0x8a: {  	s1 =	srdreg.scid  }
0x8b: {  	s0 =	sand.u32 $0x1, s1  }
0x8c: {  	s17 =	sshll.u32 s0, $0xA;
	s2 =	sadd.s32 s3, s2  }
0x8d: {  	s2 =	sadd.s32 s2, s17  }
0x8e: {  	[smem:$0x3FC2] =	sst s2  }
0x8f: {  	_ = 	snop  }
0x90: {  	s2 =	sld [smem:$0x3FD0];
	(tm) =	ssettm $0x1  }
0x91: {  	s18 =	sld [smem:$0x3FFB];
	_ =	sdelay $0x3  }
0x92: {  	_ =	strace s18  }
0x93: {  	s3 =	sld [smem:$0x3FFC];
	_ =	sdelay $0x3  }
0x94: {  	_ =	strace s3  }
0x95: {  	s3 =	sld [smem:$0x3FFD];
	_ =	sdelay $0x3  }
0x96: {  	_ =	strace s3  }
0x97: {  	_ =	strace $0x8FFFFFFF  }
0x98: {  	s19 =	sld [smem:$0x3FDB];
	_ =	sdelay $0x1  }
0x99: {  	s4 =	simm.s32 $_scs_section_size  }
0x9a: {  	s5 =	simm.s32 $_size__tile_overlayer_lowered;
	s6 =	simm.s32 $_tile_overlayer_lowered  }
0x9b: {  	s22 =	simm.s32 $0x1BFF;
	s21 =	sshll.u32 s6, $0x1;
	s3 =	sadd.s32 s4, s19  }
0x9c: {  	s7 =	simm.s32 $0x0;
	s20 =	sshll.u32 s5, $0x1;
	s5 =	sadd.s32 s21, s3  }
0x9d: {  	[timem:s7], [sflag:s22] =	dma.local [hbm:s5], s20  }
0x9e: {  	_ =	swait.ge [sflag:s22], s20  }
0x9f: {  	s4 =	ssub.s32 $0x0, s20;
	[sflag:s22] =	ssyncset.done $0x0  }
0xa0: {  	[sflag:s22] =	ssyncadd.s32 s4;
	_ =	sdelay $0x1  }
0xa1: {  	s23 =	simm.s32 $0x1B8B  }
0xa2: {  	_ =	swait.ge [sflag:s23], $0x1  }
0xa3: {  	[sflag:s23] =	ssyncset.done $0x0  }
0xa4: {  	s25 =	simm.s32 $0x1B8E;
	s24 =	sld [smem:$0x3FFE];
	[sflag:s23] =	ssyncadd.s32 $0xFFFFFFFF  }
0xa5: {  	s26 =	simm.s32 $execute0_lowered;
	[smem:$0x3FD2] =	sst s25  }
0xa6: {  	s5 =	sshll.u32 s26, $0x1;
	_ =	strace $0x80000049;
	[dreg:$0x1] =	wrdreg $0xFFFFFFFF  }
0xa7: {  	s28 =	simm.s32 $_size_execute0_lowered;
	s3 =	sadd.s32 s3, s5;
	[dreg:$0x0] =	wrdreg $0x0  }
0xa8: {  	s5 =	sshll.u32 s28, $0x1;
	[dreg:$0x2] =	wrdreg s3  }
0xa9: {  	[dreg:$0x3] =	wrdreg s5  }
0xaa: {  	[dreg:$0x4] =	wrdreg $0xC0  }
0xab: {  	_ =	task [dreg:s7], $0x5FFFF  }
0xac: {  	[dreg:$0x1] =	wrdreg $0xFFFFFFFF  }
0xad: {  	[dreg:$0x0] =	wrdreg $0x60  }
0xae: {  	[dreg:$0x2] =	wrdreg s24  }
0xaf: {  	[dreg:$0x3] =	wrdreg s2  }
0xb0: {  	[dreg:$0x4] =	wrdreg $0x9  }
0xb1: {  	_ =	task.clear_ibuf [dreg:s7], $0x5FFFF;
	_ =	strace $0x90000049  }
0xb2: {  	s29 =	simm.s32 $0x9;
	_ =	strace $0x8000004B  }
0xb3: {  	_ =	swait.ge [sflag:s29], $0x1  }
0xb4: {  	[sflag:s29] =	ssyncadd.s32 $0xFFFFFFFF  }
0xb5: {  	_ =	strace $0x9000004B  }
0xb6: {  	_ =	sfence  }
0xb7: {  	s30 =	sld [smem:$0x0];
	_ =	sdelay $0x2  }
0xb8: {  	s31 =	sshll.u32 s1, $0xD;
	s1 =	sshrl.u32 s1, $0x2  }
0xb9: {  	s3 =	sand.u32 $0x4000, s31;
	s1 =	sadd.s32 s1, s30  }
0xba: {  	s0 =	sor.u32 s3, s0;
	s1 =	sshll.u32 s1, $0x11  }
0xbb: {  	s0 =	sor.u32 s1, s0  }
0xbc: {  	s0 =	sadd.s32 $0x8F2B, s0  }
0xbd: {  	[sflag:s0] =	ssyncadd.remote.s32 $0x1  }
0xbe: {  	_ =	sfence.sel $0xFFFF  }
0xbf: {  	[dreg:$0x0] =	wrdreg $0xFFFFFFFF;
	(pc) =	sbr.abs _section_cstart, $3  }
0xc0: {  	[dreg:$0x1] =	wrdreg $0xFFFFFFFF  }
0xc1: {  	_ =	task.clear_ibuf [dreg:s7], $0x2FFFF;
	_ =	strace $0x9FFFFFFF  }
0xc2: {  	(tm) =	ssettm $0x7FFFFFFF  }
0xc3: {  	_ =	shalt  }
tec
execute0_lowered:
.L_overlay_start_1:
0x0: {  	(tag) =	ssettag $0x1  }
0x1: {  	s1 =	srdreg.scid  }
0x2: {  	s0 =	stileid.u32;
	s3 =	rddreg [dreg:$0x0]  }
0x3: {  	s5 =	rddreg [dreg:$0x1];
	s4 =	sand.u32 $0x1, s1;
	s30 =	sshll.u32 s0, $0x1  }
0x4: {  	s2 =	simm.s32 $0x0;
	s9 =	simm.s32 $0x1500;
	s6 =	sor.u32 s4, s30  }
0x5: {  	s1 =	rddreg [dreg:$0x2];
	s4 =	ssub.s32 $0x2, s4;
	s6 =	smul.u32 $0x150, s6  }
0x6: {  	s10 =	simm.s32 $0x0;
	[smem:$0x7FF] =	sst s2;
	s31 =	sshrl.u32 s4, $0x1  }
0x7: {  	_ =	strace $0x8000004A;
	s8 =	ssub.s32 s4, s31;
	s7 =	sadd.s32 s6, s3  }
0x8: {  	s5 =	sadd.s32 s5, s6;
	s6 =	smax.u32 s8, $0x1;
	s8 =	simm.s32 $0xA80  }
0x9: {  	s3 =	sadd.s32 $0xC00, s7;
	s4 =	sadd.s32 $0x3600, s7;
	s7 =	simm.s32 $0x1  }
.LBB2_1:
0xa: {  	[tilespmem:s2], [sflag:$0x1] =	stream.linear.gather [hbm4b:s3+s2], $0xA80, $0x38;
	[tilespmem:$0x1F80] =	vst v63  }
0xb: {  	_ =	swait.ge [sflag:s7], $0xA80  }
0xc: {  	[sflag:s7] =	ssyncset.done $0x0  }
0xd: {  	[sflag:s7] =	ssyncadd.s32 $0xFFFFF580  }
0xe: {  	[tilespmem:s8], [sflag:$0x1] =	stream.linear.gather [hbm4b:s4+s2], $0xA80, $0x38;
	[tilespmem:$0x1F80] =	vst v63  }
0xf: {  	_ =	swait.ge [sflag:s7], $0xA80  }
0x10: {  	[sflag:s7] =	ssyncset.done $0x0  }
0x11: {  	s11 =	simm.s32 $0x0;
	[sflag:s7] =	ssyncadd.s32 $0xFFFFF580  }
0x12: {  	v0 =	vld [tilespmem:s11+$0x0]  }
0x13: {  	s12 =	simm.s32 $0x40;
	v1 =	vld [tilespmem:s11+$0xA80]  }
.LBB2_2:
0x14: {  	_ = 	snop  }
0x15: {  	p0 =	sne.s32 s12, $0x29C0  }
.Ltmp0:
0x16: {  	_ = 	snop;
	(pc) =	sbr.rel @p0 .LBB2_2-.Ltmp0, $4  }
0x17: {  	_ = 	snop  }
0x18: {  	s13 =	sshra.s32 s12, $0x2;
	v2 =	vadd.f32 v1, v0  }
0x19: {  	v0 =	vld [tilespmem:s13+$0x0]  }
0x1a: {  	s12 =	sadd.s32 $0x40, s12;
	v1 =	vld [tilespmem:s13+$0xA80];
	[tilespmem:s11+$0x1500] =	vst v2;
	s11 =	smov.u32 s13  }
0x1b: {  	_ =	sdelay $0x3  }
0x1c: {  	s10 =	sadd.s32 $0x1, s10;
	v0 =	vadd.f32 v1, v0  }
0x1d: {  	p0 =	sne.s32 s10, s6  }
.Ltmp1:
0x1e: {  	[tilespmem:s11+$0x1500] =	vst v0;
	(pc) =	sbr.rel @p0 .LBB2_1-.Ltmp1, $4  }
0x1f: {  	[hbm4b:s5+s2] =	stream.linear.scatter [tilespmem:s9], [sflag:$0x1], $0xA80, $0x38;
	[tilespmem:$0x1F80] =	vst v63  }
0x20: {  	_ =	swait.ge [sflag:s7], $0xA80  }
0x21: {  	[sflag:s7] =	ssyncset.done $0x0  }
0x22: {  	[sflag:s7] =	ssyncadd.s32 $0xFFFFF580  }
0x23: {  	_ =	sfence.sel $0x180000  }
0x24: {  	[bflag:$0x0] =	sbarrier.arrive $0xFFFF  }
0x25: {  	p0 =	sne.s32 s0, $0x0;
	_ =	strace $0x9000004A  }
0x26: {  	s0 =	sadd.s32 @!p0 $0x100000, s1;
	[bflag:$0x2] =	sbarrier.arrive $0xFFFF  }
0x27: {  	[sflag:s0] =	ssyncadd.tile.s32 @!p0 $0x1;
	_ =	shalt  }
.Lfunc_end2:
_tile_overlayer_lowered:
.L_overlay_start_2:
0x28: {  	(tag) =	ssettag $0x2  }
0x29: {  	s0 =	rddreg [dreg:$0x0];
	s2 =	stileid.u32  }
0x2a: {  	s1 =	rddreg [dreg:$0x1];
	p0 =	sne.s32 s2, $0x0  }
0x2b: {  	s3 =	rddreg [dreg:$0x2];
	[bflag:$0x3] =	sbarrier.arrive $0xFFFF;
	s2 =	simm.s32 @!p0 $0x1C01  }
0x2c: {  	[timem:s3], [sflag:s2] =	dma.local @!p0 [hbm:s0], s1  }
0x2d: {  	s0 =	simm.s32 @!p0 $0x1  }
0x2e: {  	_ =	swait.ge @!p0 [sflag:s0], s1  }
0x2f: {  	s1 =	ssub.s32 @!p0 $0x0, s1;
	[sflag:s0] =	ssyncset.done @!p0 $0x0  }
0x30: {  	[sflag:s0] =	ssyncadd.s32 @!p0 s1  }
0x31: {  	[bflag:$0x3] =	sbarrier.arrive $0xFFFF  }
0x32: {  	_ =	shalt  }

</sc_bundles>
